<compile_context>
chip_gen: v7x
topology: tpu7x:2x2x1
jax: 0.10.2.dev20260603
libtpu: 0.0.44.dev20260713+nightly
codegen_flags: <defaults>
</compile_context>

<pallas_src>
import dataclasses
import functools

import jax
import jax.numpy as jnp
from jax import lax
from jax.experimental import pallas as pl
from jax.experimental.pallas import tpu as pltpu
from jax.experimental.pallas import tpu_sc as plsc

_TOPK = 5
_NC = 2
_NS = 16
_L = 16
_NEG = -3.0e38



def _tc_reduce_body(a_ref, q_ref, s_ref, qs_ref):
    c = pl.program_id(1)

    @pl.when(c == 0)
    def _():
        s_ref[...] = jnp.zeros_like(s_ref)
        qs_ref[...] = jnp.zeros_like(qs_ref)

    s_ref[...] += jnp.sum(a_ref[...], axis=1, keepdims=True)
    qs_ref[...] += jnp.sum(q_ref[...], axis=1, keepdims=True)


def _tc_reduce(attn3, question_emb, n_chunks, b_lo, nb):
    _, R, Lc = attn3.shape
    _, Lq, D = question_emb.shape
    rc = R // n_chunks
    qc = Lq // n_chunks
    return pl.pallas_call(
        _tc_reduce_body,
        grid=(nb, n_chunks),
        in_specs=[
            pl.BlockSpec((1, rc, Lc), lambda b, c: (b + b_lo, c, 0)),
            pl.BlockSpec((1, qc, D), lambda b, c: (b + b_lo, c, 0)),
        ],
        out_specs=[
            pl.BlockSpec((1, 1, Lc), lambda b, c: (b, 0, 0)),
            pl.BlockSpec((1, 1, D), lambda b, c: (b, 0, 0)),
        ],
        out_shape=[
            jax.ShapeDtypeStruct((nb, 1, Lc), jnp.float32),
            jax.ShapeDtypeStruct((nb, 1, D), jnp.float32),
        ],
    )(attn3, question_emb)



def _lanes(scalars, fill, iv, dtype):
    v = jnp.full((_L,), fill, dtype)
    for j, x in enumerate(scalars):
        v = jnp.where(iv == j, x, v)
    return v


def _grouped_top5(s_v, Lc, iv):
    group, cpg = 64, 4
    ng = Lc // group
    nr = ng // _L
    neg = jnp.float32(_NEG)
    big = jnp.int32(1 << 30)

    gm = []
    for r in range(nr):
        greg = jnp.full((_L,), neg, jnp.float32)
        for j in range(_L):
            g = r * _L + j
            m = s_v[pl.ds(g * group, _L)]
            for k in range(1, cpg):
                m = jnp.maximum(m, s_v[pl.ds(g * group + k * _L, _L)])
            greg = jnp.where(iv == j, jnp.max(m), greg)
        gm.append(greg)

    vals, idxs = [], []
    for p in range(_TOPK):
        prev = (vals[-1], idxs[-1]) if p else None
        mall = gm[0]
        for r in range(1, nr):
            mall = jnp.maximum(mall, gm[r])
        mx = jnp.max(mall)
        gsel = big
        for r in range(nr):
            gsel = jnp.minimum(
                gsel, jnp.min(jnp.where(gm[r] == mx, r * _L + iv, big)))
        base = gsel * group
        bv = jnp.full((_L,), neg, jnp.float32)
        bi = jnp.zeros((_L,), jnp.int32)
        for k in range(cpg):
            v = s_v[pl.ds(base + k * _L, _L)]
            gi = base + k * _L + iv
            if prev is not None:
                pv, pi = prev
                keep = (v < pv) | ((v == pv) & (gi > pi))
                v = jnp.where(keep, v, neg)
            m = v > bv
            bv = jnp.where(m, v, bv)
            bi = jnp.where(m, gi, bi)
        mv = jnp.max(bv)
        mi = jnp.min(jnp.where(bv == mv, bi, big))
        vals.append(mv)
        idxs.append(mi)
        nv = jnp.full((_L,), neg, jnp.float32)
        for k in range(cpg):
            v = s_v[pl.ds(base + k * _L, _L)]
            gi = base + k * _L + iv
            keep = (v < mv) | ((v == mv) & (gi > mi))
            nv = jnp.maximum(nv, jnp.where(keep, v, neg))
        gnew = jnp.max(nv)
        gr = gsel // _L
        gl = gsel % _L
        for r in range(nr):
            gm[r] = jnp.where((gr == r) & (iv == gl), gnew, gm[r])
    return vals, idxs


def _sc_body(B, Lc, D, b_lo, nctx, s_hbm, q_hbm, ctx_hbm, out_hbm,
             s_v, q_v, idx_v, rows_v, o_v, sem):
    wid = lax.axis_index("s") * _NC + lax.axis_index("c")

    @pl.when(wid < B)
    def _():
        b = wid
        iv = lax.iota(jnp.int32, _L)

        pltpu.sync_copy(s_hbm.at[pl.ds(b * Lc, Lc)], s_v)
        qcp = pltpu.async_copy(q_hbm.at[pl.ds(b * D, D)], q_v, sem)

        _v, midx = _grouped_top5(s_v, Lc, iv)

        gidx = _lanes(midx, 0, iv, jnp.int32)
        idx_v[...] = jnp.clip(gidx + (b + b_lo) * Lc, 0, nctx - 1)
        pltpu.sync_copy(ctx_hbm.at[idx_v], rows_v)
        qcp.wait()

        zero = jnp.zeros((_L,), jnp.float32)

        def dchunk(ci, carry):
            qq = carry[0]
            dots = list(carry[1])
            nrm = list(carry[2])
            qv = q_v[pl.ds(ci * _L, _L)]
            qq = qq + qv * qv
            for j in range(_TOPK):
                rv = rows_v[j, pl.ds(ci * _L, _L)]
                dots[j] = dots[j] + qv * rv
                nrm[j] = nrm[j] + rv * rv
            return qq, tuple(dots), tuple(nrm)

        qq, dots, nrm = lax.fori_loop(
            0, D // _L, dchunk,
            (zero, (zero,) * _TOPK, (zero,) * _TOPK),
            unroll=4)

        qqs = jnp.sum(qq)
        dotv = _lanes([jnp.sum(d) for d in dots], 0.0, iv, jnp.float32)
        ccv = _lanes([jnp.sum(n) for n in nrm], 1.0, iv, jnp.float32)

        s2 = ccv * qqs
        y = lax.bitcast_convert_type(
            jnp.int32(0x5F3759DF) - (lax.bitcast_convert_type(s2, jnp.int32) >> 1),
            jnp.float32)
        for _ in range(4):
            y = y * (jnp.float32(1.5) - jnp.float32(0.5) * s2 * y * y)
        denom = jnp.maximum(s2 * y, jnp.float32(1e-8))
        sim = dotv / denom
        o_v[...] = jnp.where(iv < _TOPK, sim, jnp.float32(0.0))
        pltpu.sync_copy(o_v, out_hbm.at[b])


def _sc_stage(sums, qsums, ctx2d, b_lo):
    B, Lc = sums.shape
    D = qsums.shape[1]
    sums = sums.reshape(B * Lc)
    qsums = qsums.reshape(B * D)
    mesh = plsc.VectorSubcoreMesh(core_axis_name="c", subcore_axis_name="s")
    body = functools.partial(_sc_body, B, Lc, D, b_lo, ctx2d.shape[0])
    cp = pltpu.CompilerParams()
    if "needs_layout_passes" in pltpu.CompilerParams.__dataclass_fields__:
        cp = dataclasses.replace(cp, needs_layout_passes=False)
    kfn = pl.kernel(
        body,
        out_type=jax.ShapeDtypeStruct((B, _L), jnp.float32),
        mesh=mesh,
        compiler_params=cp,
        scratch_types=[
            pltpu.VMEM((Lc,), jnp.float32),
            pltpu.VMEM((D,), jnp.float32),
            pltpu.VMEM((_L,), jnp.int32),
            pltpu.VMEM((_L, D), jnp.float32),
            pltpu.VMEM((_L,), jnp.float32),
            pltpu.SemaphoreType.DMA,
        ],
    )
    return kfn(sums, qsums, ctx2d)


def kernel(question_emb, context_emb, cross_attn_weights):
    B, Lq, D = question_emb.shape
    Lc = context_emb.shape[1]
    attn3 = cross_attn_weights.reshape(B, -1, Lc)
    ctx2d = context_emb.reshape(B * Lc, D)
    s_h, q_h = _tc_reduce(attn3, question_emb, n_chunks=4, b_lo=0, nb=B)
    sims = _sc_stage(s_h.reshape(B, Lc), q_h.reshape(B, D),
                     ctx2d, 0)
    per_batch = 1.0 - jnp.sum(sims, axis=1) / _TOPK
    return jnp.mean(per_batch)

# --- scband reference (transcript-rebuilt; emitter-appended) ---
"""Pipeline reference for scband-alignment-loss-60902636257514 (READ-ONLY COPY).

The authoritative reference and input builder live on the scoring server;
editing this copy changes nothing except your own understanding.
"""

import jax, jax.numpy as jnp
import numpy as np

TOPK = 5

def setup_inputs(seed: int = 0) -> dict:
    key = jax.random.key(seed)
    k1, k2, k3 = jax.random.split(key, 3)
    question_emb = jax.random.normal(k1, (4, 256, 1024), dtype=jnp.float32)
    context_emb = jax.random.normal(k2, (4, 4096, 1024), dtype=jnp.float32)
    cross_attn_weights = jax.random.uniform(k3, (4, 16, 256, 4096), dtype=jnp.float32)
    return {"question_emb": question_emb, "context_emb": context_emb, "cross_attn_weights": cross_attn_weights}

def reference(question_emb, context_emb, cross_attn_weights):
    # avg over heads and query positions -> [B, Lc]
    avg_attn = cross_attn_weights.mean(axis=(1, 2))
    k = min(TOPK, context_emb.shape[1])
    _, idx = jax.lax.top_k(avg_attn, k)  # [B, k]
    # gather top-k context vectors per batch element
    top_ctx = jnp.take_along_axis(context_emb, idx[:, :, None], axis=1)  # [B, k, d]
    q_vec = question_emb.mean(axis=1, keepdims=True)  # [B, 1, d]
    dot = jnp.sum(q_vec * top_ctx, axis=-1)  # [B, k]
    qn = jnp.sqrt(jnp.sum(q_vec * q_vec, axis=-1))  # [B, 1]
    cn = jnp.sqrt(jnp.sum(top_ctx * top_ctx, axis=-1))  # [B, k]
    sim = dot / jnp.maximum(qn * cn, 1e-8)
    per_batch = (1.0 - sim).mean(axis=-1)  # [B]
    return per_batch.mean()

if __name__ == "__main__":
    import jax
    _d = setup_inputs()
    print(jax.jit(kernel)(*tuple(_d.values())))

</pallas_src>

<mosaic_0001>
#map = affine_map<(d0, d1) -> (0)>
#map1 = affine_map<(d0, d1) -> (0, 0)>
module attributes {stable_mosaic.version = 14 : i64} {
  func.func @_sc_body(%arg0: i32, %arg1: i32, %arg2: memref<16384xf32, #tpu.memory_space<hbm>>, %arg3: memref<4096xf32, #tpu.memory_space<hbm>>, %arg4: memref<16384x1024xf32, #tpu.memory_space<hbm>>, %arg5: memref<4x16xf32, #tpu.memory_space<hbm>>, %arg6: memref<4096xf32, #tpu.memory_space<vmem>>, %arg7: memref<1024xf32, #tpu.memory_space<vmem>>, %arg8: memref<16xi32, #tpu.memory_space<vmem>>, %arg9: memref<16x1024xf32, #tpu.memory_space<vmem>>, %arg10: memref<16xf32, #tpu.memory_space<vmem>>, %arg11: memref<!tpu.dma_semaphore, #tpu.memory_space<semaphore_mem>>) attributes {dimension_semantics = [#tpu.dimension_semantics<core_parallel>, #tpu.dimension_semantics<subcore_parallel>], iteration_bounds = array<i64: 2, 16>, scalar_prefetch = 0 : i64, scratch_operands = 6 : i64, tpu.core_type = #tpu.core_type<sc_vector_subcore>, window_params = [{transform_indices = #map}, {transform_indices = #map}, {transform_indices = #map1}, {transform_indices = #map1}]} {
    %mul3A = arith.constant 2 : i32
    %mul3A_0 = arith.muli %arg1, %mul3A : i32
    %add3A = arith.addi %mul3A_0, %arg0 : i32
    %lt3A = arith.constant 4 : i32
    %lt3A_1 = arith.cmpi slt, %add3A, %lt3A : i32
    %convert_element_type3A = arith.extui %lt3A_1 : i1 to i32
    %cond3A = arith.constant 0 : i32
    %cond3A_2 = arith.cmpi ne, %convert_element_type3A, %cond3A : i32
    scf.if %cond3A_2 {
      %iota3A = tpu.iota {dimensions = array<i32: 0>} : vector<16xi32>
      %mul3A_3 = arith.constant 4096 : i32
      %mul3A_4 = arith.muli %add3A, %mul3A_3 : i32
      "tpu.region"() ({
        %run_scoped3A = tpu.sem_alloc : memref<!tpu.dma_semaphore, #tpu.memory_space<semaphore_mem>>
        %dma_start3A_3162 = tpu.memref_slice %arg2[%mul3A_4] : memref<16384xf32, #tpu.memory_space<hbm>> -> memref<4096xf32, #tpu.memory_space<hbm>>
        %dma_start3A_3163 = tpu.memref_slice %arg2[%mul3A_4] : memref<16384xf32, #tpu.memory_space<hbm>> -> memref<4096xf32, #tpu.memory_space<hbm>>
        tpu.enqueue_dma source(%dma_start3A_3163 : memref<4096xf32, #tpu.memory_space<hbm>>) target(%arg6 : memref<4096xf32, #tpu.memory_space<vmem>>) target_semaphore(%run_scoped3A : memref<!tpu.dma_semaphore, #tpu.memory_space<semaphore_mem>>)
        %dma_wait3A_3164 = tpu.memref_slice %arg2[%mul3A_4] : memref<16384xf32, #tpu.memory_space<hbm>> -> memref<4096xf32, #tpu.memory_space<hbm>>
        %dma_wait3A_3165 = tpu.memref_slice %arg2[%mul3A_4] : memref<16384xf32, #tpu.memory_space<hbm>> -> memref<4096xf32, #tpu.memory_space<hbm>>
        tpu.wait_dma2 semaphore(%run_scoped3A : memref<!tpu.dma_semaphore, #tpu.memory_space<semaphore_mem>>) src(%dma_wait3A_3165 : memref<4096xf32, #tpu.memory_space<hbm>>) dst(%arg6 : memref<4096xf32, #tpu.memory_space<vmem>>)
        tpu.yield
      }) : () -> ()
      %mul3A_5 = arith.constant 1024 : i32
      %mul3A_6 = arith.muli %add3A, %mul3A_5 : i32
      %dma_start3A = tpu.memref_slice %arg3[%mul3A_6] : memref<4096xf32, #tpu.memory_space<hbm>> -> memref<1024xf32, #tpu.memory_space<hbm>>
      %dma_start3A_7 = tpu.memref_slice %arg3[%mul3A_6] : memref<4096xf32, #tpu.memory_space<hbm>> -> memref<1024xf32, #tpu.memory_space<hbm>>
      tpu.enqueue_dma source(%dma_start3A_7 : memref<1024xf32, #tpu.memory_space<hbm>>) target(%arg7 : memref<1024xf32, #tpu.memory_space<vmem>>) target_semaphore(%arg11 : memref<!tpu.dma_semaphore, #tpu.memory_space<semaphore_mem>>)
      %broadcast_in_dim3A = arith.constant -3.000000e+38 : f32
      %broadcast_in_dim3A_8 = vector.broadcast %broadcast_in_dim3A : f32 to vector<16xf32>
      %get3A = arith.constant 0 : index
      %get3A_9 = tpu.vector_load %arg6[%get3A] {strides = array<i32>} : memref<4096xf32, #tpu.memory_space<vmem>>, vector<16xf32>,
      %get3A_10 = arith.constant 16 : index
      %get3A_11 = tpu.vector_load %arg6[%get3A_10] {strides = array<i32>} : memref<4096xf32, #tpu.memory_space<vmem>>, vector<16xf32>,
      %max3A = arith.maximumf %get3A_9, %get3A_11 : vector<16xf32>
      %get3A_12 = arith.constant 32 : index
      %get3A_13 = tpu.vector_load %arg6[%get3A_12] {strides = array<i32>} : memref<4096xf32, #tpu.memory_space<vmem>>, vector<16xf32>,
      %max3A_14 = arith.maximumf %max3A, %get3A_13 : vector<16xf32>
      %get3A_15 = arith.constant 48 : index
      %get3A_16 = tpu.vector_load %arg6[%get3A_15] {strides = array<i32>} : memref<4096xf32, #tpu.memory_space<vmem>>, vector<16xf32>,
      %max3A_17 = arith.maximumf %max3A_14, %get3A_16 : vector<16xf32>
      %eq3A = arith.constant 0 : i32
      %eq3A_18 = vector.broadcast %eq3A : i32 to vector<16xi32>
      %eq3A_19 = arith.cmpi eq, %iota3A, %eq3A_18 : vector<16xi32>
      %reduce_max3A = arith.constant true
      %reduce_max3A_20 = vector.broadcast %reduce_max3A : i1 to vector<16xi1>
      %reduce_max3A_21 = tpu.scan <max>, %max3A_17 masked %reduce_max3A_20 : vector<16xf32>, vector<16xi1> -> vector<16xf32>
      %reduce_max3A_22 = vector.extract %reduce_max3A_21[15] : f32 from vector<16xf32>
      %broadcast_in_dim3A_23 = vector.broadcast %reduce_max3A_22 : f32 to vector<16xf32>
      %select_n3A = arith.select %eq3A_19, %broadcast_in_dim3A_23, %broadcast_in_dim3A_8 : vector<16xi1>, vector<16xf32>
      %get3A_24 = arith.constant 64 : index
      %get3A_25 = tpu.vector_load %arg6[%get3A_24] {strides = array<i32>} : memref<4096xf32, #tpu.memory_space<vmem>>, vector<16xf32>,
      %get3A_26 = arith.constant 80 : index
      %get3A_27 = tpu.vector_load %arg6[%get3A_26] {strides = array<i32>} : memref<4096xf32, #tpu.memory_space<vmem>>, vector<16xf32>,
      %max3A_28 = arith.maximumf %get3A_25, %get3A_27 : vector<16xf32>
      %get3A_29 = arith.constant 96 : index
      %get3A_30 = tpu.vector_load %arg6[%get3A_29] {strides = array<i32>} : memref<4096xf32, #tpu.memory_space<vmem>>, vector<16xf32>,
      %max3A_31 = arith.maximumf %max3A_28, %get3A_30 : vector<16xf32>
      %get3A_32 = arith.constant 112 : index
      %get3A_33 = tpu.vector_load %arg6[%get3A_32] {strides = array<i32>} : memref<4096xf32, #tpu.memory_space<vmem>>, vector<16xf32>,
      %max3A_34 = arith.maximumf %max3A_31, %get3A_33 : vector<16xf32>
      %eq3A_35 = arith.constant 1 : i32
      %eq3A_36 = vector.broadcast %eq3A_35 : i32 to vector<16xi32>
      %eq3A_37 = arith.cmpi eq, %iota3A, %eq3A_36 : vector<16xi32>
      %reduce_max3A_38 = arith.constant true
      %reduce_max3A_39 = vector.broadcast %reduce_max3A_38 : i1 to vector<16xi1>
      %reduce_max3A_40 = tpu.scan <max>, %max3A_34 masked %reduce_max3A_39 : vector<16xf32>, vector<16xi1> -> vector<16xf32>
      %reduce_max3A_41 = vector.extract %reduce_max3A_40[15] : f32 from vector<16xf32>
      %broadcast_in_dim3A_42 = vector.broadcast %reduce_max3A_41 : f32 to vector<16xf32>
      %select_n3A_43 = arith.select %eq3A_37, %broadcast_in_dim3A_42, %select_n3A : vector<16xi1>, vector<16xf32>
      %get3A_44 = arith.constant 128 : index
      %get3A_45 = tpu.vector_load %arg6[%get3A_44] {strides = array<i32>} : memref<4096xf32, #tpu.memory_space<vmem>>, vector<16xf32>,
      %get3A_46 = arith.constant 144 : index
      %get3A_47 = tpu.vector_load %arg6[%get3A_46] {strides = array<i32>} : memref<4096xf32, #tpu.memory_space<vmem>>, vector<16xf32>,
      %max3A_48 = arith.maximumf %get3A_45, %get3A_47 : vector<16xf32>
      %get3A_49 = arith.constant 160 : index
      %get3A_50 = tpu.vector_load %arg6[%get3A_49] {strides = array<i32>} : memref<4096xf32, #tpu.memory_space<vmem>>, vector<16xf32>,
      %max3A_51 = arith.maximumf %max3A_48, %get3A_50 : vector<16xf32>
      %get3A_52 = arith.constant 176 : index
      %get3A_53 = tpu.vector_load %arg6[%get3A_52] {strides = array<i32>} : memref<4096xf32, #tpu.memory_space<vmem>>, vector<16xf32>,
      %max3A_54 = arith.maximumf %max3A_51, %get3A_53 : vector<16xf32>
      %eq3A_55 = arith.constant 2 : i32
      %eq3A_56 = vector.broadcast %eq3A_55 : i32 to vector<16xi32>
      %eq3A_57 = arith.cmpi eq, %iota3A, %eq3A_56 : vector<16xi32>
      %reduce_max3A_58 = arith.constant true
      %reduce_max3A_59 = vector.broadcast %reduce_max3A_58 : i1 to vector<16xi1>
      %reduce_max3A_60 = tpu.scan <max>, %max3A_54 masked %reduce_max3A_59 : vector<16xf32>, vector<16xi1> -> vector<16xf32>
      %reduce_max3A_61 = vector.extract %reduce_max3A_60[15] : f32 from vector<16xf32>
      %broadcast_in_dim3A_62 = vector.broadcast %reduce_max3A_61 : f32 to vector<16xf32>
      %select_n3A_63 = arith.select %eq3A_57, %broadcast_in_dim3A_62, %select_n3A_43 : vector<16xi1>, vector<16xf32>
      %get3A_64 = arith.constant 192 : index
      %get3A_65 = tpu.vector_load %arg6[%get3A_64] {strides = array<i32>} : memref<4096xf32, #tpu.memory_space<vmem>>, vector<16xf32>,
      %get3A_66 = arith.constant 208 : index
      %get3A_67 = tpu.vector_load %arg6[%get3A_66] {strides = array<i32>} : memref<4096xf32, #tpu.memory_space<vmem>>, vector<16xf32>,
      %max3A_68 = arith.maximumf %get3A_65, %get3A_67 : vector<16xf32>
      %get3A_69 = arith.constant 224 : index
      %get3A_70 = tpu.vector_load %arg6[%get3A_69] {strides = array<i32>} : memref<4096xf32, #tpu.memory_space<vmem>>, vector<16xf32>,
      %max3A_71 = arith.maximumf %max3A_68, %get3A_70 : vector<16xf32>
      %get3A_72 = arith.constant 240 : index
      %get3A_73 = tpu.vector_load %arg6[%get3A_72] {strides = array<i32>} : memref<4096xf32, #tpu.memory_space<vmem>>, vector<16xf32>,
      %max3A_74 = arith.maximumf %max3A_71, %get3A_73 : vector<16xf32>
      %eq3A_75 = arith.constant 3 : i32
      %eq3A_76 = vector.broadcast %eq3A_75 : i32 to vector<16xi32>
      %eq3A_77 = arith.cmpi eq, %iota3A, %eq3A_76 : vector<16xi32>
      %reduce_max3A_78 = arith.constant true
      %reduce_max3A_79 = vector.broadcast %reduce_max3A_78 : i1 to vector<16xi1>
      %reduce_max3A_80 = tpu.scan <max>, %max3A_74 masked %reduce_max3A_79 : vector<16xf32>, vector<16xi1> -> vector<16xf32>
      %reduce_max3A_81 = vector.extract %reduce_max3A_80[15] : f32 from vector<16xf32>
      %broadcast_in_dim3A_82 = vector.broadcast %reduce_max3A_81 : f32 to vector<16xf32>
      %select_n3A_83 = arith.select %eq3A_77, %broadcast_in_dim3A_82, %select_n3A_63 : vector<16xi1>, vector<16xf32>
      %get3A_84 = arith.constant 256 : index
      %get3A_85 = tpu.vector_load %arg6[%get3A_84] {strides = array<i32>} : memref<4096xf32, #tpu.memory_space<vmem>>, vector<16xf32>,
      %get3A_86 = arith.constant 272 : index
      %get3A_87 = tpu.vector_load %arg6[%get3A_86] {strides = array<i32>} : memref<4096xf32, #tpu.memory_space<vmem>>, vector<16xf32>,
      %max3A_88 = arith.maximumf %get3A_85, %get3A_87 : vector<16xf32>
      %get3A_89 = arith.constant 288 : index
      %get3A_90 = tpu.vector_load %arg6[%get3A_89] {strides = array<i32>} : memref<4096xf32, #tpu.memory_space<vmem>>, vector<16xf32>,
      %max3A_91 = arith.maximumf %max3A_88, %get3A_90 : vector<16xf32>
      %get3A_92 = arith.constant 304 : index
      %get3A_93 = tpu.vector_load %arg6[%get3A_92] {strides = array<i32>} : memref<4096xf32, #tpu.memory_space<vmem>>, vector<16xf32>,
      %max3A_94 = arith.maximumf %max3A_91, %get3A_93 : vector<16xf32>
      %eq3A_95 = arith.constant 4 : i32
      %eq3A_96 = vector.broadcast %eq3A_95 : i32 to vector<16xi32>
      %eq3A_97 = arith.cmpi eq, %iota3A, %eq3A_96 : vector<16xi32>
      %reduce_max3A_98 = arith.constant true
      %reduce_max3A_99 = vector.broadcast %reduce_max3A_98 : i1 to vector<16xi1>
      %reduce_max3A_100 = tpu.scan <max>, %max3A_94 masked %reduce_max3A_99 : vector<16xf32>, vector<16xi1> -> vector<16xf32>
      %reduce_max3A_101 = vector.extract %reduce_max3A_100[15] : f32 from vector<16xf32>
      %broadcast_in_dim3A_102 = vector.broadcast %reduce_max3A_101 : f32 to vector<16xf32>
      %select_n3A_103 = arith.select %eq3A_97, %broadcast_in_dim3A_102, %select_n3A_83 : vector<16xi1>, vector<16xf32>
      %get3A_104 = arith.constant 320 : index
      %get3A_105 = tpu.vector_load %arg6[%get3A_104] {strides = array<i32>} : memref<4096xf32, #tpu.memory_space<vmem>>, vector<16xf32>,
      %get3A_106 = arith.constant 336 : index
      %get3A_107 = tpu.vector_load %arg6[%get3A_106] {strides = array<i32>} : memref<4096xf32, #tpu.memory_space<vmem>>, vector<16xf32>,
      %max3A_108 = arith.maximumf %get3A_105, %get3A_107 : vector<16xf32>
      %get3A_109 = arith.constant 352 : index
      %get3A_110 = tpu.vector_load %arg6[%get3A_109] {strides = array<i32>} : memref<4096xf32, #tpu.memory_space<vmem>>, vector<16xf32>,
      %max3A_111 = arith.maximumf %max3A_108, %get3A_110 : vector<16xf32>
      %get3A_112 = arith.constant 368 : index
      %get3A_113 = tpu.vector_load %arg6[%get3A_112] {strides = array<i32>} : memref<4096xf32, #tpu.memory_space<vmem>>, vector<16xf32>,
      %max3A_114 = arith.maximumf %max3A_111, %get3A_113 : vector<16xf32>
      %eq3A_115 = arith.constant 5 : i32
      %eq3A_116 = vector.broadcast %eq3A_115 : i32 to vector<16xi32>
      %eq3A_117 = arith.cmpi eq, %iota3A, %eq3A_116 : vector<16xi32>
      %reduce_max3A_118 = arith.constant true
      %reduce_max3A_119 = vector.broadcast %reduce_max3A_118 : i1 to vector<16xi1>
      %reduce_max3A_120 = tpu.scan <max>, %max3A_114 masked %reduce_max3A_119 : vector<16xf32>, vector<16xi1> -> vector<16xf32>
      %reduce_max3A_121 = vector.extract %reduce_max3A_120[15] : f32 from vector<16xf32>
      %broadcast_in_dim3A_122 = vector.broadcast %reduce_max3A_121 : f32 to vector<16xf32>
      %select_n3A_123 = arith.select %eq3A_117, %broadcast_in_dim3A_122, %select_n3A_103 : vector<16xi1>, vector<16xf32>
      %get3A_124 = arith.constant 384 : index
      %get3A_125 = tpu.vector_load %arg6[%get3A_124] {strides = array<i32>} : memref<4096xf32, #tpu.memory_space<vmem>>, vector<16xf32>,
      %get3A_126 = arith.constant 400 : index
      %get3A_127 = tpu.vector_load %arg6[%get3A_126] {strides = array<i32>} : memref<4096xf32, #tpu.memory_space<vmem>>, vector<16xf32>,
      %max3A_128 = arith.maximumf %get3A_125, %get3A_127 : vector<16xf32>
      %get3A_129 = arith.constant 416 : index
      %get3A_130 = tpu.vector_load %arg6[%get3A_129] {strides = array<i32>} : memref<4096xf32, #tpu.memory_space<vmem>>, vector<16xf32>,
      %max3A_131 = arith.maximumf %max3A_128, %get3A_130 : vector<16xf32>
      %get3A_132 = arith.constant 432 : index
      %get3A_133 = tpu.vector_load %arg6[%get3A_132] {strides = array<i32>} : memref<4096xf32, #tpu.memory_space<vmem>>, vector<16xf32>,
      %max3A_134 = arith.maximumf %max3A_131, %get3A_133 : vector<16xf32>
      %eq3A_135 = arith.constant 6 : i32
      %eq3A_136 = vector.broadcast %eq3A_135 : i32 to vector<16xi32>
      %eq3A_137 = arith.cmpi eq, %iota3A, %eq3A_136 : vector<16xi32>
      %reduce_max3A_138 = arith.constant true
      %reduce_max3A_139 = vector.broadcast %reduce_max3A_138 : i1 to vector<16xi1>
      %reduce_max3A_140 = tpu.scan <max>, %max3A_134 masked %reduce_max3A_139 : vector<16xf32>, vector<16xi1> -> vector<16xf32>
      %reduce_max3A_141 = vector.extract %reduce_max3A_140[15] : f32 from vector<16xf32>
      %broadcast_in_dim3A_142 = vector.broadcast %reduce_max3A_141 : f32 to vector<16xf32>
      %select_n3A_143 = arith.select %eq3A_137, %broadcast_in_dim3A_142, %select_n3A_123 : vector<16xi1>, vector<16xf32>
      %get3A_144 = arith.constant 448 : index
      %get3A_145 = tpu.vector_load %arg6[%get3A_144] {strides = array<i32>} : memref<4096xf32, #tpu.memory_space<vmem>>, vector<16xf32>,
      %get3A_146 = arith.constant 464 : index
      %get3A_147 = tpu.vector_load %arg6[%get3A_146] {strides = array<i32>} : memref<4096xf32, #tpu.memory_space<vmem>>, vector<16xf32>,
      %max3A_148 = arith.maximumf %get3A_145, %get3A_147 : vector<16xf32>
      %get3A_149 = arith.constant 480 : index
      %get3A_150 = tpu.vector_load %arg6[%get3A_149] {strides = array<i32>} : memref<4096xf32, #tpu.memory_space<vmem>>, vector<16xf32>,
      %max3A_151 = arith.maximumf %max3A_148, %get3A_150 : vector<16xf32>
      %get3A_152 = arith.constant 496 : index
      %get3A_153 = tpu.vector_load %arg6[%get3A_152] {strides = array<i32>} : memref<4096xf32, #tpu.memory_space<vmem>>, vector<16xf32>,
      %max3A_154 = arith.maximumf %max3A_151, %get3A_153 : vector<16xf32>
      %eq3A_155 = arith.constant 7 : i32
      %eq3A_156 = vector.broadcast %eq3A_155 : i32 to vector<16xi32>
      %eq3A_157 = arith.cmpi eq, %iota3A, %eq3A_156 : vector<16xi32>
      %reduce_max3A_158 = arith.constant true
      %reduce_max3A_159 = vector.broadcast %reduce_max3A_158 : i1 to vector<16xi1>
      %reduce_max3A_160 = tpu.scan <max>, %max3A_154 masked %reduce_max3A_159 : vector<16xf32>, vector<16xi1> -> vector<16xf32>
      %reduce_max3A_161 = vector.extract %reduce_max3A_160[15] : f32 from vector<16xf32>
      %broadcast_in_dim3A_162 = vector.broadcast %reduce_max3A_161 : f32 to vector<16xf32>
      %select_n3A_163 = arith.select %eq3A_157, %broadcast_in_dim3A_162, %select_n3A_143 : vector<16xi1>, vector<16xf32>
      %get3A_164 = arith.constant 512 : index
      %get3A_165 = tpu.vector_load %arg6[%get3A_164] {strides = array<i32>} : memref<4096xf32, #tpu.memory_space<vmem>>, vector<16xf32>,
      %get3A_166 = arith.constant 528 : index
      %get3A_167 = tpu.vector_load %arg6[%get3A_166] {strides = array<i32>} : memref<4096xf32, #tpu.memory_space<vmem>>, vector<16xf32>,
      %max3A_168 = arith.maximumf %get3A_165, %get3A_167 : vector<16xf32>
      %get3A_169 = arith.constant 544 : index
      %get3A_170 = tpu.vector_load %arg6[%get3A_169] {strides = array<i32>} : memref<4096xf32, #tpu.memory_space<vmem>>, vector<16xf32>,
      %max3A_171 = arith.maximumf %max3A_168, %get3A_170 : vector<16xf32>
      %get3A_172 = arith.constant 560 : index
      %get3A_173 = tpu.vector_load %arg6[%get3A_172] {strides = array<i32>} : memref<4096xf32, #tpu.memory_space<vmem>>, vector<16xf32>,
      %max3A_174 = arith.maximumf %max3A_171, %get3A_173 : vector<16xf32>
      %eq3A_175 = arith.constant 8 : i32
      %eq3A_176 = vector.broadcast %eq3A_175 : i32 to vector<16xi32>
      %eq3A_177 = arith.cmpi eq, %iota3A, %eq3A_176 : vector<16xi32>
      %reduce_max3A_178 = arith.constant true
      %reduce_max3A_179 = vector.broadcast %reduce_max3A_178 : i1 to vector<16xi1>
      %reduce_max3A_180 = tpu.scan <max>, %max3A_174 masked %reduce_max3A_179 : vector<16xf32>, vector<16xi1> -> vector<16xf32>
      %reduce_max3A_181 = vector.extract %reduce_max3A_180[15] : f32 from vector<16xf32>
      %broadcast_in_dim3A_182 = vector.broadcast %reduce_max3A_181 : f32 to vector<16xf32>
      %select_n3A_183 = arith.select %eq3A_177, %broadcast_in_dim3A_182, %select_n3A_163 : vector<16xi1>, vector<16xf32>
      %get3A_184 = arith.constant 576 : index
      %get3A_185 = tpu.vector_load %arg6[%get3A_184] {strides = array<i32>} : memref<4096xf32, #tpu.memory_space<vmem>>, vector<16xf32>,
      %get3A_186 = arith.constant 592 : index
      %get3A_187 = tpu.vector_load %arg6[%get3A_186] {strides = array<i32>} : memref<4096xf32, #tpu.memory_space<vmem>>, vector<16xf32>,
      %max3A_188 = arith.maximumf %get3A_185, %get3A_187 : vector<16xf32>
      %get3A_189 = arith.constant 608 : index
      %get3A_190 = tpu.vector_load %arg6[%get3A_189] {strides = array<i32>} : memref<4096xf32, #tpu.memory_space<vmem>>, vector<16xf32>,
      %max3A_191 = arith.maximumf %max3A_188, %get3A_190 : vector<16xf32>
      %get3A_192 = arith.constant 624 : index
      %get3A_193 = tpu.vector_load %arg6[%get3A_192] {strides = array<i32>} : memref<4096xf32, #tpu.memory_space<vmem>>, vector<16xf32>,
      %max3A_194 = arith.maximumf %max3A_191, %get3A_193 : vector<16xf32>
      %eq3A_195 = arith.constant 9 : i32
      %eq3A_196 = vector.broadcast %eq3A_195 : i32 to vector<16xi32>
      %eq3A_197 = arith.cmpi eq, %iota3A, %eq3A_196 : vector<16xi32>
      %reduce_max3A_198 = arith.constant true
      %reduce_max3A_199 = vector.broadcast %reduce_max3A_198 : i1 to vector<16xi1>
      %reduce_max3A_200 = tpu.scan <max>, %max3A_194 masked %reduce_max3A_199 : vector<16xf32>, vector<16xi1> -> vector<16xf32>
      %reduce_max3A_201 = vector.extract %reduce_max3A_200[15] : f32 from vector<16xf32>
      %broadcast_in_dim3A_202 = vector.broadcast %reduce_max3A_201 : f32 to vector<16xf32>
      %select_n3A_203 = arith.select %eq3A_197, %broadcast_in_dim3A_202, %select_n3A_183 : vector<16xi1>, vector<16xf32>
      %get3A_204 = arith.constant 640 : index
      %get3A_205 = tpu.vector_load %arg6[%get3A_204] {strides = array<i32>} : memref<4096xf32, #tpu.memory_space<vmem>>, vector<16xf32>,
      %get3A_206 = arith.constant 656 : index
      %get3A_207 = tpu.vector_load %arg6[%get3A_206] {strides = array<i32>} : memref<4096xf32, #tpu.memory_space<vmem>>, vector<16xf32>,
      %max3A_208 = arith.maximumf %get3A_205, %get3A_207 : vector<16xf32>
      %get3A_209 = arith.constant 672 : index
      %get3A_210 = tpu.vector_load %arg6[%get3A_209] {strides = array<i32>} : memref<4096xf32, #tpu.memory_space<vmem>>, vector<16xf32>,
      %max3A_211 = arith.maximumf %max3A_208, %get3A_210 : vector<16xf32>
      %get3A_212 = arith.constant 688 : index
      %get3A_213 = tpu.vector_load %arg6[%get3A_212] {strides = array<i32>} : memref<4096xf32, #tpu.memory_space<vmem>>, vector<16xf32>,
      %max3A_214 = arith.maximumf %max3A_211, %get3A_213 : vector<16xf32>
      %eq3A_215 = arith.constant 10 : i32
      %eq3A_216 = vector.broadcast %eq3A_215 : i32 to vector<16xi32>
      %eq3A_217 = arith.cmpi eq, %iota3A, %eq3A_216 : vector<16xi32>
      %reduce_max3A_218 = arith.constant true
      %reduce_max3A_219 = vector.broadcast %reduce_max3A_218 : i1 to vector<16xi1>
      %reduce_max3A_220 = tpu.scan <max>, %max3A_214 masked %reduce_max3A_219 : vector<16xf32>, vector<16xi1> -> vector<16xf32>
      %reduce_max3A_221 = vector.extract %reduce_max3A_220[15] : f32 from vector<16xf32>
      %broadcast_in_dim3A_222 = vector.broadcast %reduce_max3A_221 : f32 to vector<16xf32>
      %select_n3A_223 = arith.select %eq3A_217, %broadcast_in_dim3A_222, %select_n3A_203 : vector<16xi1>, vector<16xf32>
      %get3A_224 = arith.constant 704 : index
      %get3A_225 = tpu.vector_load %arg6[%get3A_224] {strides = array<i32>} : memref<4096xf32, #tpu.memory_space<vmem>>, vector<16xf32>,
      %get3A_226 = arith.constant 720 : index
      %get3A_227 = tpu.vector_load %arg6[%get3A_226] {strides = array<i32>} : memref<4096xf32, #tpu.memory_space<vmem>>, vector<16xf32>,
      %max3A_228 = arith.maximumf %get3A_225, %get3A_227 : vector<16xf32>
      %get3A_229 = arith.constant 736 : index
      %get3A_230 = tpu.vector_load %arg6[%get3A_229] {strides = array<i32>} : memref<4096xf32, #tpu.memory_space<vmem>>, vector<16xf32>,
      %max3A_231 = arith.maximumf %max3A_228, %get3A_230 : vector<16xf32>
      %get3A_232 = arith.constant 752 : index
      %get3A_233 = tpu.vector_load %arg6[%get3A_232] {strides = array<i32>} : memref<4096xf32, #tpu.memory_space<vmem>>, vector<16xf32>,
      %max3A_234 = arith.maximumf %max3A_231, %get3A_233 : vector<16xf32>
      %eq3A_235 = arith.constant 11 : i32
      %eq3A_236 = vector.broadcast %eq3A_235 : i32 to vector<16xi32>
      %eq3A_237 = arith.cmpi eq, %iota3A, %eq3A_236 : vector<16xi32>
      %reduce_max3A_238 = arith.constant true
      %reduce_max3A_239 = vector.broadcast %reduce_max3A_238 : i1 to vector<16xi1>
      %reduce_max3A_240 = tpu.scan <max>, %max3A_234 masked %reduce_max3A_239 : vector<16xf32>, vector<16xi1> -> vector<16xf32>
      %reduce_max3A_241 = vector.extract %reduce_max3A_240[15] : f32 from vector<16xf32>
      %broadcast_in_dim3A_242 = vector.broadcast %reduce_max3A_241 : f32 to vector<16xf32>
      %select_n3A_243 = arith.select %eq3A_237, %broadcast_in_dim3A_242, %select_n3A_223 : vector<16xi1>, vector<16xf32>
      %get3A_244 = arith.constant 768 : index
      %get3A_245 = tpu.vector_load %arg6[%get3A_244] {strides = array<i32>} : memref<4096xf32, #tpu.memory_space<vmem>>, vector<16xf32>,
      %get3A_246 = arith.constant 784 : index
      %get3A_247 = tpu.vector_load %arg6[%get3A_246] {strides = array<i32>} : memref<4096xf32, #tpu.memory_space<vmem>>, vector<16xf32>,
      %max3A_248 = arith.maximumf %get3A_245, %get3A_247 : vector<16xf32>
      %get3A_249 = arith.constant 800 : index
      %get3A_250 = tpu.vector_load %arg6[%get3A_249] {strides = array<i32>} : memref<4096xf32, #tpu.memory_space<vmem>>, vector<16xf32>,
      %max3A_251 = arith.maximumf %max3A_248, %get3A_250 : vector<16xf32>
      %get3A_252 = arith.constant 816 : index
      %get3A_253 = tpu.vector_load %arg6[%get3A_252] {strides = array<i32>} : memref<4096xf32, #tpu.memory_space<vmem>>, vector<16xf32>,
      %max3A_254 = arith.maximumf %max3A_251, %get3A_253 : vector<16xf32>
      %eq3A_255 = arith.constant 12 : i32
      %eq3A_256 = vector.broadcast %eq3A_255 : i32 to vector<16xi32>
      %eq3A_257 = arith.cmpi eq, %iota3A, %eq3A_256 : vector<16xi32>
      %reduce_max3A_258 = arith.constant true
      %reduce_max3A_259 = vector.broadcast %reduce_max3A_258 : i1 to vector<16xi1>
      %reduce_max3A_260 = tpu.scan <max>, %max3A_254 masked %reduce_max3A_259 : vector<16xf32>, vector<16xi1> -> vector<16xf32>
      %reduce_max3A_261 = vector.extract %reduce_max3A_260[15] : f32 from vector<16xf32>
      %broadcast_in_dim3A_262 = vector.broadcast %reduce_max3A_261 : f32 to vector<16xf32>
      %select_n3A_263 = arith.select %eq3A_257, %broadcast_in_dim3A_262, %select_n3A_243 : vector<16xi1>, vector<16xf32>
      %get3A_264 = arith.constant 832 : index
      %get3A_265 = tpu.vector_load %arg6[%get3A_264] {strides = array<i32>} : memref<4096xf32, #tpu.memory_space<vmem>>, vector<16xf32>,
      %get3A_266 = arith.constant 848 : index
      %get3A_267 = tpu.vector_load %arg6[%get3A_266] {strides = array<i32>} : memref<4096xf32, #tpu.memory_space<vmem>>, vector<16xf32>,
      %max3A_268 = arith.maximumf %get3A_265, %get3A_267 : vector<16xf32>
      %get3A_269 = arith.constant 864 : index
      %get3A_270 = tpu.vector_load %arg6[%get3A_269] {strides = array<i32>} : memref<4096xf32, #tpu.memory_space<vmem>>, vector<16xf32>,
      %max3A_271 = arith.maximumf %max3A_268, %get3A_270 : vector<16xf32>
      %get3A_272 = arith.constant 880 : index
      %get3A_273 = tpu.vector_load %arg6[%get3A_272] {strides = array<i32>} : memref<4096xf32, #tpu.memory_space<vmem>>, vector<16xf32>,
      %max3A_274 = arith.maximumf %max3A_271, %get3A_273 : vector<16xf32>
      %eq3A_275 = arith.constant 13 : i32
      %eq3A_276 = vector.broadcast %eq3A_275 : i32 to vector<16xi32>
      %eq3A_277 = arith.cmpi eq, %iota3A, %eq3A_276 : vector<16xi32>
      %reduce_max3A_278 = arith.constant true
      %reduce_max3A_279 = vector.broadcast %reduce_max3A_278 : i1 to vector<16xi1>
      %reduce_max3A_280 = tpu.scan <max>, %max3A_274 masked %reduce_max3A_279 : vector<16xf32>, vector<16xi1> -> vector<16xf32>
      %reduce_max3A_281 = vector.extract %reduce_max3A_280[15] : f32 from vector<16xf32>
      %broadcast_in_dim3A_282 = vector.broadcast %reduce_max3A_281 : f32 to vector<16xf32>
      %select_n3A_283 = arith.select %eq3A_277, %broadcast_in_dim3A_282, %select_n3A_263 : vector<16xi1>, vector<16xf32>
      %get3A_284 = arith.constant 896 : index
      %get3A_285 = tpu.vector_load %arg6[%get3A_284] {strides = array<i32>} : memref<4096xf32, #tpu.memory_space<vmem>>, vector<16xf32>,
      %get3A_286 = arith.constant 912 : index
      %get3A_287 = tpu.vector_load %arg6[%get3A_286] {strides = array<i32>} : memref<4096xf32, #tpu.memory_space<vmem>>, vector<16xf32>,
      %max3A_288 = arith.maximumf %get3A_285, %get3A_287 : vector<16xf32>
      %get3A_289 = arith.constant 928 : index
      %get3A_290 = tpu.vector_load %arg6[%get3A_289] {strides = array<i32>} : memref<4096xf32, #tpu.memory_space<vmem>>, vector<16xf32>,
      %max3A_291 = arith.maximumf %max3A_288, %get3A_290 : vector<16xf32>
      %get3A_292 = arith.constant 944 : index
      %get3A_293 = tpu.vector_load %arg6[%get3A_292] {strides = array<i32>} : memref<4096xf32, #tpu.memory_space<vmem>>, vector<16xf32>,
      %max3A_294 = arith.maximumf %max3A_291, %get3A_293 : vector<16xf32>
      %eq3A_295 = arith.constant 14 : i32
      %eq3A_296 = vector.broadcast %eq3A_295 : i32 to vector<16xi32>
      %eq3A_297 = arith.cmpi eq, %iota3A, %eq3A_296 : vector<16xi32>
      %reduce_max3A_298 = arith.constant true
      %reduce_max3A_299 = vector.broadcast %reduce_max3A_298 : i1 to vector<16xi1>
      %reduce_max3A_300 = tpu.scan <max>, %max3A_294 masked %reduce_max3A_299 : vector<16xf32>, vector<16xi1> -> vector<16xf32>
      %reduce_max3A_301 = vector.extract %reduce_max3A_300[15] : f32 from vector<16xf32>
      %broadcast_in_dim3A_302 = vector.broadcast %reduce_max3A_301 : f32 to vector<16xf32>
      %select_n3A_303 = arith.select %eq3A_297, %broadcast_in_dim3A_302, %select_n3A_283 : vector<16xi1>, vector<16xf32>
      %get3A_304 = arith.constant 960 : index
      %get3A_305 = tpu.vector_load %arg6[%get3A_304] {strides = array<i32>} : memref<4096xf32, #tpu.memory_space<vmem>>, vector<16xf32>,
      %get3A_306 = arith.constant 976 : index
      %get3A_307 = tpu.vector_load %arg6[%get3A_306] {strides = array<i32>} : memref<4096xf32, #tpu.memory_space<vmem>>, vector<16xf32>,
      %max3A_308 = arith.maximumf %get3A_305, %get3A_307 : vector<16xf32>
      %get3A_309 = arith.constant 992 : index
      %get3A_310 = tpu.vector_load %arg6[%get3A_309] {strides = array<i32>} : memref<4096xf32, #tpu.memory_space<vmem>>, vector<16xf32>,
      %max3A_311 = arith.maximumf %max3A_308, %get3A_310 : vector<16xf32>
      %get3A_312 = arith.constant 1008 : index
      %get3A_313 = tpu.vector_load %arg6[%get3A_312] {strides = array<i32>} : memref<4096xf32, #tpu.memory_space<vmem>>, vector<16xf32>,
      %max3A_314 = arith.maximumf %max3A_311, %get3A_313 : vector<16xf32>
      %eq3A_315 = arith.constant 15 : i32
      %eq3A_316 = vector.broadcast %eq3A_315 : i32 to vector<16xi32>
      %eq3A_317 = arith.cmpi eq, %iota3A, %eq3A_316 : vector<16xi32>
      %reduce_max3A_318 = arith.constant true
      %reduce_max3A_319 = vector.broadcast %reduce_max3A_318 : i1 to vector<16xi1>
      %reduce_max3A_320 = tpu.scan <max>, %max3A_314 masked %reduce_max3A_319 : vector<16xf32>, vector<16xi1> -> vector<16xf32>
      %reduce_max3A_321 = vector.extract %reduce_max3A_320[15] : f32 from vector<16xf32>
      %broadcast_in_dim3A_322 = vector.broadcast %reduce_max3A_321 : f32 to vector<16xf32>
      %select_n3A_323 = arith.select %eq3A_317, %broadcast_in_dim3A_322, %select_n3A_303 : vector<16xi1>, vector<16xf32>
      %broadcast_in_dim3A_324 = arith.constant -3.000000e+38 : f32
      %broadcast_in_dim3A_325 = vector.broadcast %broadcast_in_dim3A_324 : f32 to vector<16xf32>
      %get3A_326 = arith.constant 1024 : index
      %get3A_327 = tpu.vector_load %arg6[%get3A_326] {strides = array<i32>} : memref<4096xf32, #tpu.memory_space<vmem>>, vector<16xf32>,
      %get3A_328 = arith.constant 1040 : index
      %get3A_329 = tpu.vector_load %arg6[%get3A_328] {strides = array<i32>} : memref<4096xf32, #tpu.memory_space<vmem>>, vector<16xf32>,
      %max3A_330 = arith.maximumf %get3A_327, %get3A_329 : vector<16xf32>
      %get3A_331 = arith.constant 1056 : index
      %get3A_332 = tpu.vector_load %arg6[%get3A_331] {strides = array<i32>} : memref<4096xf32, #tpu.memory_space<vmem>>, vector<16xf32>,
      %max3A_333 = arith.maximumf %max3A_330, %get3A_332 : vector<16xf32>
      %get3A_334 = arith.constant 1072 : index
      %get3A_335 = tpu.vector_load %arg6[%get3A_334] {strides = array<i32>} : memref<4096xf32, #tpu.memory_space<vmem>>, vector<16xf32>,
      %max3A_336 = arith.maximumf %max3A_333, %get3A_335 : vector<16xf32>
      %eq3A_337 = arith.constant 0 : i32
      %eq3A_338 = vector.broadcast %eq3A_337 : i32 to vector<16xi32>
      %eq3A_339 = arith.cmpi eq, %iota3A, %eq3A_338 : vector<16xi32>
      %reduce_max3A_340 = arith.constant true
      %reduce_max3A_341 = vector.broadcast %reduce_max3A_340 : i1 to vector<16xi1>
      %reduce_max3A_342 = tpu.scan <max>, %max3A_336 masked %reduce_max3A_341 : vector<16xf32>, vector<16xi1> -> vector<16xf32>
      %reduce_max3A_343 = vector.extract %reduce_max3A_342[15] : f32 from vector<16xf32>
      %broadcast_in_dim3A_344 = vector.broadcast %reduce_max3A_343 : f32 to vector<16xf32>
      %select_n3A_345 = arith.select %eq3A_339, %broadcast_in_dim3A_344, %broadcast_in_dim3A_325 : vector<16xi1>, vector<16xf32>
      %get3A_346 = arith.constant 1088 : index
      %get3A_347 = tpu.vector_load %arg6[%get3A_346] {strides = array<i32>} : memref<4096xf32, #tpu.memory_space<vmem>>, vector<16xf32>,
      %get3A_348 = arith.constant 1104 : index
      %get3A_349 = tpu.vector_load %arg6[%get3A_348] {strides = array<i32>} : memref<4096xf32, #tpu.memory_space<vmem>>, vector<16xf32>,
      %max3A_350 = arith.maximumf %get3A_347, %get3A_349 : vector<16xf32>
      %get3A_351 = arith.constant 1120 : index
      %get3A_352 = tpu.vector_load %arg6[%get3A_351] {strides = array<i32>} : memref<4096xf32, #tpu.memory_space<vmem>>, vector<16xf32>,
      %max3A_353 = arith.maximumf %max3A_350, %get3A_352 : vector<16xf32>
      %get3A_354 = arith.constant 1136 : index
      %get3A_355 = tpu.vector_load %arg6[%get3A_354] {strides = array<i32>} : memref<4096xf32, #tpu.memory_space<vmem>>, vector<16xf32>,
      %max3A_356 = arith.maximumf %max3A_353, %get3A_355 : vector<16xf32>
      %eq3A_357 = arith.constant 1 : i32
      %eq3A_358 = vector.broadcast %eq3A_357 : i32 to vector<16xi32>
      %eq3A_359 = arith.cmpi eq, %iota3A, %eq3A_358 : vector<16xi32>
      %reduce_max3A_360 = arith.constant true
      %reduce_max3A_361 = vector.broadcast %reduce_max3A_360 : i1 to vector<16xi1>
      %reduce_max3A_362 = tpu.scan <max>, %max3A_356 masked %reduce_max3A_361 : vector<16xf32>, vector<16xi1> -> vector<16xf32>
      %reduce_max3A_363 = vector.extract %reduce_max3A_362[15] : f32 from vector<16xf32>
      %broadcast_in_dim3A_364 = vector.broadcast %reduce_max3A_363 : f32 to vector<16xf32>
      %select_n3A_365 = arith.select %eq3A_359, %broadcast_in_dim3A_364, %select_n3A_345 : vector<16xi1>, vector<16xf32>
      %get3A_366 = arith.constant 1152 : index
      %get3A_367 = tpu.vector_load %arg6[%get3A_366] {strides = array<i32>} : memref<4096xf32, #tpu.memory_space<vmem>>, vector<16xf32>,
      %get3A_368 = arith.constant 1168 : index
      %get3A_369 = tpu.vector_load %arg6[%get3A_368] {strides = array<i32>} : memref<4096xf32, #tpu.memory_space<vmem>>, vector<16xf32>,
      %max3A_370 = arith.maximumf %get3A_367, %get3A_369 : vector<16xf32>
      %get3A_371 = arith.constant 1184 : index
      %get3A_372 = tpu.vector_load %arg6[%get3A_371] {strides = array<i32>} : memref<4096xf32, #tpu.memory_space<vmem>>, vector<16xf32>,
      %max3A_373 = arith.maximumf %max3A_370, %get3A_372 : vector<16xf32>
      %get3A_374 = arith.constant 1200 : index
      %get3A_375 = tpu.vector_load %arg6[%get3A_374] {strides = array<i32>} : memref<4096xf32, #tpu.memory_space<vmem>>, vector<16xf32>,
      %max3A_376 = arith.maximumf %max3A_373, %get3A_375 : vector<16xf32>
      %eq3A_377 = arith.constant 2 : i32
      %eq3A_378 = vector.broadcast %eq3A_377 : i32 to vector<16xi32>
      %eq3A_379 = arith.cmpi eq, %iota3A, %eq3A_378 : vector<16xi32>
      %reduce_max3A_380 = arith.constant true
      %reduce_max3A_381 = vector.broadcast %reduce_max3A_380 : i1 to vector<16xi1>
      %reduce_max3A_382 = tpu.scan <max>, %max3A_376 masked %reduce_max3A_381 : vector<16xf32>, vector<16xi1> -> vector<16xf32>
      %reduce_max3A_383 = vector.extract %reduce_max3A_382[15] : f32 from vector<16xf32>
      %broadcast_in_dim3A_384 = vector.broadcast %reduce_max3A_383 : f32 to vector<16xf32>
      %select_n3A_385 = arith.select %eq3A_379, %broadcast_in_dim3A_384, %select_n3A_365 : vector<16xi1>, vector<16xf32>
      %get3A_386 = arith.constant 1216 : index
      %get3A_387 = tpu.vector_load %arg6[%get3A_386] {strides = array<i32>} : memref<4096xf32, #tpu.memory_space<vmem>>, vector<16xf32>,
      %get3A_388 = arith.constant 1232 : index
      %get3A_389 = tpu.vector_load %arg6[%get3A_388] {strides = array<i32>} : memref<4096xf32, #tpu.memory_space<vmem>>, vector<16xf32>,
      %max3A_390 = arith.maximumf %get3A_387, %get3A_389 : vector<16xf32>
      %get3A_391 = arith.constant 1248 : index
      %get3A_392 = tpu.vector_load %arg6[%get3A_391] {strides = array<i32>} : memref<4096xf32, #tpu.memory_space<vmem>>, vector<16xf32>,
      %max3A_393 = arith.maximumf %max3A_390, %get3A_392 : vector<16xf32>
      %get3A_394 = arith.constant 1264 : index
      %get3A_395 = tpu.vector_load %arg6[%get3A_394] {strides = array<i32>} : memref<4096xf32, #tpu.memory_space<vmem>>, vector<16xf32>,
      %max3A_396 = arith.maximumf %max3A_393, %get3A_395 : vector<16xf32>
      %eq3A_397 = arith.constant 3 : i32
      %eq3A_398 = vector.broadcast %eq3A_397 : i32 to vector<16xi32>
      %eq3A_399 = arith.cmpi eq, %iota3A, %eq3A_398 : vector<16xi32>
      %reduce_max3A_400 = arith.constant true
      %reduce_max3A_401 = vector.broadcast %reduce_max3A_400 : i1 to vector<16xi1>
      %reduce_max3A_402 = tpu.scan <max>, %max3A_396 masked %reduce_max3A_401 : vector<16xf32>, vector<16xi1> -> vector<16xf32>
      %reduce_max3A_403 = vector.extract %reduce_max3A_402[15] : f32 from vector<16xf32>
      %broadcast_in_dim3A_404 = vector.broadcast %reduce_max3A_403 : f32 to vector<16xf32>
      %select_n3A_405 = arith.select %eq3A_399, %broadcast_in_dim3A_404, %select_n3A_385 : vector<16xi1>, vector<16xf32>
      %get3A_406 = arith.constant 1280 : index
      %get3A_407 = tpu.vector_load %arg6[%get3A_406] {strides = array<i32>} : memref<4096xf32, #tpu.memory_space<vmem>>, vector<16xf32>,
      %get3A_408 = arith.constant 1296 : index
      %get3A_409 = tpu.vector_load %arg6[%get3A_408] {strides = array<i32>} : memref<4096xf32, #tpu.memory_space<vmem>>, vector<16xf32>,
      %max3A_410 = arith.maximumf %get3A_407, %get3A_409 : vector<16xf32>
      %get3A_411 = arith.constant 1312 : index
      %get3A_412 = tpu.vector_load %arg6[%get3A_411] {strides = array<i32>} : memref<4096xf32, #tpu.memory_space<vmem>>, vector<16xf32>,
      %max3A_413 = arith.maximumf %max3A_410, %get3A_412 : vector<16xf32>
      %get3A_414 = arith.constant 1328 : index
      %get3A_415 = tpu.vector_load %arg6[%get3A_414] {strides = array<i32>} : memref<4096xf32, #tpu.memory_space<vmem>>, vector<16xf32>,
      %max3A_416 = arith.maximumf %max3A_413, %get3A_415 : vector<16xf32>
      %eq3A_417 = arith.constant 4 : i32
      %eq3A_418 = vector.broadcast %eq3A_417 : i32 to vector<16xi32>
      %eq3A_419 = arith.cmpi eq, %iota3A, %eq3A_418 : vector<16xi32>
      %reduce_max3A_420 = arith.constant true
      %reduce_max3A_421 = vector.broadcast %reduce_max3A_420 : i1 to vector<16xi1>
      %reduce_max3A_422 = tpu.scan <max>, %max3A_416 masked %reduce_max3A_421 : vector<16xf32>, vector<16xi1> -> vector<16xf32>
      %reduce_max3A_423 = vector.extract %reduce_max3A_422[15] : f32 from vector<16xf32>
      %broadcast_in_dim3A_424 = vector.broadcast %reduce_max3A_423 : f32 to vector<16xf32>
      %select_n3A_425 = arith.select %eq3A_419, %broadcast_in_dim3A_424, %select_n3A_405 : vector<16xi1>, vector<16xf32>
      %get3A_426 = arith.constant 1344 : index
      %get3A_427 = tpu.vector_load %arg6[%get3A_426] {strides = array<i32>} : memref<4096xf32, #tpu.memory_space<vmem>>, vector<16xf32>,
      %get3A_428 = arith.constant 1360 : index
      %get3A_429 = tpu.vector_load %arg6[%get3A_428] {strides = array<i32>} : memref<4096xf32, #tpu.memory_space<vmem>>, vector<16xf32>,
      %max3A_430 = arith.maximumf %get3A_427, %get3A_429 : vector<16xf32>
      %get3A_431 = arith.constant 1376 : index
      %get3A_432 = tpu.vector_load %arg6[%get3A_431] {strides = array<i32>} : memref<4096xf32, #tpu.memory_space<vmem>>, vector<16xf32>,
      %max3A_433 = arith.maximumf %max3A_430, %get3A_432 : vector<16xf32>
      %get3A_434 = arith.constant 1392 : index
      %get3A_435 = tpu.vector_load %arg6[%get3A_434] {strides = array<i32>} : memref<4096xf32, #tpu.memory_space<vmem>>, vector<16xf32>,
      %max3A_436 = arith.maximumf %max3A_433, %get3A_435 : vector<16xf32>
      %eq3A_437 = arith.constant 5 : i32
      %eq3A_438 = vector.broadcast %eq3A_437 : i32 to vector<16xi32>
      %eq3A_439 = arith.cmpi eq, %iota3A, %eq3A_438 : vector<16xi32>
      %reduce_max3A_440 = arith.constant true
      %reduce_max3A_441 = vector.broadcast %reduce_max3A_440 : i1 to vector<16xi1>
      %reduce_max3A_442 = tpu.scan <max>, %max3A_436 masked %reduce_max3A_441 : vector<16xf32>, vector<16xi1> -> vector<16xf32>
      %reduce_max3A_443 = vector.extract %reduce_max3A_442[15] : f32 from vector<16xf32>
      %broadcast_in_dim3A_444 = vector.broadcast %reduce_max3A_443 : f32 to vector<16xf32>
      %select_n3A_445 = arith.select %eq3A_439, %broadcast_in_dim3A_444, %select_n3A_425 : vector<16xi1>, vector<16xf32>
      %get3A_446 = arith.constant 1408 : index
      %get3A_447 = tpu.vector_load %arg6[%get3A_446] {strides = array<i32>} : memref<4096xf32, #tpu.memory_space<vmem>>, vector<16xf32>,
      %get3A_448 = arith.constant 1424 : index
      %get3A_449 = tpu.vector_load %arg6[%get3A_448] {strides = array<i32>} : memref<4096xf32, #tpu.memory_space<vmem>>, vector<16xf32>,
      %max3A_450 = arith.maximumf %get3A_447, %get3A_449 : vector<16xf32>
      %get3A_451 = arith.constant 1440 : index
      %get3A_452 = tpu.vector_load %arg6[%get3A_451] {strides = array<i32>} : memref<4096xf32, #tpu.memory_space<vmem>>, vector<16xf32>,
      %max3A_453 = arith.maximumf %max3A_450, %get3A_452 : vector<16xf32>
      %get3A_454 = arith.constant 1456 : index
      %get3A_455 = tpu.vector_load %arg6[%get3A_454] {strides = array<i32>} : memref<4096xf32, #tpu.memory_space<vmem>>, vector<16xf32>,
      %max3A_456 = arith.maximumf %max3A_453, %get3A_455 : vector<16xf32>
      %eq3A_457 = arith.constant 6 : i32
      %eq3A_458 = vector.broadcast %eq3A_457 : i32 to vector<16xi32>
      %eq3A_459 = arith.cmpi eq, %iota3A, %eq3A_458 : vector<16xi32>
      %reduce_max3A_460 = arith.constant true
      %reduce_max3A_461 = vector.broadcast %reduce_max3A_460 : i1 to vector<16xi1>
      %reduce_max3A_462 = tpu.scan <max>, %max3A_456 masked %reduce_max3A_461 : vector<16xf32>, vector<16xi1> -> vector<16xf32>
      %reduce_max3A_463 = vector.extract %reduce_max3A_462[15] : f32 from vector<16xf32>
      %broadcast_in_dim3A_464 = vector.broadcast %reduce_max3A_463 : f32 to vector<16xf32>
      %select_n3A_465 = arith.select %eq3A_459, %broadcast_in_dim3A_464, %select_n3A_445 : vector<16xi1>, vector<16xf32>
      %get3A_466 = arith.constant 1472 : index
      %get3A_467 = tpu.vector_load %arg6[%get3A_466] {strides = array<i32>} : memref<4096xf32, #tpu.memory_space<vmem>>, vector<16xf32>,
      %get3A_468 = arith.constant 1488 : index
      %get3A_469 = tpu.vector_load %arg6[%get3A_468] {strides = array<i32>} : memref<4096xf32, #tpu.memory_space<vmem>>, vector<16xf32>,
      %max3A_470 = arith.maximumf %get3A_467, %get3A_469 : vector<16xf32>
      %get3A_471 = arith.constant 1504 : index
      %get3A_472 = tpu.vector_load %arg6[%get3A_471] {strides = array<i32>} : memref<4096xf32, #tpu.memory_space<vmem>>, vector<16xf32>,
      %max3A_473 = arith.maximumf %max3A_470, %get3A_472 : vector<16xf32>
      %get3A_474 = arith.constant 1520 : index
      %get3A_475 = tpu.vector_load %arg6[%get3A_474] {strides = array<i32>} : memref<4096xf32, #tpu.memory_space<vmem>>, vector<16xf32>,
      %max3A_476 = arith.maximumf %max3A_473, %get3A_475 : vector<16xf32>
      %eq3A_477 = arith.constant 7 : i32
      %eq3A_478 = vector.broadcast %eq3A_477 : i32 to vector<16xi32>
      %eq3A_479 = arith.cmpi eq, %iota3A, %eq3A_478 : vector<16xi32>
      %reduce_max3A_480 = arith.constant true
      %reduce_max3A_481 = vector.broadcast %reduce_max3A_480 : i1 to vector<16xi1>
      %reduce_max3A_482 = tpu.scan <max>, %max3A_476 masked %reduce_max3A_481 : vector<16xf32>, vector<16xi1> -> vector<16xf32>
      %reduce_max3A_483 = vector.extract %reduce_max3A_482[15] : f32 from vector<16xf32>
      %broadcast_in_dim3A_484 = vector.broadcast %reduce_max3A_483 : f32 to vector<16xf32>
      %select_n3A_485 = arith.select %eq3A_479, %broadcast_in_dim3A_484, %select_n3A_465 : vector<16xi1>, vector<16xf32>
      %get3A_486 = arith.constant 1536 : index
      %get3A_487 = tpu.vector_load %arg6[%get3A_486] {strides = array<i32>} : memref<4096xf32, #tpu.memory_space<vmem>>, vector<16xf32>,
      %get3A_488 = arith.constant 1552 : index
      %get3A_489 = tpu.vector_load %arg6[%get3A_488] {strides = array<i32>} : memref<4096xf32, #tpu.memory_space<vmem>>, vector<16xf32>,
      %max3A_490 = arith.maximumf %get3A_487, %get3A_489 : vector<16xf32>
      %get3A_491 = arith.constant 1568 : index
      %get3A_492 = tpu.vector_load %arg6[%get3A_491] {strides = array<i32>} : memref<4096xf32, #tpu.memory_space<vmem>>, vector<16xf32>,
      %max3A_493 = arith.maximumf %max3A_490, %get3A_492 : vector<16xf32>
      %get3A_494 = arith.constant 1584 : index
      %get3A_495 = tpu.vector_load %arg6[%get3A_494] {strides = array<i32>} : memref<4096xf32, #tpu.memory_space<vmem>>, vector<16xf32>,
      %max3A_496 = arith.maximumf %max3A_493, %get3A_495 : vector<16xf32>
      %eq3A_497 = arith.constant 8 : i32
      %eq3A_498 = vector.broadcast %eq3A_497 : i32 to vector<16xi32>
      %eq3A_499 = arith.cmpi eq, %iota3A, %eq3A_498 : vector<16xi32>
      %reduce_max3A_500 = arith.constant true
      %reduce_max3A_501 = vector.broadcast %reduce_max3A_500 : i1 to vector<16xi1>
      %reduce_max3A_502 = tpu.scan <max>, %max3A_496 masked %reduce_max3A_501 : vector<16xf32>, vector<16xi1> -> vector<16xf32>
      %reduce_max3A_503 = vector.extract %reduce_max3A_502[15] : f32 from vector<16xf32>
      %broadcast_in_dim3A_504 = vector.broadcast %reduce_max3A_503 : f32 to vector<16xf32>
      %select_n3A_505 = arith.select %eq3A_499, %broadcast_in_dim3A_504, %select_n3A_485 : vector<16xi1>, vector<16xf32>
      %get3A_506 = arith.constant 1600 : index
      %get3A_507 = tpu.vector_load %arg6[%get3A_506] {strides = array<i32>} : memref<4096xf32, #tpu.memory_space<vmem>>, vector<16xf32>,
      %get3A_508 = arith.constant 1616 : index
      %get3A_509 = tpu.vector_load %arg6[%get3A_508] {strides = array<i32>} : memref<4096xf32, #tpu.memory_space<vmem>>, vector<16xf32>,
      %max3A_510 = arith.maximumf %get3A_507, %get3A_509 : vector<16xf32>
      %get3A_511 = arith.constant 1632 : index
      %get3A_512 = tpu.vector_load %arg6[%get3A_511] {strides = array<i32>} : memref<4096xf32, #tpu.memory_space<vmem>>, vector<16xf32>,
      %max3A_513 = arith.maximumf %max3A_510, %get3A_512 : vector<16xf32>
      %get3A_514 = arith.constant 1648 : index
      %get3A_515 = tpu.vector_load %arg6[%get3A_514] {strides = array<i32>} : memref<4096xf32, #tpu.memory_space<vmem>>, vector<16xf32>,
      %max3A_516 = arith.maximumf %max3A_513, %get3A_515 : vector<16xf32>
      %eq3A_517 = arith.constant 9 : i32
      %eq3A_518 = vector.broadcast %eq3A_517 : i32 to vector<16xi32>
      %eq3A_519 = arith.cmpi eq, %iota3A, %eq3A_518 : vector<16xi32>
      %reduce_max3A_520 = arith.constant true
      %reduce_max3A_521 = vector.broadcast %reduce_max3A_520 : i1 to vector<16xi1>
      %reduce_max3A_522 = tpu.scan <max>, %max3A_516 masked %reduce_max3A_521 : vector<16xf32>, vector<16xi1> -> vector<16xf32>
      %reduce_max3A_523 = vector.extract %reduce_max3A_522[15] : f32 from vector<16xf32>
      %broadcast_in_dim3A_524 = vector.broadcast %reduce_max3A_523 : f32 to vector<16xf32>
      %select_n3A_525 = arith.select %eq3A_519, %broadcast_in_dim3A_524, %select_n3A_505 : vector<16xi1>, vector<16xf32>
      %get3A_526 = arith.constant 1664 : index
      %get3A_527 = tpu.vector_load %arg6[%get3A_526] {strides = array<i32>} : memref<4096xf32, #tpu.memory_space<vmem>>, vector<16xf32>,
      %get3A_528 = arith.constant 1680 : index
      %get3A_529 = tpu.vector_load %arg6[%get3A_528] {strides = array<i32>} : memref<4096xf32, #tpu.memory_space<vmem>>, vector<16xf32>,
      %max3A_530 = arith.maximumf %get3A_527, %get3A_529 : vector<16xf32>
      %get3A_531 = arith.constant 1696 : index
      %get3A_532 = tpu.vector_load %arg6[%get3A_531] {strides = array<i32>} : memref<4096xf32, #tpu.memory_space<vmem>>, vector<16xf32>,
      %max3A_533 = arith.maximumf %max3A_530, %get3A_532 : vector<16xf32>
      %get3A_534 = arith.constant 1712 : index
      %get3A_535 = tpu.vector_load %arg6[%get3A_534] {strides = array<i32>} : memref<4096xf32, #tpu.memory_space<vmem>>, vector<16xf32>,
      %max3A_536 = arith.maximumf %max3A_533, %get3A_535 : vector<16xf32>
      %eq3A_537 = arith.constant 10 : i32
      %eq3A_538 = vector.broadcast %eq3A_537 : i32 to vector<16xi32>
      %eq3A_539 = arith.cmpi eq, %iota3A, %eq3A_538 : vector<16xi32>
      %reduce_max3A_540 = arith.constant true
      %reduce_max3A_541 = vector.broadcast %reduce_max3A_540 : i1 to vector<16xi1>
      %reduce_max3A_542 = tpu.scan <max>, %max3A_536 masked %reduce_max3A_541 : vector<16xf32>, vector<16xi1> -> vector<16xf32>
      %reduce_max3A_543 = vector.extract %reduce_max3A_542[15] : f32 from vector<16xf32>
      %broadcast_in_dim3A_544 = vector.broadcast %reduce_max3A_543 : f32 to vector<16xf32>
      %select_n3A_545 = arith.select %eq3A_539, %broadcast_in_dim3A_544, %select_n3A_525 : vector<16xi1>, vector<16xf32>
      %get3A_546 = arith.constant 1728 : index
      %get3A_547 = tpu.vector_load %arg6[%get3A_546] {strides = array<i32>} : memref<4096xf32, #tpu.memory_space<vmem>>, vector<16xf32>,
      %get3A_548 = arith.constant 1744 : index
      %get3A_549 = tpu.vector_load %arg6[%get3A_548] {strides = array<i32>} : memref<4096xf32, #tpu.memory_space<vmem>>, vector<16xf32>,
      %max3A_550 = arith.maximumf %get3A_547, %get3A_549 : vector<16xf32>
      %get3A_551 = arith.constant 1760 : index
      %get3A_552 = tpu.vector_load %arg6[%get3A_551] {strides = array<i32>} : memref<4096xf32, #tpu.memory_space<vmem>>, vector<16xf32>,
      %max3A_553 = arith.maximumf %max3A_550, %get3A_552 : vector<16xf32>
      %get3A_554 = arith.constant 1776 : index
      %get3A_555 = tpu.vector_load %arg6[%get3A_554] {strides = array<i32>} : memref<4096xf32, #tpu.memory_space<vmem>>, vector<16xf32>,
      %max3A_556 = arith.maximumf %max3A_553, %get3A_555 : vector<16xf32>
      %eq3A_557 = arith.constant 11 : i32
      %eq3A_558 = vector.broadcast %eq3A_557 : i32 to vector<16xi32>
      %eq3A_559 = arith.cmpi eq, %iota3A, %eq3A_558 : vector<16xi32>
      %reduce_max3A_560 = arith.constant true
      %reduce_max3A_561 = vector.broadcast %reduce_max3A_560 : i1 to vector<16xi1>
      %reduce_max3A_562 = tpu.scan <max>, %max3A_556 masked %reduce_max3A_561 : vector<16xf32>, vector<16xi1> -> vector<16xf32>
      %reduce_max3A_563 = vector.extract %reduce_max3A_562[15] : f32 from vector<16xf32>
      %broadcast_in_dim3A_564 = vector.broadcast %reduce_max3A_563 : f32 to vector<16xf32>
      %select_n3A_565 = arith.select %eq3A_559, %broadcast_in_dim3A_564, %select_n3A_545 : vector<16xi1>, vector<16xf32>
      %get3A_566 = arith.constant 1792 : index
      %get3A_567 = tpu.vector_load %arg6[%get3A_566] {strides = array<i32>} : memref<4096xf32, #tpu.memory_space<vmem>>, vector<16xf32>,
      %get3A_568 = arith.constant 1808 : index
      %get3A_569 = tpu.vector_load %arg6[%get3A_568] {strides = array<i32>} : memref<4096xf32, #tpu.memory_space<vmem>>, vector<16xf32>,
      %max3A_570 = arith.maximumf %get3A_567, %get3A_569 : vector<16xf32>
      %get3A_571 = arith.constant 1824 : index
      %get3A_572 = tpu.vector_load %arg6[%get3A_571] {strides = array<i32>} : memref<4096xf32, #tpu.memory_space<vmem>>, vector<16xf32>,
      %max3A_573 = arith.maximumf %max3A_570, %get3A_572 : vector<16xf32>
      %get3A_574 = arith.constant 1840 : index
      %get3A_575 = tpu.vector_load %arg6[%get3A_574] {strides = array<i32>} : memref<4096xf32, #tpu.memory_space<vmem>>, vector<16xf32>,
      %max3A_576 = arith.maximumf %max3A_573, %get3A_575 : vector<16xf32>
      %eq3A_577 = arith.constant 12 : i32
      %eq3A_578 = vector.broadcast %eq3A_577 : i32 to vector<16xi32>
      %eq3A_579 = arith.cmpi eq, %iota3A, %eq3A_578 : vector<16xi32>
      %reduce_max3A_580 = arith.constant true
      %reduce_max3A_581 = vector.broadcast %reduce_max3A_580 : i1 to vector<16xi1>
      %reduce_max3A_582 = tpu.scan <max>, %max3A_576 masked %reduce_max3A_581 : vector<16xf32>, vector<16xi1> -> vector<16xf32>
      %reduce_max3A_583 = vector.extract %reduce_max3A_582[15] : f32 from vector<16xf32>
      %broadcast_in_dim3A_584 = vector.broadcast %reduce_max3A_583 : f32 to vector<16xf32>
      %select_n3A_585 = arith.select %eq3A_579, %broadcast_in_dim3A_584, %select_n3A_565 : vector<16xi1>, vector<16xf32>
      %get3A_586 = arith.constant 1856 : index
      %get3A_587 = tpu.vector_load %arg6[%get3A_586] {strides = array<i32>} : memref<4096xf32, #tpu.memory_space<vmem>>, vector<16xf32>,
      %get3A_588 = arith.constant 1872 : index
      %get3A_589 = tpu.vector_load %arg6[%get3A_588] {strides = array<i32>} : memref<4096xf32, #tpu.memory_space<vmem>>, vector<16xf32>,
      %max3A_590 = arith.maximumf %get3A_587, %get3A_589 : vector<16xf32>
      %get3A_591 = arith.constant 1888 : index
      %get3A_592 = tpu.vector_load %arg6[%get3A_591] {strides = array<i32>} : memref<4096xf32, #tpu.memory_space<vmem>>, vector<16xf32>,
      %max3A_593 = arith.maximumf %max3A_590, %get3A_592 : vector<16xf32>
      %get3A_594 = arith.constant 1904 : index
      %get3A_595 = tpu.vector_load %arg6[%get3A_594] {strides = array<i32>} : memref<4096xf32, #tpu.memory_space<vmem>>, vector<16xf32>,
      %max3A_596 = arith.maximumf %max3A_593, %get3A_595 : vector<16xf32>
      %eq3A_597 = arith.constant 13 : i32
      %eq3A_598 = vector.broadcast %eq3A_597 : i32 to vector<16xi32>
      %eq3A_599 = arith.cmpi eq, %iota3A, %eq3A_598 : vector<16xi32>
      %reduce_max3A_600 = arith.constant true
      %reduce_max3A_601 = vector.broadcast %reduce_max3A_600 : i1 to vector<16xi1>
      %reduce_max3A_602 = tpu.scan <max>, %max3A_596 masked %reduce_max3A_601 : vector<16xf32>, vector<16xi1> -> vector<16xf32>
      %reduce_max3A_603 = vector.extract %reduce_max3A_602[15] : f32 from vector<16xf32>
      %broadcast_in_dim3A_604 = vector.broadcast %reduce_max3A_603 : f32 to vector<16xf32>
      %select_n3A_605 = arith.select %eq3A_599, %broadcast_in_dim3A_604, %select_n3A_585 : vector<16xi1>, vector<16xf32>
      %get3A_606 = arith.constant 1920 : index
      %get3A_607 = tpu.vector_load %arg6[%get3A_606] {strides = array<i32>} : memref<4096xf32, #tpu.memory_space<vmem>>, vector<16xf32>,
      %get3A_608 = arith.constant 1936 : index
      %get3A_609 = tpu.vector_load %arg6[%get3A_608] {strides = array<i32>} : memref<4096xf32, #tpu.memory_space<vmem>>, vector<16xf32>,
      %max3A_610 = arith.maximumf %get3A_607, %get3A_609 : vector<16xf32>
      %get3A_611 = arith.constant 1952 : index
      %get3A_612 = tpu.vector_load %arg6[%get3A_611] {strides = array<i32>} : memref<4096xf32, #tpu.memory_space<vmem>>, vector<16xf32>,
      %max3A_613 = arith.maximumf %max3A_610, %get3A_612 : vector<16xf32>
      %get3A_614 = arith.constant 1968 : index
      %get3A_615 = tpu.vector_load %arg6[%get3A_614] {strides = array<i32>} : memref<4096xf32, #tpu.memory_space<vmem>>, vector<16xf32>,
      %max3A_616 = arith.maximumf %max3A_613, %get3A_615 : vector<16xf32>
      %eq3A_617 = arith.constant 14 : i32
      %eq3A_618 = vector.broadcast %eq3A_617 : i32 to vector<16xi32>
      %eq3A_619 = arith.cmpi eq, %iota3A, %eq3A_618 : vector<16xi32>
      %reduce_max3A_620 = arith.constant true
      %reduce_max3A_621 = vector.broadcast %reduce_max3A_620 : i1 to vector<16xi1>
      %reduce_max3A_622 = tpu.scan <max>, %max3A_616 masked %reduce_max3A_621 : vector<16xf32>, vector<16xi1> -> vector<16xf32>
      %reduce_max3A_623 = vector.extract %reduce_max3A_622[15] : f32 from vector<16xf32>
      %broadcast_in_dim3A_624 = vector.broadcast %reduce_max3A_623 : f32 to vector<16xf32>
      %select_n3A_625 = arith.select %eq3A_619, %broadcast_in_dim3A_624, %select_n3A_605 : vector<16xi1>, vector<16xf32>
      %get3A_626 = arith.constant 1984 : index
      %get3A_627 = tpu.vector_load %arg6[%get3A_626] {strides = array<i32>} : memref<4096xf32, #tpu.memory_space<vmem>>, vector<16xf32>,
      %get3A_628 = arith.constant 2000 : index
      %get3A_629 = tpu.vector_load %arg6[%get3A_628] {strides = array<i32>} : memref<4096xf32, #tpu.memory_space<vmem>>, vector<16xf32>,
      %max3A_630 = arith.maximumf %get3A_627, %get3A_629 : vector<16xf32>
      %get3A_631 = arith.constant 2016 : index
      %get3A_632 = tpu.vector_load %arg6[%get3A_631] {strides = array<i32>} : memref<4096xf32, #tpu.memory_space<vmem>>, vector<16xf32>,
      %max3A_633 = arith.maximumf %max3A_630, %get3A_632 : vector<16xf32>
      %get3A_634 = arith.constant 2032 : index
      %get3A_635 = tpu.vector_load %arg6[%get3A_634] {strides = array<i32>} : memref<4096xf32, #tpu.memory_space<vmem>>, vector<16xf32>,
      %max3A_636 = arith.maximumf %max3A_633, %get3A_635 : vector<16xf32>
      %eq3A_637 = arith.constant 15 : i32
      %eq3A_638 = vector.broadcast %eq3A_637 : i32 to vector<16xi32>
      %eq3A_639 = arith.cmpi eq, %iota3A, %eq3A_638 : vector<16xi32>
      %reduce_max3A_640 = arith.constant true
      %reduce_max3A_641 = vector.broadcast %reduce_max3A_640 : i1 to vector<16xi1>
      %reduce_max3A_642 = tpu.scan <max>, %max3A_636 masked %reduce_max3A_641 : vector<16xf32>, vector<16xi1> -> vector<16xf32>
      %reduce_max3A_643 = vector.extract %reduce_max3A_642[15] : f32 from vector<16xf32>
      %broadcast_in_dim3A_644 = vector.broadcast %reduce_max3A_643 : f32 to vector<16xf32>
      %select_n3A_645 = arith.select %eq3A_639, %broadcast_in_dim3A_644, %select_n3A_625 : vector<16xi1>, vector<16xf32>
      %broadcast_in_dim3A_646 = arith.constant -3.000000e+38 : f32
      %broadcast_in_dim3A_647 = vector.broadcast %broadcast_in_dim3A_646 : f32 to vector<16xf32>
      %get3A_648 = arith.constant 2048 : index
      %get3A_649 = tpu.vector_load %arg6[%get3A_648] {strides = array<i32>} : memref<4096xf32, #tpu.memory_space<vmem>>, vector<16xf32>,
      %get3A_650 = arith.constant 2064 : index
      %get3A_651 = tpu.vector_load %arg6[%get3A_650] {strides = array<i32>} : memref<4096xf32, #tpu.memory_space<vmem>>, vector<16xf32>,
      %max3A_652 = arith.maximumf %get3A_649, %get3A_651 : vector<16xf32>
      %get3A_653 = arith.constant 2080 : index
      %get3A_654 = tpu.vector_load %arg6[%get3A_653] {strides = array<i32>} : memref<4096xf32, #tpu.memory_space<vmem>>, vector<16xf32>,
      %max3A_655 = arith.maximumf %max3A_652, %get3A_654 : vector<16xf32>
      %get3A_656 = arith.constant 2096 : index
      %get3A_657 = tpu.vector_load %arg6[%get3A_656] {strides = array<i32>} : memref<4096xf32, #tpu.memory_space<vmem>>, vector<16xf32>,
      %max3A_658 = arith.maximumf %max3A_655, %get3A_657 : vector<16xf32>
      %eq3A_659 = arith.constant 0 : i32
      %eq3A_660 = vector.broadcast %eq3A_659 : i32 to vector<16xi32>
      %eq3A_661 = arith.cmpi eq, %iota3A, %eq3A_660 : vector<16xi32>
      %reduce_max3A_662 = arith.constant true
      %reduce_max3A_663 = vector.broadcast %reduce_max3A_662 : i1 to vector<16xi1>
      %reduce_max3A_664 = tpu.scan <max>, %max3A_658 masked %reduce_max3A_663 : vector<16xf32>, vector<16xi1> -> vector<16xf32>
      %reduce_max3A_665 = vector.extract %reduce_max3A_664[15] : f32 from vector<16xf32>
      %broadcast_in_dim3A_666 = vector.broadcast %reduce_max3A_665 : f32 to vector<16xf32>
      %select_n3A_667 = arith.select %eq3A_661, %broadcast_in_dim3A_666, %broadcast_in_dim3A_647 : vector<16xi1>, vector<16xf32>
      %get3A_668 = arith.constant 2112 : index
      %get3A_669 = tpu.vector_load %arg6[%get3A_668] {strides = array<i32>} : memref<4096xf32, #tpu.memory_space<vmem>>, vector<16xf32>,
      %get3A_670 = arith.constant 2128 : index
      %get3A_671 = tpu.vector_load %arg6[%get3A_670] {strides = array<i32>} : memref<4096xf32, #tpu.memory_space<vmem>>, vector<16xf32>,
      %max3A_672 = arith.maximumf %get3A_669, %get3A_671 : vector<16xf32>
      %get3A_673 = arith.constant 2144 : index
      %get3A_674 = tpu.vector_load %arg6[%get3A_673] {strides = array<i32>} : memref<4096xf32, #tpu.memory_space<vmem>>, vector<16xf32>,
      %max3A_675 = arith.maximumf %max3A_672, %get3A_674 : vector<16xf32>
      %get3A_676 = arith.constant 2160 : index
      %get3A_677 = tpu.vector_load %arg6[%get3A_676] {strides = array<i32>} : memref<4096xf32, #tpu.memory_space<vmem>>, vector<16xf32>,
      %max3A_678 = arith.maximumf %max3A_675, %get3A_677 : vector<16xf32>
      %eq3A_679 = arith.constant 1 : i32
      %eq3A_680 = vector.broadcast %eq3A_679 : i32 to vector<16xi32>
      %eq3A_681 = arith.cmpi eq, %iota3A, %eq3A_680 : vector<16xi32>
      %reduce_max3A_682 = arith.constant true
      %reduce_max3A_683 = vector.broadcast %reduce_max3A_682 : i1 to vector<16xi1>
      %reduce_max3A_684 = tpu.scan <max>, %max3A_678 masked %reduce_max3A_683 : vector<16xf32>, vector<16xi1> -> vector<16xf32>
      %reduce_max3A_685 = vector.extract %reduce_max3A_684[15] : f32 from vector<16xf32>
      %broadcast_in_dim3A_686 = vector.broadcast %reduce_max3A_685 : f32 to vector<16xf32>
      %select_n3A_687 = arith.select %eq3A_681, %broadcast_in_dim3A_686, %select_n3A_667 : vector<16xi1>, vector<16xf32>
      %get3A_688 = arith.constant 2176 : index
      %get3A_689 = tpu.vector_load %arg6[%get3A_688] {strides = array<i32>} : memref<4096xf32, #tpu.memory_space<vmem>>, vector<16xf32>,
      %get3A_690 = arith.constant 2192 : index
      %get3A_691 = tpu.vector_load %arg6[%get3A_690] {strides = array<i32>} : memref<4096xf32, #tpu.memory_space<vmem>>, vector<16xf32>,
      %max3A_692 = arith.maximumf %get3A_689, %get3A_691 : vector<16xf32>
      %get3A_693 = arith.constant 2208 : index
      %get3A_694 = tpu.vector_load %arg6[%get3A_693] {strides = array<i32>} : memref<4096xf32, #tpu.memory_space<vmem>>, vector<16xf32>,
      %max3A_695 = arith.maximumf %max3A_692, %get3A_694 : vector<16xf32>
      %get3A_696 = arith.constant 2224 : index
      %get3A_697 = tpu.vector_load %arg6[%get3A_696] {strides = array<i32>} : memref<4096xf32, #tpu.memory_space<vmem>>, vector<16xf32>,
      %max3A_698 = arith.maximumf %max3A_695, %get3A_697 : vector<16xf32>
      %eq3A_699 = arith.constant 2 : i32
      %eq3A_700 = vector.broadcast %eq3A_699 : i32 to vector<16xi32>
      %eq3A_701 = arith.cmpi eq, %iota3A, %eq3A_700 : vector<16xi32>
      %reduce_max3A_702 = arith.constant true
      %reduce_max3A_703 = vector.broadcast %reduce_max3A_702 : i1 to vector<16xi1>
      %reduce_max3A_704 = tpu.scan <max>, %max3A_698 masked %reduce_max3A_703 : vector<16xf32>, vector<16xi1> -> vector<16xf32>
      %reduce_max3A_705 = vector.extract %reduce_max3A_704[15] : f32 from vector<16xf32>
      %broadcast_in_dim3A_706 = vector.broadcast %reduce_max3A_705 : f32 to vector<16xf32>
      %select_n3A_707 = arith.select %eq3A_701, %broadcast_in_dim3A_706, %select_n3A_687 : vector<16xi1>, vector<16xf32>
      %get3A_708 = arith.constant 2240 : index
      %get3A_709 = tpu.vector_load %arg6[%get3A_708] {strides = array<i32>} : memref<4096xf32, #tpu.memory_space<vmem>>, vector<16xf32>,
      %get3A_710 = arith.constant 2256 : index
      %get3A_711 = tpu.vector_load %arg6[%get3A_710] {strides = array<i32>} : memref<4096xf32, #tpu.memory_space<vmem>>, vector<16xf32>,
      %max3A_712 = arith.maximumf %get3A_709, %get3A_711 : vector<16xf32>
      %get3A_713 = arith.constant 2272 : index
      %get3A_714 = tpu.vector_load %arg6[%get3A_713] {strides = array<i32>} : memref<4096xf32, #tpu.memory_space<vmem>>, vector<16xf32>,
      %max3A_715 = arith.maximumf %max3A_712, %get3A_714 : vector<16xf32>
      %get3A_716 = arith.constant 2288 : index
      %get3A_717 = tpu.vector_load %arg6[%get3A_716] {strides = array<i32>} : memref<4096xf32, #tpu.memory_space<vmem>>, vector<16xf32>,
      %max3A_718 = arith.maximumf %max3A_715, %get3A_717 : vector<16xf32>
      %eq3A_719 = arith.constant 3 : i32
      %eq3A_720 = vector.broadcast %eq3A_719 : i32 to vector<16xi32>
      %eq3A_721 = arith.cmpi eq, %iota3A, %eq3A_720 : vector<16xi32>
      %reduce_max3A_722 = arith.constant true
      %reduce_max3A_723 = vector.broadcast %reduce_max3A_722 : i1 to vector<16xi1>
      %reduce_max3A_724 = tpu.scan <max>, %max3A_718 masked %reduce_max3A_723 : vector<16xf32>, vector<16xi1> -> vector<16xf32>
      %reduce_max3A_725 = vector.extract %reduce_max3A_724[15] : f32 from vector<16xf32>
      %broadcast_in_dim3A_726 = vector.broadcast %reduce_max3A_725 : f32 to vector<16xf32>
      %select_n3A_727 = arith.select %eq3A_721, %broadcast_in_dim3A_726, %select_n3A_707 : vector<16xi1>, vector<16xf32>
      %get3A_728 = arith.constant 2304 : index
      %get3A_729 = tpu.vector_load %arg6[%get3A_728] {strides = array<i32>} : memref<4096xf32, #tpu.memory_space<vmem>>, vector<16xf32>,
      %get3A_730 = arith.constant 2320 : index
      %get3A_731 = tpu.vector_load %arg6[%get3A_730] {strides = array<i32>} : memref<4096xf32, #tpu.memory_space<vmem>>, vector<16xf32>,
      %max3A_732 = arith.maximumf %get3A_729, %get3A_731 : vector<16xf32>
      %get3A_733 = arith.constant 2336 : index
      %get3A_734 = tpu.vector_load %arg6[%get3A_733] {strides = array<i32>} : memref<4096xf32, #tpu.memory_space<vmem>>, vector<16xf32>,
      %max3A_735 = arith.maximumf %max3A_732, %get3A_734 : vector<16xf32>
      %get3A_736 = arith.constant 2352 : index
      %get3A_737 = tpu.vector_load %arg6[%get3A_736] {strides = array<i32>} : memref<4096xf32, #tpu.memory_space<vmem>>, vector<16xf32>,
      %max3A_738 = arith.maximumf %max3A_735, %get3A_737 : vector<16xf32>
      %eq3A_739 = arith.constant 4 : i32
      %eq3A_740 = vector.broadcast %eq3A_739 : i32 to vector<16xi32>
      %eq3A_741 = arith.cmpi eq, %iota3A, %eq3A_740 : vector<16xi32>
      %reduce_max3A_742 = arith.constant true
      %reduce_max3A_743 = vector.broadcast %reduce_max3A_742 : i1 to vector<16xi1>
      %reduce_max3A_744 = tpu.scan <max>, %max3A_738 masked %reduce_max3A_743 : vector<16xf32>, vector<16xi1> -> vector<16xf32>
      %reduce_max3A_745 = vector.extract %reduce_max3A_744[15] : f32 from vector<16xf32>
      %broadcast_in_dim3A_746 = vector.broadcast %reduce_max3A_745 : f32 to vector<16xf32>
      %select_n3A_747 = arith.select %eq3A_741, %broadcast_in_dim3A_746, %select_n3A_727 : vector<16xi1>, vector<16xf32>
      %get3A_748 = arith.constant 2368 : index
      %get3A_749 = tpu.vector_load %arg6[%get3A_748] {strides = array<i32>} : memref<4096xf32, #tpu.memory_space<vmem>>, vector<16xf32>,
      %get3A_750 = arith.constant 2384 : index
      %get3A_751 = tpu.vector_load %arg6[%get3A_750] {strides = array<i32>} : memref<4096xf32, #tpu.memory_space<vmem>>, vector<16xf32>,
      %max3A_752 = arith.maximumf %get3A_749, %get3A_751 : vector<16xf32>
      %get3A_753 = arith.constant 2400 : index
      %get3A_754 = tpu.vector_load %arg6[%get3A_753] {strides = array<i32>} : memref<4096xf32, #tpu.memory_space<vmem>>, vector<16xf32>,
      %max3A_755 = arith.maximumf %max3A_752, %get3A_754 : vector<16xf32>
      %get3A_756 = arith.constant 2416 : index
      %get3A_757 = tpu.vector_load %arg6[%get3A_756] {strides = array<i32>} : memref<4096xf32, #tpu.memory_space<vmem>>, vector<16xf32>,
      %max3A_758 = arith.maximumf %max3A_755, %get3A_757 : vector<16xf32>
      %eq3A_759 = arith.constant 5 : i32
      %eq3A_760 = vector.broadcast %eq3A_759 : i32 to vector<16xi32>
      %eq3A_761 = arith.cmpi eq, %iota3A, %eq3A_760 : vector<16xi32>
      %reduce_max3A_762 = arith.constant true
      %reduce_max3A_763 = vector.broadcast %reduce_max3A_762 : i1 to vector<16xi1>
      %reduce_max3A_764 = tpu.scan <max>, %max3A_758 masked %reduce_max3A_763 : vector<16xf32>, vector<16xi1> -> vector<16xf32>
      %reduce_max3A_765 = vector.extract %reduce_max3A_764[15] : f32 from vector<16xf32>
      %broadcast_in_dim3A_766 = vector.broadcast %reduce_max3A_765 : f32 to vector<16xf32>
      %select_n3A_767 = arith.select %eq3A_761, %broadcast_in_dim3A_766, %select_n3A_747 : vector<16xi1>, vector<16xf32>
      %get3A_768 = arith.constant 2432 : index
      %get3A_769 = tpu.vector_load %arg6[%get3A_768] {strides = array<i32>} : memref<4096xf32, #tpu.memory_space<vmem>>, vector<16xf32>,
      %get3A_770 = arith.constant 2448 : index
      %get3A_771 = tpu.vector_load %arg6[%get3A_770] {strides = array<i32>} : memref<4096xf32, #tpu.memory_space<vmem>>, vector<16xf32>,
      %max3A_772 = arith.maximumf %get3A_769, %get3A_771 : vector<16xf32>
      %get3A_773 = arith.constant 2464 : index
      %get3A_774 = tpu.vector_load %arg6[%get3A_773] {strides = array<i32>} : memref<4096xf32, #tpu.memory_space<vmem>>, vector<16xf32>,
      %max3A_775 = arith.maximumf %max3A_772, %get3A_774 : vector<16xf32>
      %get3A_776 = arith.constant 2480 : index
      %get3A_777 = tpu.vector_load %arg6[%get3A_776] {strides = array<i32>} : memref<4096xf32, #tpu.memory_space<vmem>>, vector<16xf32>,
      %max3A_778 = arith.maximumf %max3A_775, %get3A_777 : vector<16xf32>
      %eq3A_779 = arith.constant 6 : i32
      %eq3A_780 = vector.broadcast %eq3A_779 : i32 to vector<16xi32>
      %eq3A_781 = arith.cmpi eq, %iota3A, %eq3A_780 : vector<16xi32>
      %reduce_max3A_782 = arith.constant true
      %reduce_max3A_783 = vector.broadcast %reduce_max3A_782 : i1 to vector<16xi1>
      %reduce_max3A_784 = tpu.scan <max>, %max3A_778 masked %reduce_max3A_783 : vector<16xf32>, vector<16xi1> -> vector<16xf32>
      %reduce_max3A_785 = vector.extract %reduce_max3A_784[15] : f32 from vector<16xf32>
      %broadcast_in_dim3A_786 = vector.broadcast %reduce_max3A_785 : f32 to vector<16xf32>
      %select_n3A_787 = arith.select %eq3A_781, %broadcast_in_dim3A_786, %select_n3A_767 : vector<16xi1>, vector<16xf32>
      %get3A_788 = arith.constant 2496 : index
      %get3A_789 = tpu.vector_load %arg6[%get3A_788] {strides = array<i32>} : memref<4096xf32, #tpu.memory_space<vmem>>, vector<16xf32>,
      %get3A_790 = arith.constant 2512 : index
      %get3A_791 = tpu.vector_load %arg6[%get3A_790] {strides = array<i32>} : memref<4096xf32, #tpu.memory_space<vmem>>, vector<16xf32>,
      %max3A_792 = arith.maximumf %get3A_789, %get3A_791 : vector<16xf32>
      %get3A_793 = arith.constant 2528 : index
      %get3A_794 = tpu.vector_load %arg6[%get3A_793] {strides = array<i32>} : memref<4096xf32, #tpu.memory_space<vmem>>, vector<16xf32>,
      %max3A_795 = arith.maximumf %max3A_792, %get3A_794 : vector<16xf32>
      %get3A_796 = arith.constant 2544 : index
      %get3A_797 = tpu.vector_load %arg6[%get3A_796] {strides = array<i32>} : memref<4096xf32, #tpu.memory_space<vmem>>, vector<16xf32>,
      %max3A_798 = arith.maximumf %max3A_795, %get3A_797 : vector<16xf32>
      %eq3A_799 = arith.constant 7 : i32
      %eq3A_800 = vector.broadcast %eq3A_799 : i32 to vector<16xi32>
      %eq3A_801 = arith.cmpi eq, %iota3A, %eq3A_800 : vector<16xi32>
      %reduce_max3A_802 = arith.constant true
      %reduce_max3A_803 = vector.broadcast %reduce_max3A_802 : i1 to vector<16xi1>
      %reduce_max3A_804 = tpu.scan <max>, %max3A_798 masked %reduce_max3A_803 : vector<16xf32>, vector<16xi1> -> vector<16xf32>
      %reduce_max3A_805 = vector.extract %reduce_max3A_804[15] : f32 from vector<16xf32>
      %broadcast_in_dim3A_806 = vector.broadcast %reduce_max3A_805 : f32 to vector<16xf32>
      %select_n3A_807 = arith.select %eq3A_801, %broadcast_in_dim3A_806, %select_n3A_787 : vector<16xi1>, vector<16xf32>
      %get3A_808 = arith.constant 2560 : index
      %get3A_809 = tpu.vector_load %arg6[%get3A_808] {strides = array<i32>} : memref<4096xf32, #tpu.memory_space<vmem>>, vector<16xf32>,
      %get3A_810 = arith.constant 2576 : index
      %get3A_811 = tpu.vector_load %arg6[%get3A_810] {strides = array<i32>} : memref<4096xf32, #tpu.memory_space<vmem>>, vector<16xf32>,
      %max3A_812 = arith.maximumf %get3A_809, %get3A_811 : vector<16xf32>
      %get3A_813 = arith.constant 2592 : index
      %get3A_814 = tpu.vector_load %arg6[%get3A_813] {strides = array<i32>} : memref<4096xf32, #tpu.memory_space<vmem>>, vector<16xf32>,
      %max3A_815 = arith.maximumf %max3A_812, %get3A_814 : vector<16xf32>
      %get3A_816 = arith.constant 2608 : index
      %get3A_817 = tpu.vector_load %arg6[%get3A_816] {strides = array<i32>} : memref<4096xf32, #tpu.memory_space<vmem>>, vector<16xf32>,
      %max3A_818 = arith.maximumf %max3A_815, %get3A_817 : vector<16xf32>
      %eq3A_819 = arith.constant 8 : i32
      %eq3A_820 = vector.broadcast %eq3A_819 : i32 to vector<16xi32>
      %eq3A_821 = arith.cmpi eq, %iota3A, %eq3A_820 : vector<16xi32>
      %reduce_max3A_822 = arith.constant true
      %reduce_max3A_823 = vector.broadcast %reduce_max3A_822 : i1 to vector<16xi1>
      %reduce_max3A_824 = tpu.scan <max>, %max3A_818 masked %reduce_max3A_823 : vector<16xf32>, vector<16xi1> -> vector<16xf32>
      %reduce_max3A_825 = vector.extract %reduce_max3A_824[15] : f32 from vector<16xf32>
      %broadcast_in_dim3A_826 = vector.broadcast %reduce_max3A_825 : f32 to vector<16xf32>
      %select_n3A_827 = arith.select %eq3A_821, %broadcast_in_dim3A_826, %select_n3A_807 : vector<16xi1>, vector<16xf32>
      %get3A_828 = arith.constant 2624 : index
      %get3A_829 = tpu.vector_load %arg6[%get3A_828] {strides = array<i32>} : memref<4096xf32, #tpu.memory_space<vmem>>, vector<16xf32>,
      %get3A_830 = arith.constant 2640 : index
      %get3A_831 = tpu.vector_load %arg6[%get3A_830] {strides = array<i32>} : memref<4096xf32, #tpu.memory_space<vmem>>, vector<16xf32>,
      %max3A_832 = arith.maximumf %get3A_829, %get3A_831 : vector<16xf32>
      %get3A_833 = arith.constant 2656 : index
      %get3A_834 = tpu.vector_load %arg6[%get3A_833] {strides = array<i32>} : memref<4096xf32, #tpu.memory_space<vmem>>, vector<16xf32>,
      %max3A_835 = arith.maximumf %max3A_832, %get3A_834 : vector<16xf32>
      %get3A_836 = arith.constant 2672 : index
      %get3A_837 = tpu.vector_load %arg6[%get3A_836] {strides = array<i32>} : memref<4096xf32, #tpu.memory_space<vmem>>, vector<16xf32>,
      %max3A_838 = arith.maximumf %max3A_835, %get3A_837 : vector<16xf32>
      %eq3A_839 = arith.constant 9 : i32
      %eq3A_840 = vector.broadcast %eq3A_839 : i32 to vector<16xi32>
      %eq3A_841 = arith.cmpi eq, %iota3A, %eq3A_840 : vector<16xi32>
      %reduce_max3A_842 = arith.constant true
      %reduce_max3A_843 = vector.broadcast %reduce_max3A_842 : i1 to vector<16xi1>
      %reduce_max3A_844 = tpu.scan <max>, %max3A_838 masked %reduce_max3A_843 : vector<16xf32>, vector<16xi1> -> vector<16xf32>
      %reduce_max3A_845 = vector.extract %reduce_max3A_844[15] : f32 from vector<16xf32>
      %broadcast_in_dim3A_846 = vector.broadcast %reduce_max3A_845 : f32 to vector<16xf32>
      %select_n3A_847 = arith.select %eq3A_841, %broadcast_in_dim3A_846, %select_n3A_827 : vector<16xi1>, vector<16xf32>
      %get3A_848 = arith.constant 2688 : index
      %get3A_849 = tpu.vector_load %arg6[%get3A_848] {strides = array<i32>} : memref<4096xf32, #tpu.memory_space<vmem>>, vector<16xf32>,
      %get3A_850 = arith.constant 2704 : index
      %get3A_851 = tpu.vector_load %arg6[%get3A_850] {strides = array<i32>} : memref<4096xf32, #tpu.memory_space<vmem>>, vector<16xf32>,
      %max3A_852 = arith.maximumf %get3A_849, %get3A_851 : vector<16xf32>
      %get3A_853 = arith.constant 2720 : index
      %get3A_854 = tpu.vector_load %arg6[%get3A_853] {strides = array<i32>} : memref<4096xf32, #tpu.memory_space<vmem>>, vector<16xf32>,
      %max3A_855 = arith.maximumf %max3A_852, %get3A_854 : vector<16xf32>
      %get3A_856 = arith.constant 2736 : index
      %get3A_857 = tpu.vector_load %arg6[%get3A_856] {strides = array<i32>} : memref<4096xf32, #tpu.memory_space<vmem>>, vector<16xf32>,
      %max3A_858 = arith.maximumf %max3A_855, %get3A_857 : vector<16xf32>
      %eq3A_859 = arith.constant 10 : i32
      %eq3A_860 = vector.broadcast %eq3A_859 : i32 to vector<16xi32>
      %eq3A_861 = arith.cmpi eq, %iota3A, %eq3A_860 : vector<16xi32>
      %reduce_max3A_862 = arith.constant true
      %reduce_max3A_863 = vector.broadcast %reduce_max3A_862 : i1 to vector<16xi1>
      %reduce_max3A_864 = tpu.scan <max>, %max3A_858 masked %reduce_max3A_863 : vector<16xf32>, vector<16xi1> -> vector<16xf32>
      %reduce_max3A_865 = vector.extract %reduce_max3A_864[15] : f32 from vector<16xf32>
      %broadcast_in_dim3A_866 = vector.broadcast %reduce_max3A_865 : f32 to vector<16xf32>
      %select_n3A_867 = arith.select %eq3A_861, %broadcast_in_dim3A_866, %select_n3A_847 : vector<16xi1>, vector<16xf32>
      %get3A_868 = arith.constant 2752 : index
      %get3A_869 = tpu.vector_load %arg6[%get3A_868] {strides = array<i32>} : memref<4096xf32, #tpu.memory_space<vmem>>, vector<16xf32>,
      %get3A_870 = arith.constant 2768 : index
      %get3A_871 = tpu.vector_load %arg6[%get3A_870] {strides = array<i32>} : memref<4096xf32, #tpu.memory_space<vmem>>, vector<16xf32>,
      %max3A_872 = arith.maximumf %get3A_869, %get3A_871 : vector<16xf32>
      %get3A_873 = arith.constant 2784 : index
      %get3A_874 = tpu.vector_load %arg6[%get3A_873] {strides = array<i32>} : memref<4096xf32, #tpu.memory_space<vmem>>, vector<16xf32>,
      %max3A_875 = arith.maximumf %max3A_872, %get3A_874 : vector<16xf32>
      %get3A_876 = arith.constant 2800 : index
      %get3A_877 = tpu.vector_load %arg6[%get3A_876] {strides = array<i32>} : memref<4096xf32, #tpu.memory_space<vmem>>, vector<16xf32>,
      %max3A_878 = arith.maximumf %max3A_875, %get3A_877 : vector<16xf32>
      %eq3A_879 = arith.constant 11 : i32
      %eq3A_880 = vector.broadcast %eq3A_879 : i32 to vector<16xi32>
      %eq3A_881 = arith.cmpi eq, %iota3A, %eq3A_880 : vector<16xi32>
      %reduce_max3A_882 = arith.constant true
      %reduce_max3A_883 = vector.broadcast %reduce_max3A_882 : i1 to vector<16xi1>
      %reduce_max3A_884 = tpu.scan <max>, %max3A_878 masked %reduce_max3A_883 : vector<16xf32>, vector<16xi1> -> vector<16xf32>
      %reduce_max3A_885 = vector.extract %reduce_max3A_884[15] : f32 from vector<16xf32>
      %broadcast_in_dim3A_886 = vector.broadcast %reduce_max3A_885 : f32 to vector<16xf32>
      %select_n3A_887 = arith.select %eq3A_881, %broadcast_in_dim3A_886, %select_n3A_867 : vector<16xi1>, vector<16xf32>
      %get3A_888 = arith.constant 2816 : index
      %get3A_889 = tpu.vector_load %arg6[%get3A_888] {strides = array<i32>} : memref<4096xf32, #tpu.memory_space<vmem>>, vector<16xf32>,
      %get3A_890 = arith.constant 2832 : index
      %get3A_891 = tpu.vector_load %arg6[%get3A_890] {strides = array<i32>} : memref<4096xf32, #tpu.memory_space<vmem>>, vector<16xf32>,
      %max3A_892 = arith.maximumf %get3A_889, %get3A_891 : vector<16xf32>
      %get3A_893 = arith.constant 2848 : index
      %get3A_894 = tpu.vector_load %arg6[%get3A_893] {strides = array<i32>} : memref<4096xf32, #tpu.memory_space<vmem>>, vector<16xf32>,
      %max3A_895 = arith.maximumf %max3A_892, %get3A_894 : vector<16xf32>
      %get3A_896 = arith.constant 2864 : index
      %get3A_897 = tpu.vector_load %arg6[%get3A_896] {strides = array<i32>} : memref<4096xf32, #tpu.memory_space<vmem>>, vector<16xf32>,
      %max3A_898 = arith.maximumf %max3A_895, %get3A_897 : vector<16xf32>
      %eq3A_899 = arith.constant 12 : i32
      %eq3A_900 = vector.broadcast %eq3A_899 : i32 to vector<16xi32>
      %eq3A_901 = arith.cmpi eq, %iota3A, %eq3A_900 : vector<16xi32>
      %reduce_max3A_902 = arith.constant true
      %reduce_max3A_903 = vector.broadcast %reduce_max3A_902 : i1 to vector<16xi1>
      %reduce_max3A_904 = tpu.scan <max>, %max3A_898 masked %reduce_max3A_903 : vector<16xf32>, vector<16xi1> -> vector<16xf32>
      %reduce_max3A_905 = vector.extract %reduce_max3A_904[15] : f32 from vector<16xf32>
      %broadcast_in_dim3A_906 = vector.broadcast %reduce_max3A_905 : f32 to vector<16xf32>
      %select_n3A_907 = arith.select %eq3A_901, %broadcast_in_dim3A_906, %select_n3A_887 : vector<16xi1>, vector<16xf32>
      %get3A_908 = arith.constant 2880 : index
      %get3A_909 = tpu.vector_load %arg6[%get3A_908] {strides = array<i32>} : memref<4096xf32, #tpu.memory_space<vmem>>, vector<16xf32>,
      %get3A_910 = arith.constant 2896 : index
      %get3A_911 = tpu.vector_load %arg6[%get3A_910] {strides = array<i32>} : memref<4096xf32, #tpu.memory_space<vmem>>, vector<16xf32>,
      %max3A_912 = arith.maximumf %get3A_909, %get3A_911 : vector<16xf32>
      %get3A_913 = arith.constant 2912 : index
      %get3A_914 = tpu.vector_load %arg6[%get3A_913] {strides = array<i32>} : memref<4096xf32, #tpu.memory_space<vmem>>, vector<16xf32>,
      %max3A_915 = arith.maximumf %max3A_912, %get3A_914 : vector<16xf32>
      %get3A_916 = arith.constant 2928 : index
      %get3A_917 = tpu.vector_load %arg6[%get3A_916] {strides = array<i32>} : memref<4096xf32, #tpu.memory_space<vmem>>, vector<16xf32>,
      %max3A_918 = arith.maximumf %max3A_915, %get3A_917 : vector<16xf32>
      %eq3A_919 = arith.constant 13 : i32
      %eq3A_920 = vector.broadcast %eq3A_919 : i32 to vector<16xi32>
      %eq3A_921 = arith.cmpi eq, %iota3A, %eq3A_920 : vector<16xi32>
      %reduce_max3A_922 = arith.constant true
      %reduce_max3A_923 = vector.broadcast %reduce_max3A_922 : i1 to vector<16xi1>
      %reduce_max3A_924 = tpu.scan <max>, %max3A_918 masked %reduce_max3A_923 : vector<16xf32>, vector<16xi1> -> vector<16xf32>
      %reduce_max3A_925 = vector.extract %reduce_max3A_924[15] : f32 from vector<16xf32>
      %broadcast_in_dim3A_926 = vector.broadcast %reduce_max3A_925 : f32 to vector<16xf32>
      %select_n3A_927 = arith.select %eq3A_921, %broadcast_in_dim3A_926, %select_n3A_907 : vector<16xi1>, vector<16xf32>
      %get3A_928 = arith.constant 2944 : index
      %get3A_929 = tpu.vector_load %arg6[%get3A_928] {strides = array<i32>} : memref<4096xf32, #tpu.memory_space<vmem>>, vector<16xf32>,
      %get3A_930 = arith.constant 2960 : index
      %get3A_931 = tpu.vector_load %arg6[%get3A_930] {strides = array<i32>} : memref<4096xf32, #tpu.memory_space<vmem>>, vector<16xf32>,
      %max3A_932 = arith.maximumf %get3A_929, %get3A_931 : vector<16xf32>
      %get3A_933 = arith.constant 2976 : index
      %get3A_934 = tpu.vector_load %arg6[%get3A_933] {strides = array<i32>} : memref<4096xf32, #tpu.memory_space<vmem>>, vector<16xf32>,
      %max3A_935 = arith.maximumf %max3A_932, %get3A_934 : vector<16xf32>
      %get3A_936 = arith.constant 2992 : index
      %get3A_937 = tpu.vector_load %arg6[%get3A_936] {strides = array<i32>} : memref<4096xf32, #tpu.memory_space<vmem>>, vector<16xf32>,
      %max3A_938 = arith.maximumf %max3A_935, %get3A_937 : vector<16xf32>
      %eq3A_939 = arith.constant 14 : i32
      %eq3A_940 = vector.broadcast %eq3A_939 : i32 to vector<16xi32>
      %eq3A_941 = arith.cmpi eq, %iota3A, %eq3A_940 : vector<16xi32>
      %reduce_max3A_942 = arith.constant true
      %reduce_max3A_943 = vector.broadcast %reduce_max3A_942 : i1 to vector<16xi1>
      %reduce_max3A_944 = tpu.scan <max>, %max3A_938 masked %reduce_max3A_943 : vector<16xf32>, vector<16xi1> -> vector<16xf32>
      %reduce_max3A_945 = vector.extract %reduce_max3A_944[15] : f32 from vector<16xf32>
      %broadcast_in_dim3A_946 = vector.broadcast %reduce_max3A_945 : f32 to vector<16xf32>
      %select_n3A_947 = arith.select %eq3A_941, %broadcast_in_dim3A_946, %select_n3A_927 : vector<16xi1>, vector<16xf32>
      %get3A_948 = arith.constant 3008 : index
      %get3A_949 = tpu.vector_load %arg6[%get3A_948] {strides = array<i32>} : memref<4096xf32, #tpu.memory_space<vmem>>, vector<16xf32>,
      %get3A_950 = arith.constant 3024 : index
      %get3A_951 = tpu.vector_load %arg6[%get3A_950] {strides = array<i32>} : memref<4096xf32, #tpu.memory_space<vmem>>, vector<16xf32>,
      %max3A_952 = arith.maximumf %get3A_949, %get3A_951 : vector<16xf32>
      %get3A_953 = arith.constant 3040 : index
      %get3A_954 = tpu.vector_load %arg6[%get3A_953] {strides = array<i32>} : memref<4096xf32, #tpu.memory_space<vmem>>, vector<16xf32>,
      %max3A_955 = arith.maximumf %max3A_952, %get3A_954 : vector<16xf32>
      %get3A_956 = arith.constant 3056 : index
      %get3A_957 = tpu.vector_load %arg6[%get3A_956] {strides = array<i32>} : memref<4096xf32, #tpu.memory_space<vmem>>, vector<16xf32>,
      %max3A_958 = arith.maximumf %max3A_955, %get3A_957 : vector<16xf32>
      %eq3A_959 = arith.constant 15 : i32
      %eq3A_960 = vector.broadcast %eq3A_959 : i32 to vector<16xi32>
      %eq3A_961 = arith.cmpi eq, %iota3A, %eq3A_960 : vector<16xi32>
      %reduce_max3A_962 = arith.constant true
      %reduce_max3A_963 = vector.broadcast %reduce_max3A_962 : i1 to vector<16xi1>
      %reduce_max3A_964 = tpu.scan <max>, %max3A_958 masked %reduce_max3A_963 : vector<16xf32>, vector<16xi1> -> vector<16xf32>
      %reduce_max3A_965 = vector.extract %reduce_max3A_964[15] : f32 from vector<16xf32>
      %broadcast_in_dim3A_966 = vector.broadcast %reduce_max3A_965 : f32 to vector<16xf32>
      %select_n3A_967 = arith.select %eq3A_961, %broadcast_in_dim3A_966, %select_n3A_947 : vector<16xi1>, vector<16xf32>
      %broadcast_in_dim3A_968 = arith.constant -3.000000e+38 : f32
      %broadcast_in_dim3A_969 = vector.broadcast %broadcast_in_dim3A_968 : f32 to vector<16xf32>
      %get3A_970 = arith.constant 3072 : index
      %get3A_971 = tpu.vector_load %arg6[%get3A_970] {strides = array<i32>} : memref<4096xf32, #tpu.memory_space<vmem>>, vector<16xf32>,
      %get3A_972 = arith.constant 3088 : index
      %get3A_973 = tpu.vector_load %arg6[%get3A_972] {strides = array<i32>} : memref<4096xf32, #tpu.memory_space<vmem>>, vector<16xf32>,
      %max3A_974 = arith.maximumf %get3A_971, %get3A_973 : vector<16xf32>
      %get3A_975 = arith.constant 3104 : index
      %get3A_976 = tpu.vector_load %arg6[%get3A_975] {strides = array<i32>} : memref<4096xf32, #tpu.memory_space<vmem>>, vector<16xf32>,
      %max3A_977 = arith.maximumf %max3A_974, %get3A_976 : vector<16xf32>
      %get3A_978 = arith.constant 3120 : index
      %get3A_979 = tpu.vector_load %arg6[%get3A_978] {strides = array<i32>} : memref<4096xf32, #tpu.memory_space<vmem>>, vector<16xf32>,
      %max3A_980 = arith.maximumf %max3A_977, %get3A_979 : vector<16xf32>
      %eq3A_981 = arith.constant 0 : i32
      %eq3A_982 = vector.broadcast %eq3A_981 : i32 to vector<16xi32>
      %eq3A_983 = arith.cmpi eq, %iota3A, %eq3A_982 : vector<16xi32>
      %reduce_max3A_984 = arith.constant true
      %reduce_max3A_985 = vector.broadcast %reduce_max3A_984 : i1 to vector<16xi1>
      %reduce_max3A_986 = tpu.scan <max>, %max3A_980 masked %reduce_max3A_985 : vector<16xf32>, vector<16xi1> -> vector<16xf32>
      %reduce_max3A_987 = vector.extract %reduce_max3A_986[15] : f32 from vector<16xf32>
      %broadcast_in_dim3A_988 = vector.broadcast %reduce_max3A_987 : f32 to vector<16xf32>
      %select_n3A_989 = arith.select %eq3A_983, %broadcast_in_dim3A_988, %broadcast_in_dim3A_969 : vector<16xi1>, vector<16xf32>
      %get3A_990 = arith.constant 3136 : index
      %get3A_991 = tpu.vector_load %arg6[%get3A_990] {strides = array<i32>} : memref<4096xf32, #tpu.memory_space<vmem>>, vector<16xf32>,
      %get3A_992 = arith.constant 3152 : index
      %get3A_993 = tpu.vector_load %arg6[%get3A_992] {strides = array<i32>} : memref<4096xf32, #tpu.memory_space<vmem>>, vector<16xf32>,
      %max3A_994 = arith.maximumf %get3A_991, %get3A_993 : vector<16xf32>
      %get3A_995 = arith.constant 3168 : index
      %get3A_996 = tpu.vector_load %arg6[%get3A_995] {strides = array<i32>} : memref<4096xf32, #tpu.memory_space<vmem>>, vector<16xf32>,
      %max3A_997 = arith.maximumf %max3A_994, %get3A_996 : vector<16xf32>
      %get3A_998 = arith.constant 3184 : index
      %get3A_999 = tpu.vector_load %arg6[%get3A_998] {strides = array<i32>} : memref<4096xf32, #tpu.memory_space<vmem>>, vector<16xf32>,
      %max3A_1000 = arith.maximumf %max3A_997, %get3A_999 : vector<16xf32>
      %eq3A_1001 = arith.constant 1 : i32
      %eq3A_1002 = vector.broadcast %eq3A_1001 : i32 to vector<16xi32>
      %eq3A_1003 = arith.cmpi eq, %iota3A, %eq3A_1002 : vector<16xi32>
      %reduce_max3A_1004 = arith.constant true
      %reduce_max3A_1005 = vector.broadcast %reduce_max3A_1004 : i1 to vector<16xi1>
      %reduce_max3A_1006 = tpu.scan <max>, %max3A_1000 masked %reduce_max3A_1005 : vector<16xf32>, vector<16xi1> -> vector<16xf32>
      %reduce_max3A_1007 = vector.extract %reduce_max3A_1006[15] : f32 from vector<16xf32>
      %broadcast_in_dim3A_1008 = vector.broadcast %reduce_max3A_1007 : f32 to vector<16xf32>
      %select_n3A_1009 = arith.select %eq3A_1003, %broadcast_in_dim3A_1008, %select_n3A_989 : vector<16xi1>, vector<16xf32>
      %get3A_1010 = arith.constant 3200 : index
      %get3A_1011 = tpu.vector_load %arg6[%get3A_1010] {strides = array<i32>} : memref<4096xf32, #tpu.memory_space<vmem>>, vector<16xf32>,
      %get3A_1012 = arith.constant 3216 : index
      %get3A_1013 = tpu.vector_load %arg6[%get3A_1012] {strides = array<i32>} : memref<4096xf32, #tpu.memory_space<vmem>>, vector<16xf32>,
      %max3A_1014 = arith.maximumf %get3A_1011, %get3A_1013 : vector<16xf32>
      %get3A_1015 = arith.constant 3232 : index
      %get3A_1016 = tpu.vector_load %arg6[%get3A_1015] {strides = array<i32>} : memref<4096xf32, #tpu.memory_space<vmem>>, vector<16xf32>,
      %max3A_1017 = arith.maximumf %max3A_1014, %get3A_1016 : vector<16xf32>
      %get3A_1018 = arith.constant 3248 : index
      %get3A_1019 = tpu.vector_load %arg6[%get3A_1018] {strides = array<i32>} : memref<4096xf32, #tpu.memory_space<vmem>>, vector<16xf32>,
      %max3A_1020 = arith.maximumf %max3A_1017, %get3A_1019 : vector<16xf32>
      %eq3A_1021 = arith.constant 2 : i32
      %eq3A_1022 = vector.broadcast %eq3A_1021 : i32 to vector<16xi32>
      %eq3A_1023 = arith.cmpi eq, %iota3A, %eq3A_1022 : vector<16xi32>
      %reduce_max3A_1024 = arith.constant true
      %reduce_max3A_1025 = vector.broadcast %reduce_max3A_1024 : i1 to vector<16xi1>
      %reduce_max3A_1026 = tpu.scan <max>, %max3A_1020 masked %reduce_max3A_1025 : vector<16xf32>, vector<16xi1> -> vector<16xf32>
      %reduce_max3A_1027 = vector.extract %reduce_max3A_1026[15] : f32 from vector<16xf32>
      %broadcast_in_dim3A_1028 = vector.broadcast %reduce_max3A_1027 : f32 to vector<16xf32>
      %select_n3A_1029 = arith.select %eq3A_1023, %broadcast_in_dim3A_1028, %select_n3A_1009 : vector<16xi1>, vector<16xf32>
      %get3A_1030 = arith.constant 3264 : index
      %get3A_1031 = tpu.vector_load %arg6[%get3A_1030] {strides = array<i32>} : memref<4096xf32, #tpu.memory_space<vmem>>, vector<16xf32>,
      %get3A_1032 = arith.constant 3280 : index
      %get3A_1033 = tpu.vector_load %arg6[%get3A_1032] {strides = array<i32>} : memref<4096xf32, #tpu.memory_space<vmem>>, vector<16xf32>,
      %max3A_1034 = arith.maximumf %get3A_1031, %get3A_1033 : vector<16xf32>
      %get3A_1035 = arith.constant 3296 : index
      %get3A_1036 = tpu.vector_load %arg6[%get3A_1035] {strides = array<i32>} : memref<4096xf32, #tpu.memory_space<vmem>>, vector<16xf32>,
      %max3A_1037 = arith.maximumf %max3A_1034, %get3A_1036 : vector<16xf32>
      %get3A_1038 = arith.constant 3312 : index
      %get3A_1039 = tpu.vector_load %arg6[%get3A_1038] {strides = array<i32>} : memref<4096xf32, #tpu.memory_space<vmem>>, vector<16xf32>,
      %max3A_1040 = arith.maximumf %max3A_1037, %get3A_1039 : vector<16xf32>
      %eq3A_1041 = arith.constant 3 : i32
      %eq3A_1042 = vector.broadcast %eq3A_1041 : i32 to vector<16xi32>
      %eq3A_1043 = arith.cmpi eq, %iota3A, %eq3A_1042 : vector<16xi32>
      %reduce_max3A_1044 = arith.constant true
      %reduce_max3A_1045 = vector.broadcast %reduce_max3A_1044 : i1 to vector<16xi1>
      %reduce_max3A_1046 = tpu.scan <max>, %max3A_1040 masked %reduce_max3A_1045 : vector<16xf32>, vector<16xi1> -> vector<16xf32>
      %reduce_max3A_1047 = vector.extract %reduce_max3A_1046[15] : f32 from vector<16xf32>
      %broadcast_in_dim3A_1048 = vector.broadcast %reduce_max3A_1047 : f32 to vector<16xf32>
      %select_n3A_1049 = arith.select %eq3A_1043, %broadcast_in_dim3A_1048, %select_n3A_1029 : vector<16xi1>, vector<16xf32>
      %get3A_1050 = arith.constant 3328 : index
      %get3A_1051 = tpu.vector_load %arg6[%get3A_1050] {strides = array<i32>} : memref<4096xf32, #tpu.memory_space<vmem>>, vector<16xf32>,
      %get3A_1052 = arith.constant 3344 : index
      %get3A_1053 = tpu.vector_load %arg6[%get3A_1052] {strides = array<i32>} : memref<4096xf32, #tpu.memory_space<vmem>>, vector<16xf32>,
      %max3A_1054 = arith.maximumf %get3A_1051, %get3A_1053 : vector<16xf32>
      %get3A_1055 = arith.constant 3360 : index
      %get3A_1056 = tpu.vector_load %arg6[%get3A_1055] {strides = array<i32>} : memref<4096xf32, #tpu.memory_space<vmem>>, vector<16xf32>,
      %max3A_1057 = arith.maximumf %max3A_1054, %get3A_1056 : vector<16xf32>
      %get3A_1058 = arith.constant 3376 : index
      %get3A_1059 = tpu.vector_load %arg6[%get3A_1058] {strides = array<i32>} : memref<4096xf32, #tpu.memory_space<vmem>>, vector<16xf32>,
      %max3A_1060 = arith.maximumf %max3A_1057, %get3A_1059 : vector<16xf32>
      %eq3A_1061 = arith.constant 4 : i32
      %eq3A_1062 = vector.broadcast %eq3A_1061 : i32 to vector<16xi32>
      %eq3A_1063 = arith.cmpi eq, %iota3A, %eq3A_1062 : vector<16xi32>
      %reduce_max3A_1064 = arith.constant true
      %reduce_max3A_1065 = vector.broadcast %reduce_max3A_1064 : i1 to vector<16xi1>
      %reduce_max3A_1066 = tpu.scan <max>, %max3A_1060 masked %reduce_max3A_1065 : vector<16xf32>, vector<16xi1> -> vector<16xf32>
      %reduce_max3A_1067 = vector.extract %reduce_max3A_1066[15] : f32 from vector<16xf32>
      %broadcast_in_dim3A_1068 = vector.broadcast %reduce_max3A_1067 : f32 to vector<16xf32>
      %select_n3A_1069 = arith.select %eq3A_1063, %broadcast_in_dim3A_1068, %select_n3A_1049 : vector<16xi1>, vector<16xf32>
      %get3A_1070 = arith.constant 3392 : index
      %get3A_1071 = tpu.vector_load %arg6[%get3A_1070] {strides = array<i32>} : memref<4096xf32, #tpu.memory_space<vmem>>, vector<16xf32>,
      %get3A_1072 = arith.constant 3408 : index
      %get3A_1073 = tpu.vector_load %arg6[%get3A_1072] {strides = array<i32>} : memref<4096xf32, #tpu.memory_space<vmem>>, vector<16xf32>,
      %max3A_1074 = arith.maximumf %get3A_1071, %get3A_1073 : vector<16xf32>
      %get3A_1075 = arith.constant 3424 : index
      %get3A_1076 = tpu.vector_load %arg6[%get3A_1075] {strides = array<i32>} : memref<4096xf32, #tpu.memory_space<vmem>>, vector<16xf32>,
      %max3A_1077 = arith.maximumf %max3A_1074, %get3A_1076 : vector<16xf32>
      %get3A_1078 = arith.constant 3440 : index
      %get3A_1079 = tpu.vector_load %arg6[%get3A_1078] {strides = array<i32>} : memref<4096xf32, #tpu.memory_space<vmem>>, vector<16xf32>,
      %max3A_1080 = arith.maximumf %max3A_1077, %get3A_1079 : vector<16xf32>
      %eq3A_1081 = arith.constant 5 : i32
      %eq3A_1082 = vector.broadcast %eq3A_1081 : i32 to vector<16xi32>
      %eq3A_1083 = arith.cmpi eq, %iota3A, %eq3A_1082 : vector<16xi32>
      %reduce_max3A_1084 = arith.constant true
      %reduce_max3A_1085 = vector.broadcast %reduce_max3A_1084 : i1 to vector<16xi1>
      %reduce_max3A_1086 = tpu.scan <max>, %max3A_1080 masked %reduce_max3A_1085 : vector<16xf32>, vector<16xi1> -> vector<16xf32>
      %reduce_max3A_1087 = vector.extract %reduce_max3A_1086[15] : f32 from vector<16xf32>
      %broadcast_in_dim3A_1088 = vector.broadcast %reduce_max3A_1087 : f32 to vector<16xf32>
      %select_n3A_1089 = arith.select %eq3A_1083, %broadcast_in_dim3A_1088, %select_n3A_1069 : vector<16xi1>, vector<16xf32>
      %get3A_1090 = arith.constant 3456 : index
      %get3A_1091 = tpu.vector_load %arg6[%get3A_1090] {strides = array<i32>} : memref<4096xf32, #tpu.memory_space<vmem>>, vector<16xf32>,
      %get3A_1092 = arith.constant 3472 : index
      %get3A_1093 = tpu.vector_load %arg6[%get3A_1092] {strides = array<i32>} : memref<4096xf32, #tpu.memory_space<vmem>>, vector<16xf32>,
      %max3A_1094 = arith.maximumf %get3A_1091, %get3A_1093 : vector<16xf32>
      %get3A_1095 = arith.constant 3488 : index
      %get3A_1096 = tpu.vector_load %arg6[%get3A_1095] {strides = array<i32>} : memref<4096xf32, #tpu.memory_space<vmem>>, vector<16xf32>,
      %max3A_1097 = arith.maximumf %max3A_1094, %get3A_1096 : vector<16xf32>
      %get3A_1098 = arith.constant 3504 : index
      %get3A_1099 = tpu.vector_load %arg6[%get3A_1098] {strides = array<i32>} : memref<4096xf32, #tpu.memory_space<vmem>>, vector<16xf32>,
      %max3A_1100 = arith.maximumf %max3A_1097, %get3A_1099 : vector<16xf32>
      %eq3A_1101 = arith.constant 6 : i32
      %eq3A_1102 = vector.broadcast %eq3A_1101 : i32 to vector<16xi32>
      %eq3A_1103 = arith.cmpi eq, %iota3A, %eq3A_1102 : vector<16xi32>
      %reduce_max3A_1104 = arith.constant true
      %reduce_max3A_1105 = vector.broadcast %reduce_max3A_1104 : i1 to vector<16xi1>
      %reduce_max3A_1106 = tpu.scan <max>, %max3A_1100 masked %reduce_max3A_1105 : vector<16xf32>, vector<16xi1> -> vector<16xf32>
      %reduce_max3A_1107 = vector.extract %reduce_max3A_1106[15] : f32 from vector<16xf32>
      %broadcast_in_dim3A_1108 = vector.broadcast %reduce_max3A_1107 : f32 to vector<16xf32>
      %select_n3A_1109 = arith.select %eq3A_1103, %broadcast_in_dim3A_1108, %select_n3A_1089 : vector<16xi1>, vector<16xf32>
      %get3A_1110 = arith.constant 3520 : index
      %get3A_1111 = tpu.vector_load %arg6[%get3A_1110] {strides = array<i32>} : memref<4096xf32, #tpu.memory_space<vmem>>, vector<16xf32>,
      %get3A_1112 = arith.constant 3536 : index
      %get3A_1113 = tpu.vector_load %arg6[%get3A_1112] {strides = array<i32>} : memref<4096xf32, #tpu.memory_space<vmem>>, vector<16xf32>,
      %max3A_1114 = arith.maximumf %get3A_1111, %get3A_1113 : vector<16xf32>
      %get3A_1115 = arith.constant 3552 : index
      %get3A_1116 = tpu.vector_load %arg6[%get3A_1115] {strides = array<i32>} : memref<4096xf32, #tpu.memory_space<vmem>>, vector<16xf32>,
      %max3A_1117 = arith.maximumf %max3A_1114, %get3A_1116 : vector<16xf32>
      %get3A_1118 = arith.constant 3568 : index
      %get3A_1119 = tpu.vector_load %arg6[%get3A_1118] {strides = array<i32>} : memref<4096xf32, #tpu.memory_space<vmem>>, vector<16xf32>,
      %max3A_1120 = arith.maximumf %max3A_1117, %get3A_1119 : vector<16xf32>
      %eq3A_1121 = arith.constant 7 : i32
      %eq3A_1122 = vector.broadcast %eq3A_1121 : i32 to vector<16xi32>
      %eq3A_1123 = arith.cmpi eq, %iota3A, %eq3A_1122 : vector<16xi32>
      %reduce_max3A_1124 = arith.constant true
      %reduce_max3A_1125 = vector.broadcast %reduce_max3A_1124 : i1 to vector<16xi1>
      %reduce_max3A_1126 = tpu.scan <max>, %max3A_1120 masked %reduce_max3A_1125 : vector<16xf32>, vector<16xi1> -> vector<16xf32>
      %reduce_max3A_1127 = vector.extract %reduce_max3A_1126[15] : f32 from vector<16xf32>
      %broadcast_in_dim3A_1128 = vector.broadcast %reduce_max3A_1127 : f32 to vector<16xf32>
      %select_n3A_1129 = arith.select %eq3A_1123, %broadcast_in_dim3A_1128, %select_n3A_1109 : vector<16xi1>, vector<16xf32>
      %get3A_1130 = arith.constant 3584 : index
      %get3A_1131 = tpu.vector_load %arg6[%get3A_1130] {strides = array<i32>} : memref<4096xf32, #tpu.memory_space<vmem>>, vector<16xf32>,
      %get3A_1132 = arith.constant 3600 : index
      %get3A_1133 = tpu.vector_load %arg6[%get3A_1132] {strides = array<i32>} : memref<4096xf32, #tpu.memory_space<vmem>>, vector<16xf32>,
      %max3A_1134 = arith.maximumf %get3A_1131, %get3A_1133 : vector<16xf32>
      %get3A_1135 = arith.constant 3616 : index
      %get3A_1136 = tpu.vector_load %arg6[%get3A_1135] {strides = array<i32>} : memref<4096xf32, #tpu.memory_space<vmem>>, vector<16xf32>,
      %max3A_1137 = arith.maximumf %max3A_1134, %get3A_1136 : vector<16xf32>
      %get3A_1138 = arith.constant 3632 : index
      %get3A_1139 = tpu.vector_load %arg6[%get3A_1138] {strides = array<i32>} : memref<4096xf32, #tpu.memory_space<vmem>>, vector<16xf32>,
      %max3A_1140 = arith.maximumf %max3A_1137, %get3A_1139 : vector<16xf32>
      %eq3A_1141 = arith.constant 8 : i32
      %eq3A_1142 = vector.broadcast %eq3A_1141 : i32 to vector<16xi32>
      %eq3A_1143 = arith.cmpi eq, %iota3A, %eq3A_1142 : vector<16xi32>
      %reduce_max3A_1144 = arith.constant true
      %reduce_max3A_1145 = vector.broadcast %reduce_max3A_1144 : i1 to vector<16xi1>
      %reduce_max3A_1146 = tpu.scan <max>, %max3A_1140 masked %reduce_max3A_1145 : vector<16xf32>, vector<16xi1> -> vector<16xf32>
      %reduce_max3A_1147 = vector.extract %reduce_max3A_1146[15] : f32 from vector<16xf32>
      %broadcast_in_dim3A_1148 = vector.broadcast %reduce_max3A_1147 : f32 to vector<16xf32>
      %select_n3A_1149 = arith.select %eq3A_1143, %broadcast_in_dim3A_1148, %select_n3A_1129 : vector<16xi1>, vector<16xf32>
      %get3A_1150 = arith.constant 3648 : index
      %get3A_1151 = tpu.vector_load %arg6[%get3A_1150] {strides = array<i32>} : memref<4096xf32, #tpu.memory_space<vmem>>, vector<16xf32>,
      %get3A_1152 = arith.constant 3664 : index
      %get3A_1153 = tpu.vector_load %arg6[%get3A_1152] {strides = array<i32>} : memref<4096xf32, #tpu.memory_space<vmem>>, vector<16xf32>,
      %max3A_1154 = arith.maximumf %get3A_1151, %get3A_1153 : vector<16xf32>
      %get3A_1155 = arith.constant 3680 : index
      %get3A_1156 = tpu.vector_load %arg6[%get3A_1155] {strides = array<i32>} : memref<4096xf32, #tpu.memory_space<vmem>>, vector<16xf32>,
      %max3A_1157 = arith.maximumf %max3A_1154, %get3A_1156 : vector<16xf32>
      %get3A_1158 = arith.constant 3696 : index
      %get3A_1159 = tpu.vector_load %arg6[%get3A_1158] {strides = array<i32>} : memref<4096xf32, #tpu.memory_space<vmem>>, vector<16xf32>,
      %max3A_1160 = arith.maximumf %max3A_1157, %get3A_1159 : vector<16xf32>
      %eq3A_1161 = arith.constant 9 : i32
      %eq3A_1162 = vector.broadcast %eq3A_1161 : i32 to vector<16xi32>
      %eq3A_1163 = arith.cmpi eq, %iota3A, %eq3A_1162 : vector<16xi32>
      %reduce_max3A_1164 = arith.constant true
      %reduce_max3A_1165 = vector.broadcast %reduce_max3A_1164 : i1 to vector<16xi1>
      %reduce_max3A_1166 = tpu.scan <max>, %max3A_1160 masked %reduce_max3A_1165 : vector<16xf32>, vector<16xi1> -> vector<16xf32>
      %reduce_max3A_1167 = vector.extract %reduce_max3A_1166[15] : f32 from vector<16xf32>
      %broadcast_in_dim3A_1168 = vector.broadcast %reduce_max3A_1167 : f32 to vector<16xf32>
      %select_n3A_1169 = arith.select %eq3A_1163, %broadcast_in_dim3A_1168, %select_n3A_1149 : vector<16xi1>, vector<16xf32>
      %get3A_1170 = arith.constant 3712 : index
      %get3A_1171 = tpu.vector_load %arg6[%get3A_1170] {strides = array<i32>} : memref<4096xf32, #tpu.memory_space<vmem>>, vector<16xf32>,
      %get3A_1172 = arith.constant 3728 : index
      %get3A_1173 = tpu.vector_load %arg6[%get3A_1172] {strides = array<i32>} : memref<4096xf32, #tpu.memory_space<vmem>>, vector<16xf32>,
      %max3A_1174 = arith.maximumf %get3A_1171, %get3A_1173 : vector<16xf32>
      %get3A_1175 = arith.constant 3744 : index
      %get3A_1176 = tpu.vector_load %arg6[%get3A_1175] {strides = array<i32>} : memref<4096xf32, #tpu.memory_space<vmem>>, vector<16xf32>,
      %max3A_1177 = arith.maximumf %max3A_1174, %get3A_1176 : vector<16xf32>
      %get3A_1178 = arith.constant 3760 : index
      %get3A_1179 = tpu.vector_load %arg6[%get3A_1178] {strides = array<i32>} : memref<4096xf32, #tpu.memory_space<vmem>>, vector<16xf32>,
      %max3A_1180 = arith.maximumf %max3A_1177, %get3A_1179 : vector<16xf32>
      %eq3A_1181 = arith.constant 10 : i32
      %eq3A_1182 = vector.broadcast %eq3A_1181 : i32 to vector<16xi32>
      %eq3A_1183 = arith.cmpi eq, %iota3A, %eq3A_1182 : vector<16xi32>
      %reduce_max3A_1184 = arith.constant true
      %reduce_max3A_1185 = vector.broadcast %reduce_max3A_1184 : i1 to vector<16xi1>
      %reduce_max3A_1186 = tpu.scan <max>, %max3A_1180 masked %reduce_max3A_1185 : vector<16xf32>, vector<16xi1> -> vector<16xf32>
      %reduce_max3A_1187 = vector.extract %reduce_max3A_1186[15] : f32 from vector<16xf32>
      %broadcast_in_dim3A_1188 = vector.broadcast %reduce_max3A_1187 : f32 to vector<16xf32>
      %select_n3A_1189 = arith.select %eq3A_1183, %broadcast_in_dim3A_1188, %select_n3A_1169 : vector<16xi1>, vector<16xf32>
      %get3A_1190 = arith.constant 3776 : index
      %get3A_1191 = tpu.vector_load %arg6[%get3A_1190] {strides = array<i32>} : memref<4096xf32, #tpu.memory_space<vmem>>, vector<16xf32>,
      %get3A_1192 = arith.constant 3792 : index
      %get3A_1193 = tpu.vector_load %arg6[%get3A_1192] {strides = array<i32>} : memref<4096xf32, #tpu.memory_space<vmem>>, vector<16xf32>,
      %max3A_1194 = arith.maximumf %get3A_1191, %get3A_1193 : vector<16xf32>
      %get3A_1195 = arith.constant 3808 : index
      %get3A_1196 = tpu.vector_load %arg6[%get3A_1195] {strides = array<i32>} : memref<4096xf32, #tpu.memory_space<vmem>>, vector<16xf32>,
      %max3A_1197 = arith.maximumf %max3A_1194, %get3A_1196 : vector<16xf32>
      %get3A_1198 = arith.constant 3824 : index
      %get3A_1199 = tpu.vector_load %arg6[%get3A_1198] {strides = array<i32>} : memref<4096xf32, #tpu.memory_space<vmem>>, vector<16xf32>,
      %max3A_1200 = arith.maximumf %max3A_1197, %get3A_1199 : vector<16xf32>
      %eq3A_1201 = arith.constant 11 : i32
      %eq3A_1202 = vector.broadcast %eq3A_1201 : i32 to vector<16xi32>
      %eq3A_1203 = arith.cmpi eq, %iota3A, %eq3A_1202 : vector<16xi32>
      %reduce_max3A_1204 = arith.constant true
      %reduce_max3A_1205 = vector.broadcast %reduce_max3A_1204 : i1 to vector<16xi1>
      %reduce_max3A_1206 = tpu.scan <max>, %max3A_1200 masked %reduce_max3A_1205 : vector<16xf32>, vector<16xi1> -> vector<16xf32>
      %reduce_max3A_1207 = vector.extract %reduce_max3A_1206[15] : f32 from vector<16xf32>
      %broadcast_in_dim3A_1208 = vector.broadcast %reduce_max3A_1207 : f32 to vector<16xf32>
      %select_n3A_1209 = arith.select %eq3A_1203, %broadcast_in_dim3A_1208, %select_n3A_1189 : vector<16xi1>, vector<16xf32>
      %get3A_1210 = arith.constant 3840 : index
      %get3A_1211 = tpu.vector_load %arg6[%get3A_1210] {strides = array<i32>} : memref<4096xf32, #tpu.memory_space<vmem>>, vector<16xf32>,
      %get3A_1212 = arith.constant 3856 : index
      %get3A_1213 = tpu.vector_load %arg6[%get3A_1212] {strides = array<i32>} : memref<4096xf32, #tpu.memory_space<vmem>>, vector<16xf32>,
      %max3A_1214 = arith.maximumf %get3A_1211, %get3A_1213 : vector<16xf32>
      %get3A_1215 = arith.constant 3872 : index
      %get3A_1216 = tpu.vector_load %arg6[%get3A_1215] {strides = array<i32>} : memref<4096xf32, #tpu.memory_space<vmem>>, vector<16xf32>,
      %max3A_1217 = arith.maximumf %max3A_1214, %get3A_1216 : vector<16xf32>
      %get3A_1218 = arith.constant 3888 : index
      %get3A_1219 = tpu.vector_load %arg6[%get3A_1218] {strides = array<i32>} : memref<4096xf32, #tpu.memory_space<vmem>>, vector<16xf32>,
      %max3A_1220 = arith.maximumf %max3A_1217, %get3A_1219 : vector<16xf32>
      %eq3A_1221 = arith.constant 12 : i32
      %eq3A_1222 = vector.broadcast %eq3A_1221 : i32 to vector<16xi32>
      %eq3A_1223 = arith.cmpi eq, %iota3A, %eq3A_1222 : vector<16xi32>
      %reduce_max3A_1224 = arith.constant true
      %reduce_max3A_1225 = vector.broadcast %reduce_max3A_1224 : i1 to vector<16xi1>
      %reduce_max3A_1226 = tpu.scan <max>, %max3A_1220 masked %reduce_max3A_1225 : vector<16xf32>, vector<16xi1> -> vector<16xf32>
      %reduce_max3A_1227 = vector.extract %reduce_max3A_1226[15] : f32 from vector<16xf32>
      %broadcast_in_dim3A_1228 = vector.broadcast %reduce_max3A_1227 : f32 to vector<16xf32>
      %select_n3A_1229 = arith.select %eq3A_1223, %broadcast_in_dim3A_1228, %select_n3A_1209 : vector<16xi1>, vector<16xf32>
      %get3A_1230 = arith.constant 3904 : index
      %get3A_1231 = tpu.vector_load %arg6[%get3A_1230] {strides = array<i32>} : memref<4096xf32, #tpu.memory_space<vmem>>, vector<16xf32>,
      %get3A_1232 = arith.constant 3920 : index
      %get3A_1233 = tpu.vector_load %arg6[%get3A_1232] {strides = array<i32>} : memref<4096xf32, #tpu.memory_space<vmem>>, vector<16xf32>,
      %max3A_1234 = arith.maximumf %get3A_1231, %get3A_1233 : vector<16xf32>
      %get3A_1235 = arith.constant 3936 : index
      %get3A_1236 = tpu.vector_load %arg6[%get3A_1235] {strides = array<i32>} : memref<4096xf32, #tpu.memory_space<vmem>>, vector<16xf32>,
      %max3A_1237 = arith.maximumf %max3A_1234, %get3A_1236 : vector<16xf32>
      %get3A_1238 = arith.constant 3952 : index
      %get3A_1239 = tpu.vector_load %arg6[%get3A_1238] {strides = array<i32>} : memref<4096xf32, #tpu.memory_space<vmem>>, vector<16xf32>,
      %max3A_1240 = arith.maximumf %max3A_1237, %get3A_1239 : vector<16xf32>
      %eq3A_1241 = arith.constant 13 : i32
      %eq3A_1242 = vector.broadcast %eq3A_1241 : i32 to vector<16xi32>
      %eq3A_1243 = arith.cmpi eq, %iota3A, %eq3A_1242 : vector<16xi32>
      %reduce_max3A_1244 = arith.constant true
      %reduce_max3A_1245 = vector.broadcast %reduce_max3A_1244 : i1 to vector<16xi1>
      %reduce_max3A_1246 = tpu.scan <max>, %max3A_1240 masked %reduce_max3A_1245 : vector<16xf32>, vector<16xi1> -> vector<16xf32>
      %reduce_max3A_1247 = vector.extract %reduce_max3A_1246[15] : f32 from vector<16xf32>
      %broadcast_in_dim3A_1248 = vector.broadcast %reduce_max3A_1247 : f32 to vector<16xf32>
      %select_n3A_1249 = arith.select %eq3A_1243, %broadcast_in_dim3A_1248, %select_n3A_1229 : vector<16xi1>, vector<16xf32>
      %get3A_1250 = arith.constant 3968 : index
      %get3A_1251 = tpu.vector_load %arg6[%get3A_1250] {strides = array<i32>} : memref<4096xf32, #tpu.memory_space<vmem>>, vector<16xf32>,
      %get3A_1252 = arith.constant 3984 : index
      %get3A_1253 = tpu.vector_load %arg6[%get3A_1252] {strides = array<i32>} : memref<4096xf32, #tpu.memory_space<vmem>>, vector<16xf32>,
      %max3A_1254 = arith.maximumf %get3A_1251, %get3A_1253 : vector<16xf32>
      %get3A_1255 = arith.constant 4000 : index
      %get3A_1256 = tpu.vector_load %arg6[%get3A_1255] {strides = array<i32>} : memref<4096xf32, #tpu.memory_space<vmem>>, vector<16xf32>,
      %max3A_1257 = arith.maximumf %max3A_1254, %get3A_1256 : vector<16xf32>
      %get3A_1258 = arith.constant 4016 : index
      %get3A_1259 = tpu.vector_load %arg6[%get3A_1258] {strides = array<i32>} : memref<4096xf32, #tpu.memory_space<vmem>>, vector<16xf32>,
      %max3A_1260 = arith.maximumf %max3A_1257, %get3A_1259 : vector<16xf32>
      %eq3A_1261 = arith.constant 14 : i32
      %eq3A_1262 = vector.broadcast %eq3A_1261 : i32 to vector<16xi32>
      %eq3A_1263 = arith.cmpi eq, %iota3A, %eq3A_1262 : vector<16xi32>
      %reduce_max3A_1264 = arith.constant true
      %reduce_max3A_1265 = vector.broadcast %reduce_max3A_1264 : i1 to vector<16xi1>
      %reduce_max3A_1266 = tpu.scan <max>, %max3A_1260 masked %reduce_max3A_1265 : vector<16xf32>, vector<16xi1> -> vector<16xf32>
      %reduce_max3A_1267 = vector.extract %reduce_max3A_1266[15] : f32 from vector<16xf32>
      %broadcast_in_dim3A_1268 = vector.broadcast %reduce_max3A_1267 : f32 to vector<16xf32>
      %select_n3A_1269 = arith.select %eq3A_1263, %broadcast_in_dim3A_1268, %select_n3A_1249 : vector<16xi1>, vector<16xf32>
      %get3A_1270 = arith.constant 4032 : index
      %get3A_1271 = tpu.vector_load %arg6[%get3A_1270] {strides = array<i32>} : memref<4096xf32, #tpu.memory_space<vmem>>, vector<16xf32>,
      %get3A_1272 = arith.constant 4048 : index
      %get3A_1273 = tpu.vector_load %arg6[%get3A_1272] {strides = array<i32>} : memref<4096xf32, #tpu.memory_space<vmem>>, vector<16xf32>,
      %max3A_1274 = arith.maximumf %get3A_1271, %get3A_1273 : vector<16xf32>
      %get3A_1275 = arith.constant 4064 : index
      %get3A_1276 = tpu.vector_load %arg6[%get3A_1275] {strides = array<i32>} : memref<4096xf32, #tpu.memory_space<vmem>>, vector<16xf32>,
      %max3A_1277 = arith.maximumf %max3A_1274, %get3A_1276 : vector<16xf32>
      %get3A_1278 = arith.constant 4080 : index
      %get3A_1279 = tpu.vector_load %arg6[%get3A_1278] {strides = array<i32>} : memref<4096xf32, #tpu.memory_space<vmem>>, vector<16xf32>,
      %max3A_1280 = arith.maximumf %max3A_1277, %get3A_1279 : vector<16xf32>
      %eq3A_1281 = arith.constant 15 : i32
      %eq3A_1282 = vector.broadcast %eq3A_1281 : i32 to vector<16xi32>
      %eq3A_1283 = arith.cmpi eq, %iota3A, %eq3A_1282 : vector<16xi32>
      %reduce_max3A_1284 = arith.constant true
      %reduce_max3A_1285 = vector.broadcast %reduce_max3A_1284 : i1 to vector<16xi1>
      %reduce_max3A_1286 = tpu.scan <max>, %max3A_1280 masked %reduce_max3A_1285 : vector<16xf32>, vector<16xi1> -> vector<16xf32>
      %reduce_max3A_1287 = vector.extract %reduce_max3A_1286[15] : f32 from vector<16xf32>
      %broadcast_in_dim3A_1288 = vector.broadcast %reduce_max3A_1287 : f32 to vector<16xf32>
      %select_n3A_1289 = arith.select %eq3A_1283, %broadcast_in_dim3A_1288, %select_n3A_1269 : vector<16xi1>, vector<16xf32>
      %max3A_1290 = arith.maximumf %select_n3A_323, %select_n3A_645 : vector<16xf32>
      %max3A_1291 = arith.maximumf %max3A_1290, %select_n3A_967 : vector<16xf32>
      %max3A_1292 = arith.maximumf %max3A_1291, %select_n3A_1289 : vector<16xf32>
      %reduce_max3A_1293 = arith.constant true
      %reduce_max3A_1294 = vector.broadcast %reduce_max3A_1293 : i1 to vector<16xi1>
      %reduce_max3A_1295 = tpu.scan <max>, %max3A_1292 masked %reduce_max3A_1294 : vector<16xf32>, vector<16xi1> -> vector<16xf32>
      %reduce_max3A_1296 = vector.extract %reduce_max3A_1295[15] : f32 from vector<16xf32>
      %eq3A_1297 = vector.broadcast %reduce_max3A_1296 : f32 to vector<16xf32>
      %eq3A_1298 = arith.cmpf oeq, %select_n3A_323, %eq3A_1297 : vector<16xf32>
      %add3A_1299 = arith.constant 0 : i32
      %add3A_1300 = vector.broadcast %add3A_1299 : i32 to vector<16xi32>
      %add3A_1301 = arith.addi %add3A_1300, %iota3A : vector<16xi32>
      %jit3A = arith.constant 1073741824 : i32
      %broadcast_in_dim3A_1302 = vector.broadcast %jit3A : i32 to vector<16xi32>
      %select_n3A_1303 = arith.select %eq3A_1298, %add3A_1301, %broadcast_in_dim3A_1302 : vector<16xi1>, vector<16xi32>
      %reduce_min3A = arith.constant true
      %reduce_min3A_1304 = vector.broadcast %reduce_min3A : i1 to vector<16xi1>
      %reduce_min3A_1305 = arith.constant -2147483648 : i32
      %reduce_min3A_1306 = vector.broadcast %reduce_min3A_1305 : i32 to vector<16xi32>
      %reduce_min3A_1307 = arith.xori %select_n3A_1303, %reduce_min3A_1306 : vector<16xi32>
      %reduce_min3A_1308 = tpu.scan <min>, %reduce_min3A_1307 masked %reduce_min3A_1304 : vector<16xi32>, vector<16xi1> -> vector<16xi32>
      %reduce_min3A_1309 = arith.xori %reduce_min3A_1308, %reduce_min3A_1306 : vector<16xi32>
      %reduce_min3A_1310 = vector.extract %reduce_min3A_1309[15] : i32 from vector<16xi32>
      %min3A = arith.constant 1073741824 : i32
      %min3A_1311 = arith.minsi %min3A, %reduce_min3A_1310 : i32
      %eq3A_1312 = vector.broadcast %reduce_max3A_1296 : f32 to vector<16xf32>
      %eq3A_1313 = arith.cmpf oeq, %select_n3A_645, %eq3A_1312 : vector<16xf32>
      %add3A_1314 = arith.constant 16 : i32
      %add3A_1315 = vector.broadcast %add3A_1314 : i32 to vector<16xi32>
      %add3A_1316 = arith.addi %add3A_1315, %iota3A : vector<16xi32>
      %jit3A_1317 = arith.constant 1073741824 : i32
      %broadcast_in_dim3A_1318 = vector.broadcast %jit3A_1317 : i32 to vector<16xi32>
      %select_n3A_1319 = arith.select %eq3A_1313, %add3A_1316, %broadcast_in_dim3A_1318 : vector<16xi1>, vector<16xi32>
      %reduce_min3A_1320 = arith.constant true
      %reduce_min3A_1321 = vector.broadcast %reduce_min3A_1320 : i1 to vector<16xi1>
      %reduce_min3A_1322 = arith.constant -2147483648 : i32
      %reduce_min3A_1323 = vector.broadcast %reduce_min3A_1322 : i32 to vector<16xi32>
      %reduce_min3A_1324 = arith.xori %select_n3A_1319, %reduce_min3A_1323 : vector<16xi32>
      %reduce_min3A_1325 = tpu.scan <min>, %reduce_min3A_1324 masked %reduce_min3A_1321 : vector<16xi32>, vector<16xi1> -> vector<16xi32>
      %reduce_min3A_1326 = arith.xori %reduce_min3A_1325, %reduce_min3A_1323 : vector<16xi32>
      %reduce_min3A_1327 = vector.extract %reduce_min3A_1326[15] : i32 from vector<16xi32>
      %min3A_1328 = arith.minsi %min3A_1311, %reduce_min3A_1327 : i32
      %eq3A_1329 = vector.broadcast %reduce_max3A_1296 : f32 to vector<16xf32>
      %eq3A_1330 = arith.cmpf oeq, %select_n3A_967, %eq3A_1329 : vector<16xf32>
      %add3A_1331 = arith.constant 32 : i32
      %add3A_1332 = vector.broadcast %add3A_1331 : i32 to vector<16xi32>
      %add3A_1333 = arith.addi %add3A_1332, %iota3A : vector<16xi32>
      %jit3A_1334 = arith.constant 1073741824 : i32
      %broadcast_in_dim3A_1335 = vector.broadcast %jit3A_1334 : i32 to vector<16xi32>
      %select_n3A_1336 = arith.select %eq3A_1330, %add3A_1333, %broadcast_in_dim3A_1335 : vector<16xi1>, vector<16xi32>
      %reduce_min3A_1337 = arith.constant true
      %reduce_min3A_1338 = vector.broadcast %reduce_min3A_1337 : i1 to vector<16xi1>
      %reduce_min3A_1339 = arith.constant -2147483648 : i32
      %reduce_min3A_1340 = vector.broadcast %reduce_min3A_1339 : i32 to vector<16xi32>
      %reduce_min3A_1341 = arith.xori %select_n3A_1336, %reduce_min3A_1340 : vector<16xi32>
      %reduce_min3A_1342 = tpu.scan <min>, %reduce_min3A_1341 masked %reduce_min3A_1338 : vector<16xi32>, vector<16xi1> -> vector<16xi32>
      %reduce_min3A_1343 = arith.xori %reduce_min3A_1342, %reduce_min3A_1340 : vector<16xi32>
      %reduce_min3A_1344 = vector.extract %reduce_min3A_1343[15] : i32 from vector<16xi32>
      %min3A_1345 = arith.minsi %min3A_1328, %reduce_min3A_1344 : i32
      %eq3A_1346 = vector.broadcast %reduce_max3A_1296 : f32 to vector<16xf32>
      %eq3A_1347 = arith.cmpf oeq, %select_n3A_1289, %eq3A_1346 : vector<16xf32>
      %add3A_1348 = arith.constant 48 : i32
      %add3A_1349 = vector.broadcast %add3A_1348 : i32 to vector<16xi32>
      %add3A_1350 = arith.addi %add3A_1349, %iota3A : vector<16xi32>
      %jit3A_1351 = arith.constant 1073741824 : i32
      %broadcast_in_dim3A_1352 = vector.broadcast %jit3A_1351 : i32 to vector<16xi32>
      %select_n3A_1353 = arith.select %eq3A_1347, %add3A_1350, %broadcast_in_dim3A_1352 : vector<16xi1>, vector<16xi32>
      %reduce_min3A_1354 = arith.constant true
      %reduce_min3A_1355 = vector.broadcast %reduce_min3A_1354 : i1 to vector<16xi1>
      %reduce_min3A_1356 = arith.constant -2147483648 : i32
      %reduce_min3A_1357 = vector.broadcast %reduce_min3A_1356 : i32 to vector<16xi32>
      %reduce_min3A_1358 = arith.xori %select_n3A_1353, %reduce_min3A_1357 : vector<16xi32>
      %reduce_min3A_1359 = tpu.scan <min>, %reduce_min3A_1358 masked %reduce_min3A_1355 : vector<16xi32>, vector<16xi1> -> vector<16xi32>
      %reduce_min3A_1360 = arith.xori %reduce_min3A_1359, %reduce_min3A_1357 : vector<16xi32>
      %reduce_min3A_1361 = vector.extract %reduce_min3A_1360[15] : i32 from vector<16xi32>
      %min3A_1362 = arith.minsi %min3A_1345, %reduce_min3A_1361 : i32
      %mul3A_1363 = arith.constant 64 : i32
      %mul3A_1364 = arith.muli %min3A_1362, %mul3A_1363 : i32
      %broadcast_in_dim3A_1365 = arith.constant -3.000000e+38 : f32
      %broadcast_in_dim3A_1366 = vector.broadcast %broadcast_in_dim3A_1365 : f32 to vector<16xf32>
      %broadcast_in_dim3A_1367 = arith.constant 0 : i32
      %broadcast_in_dim3A_1368 = vector.broadcast %broadcast_in_dim3A_1367 : i32 to vector<16xi32>
      %add3A_1369 = arith.constant 0 : i32
      %add3A_1370 = arith.addi %mul3A_1364, %add3A_1369 : i32
      %get3A_1371 = arith.index_cast %add3A_1370 : i32 to index
      %get3A_1372 = tpu.vector_load %arg6[%get3A_1371] {strides = array<i32>} : memref<4096xf32, #tpu.memory_space<vmem>>, vector<16xf32>,
      %add3A_1373 = arith.constant 0 : i32
      %add3A_1374 = arith.addi %mul3A_1364, %add3A_1373 : i32
      %add3A_1375 = vector.broadcast %add3A_1374 : i32 to vector<16xi32>
      %add3A_1376 = arith.addi %add3A_1375, %iota3A : vector<16xi32>
      %gt3A = arith.cmpf ogt, %get3A_1372, %broadcast_in_dim3A_1366 : vector<16xf32>
      %select_n3A_1377 = arith.select %gt3A, %get3A_1372, %broadcast_in_dim3A_1366 : vector<16xi1>, vector<16xf32>
      %select_n3A_1378 = arith.select %gt3A, %add3A_1376, %broadcast_in_dim3A_1368 : vector<16xi1>, vector<16xi32>
      %add3A_1379 = arith.constant 16 : i32
      %add3A_1380 = arith.addi %mul3A_1364, %add3A_1379 : i32
      %get3A_1381 = arith.index_cast %add3A_1380 : i32 to index
      %get3A_1382 = tpu.vector_load %arg6[%get3A_1381] {strides = array<i32>} : memref<4096xf32, #tpu.memory_space<vmem>>, vector<16xf32>,
      %add3A_1383 = arith.constant 16 : i32
      %add3A_1384 = arith.addi %mul3A_1364, %add3A_1383 : i32
      %add3A_1385 = vector.broadcast %add3A_1384 : i32 to vector<16xi32>
      %add3A_1386 = arith.addi %add3A_1385, %iota3A : vector<16xi32>
      %gt3A_1387 = arith.cmpf ogt, %get3A_1382, %select_n3A_1377 : vector<16xf32>
      %select_n3A_1388 = arith.select %gt3A_1387, %get3A_1382, %select_n3A_1377 : vector<16xi1>, vector<16xf32>
      %select_n3A_1389 = arith.select %gt3A_1387, %add3A_1386, %select_n3A_1378 : vector<16xi1>, vector<16xi32>
      %add3A_1390 = arith.constant 32 : i32
      %add3A_1391 = arith.addi %mul3A_1364, %add3A_1390 : i32
      %get3A_1392 = arith.index_cast %add3A_1391 : i32 to index
      %get3A_1393 = tpu.vector_load %arg6[%get3A_1392] {strides = array<i32>} : memref<4096xf32, #tpu.memory_space<vmem>>, vector<16xf32>,
      %add3A_1394 = arith.constant 32 : i32
      %add3A_1395 = arith.addi %mul3A_1364, %add3A_1394 : i32
      %add3A_1396 = vector.broadcast %add3A_1395 : i32 to vector<16xi32>
      %add3A_1397 = arith.addi %add3A_1396, %iota3A : vector<16xi32>
      %gt3A_1398 = arith.cmpf ogt, %get3A_1393, %select_n3A_1388 : vector<16xf32>
      %select_n3A_1399 = arith.select %gt3A_1398, %get3A_1393, %select_n3A_1388 : vector<16xi1>, vector<16xf32>
      %select_n3A_1400 = arith.select %gt3A_1398, %add3A_1397, %select_n3A_1389 : vector<16xi1>, vector<16xi32>
      %add3A_1401 = arith.constant 48 : i32
      %add3A_1402 = arith.addi %mul3A_1364, %add3A_1401 : i32
      %get3A_1403 = arith.index_cast %add3A_1402 : i32 to index
      %get3A_1404 = tpu.vector_load %arg6[%get3A_1403] {strides = array<i32>} : memref<4096xf32, #tpu.memory_space<vmem>>, vector<16xf32>,
      %add3A_1405 = arith.constant 48 : i32
      %add3A_1406 = arith.addi %mul3A_1364, %add3A_1405 : i32
      %add3A_1407 = vector.broadcast %add3A_1406 : i32 to vector<16xi32>
      %add3A_1408 = arith.addi %add3A_1407, %iota3A : vector<16xi32>
      %gt3A_1409 = arith.cmpf ogt, %get3A_1404, %select_n3A_1399 : vector<16xf32>
      %select_n3A_1410 = arith.select %gt3A_1409, %get3A_1404, %select_n3A_1399 : vector<16xi1>, vector<16xf32>
      %select_n3A_1411 = arith.select %gt3A_1409, %add3A_1408, %select_n3A_1400 : vector<16xi1>, vector<16xi32>
      %reduce_max3A_1412 = arith.constant true
      %reduce_max3A_1413 = vector.broadcast %reduce_max3A_1412 : i1 to vector<16xi1>
      %reduce_max3A_1414 = tpu.scan <max>, %select_n3A_1410 masked %reduce_max3A_1413 : vector<16xf32>, vector<16xi1> -> vector<16xf32>
      %reduce_max3A_1415 = vector.extract %reduce_max3A_1414[15] : f32 from vector<16xf32>
      %eq3A_1416 = vector.broadcast %reduce_max3A_1415 : f32 to vector<16xf32>
      %eq3A_1417 = arith.cmpf oeq, %select_n3A_1410, %eq3A_1416 : vector<16xf32>
      %jit3A_1418 = arith.constant 1073741824 : i32
      %broadcast_in_dim3A_1419 = vector.broadcast %jit3A_1418 : i32 to vector<16xi32>
      %select_n3A_1420 = arith.select %eq3A_1417, %select_n3A_1411, %broadcast_in_dim3A_1419 : vector<16xi1>, vector<16xi32>
      %reduce_min3A_1421 = arith.constant true
      %reduce_min3A_1422 = vector.broadcast %reduce_min3A_1421 : i1 to vector<16xi1>
      %reduce_min3A_1423 = arith.constant -2147483648 : i32
      %reduce_min3A_1424 = vector.broadcast %reduce_min3A_1423 : i32 to vector<16xi32>
      %reduce_min3A_1425 = arith.xori %select_n3A_1420, %reduce_min3A_1424 : vector<16xi32>
      %reduce_min3A_1426 = tpu.scan <min>, %reduce_min3A_1425 masked %reduce_min3A_1422 : vector<16xi32>, vector<16xi1> -> vector<16xi32>
      %reduce_min3A_1427 = arith.xori %reduce_min3A_1426, %reduce_min3A_1424 : vector<16xi32>
      %reduce_min3A_1428 = vector.extract %reduce_min3A_1427[15] : i32 from vector<16xi32>
      %broadcast_in_dim3A_1429 = arith.constant -3.000000e+38 : f32
      %broadcast_in_dim3A_1430 = vector.broadcast %broadcast_in_dim3A_1429 : f32 to vector<16xf32>
      %add3A_1431 = arith.constant 0 : i32
      %add3A_1432 = arith.addi %mul3A_1364, %add3A_1431 : i32
      %get3A_1433 = arith.index_cast %add3A_1432 : i32 to index
      %get3A_1434 = tpu.vector_load %arg6[%get3A_1433] {strides = array<i32>} : memref<4096xf32, #tpu.memory_space<vmem>>, vector<16xf32>,
      %add3A_1435 = arith.constant 0 : i32
      %add3A_1436 = arith.addi %mul3A_1364, %add3A_1435 : i32
      %add3A_1437 = vector.broadcast %add3A_1436 : i32 to vector<16xi32>
      %add3A_1438 = arith.addi %add3A_1437, %iota3A : vector<16xi32>
      %lt3A_1439 = vector.broadcast %reduce_max3A_1415 : f32 to vector<16xf32>
      %lt3A_1440 = arith.cmpf olt, %get3A_1434, %lt3A_1439 : vector<16xf32>
      %eq3A_1441 = vector.broadcast %reduce_max3A_1415 : f32 to vector<16xf32>
      %eq3A_1442 = arith.cmpf oeq, %get3A_1434, %eq3A_1441 : vector<16xf32>
      %gt3A_1443 = vector.broadcast %reduce_min3A_1428 : i32 to vector<16xi32>
      %gt3A_1444 = arith.cmpi sgt, %add3A_1438, %gt3A_1443 : vector<16xi32>
      %and3A = arith.andi %eq3A_1442, %gt3A_1444 : vector<16xi1>
      %or3A = arith.ori %lt3A_1440, %and3A : vector<16xi1>
      %jit3A_1445 = arith.constant -3.000000e+38 : f32
      %broadcast_in_dim3A_1446 = vector.broadcast %jit3A_1445 : f32 to vector<16xf32>
      %select_n3A_1447 = arith.select %or3A, %get3A_1434, %broadcast_in_dim3A_1446 : vector<16xi1>, vector<16xf32>
      %max3A_1448 = arith.maximumf %broadcast_in_dim3A_1430, %select_n3A_1447 : vector<16xf32>
      %add3A_1449 = arith.constant 16 : i32
      %add3A_1450 = arith.addi %mul3A_1364, %add3A_1449 : i32
      %get3A_1451 = arith.index_cast %add3A_1450 : i32 to index
      %get3A_1452 = tpu.vector_load %arg6[%get3A_1451] {strides = array<i32>} : memref<4096xf32, #tpu.memory_space<vmem>>, vector<16xf32>,
      %add3A_1453 = arith.constant 16 : i32
      %add3A_1454 = arith.addi %mul3A_1364, %add3A_1453 : i32
      %add3A_1455 = vector.broadcast %add3A_1454 : i32 to vector<16xi32>
      %add3A_1456 = arith.addi %add3A_1455, %iota3A : vector<16xi32>
      %lt3A_1457 = vector.broadcast %reduce_max3A_1415 : f32 to vector<16xf32>
      %lt3A_1458 = arith.cmpf olt, %get3A_1452, %lt3A_1457 : vector<16xf32>
      %eq3A_1459 = vector.broadcast %reduce_max3A_1415 : f32 to vector<16xf32>
      %eq3A_1460 = arith.cmpf oeq, %get3A_1452, %eq3A_1459 : vector<16xf32>
      %gt3A_1461 = vector.broadcast %reduce_min3A_1428 : i32 to vector<16xi32>
      %gt3A_1462 = arith.cmpi sgt, %add3A_1456, %gt3A_1461 : vector<16xi32>
      %and3A_1463 = arith.andi %eq3A_1460, %gt3A_1462 : vector<16xi1>
      %or3A_1464 = arith.ori %lt3A_1458, %and3A_1463 : vector<16xi1>
      %jit3A_1465 = arith.constant -3.000000e+38 : f32
      %broadcast_in_dim3A_1466 = vector.broadcast %jit3A_1465 : f32 to vector<16xf32>
      %select_n3A_1467 = arith.select %or3A_1464, %get3A_1452, %broadcast_in_dim3A_1466 : vector<16xi1>, vector<16xf32>
      %max3A_1468 = arith.maximumf %max3A_1448, %select_n3A_1467 : vector<16xf32>
      %add3A_1469 = arith.constant 32 : i32
      %add3A_1470 = arith.addi %mul3A_1364, %add3A_1469 : i32
      %get3A_1471 = arith.index_cast %add3A_1470 : i32 to index
      %get3A_1472 = tpu.vector_load %arg6[%get3A_1471] {strides = array<i32>} : memref<4096xf32, #tpu.memory_space<vmem>>, vector<16xf32>,
      %add3A_1473 = arith.constant 32 : i32
      %add3A_1474 = arith.addi %mul3A_1364, %add3A_1473 : i32
      %add3A_1475 = vector.broadcast %add3A_1474 : i32 to vector<16xi32>
      %add3A_1476 = arith.addi %add3A_1475, %iota3A : vector<16xi32>
      %lt3A_1477 = vector.broadcast %reduce_max3A_1415 : f32 to vector<16xf32>
      %lt3A_1478 = arith.cmpf olt, %get3A_1472, %lt3A_1477 : vector<16xf32>
      %eq3A_1479 = vector.broadcast %reduce_max3A_1415 : f32 to vector<16xf32>
      %eq3A_1480 = arith.cmpf oeq, %get3A_1472, %eq3A_1479 : vector<16xf32>
      %gt3A_1481 = vector.broadcast %reduce_min3A_1428 : i32 to vector<16xi32>
      %gt3A_1482 = arith.cmpi sgt, %add3A_1476, %gt3A_1481 : vector<16xi32>
      %and3A_1483 = arith.andi %eq3A_1480, %gt3A_1482 : vector<16xi1>
      %or3A_1484 = arith.ori %lt3A_1478, %and3A_1483 : vector<16xi1>
      %jit3A_1485 = arith.constant -3.000000e+38 : f32
      %broadcast_in_dim3A_1486 = vector.broadcast %jit3A_1485 : f32 to vector<16xf32>
      %select_n3A_1487 = arith.select %or3A_1484, %get3A_1472, %broadcast_in_dim3A_1486 : vector<16xi1>, vector<16xf32>
      %max3A_1488 = arith.maximumf %max3A_1468, %select_n3A_1487 : vector<16xf32>
      %add3A_1489 = arith.constant 48 : i32
      %add3A_1490 = arith.addi %mul3A_1364, %add3A_1489 : i32
      %get3A_1491 = arith.index_cast %add3A_1490 : i32 to index
      %get3A_1492 = tpu.vector_load %arg6[%get3A_1491] {strides = array<i32>} : memref<4096xf32, #tpu.memory_space<vmem>>, vector<16xf32>,
      %add3A_1493 = arith.constant 48 : i32
      %add3A_1494 = arith.addi %mul3A_1364, %add3A_1493 : i32
      %add3A_1495 = vector.broadcast %add3A_1494 : i32 to vector<16xi32>
      %add3A_1496 = arith.addi %add3A_1495, %iota3A : vector<16xi32>
      %lt3A_1497 = vector.broadcast %reduce_max3A_1415 : f32 to vector<16xf32>
      %lt3A_1498 = arith.cmpf olt, %get3A_1492, %lt3A_1497 : vector<16xf32>
      %eq3A_1499 = vector.broadcast %reduce_max3A_1415 : f32 to vector<16xf32>
      %eq3A_1500 = arith.cmpf oeq, %get3A_1492, %eq3A_1499 : vector<16xf32>
      %gt3A_1501 = vector.broadcast %reduce_min3A_1428 : i32 to vector<16xi32>
      %gt3A_1502 = arith.cmpi sgt, %add3A_1496, %gt3A_1501 : vector<16xi32>
      %and3A_1503 = arith.andi %eq3A_1500, %gt3A_1502 : vector<16xi1>
      %or3A_1504 = arith.ori %lt3A_1498, %and3A_1503 : vector<16xi1>
      %jit3A_1505 = arith.constant -3.000000e+38 : f32
      %broadcast_in_dim3A_1506 = vector.broadcast %jit3A_1505 : f32 to vector<16xf32>
      %select_n3A_1507 = arith.select %or3A_1504, %get3A_1492, %broadcast_in_dim3A_1506 : vector<16xi1>, vector<16xf32>
      %max3A_1508 = arith.maximumf %max3A_1488, %select_n3A_1507 : vector<16xf32>
      %reduce_max3A_1509 = arith.constant true
      %reduce_max3A_1510 = vector.broadcast %reduce_max3A_1509 : i1 to vector<16xi1>
      %reduce_max3A_1511 = tpu.scan <max>, %max3A_1508 masked %reduce_max3A_1510 : vector<16xf32>, vector<16xi1> -> vector<16xf32>
      %reduce_max3A_1512 = vector.extract %reduce_max3A_1511[15] : f32 from vector<16xf32>
      %jit3A_1513 = arith.constant 16 : i32
      %div3A = arith.divsi %min3A_1362, %jit3A_1513 : i32
      %sign3A = arith.constant 0 : i32
      %sign3A_1514 = arith.cmpi sgt, %min3A_1362, %sign3A : i32
      %sign3A_1515 = arith.extui %sign3A_1514 : i1 to i32
      %sign3A_1516 = arith.constant 0 : i32
      %sign3A_1517 = arith.cmpi slt, %min3A_1362, %sign3A_1516 : i32
      %sign3A_1518 = arith.extui %sign3A_1517 : i1 to i32
      %sign3A_1519 = arith.subi %sign3A_1515, %sign3A_1518 : i32
      %sign3A_1520 = arith.constant 0 : i32
      %sign3A_1521 = arith.cmpi sgt, %jit3A_1513, %sign3A_1520 : i32
      %sign3A_1522 = arith.extui %sign3A_1521 : i1 to i32
      %sign3A_1523 = arith.constant 0 : i32
      %sign3A_1524 = arith.cmpi slt, %jit3A_1513, %sign3A_1523 : i32
      %sign3A_1525 = arith.extui %sign3A_1524 : i1 to i32
      %sign3A_1526 = arith.subi %sign3A_1522, %sign3A_1525 : i32
      %ne3A = arith.cmpi ne, %sign3A_1519, %sign3A_1526 : i32
      %rem3A = arith.remsi %min3A_1362, %jit3A_1513 : i32
      %ne3A_1527 = arith.constant 0 : i32
      %ne3A_1528 = arith.cmpi ne, %rem3A, %ne3A_1527 : i32
      %and3A_1529 = arith.andi %ne3A, %ne3A_1528 : i1
      %sub3A = arith.constant 1 : i32
      %sub3A_1530 = arith.subi %div3A, %sub3A : i32
      %select_n3A_1531 = arith.select %and3A_1529, %sub3A_1530, %div3A : i32
      %jit3A_1532 = arith.constant 16 : i32
      %eq3A_1533 = arith.constant 0 : i32
      %eq3A_1534 = arith.cmpi eq, %jit3A_1532, %eq3A_1533 : i32
      %jit3A_1535 = arith.constant 1 : i32
      %select_n3A_1536 = arith.select %eq3A_1534, %jit3A_1535, %jit3A_1532 : i32
      %rem3A_1537 = arith.remsi %min3A_1362, %select_n3A_1536 : i32
      %ne3A_1538 = arith.constant 0 : i32
      %ne3A_1539 = arith.cmpi ne, %rem3A_1537, %ne3A_1538 : i32
      %lt3A_1540 = arith.constant 0 : i32
      %lt3A_1541 = arith.cmpi slt, %rem3A_1537, %lt3A_1540 : i32
      %lt3A_1542 = arith.constant 0 : i32
      %lt3A_1543 = arith.cmpi slt, %select_n3A_1536, %lt3A_1542 : i32
      %ne3A_1544 = arith.xori %lt3A_1541, %lt3A_1543 : i1
      %and3A_1545 = arith.andi %ne3A_1544, %ne3A_1539 : i1
      %add3A_1546 = arith.addi %rem3A_1537, %select_n3A_1536 : i32
      %select_n3A_1547 = arith.select %and3A_1545, %add3A_1546, %rem3A_1537 : i32
      %eq3A_1548 = arith.constant 0 : i32
      %eq3A_1549 = arith.cmpi eq, %select_n3A_1531, %eq3A_1548 : i32
      %eq3A_1550 = vector.broadcast %select_n3A_1547 : i32 to vector<16xi32>
      %eq3A_1551 = arith.cmpi eq, %iota3A, %eq3A_1550 : vector<16xi32>
      %and3A_1552 = vector.broadcast %eq3A_1549 : i1 to vector<16xi1>
      %and3A_1553 = arith.andi %and3A_1552, %eq3A_1551 : vector<16xi1>
      %broadcast_in_dim3A_1554 = vector.broadcast %reduce_max3A_1512 : f32 to vector<16xf32>
      %select_n3A_1555 = arith.select %and3A_1553, %broadcast_in_dim3A_1554, %select_n3A_323 : vector<16xi1>, vector<16xf32>
      %eq3A_1556 = arith.constant 1 : i32
      %eq3A_1557 = arith.cmpi eq, %select_n3A_1531, %eq3A_1556 : i32
      %eq3A_1558 = vector.broadcast %select_n3A_1547 : i32 to vector<16xi32>
      %eq3A_1559 = arith.cmpi eq, %iota3A, %eq3A_1558 : vector<16xi32>
      %and3A_1560 = vector.broadcast %eq3A_1557 : i1 to vector<16xi1>
      %and3A_1561 = arith.andi %and3A_1560, %eq3A_1559 : vector<16xi1>
      %broadcast_in_dim3A_1562 = vector.broadcast %reduce_max3A_1512 : f32 to vector<16xf32>
      %select_n3A_1563 = arith.select %and3A_1561, %broadcast_in_dim3A_1562, %select_n3A_645 : vector<16xi1>, vector<16xf32>
      %eq3A_1564 = arith.constant 2 : i32
      %eq3A_1565 = arith.cmpi eq, %select_n3A_1531, %eq3A_1564 : i32
      %eq3A_1566 = vector.broadcast %select_n3A_1547 : i32 to vector<16xi32>
      %eq3A_1567 = arith.cmpi eq, %iota3A, %eq3A_1566 : vector<16xi32>
      %and3A_1568 = vector.broadcast %eq3A_1565 : i1 to vector<16xi1>
      %and3A_1569 = arith.andi %and3A_1568, %eq3A_1567 : vector<16xi1>
      %broadcast_in_dim3A_1570 = vector.broadcast %reduce_max3A_1512 : f32 to vector<16xf32>
      %select_n3A_1571 = arith.select %and3A_1569, %broadcast_in_dim3A_1570, %select_n3A_967 : vector<16xi1>, vector<16xf32>
      %eq3A_1572 = arith.constant 3 : i32
      %eq3A_1573 = arith.cmpi eq, %select_n3A_1531, %eq3A_1572 : i32
      %eq3A_1574 = vector.broadcast %select_n3A_1547 : i32 to vector<16xi32>
      %eq3A_1575 = arith.cmpi eq, %iota3A, %eq3A_1574 : vector<16xi32>
      %and3A_1576 = vector.broadcast %eq3A_1573 : i1 to vector<16xi1>
      %and3A_1577 = arith.andi %and3A_1576, %eq3A_1575 : vector<16xi1>
      %broadcast_in_dim3A_1578 = vector.broadcast %reduce_max3A_1512 : f32 to vector<16xf32>
      %select_n3A_1579 = arith.select %and3A_1577, %broadcast_in_dim3A_1578, %select_n3A_1289 : vector<16xi1>, vector<16xf32>
      %max3A_1580 = arith.maximumf %select_n3A_1555, %select_n3A_1563 : vector<16xf32>
      %max3A_1581 = arith.maximumf %max3A_1580, %select_n3A_1571 : vector<16xf32>
      %max3A_1582 = arith.maximumf %max3A_1581, %select_n3A_1579 : vector<16xf32>
      %reduce_max3A_1583 = arith.constant true
      %reduce_max3A_1584 = vector.broadcast %reduce_max3A_1583 : i1 to vector<16xi1>
      %reduce_max3A_1585 = tpu.scan <max>, %max3A_1582 masked %reduce_max3A_1584 : vector<16xf32>, vector<16xi1> -> vector<16xf32>
      %reduce_max3A_1586 = vector.extract %reduce_max3A_1585[15] : f32 from vector<16xf32>
      %eq3A_1587 = vector.broadcast %reduce_max3A_1586 : f32 to vector<16xf32>
      %eq3A_1588 = arith.cmpf oeq, %select_n3A_1555, %eq3A_1587 : vector<16xf32>
      %add3A_1589 = arith.constant 0 : i32
      %add3A_1590 = vector.broadcast %add3A_1589 : i32 to vector<16xi32>
      %add3A_1591 = arith.addi %add3A_1590, %iota3A : vector<16xi32>
      %jit3A_1592 = arith.constant 1073741824 : i32
      %broadcast_in_dim3A_1593 = vector.broadcast %jit3A_1592 : i32 to vector<16xi32>
      %select_n3A_1594 = arith.select %eq3A_1588, %add3A_1591, %broadcast_in_dim3A_1593 : vector<16xi1>, vector<16xi32>
      %reduce_min3A_1595 = arith.constant true
      %reduce_min3A_1596 = vector.broadcast %reduce_min3A_1595 : i1 to vector<16xi1>
      %reduce_min3A_1597 = arith.constant -2147483648 : i32
      %reduce_min3A_1598 = vector.broadcast %reduce_min3A_1597 : i32 to vector<16xi32>
      %reduce_min3A_1599 = arith.xori %select_n3A_1594, %reduce_min3A_1598 : vector<16xi32>
      %reduce_min3A_1600 = tpu.scan <min>, %reduce_min3A_1599 masked %reduce_min3A_1596 : vector<16xi32>, vector<16xi1> -> vector<16xi32>
      %reduce_min3A_1601 = arith.xori %reduce_min3A_1600, %reduce_min3A_1598 : vector<16xi32>
      %reduce_min3A_1602 = vector.extract %reduce_min3A_1601[15] : i32 from vector<16xi32>
      %min3A_1603 = arith.constant 1073741824 : i32
      %min3A_1604 = arith.minsi %min3A_1603, %reduce_min3A_1602 : i32
      %eq3A_1605 = vector.broadcast %reduce_max3A_1586 : f32 to vector<16xf32>
      %eq3A_1606 = arith.cmpf oeq, %select_n3A_1563, %eq3A_1605 : vector<16xf32>
      %add3A_1607 = arith.constant 16 : i32
      %add3A_1608 = vector.broadcast %add3A_1607 : i32 to vector<16xi32>
      %add3A_1609 = arith.addi %add3A_1608, %iota3A : vector<16xi32>
      %jit3A_1610 = arith.constant 1073741824 : i32
      %broadcast_in_dim3A_1611 = vector.broadcast %jit3A_1610 : i32 to vector<16xi32>
      %select_n3A_1612 = arith.select %eq3A_1606, %add3A_1609, %broadcast_in_dim3A_1611 : vector<16xi1>, vector<16xi32>
      %reduce_min3A_1613 = arith.constant true
      %reduce_min3A_1614 = vector.broadcast %reduce_min3A_1613 : i1 to vector<16xi1>
      %reduce_min3A_1615 = arith.constant -2147483648 : i32
      %reduce_min3A_1616 = vector.broadcast %reduce_min3A_1615 : i32 to vector<16xi32>
      %reduce_min3A_1617 = arith.xori %select_n3A_1612, %reduce_min3A_1616 : vector<16xi32>
      %reduce_min3A_1618 = tpu.scan <min>, %reduce_min3A_1617 masked %reduce_min3A_1614 : vector<16xi32>, vector<16xi1> -> vector<16xi32>
      %reduce_min3A_1619 = arith.xori %reduce_min3A_1618, %reduce_min3A_1616 : vector<16xi32>
      %reduce_min3A_1620 = vector.extract %reduce_min3A_1619[15] : i32 from vector<16xi32>
      %min3A_1621 = arith.minsi %min3A_1604, %reduce_min3A_1620 : i32
      %eq3A_1622 = vector.broadcast %reduce_max3A_1586 : f32 to vector<16xf32>
      %eq3A_1623 = arith.cmpf oeq, %select_n3A_1571, %eq3A_1622 : vector<16xf32>
      %add3A_1624 = arith.constant 32 : i32
      %add3A_1625 = vector.broadcast %add3A_1624 : i32 to vector<16xi32>
      %add3A_1626 = arith.addi %add3A_1625, %iota3A : vector<16xi32>
      %jit3A_1627 = arith.constant 1073741824 : i32
      %broadcast_in_dim3A_1628 = vector.broadcast %jit3A_1627 : i32 to vector<16xi32>
      %select_n3A_1629 = arith.select %eq3A_1623, %add3A_1626, %broadcast_in_dim3A_1628 : vector<16xi1>, vector<16xi32>
      %reduce_min3A_1630 = arith.constant true
      %reduce_min3A_1631 = vector.broadcast %reduce_min3A_1630 : i1 to vector<16xi1>
      %reduce_min3A_1632 = arith.constant -2147483648 : i32
      %reduce_min3A_1633 = vector.broadcast %reduce_min3A_1632 : i32 to vector<16xi32>
      %reduce_min3A_1634 = arith.xori %select_n3A_1629, %reduce_min3A_1633 : vector<16xi32>
      %reduce_min3A_1635 = tpu.scan <min>, %reduce_min3A_1634 masked %reduce_min3A_1631 : vector<16xi32>, vector<16xi1> -> vector<16xi32>
      %reduce_min3A_1636 = arith.xori %reduce_min3A_1635, %reduce_min3A_1633 : vector<16xi32>
      %reduce_min3A_1637 = vector.extract %reduce_min3A_1636[15] : i32 from vector<16xi32>
      %min3A_1638 = arith.minsi %min3A_1621, %reduce_min3A_1637 : i32
      %eq3A_1639 = vector.broadcast %reduce_max3A_1586 : f32 to vector<16xf32>
      %eq3A_1640 = arith.cmpf oeq, %select_n3A_1579, %eq3A_1639 : vector<16xf32>
      %add3A_1641 = arith.constant 48 : i32
      %add3A_1642 = vector.broadcast %add3A_1641 : i32 to vector<16xi32>
      %add3A_1643 = arith.addi %add3A_1642, %iota3A : vector<16xi32>
      %jit3A_1644 = arith.constant 1073741824 : i32
      %broadcast_in_dim3A_1645 = vector.broadcast %jit3A_1644 : i32 to vector<16xi32>
      %select_n3A_1646 = arith.select %eq3A_1640, %add3A_1643, %broadcast_in_dim3A_1645 : vector<16xi1>, vector<16xi32>
      %reduce_min3A_1647 = arith.constant true
      %reduce_min3A_1648 = vector.broadcast %reduce_min3A_1647 : i1 to vector<16xi1>
      %reduce_min3A_1649 = arith.constant -2147483648 : i32
      %reduce_min3A_1650 = vector.broadcast %reduce_min3A_1649 : i32 to vector<16xi32>
      %reduce_min3A_1651 = arith.xori %select_n3A_1646, %reduce_min3A_1650 : vector<16xi32>
      %reduce_min3A_1652 = tpu.scan <min>, %reduce_min3A_1651 masked %reduce_min3A_1648 : vector<16xi32>, vector<16xi1> -> vector<16xi32>
      %reduce_min3A_1653 = arith.xori %reduce_min3A_1652, %reduce_min3A_1650 : vector<16xi32>
      %reduce_min3A_1654 = vector.extract %reduce_min3A_1653[15] : i32 from vector<16xi32>
      %min3A_1655 = arith.minsi %min3A_1638, %reduce_min3A_1654 : i32
      %mul3A_1656 = arith.constant 64 : i32
      %mul3A_1657 = arith.muli %min3A_1655, %mul3A_1656 : i32
      %broadcast_in_dim3A_1658 = arith.constant -3.000000e+38 : f32
      %broadcast_in_dim3A_1659 = vector.broadcast %broadcast_in_dim3A_1658 : f32 to vector<16xf32>
      %broadcast_in_dim3A_1660 = arith.constant 0 : i32
      %broadcast_in_dim3A_1661 = vector.broadcast %broadcast_in_dim3A_1660 : i32 to vector<16xi32>
      %add3A_1662 = arith.constant 0 : i32
      %add3A_1663 = arith.addi %mul3A_1657, %add3A_1662 : i32
      %get3A_1664 = arith.index_cast %add3A_1663 : i32 to index
      %get3A_1665 = tpu.vector_load %arg6[%get3A_1664] {strides = array<i32>} : memref<4096xf32, #tpu.memory_space<vmem>>, vector<16xf32>,
      %add3A_1666 = arith.constant 0 : i32
      %add3A_1667 = arith.addi %mul3A_1657, %add3A_1666 : i32
      %add3A_1668 = vector.broadcast %add3A_1667 : i32 to vector<16xi32>
      %add3A_1669 = arith.addi %add3A_1668, %iota3A : vector<16xi32>
      %lt3A_1670 = vector.broadcast %reduce_max3A_1415 : f32 to vector<16xf32>
      %lt3A_1671 = arith.cmpf olt, %get3A_1665, %lt3A_1670 : vector<16xf32>
      %eq3A_1672 = vector.broadcast %reduce_max3A_1415 : f32 to vector<16xf32>
      %eq3A_1673 = arith.cmpf oeq, %get3A_1665, %eq3A_1672 : vector<16xf32>
      %gt3A_1674 = vector.broadcast %reduce_min3A_1428 : i32 to vector<16xi32>
      %gt3A_1675 = arith.cmpi sgt, %add3A_1669, %gt3A_1674 : vector<16xi32>
      %and3A_1676 = arith.andi %eq3A_1673, %gt3A_1675 : vector<16xi1>
      %or3A_1677 = arith.ori %lt3A_1671, %and3A_1676 : vector<16xi1>
      %jit3A_1678 = arith.constant -3.000000e+38 : f32
      %broadcast_in_dim3A_1679 = vector.broadcast %jit3A_1678 : f32 to vector<16xf32>
      %select_n3A_1680 = arith.select %or3A_1677, %get3A_1665, %broadcast_in_dim3A_1679 : vector<16xi1>, vector<16xf32>
      %gt3A_1681 = arith.cmpf ogt, %select_n3A_1680, %broadcast_in_dim3A_1659 : vector<16xf32>
      %select_n3A_1682 = arith.select %gt3A_1681, %select_n3A_1680, %broadcast_in_dim3A_1659 : vector<16xi1>, vector<16xf32>
      %select_n3A_1683 = arith.select %gt3A_1681, %add3A_1669, %broadcast_in_dim3A_1661 : vector<16xi1>, vector<16xi32>
      %add3A_1684 = arith.constant 16 : i32
      %add3A_1685 = arith.addi %mul3A_1657, %add3A_1684 : i32
      %get3A_1686 = arith.index_cast %add3A_1685 : i32 to index
      %get3A_1687 = tpu.vector_load %arg6[%get3A_1686] {strides = array<i32>} : memref<4096xf32, #tpu.memory_space<vmem>>, vector<16xf32>,
      %add3A_1688 = arith.constant 16 : i32
      %add3A_1689 = arith.addi %mul3A_1657, %add3A_1688 : i32
      %add3A_1690 = vector.broadcast %add3A_1689 : i32 to vector<16xi32>
      %add3A_1691 = arith.addi %add3A_1690, %iota3A : vector<16xi32>
      %lt3A_1692 = vector.broadcast %reduce_max3A_1415 : f32 to vector<16xf32>
      %lt3A_1693 = arith.cmpf olt, %get3A_1687, %lt3A_1692 : vector<16xf32>
      %eq3A_1694 = vector.broadcast %reduce_max3A_1415 : f32 to vector<16xf32>
      %eq3A_1695 = arith.cmpf oeq, %get3A_1687, %eq3A_1694 : vector<16xf32>
      %gt3A_1696 = vector.broadcast %reduce_min3A_1428 : i32 to vector<16xi32>
      %gt3A_1697 = arith.cmpi sgt, %add3A_1691, %gt3A_1696 : vector<16xi32>
      %and3A_1698 = arith.andi %eq3A_1695, %gt3A_1697 : vector<16xi1>
      %or3A_1699 = arith.ori %lt3A_1693, %and3A_1698 : vector<16xi1>
      %jit3A_1700 = arith.constant -3.000000e+38 : f32
      %broadcast_in_dim3A_1701 = vector.broadcast %jit3A_1700 : f32 to vector<16xf32>
      %select_n3A_1702 = arith.select %or3A_1699, %get3A_1687, %broadcast_in_dim3A_1701 : vector<16xi1>, vector<16xf32>
      %gt3A_1703 = arith.cmpf ogt, %select_n3A_1702, %select_n3A_1682 : vector<16xf32>
      %select_n3A_1704 = arith.select %gt3A_1703, %select_n3A_1702, %select_n3A_1682 : vector<16xi1>, vector<16xf32>
      %select_n3A_1705 = arith.select %gt3A_1703, %add3A_1691, %select_n3A_1683 : vector<16xi1>, vector<16xi32>
      %add3A_1706 = arith.constant 32 : i32
      %add3A_1707 = arith.addi %mul3A_1657, %add3A_1706 : i32
      %get3A_1708 = arith.index_cast %add3A_1707 : i32 to index
      %get3A_1709 = tpu.vector_load %arg6[%get3A_1708] {strides = array<i32>} : memref<4096xf32, #tpu.memory_space<vmem>>, vector<16xf32>,
      %add3A_1710 = arith.constant 32 : i32
      %add3A_1711 = arith.addi %mul3A_1657, %add3A_1710 : i32
      %add3A_1712 = vector.broadcast %add3A_1711 : i32 to vector<16xi32>
      %add3A_1713 = arith.addi %add3A_1712, %iota3A : vector<16xi32>
      %lt3A_1714 = vector.broadcast %reduce_max3A_1415 : f32 to vector<16xf32>
      %lt3A_1715 = arith.cmpf olt, %get3A_1709, %lt3A_1714 : vector<16xf32>
      %eq3A_1716 = vector.broadcast %reduce_max3A_1415 : f32 to vector<16xf32>
      %eq3A_1717 = arith.cmpf oeq, %get3A_1709, %eq3A_1716 : vector<16xf32>
      %gt3A_1718 = vector.broadcast %reduce_min3A_1428 : i32 to vector<16xi32>
      %gt3A_1719 = arith.cmpi sgt, %add3A_1713, %gt3A_1718 : vector<16xi32>
      %and3A_1720 = arith.andi %eq3A_1717, %gt3A_1719 : vector<16xi1>
      %or3A_1721 = arith.ori %lt3A_1715, %and3A_1720 : vector<16xi1>
      %jit3A_1722 = arith.constant -3.000000e+38 : f32
      %broadcast_in_dim3A_1723 = vector.broadcast %jit3A_1722 : f32 to vector<16xf32>
      %select_n3A_1724 = arith.select %or3A_1721, %get3A_1709, %broadcast_in_dim3A_1723 : vector<16xi1>, vector<16xf32>
      %gt3A_1725 = arith.cmpf ogt, %select_n3A_1724, %select_n3A_1704 : vector<16xf32>
      %select_n3A_1726 = arith.select %gt3A_1725, %select_n3A_1724, %select_n3A_1704 : vector<16xi1>, vector<16xf32>
      %select_n3A_1727 = arith.select %gt3A_1725, %add3A_1713, %select_n3A_1705 : vector<16xi1>, vector<16xi32>
      %add3A_1728 = arith.constant 48 : i32
      %add3A_1729 = arith.addi %mul3A_1657, %add3A_1728 : i32
      %get3A_1730 = arith.index_cast %add3A_1729 : i32 to index
      %get3A_1731 = tpu.vector_load %arg6[%get3A_1730] {strides = array<i32>} : memref<4096xf32, #tpu.memory_space<vmem>>, vector<16xf32>,
      %add3A_1732 = arith.constant 48 : i32
      %add3A_1733 = arith.addi %mul3A_1657, %add3A_1732 : i32
      %add3A_1734 = vector.broadcast %add3A_1733 : i32 to vector<16xi32>
      %add3A_1735 = arith.addi %add3A_1734, %iota3A : vector<16xi32>
      %lt3A_1736 = vector.broadcast %reduce_max3A_1415 : f32 to vector<16xf32>
      %lt3A_1737 = arith.cmpf olt, %get3A_1731, %lt3A_1736 : vector<16xf32>
      %eq3A_1738 = vector.broadcast %reduce_max3A_1415 : f32 to vector<16xf32>
      %eq3A_1739 = arith.cmpf oeq, %get3A_1731, %eq3A_1738 : vector<16xf32>
      %gt3A_1740 = vector.broadcast %reduce_min3A_1428 : i32 to vector<16xi32>
      %gt3A_1741 = arith.cmpi sgt, %add3A_1735, %gt3A_1740 : vector<16xi32>
      %and3A_1742 = arith.andi %eq3A_1739, %gt3A_1741 : vector<16xi1>
      %or3A_1743 = arith.ori %lt3A_1737, %and3A_1742 : vector<16xi1>
      %jit3A_1744 = arith.constant -3.000000e+38 : f32
      %broadcast_in_dim3A_1745 = vector.broadcast %jit3A_1744 : f32 to vector<16xf32>
      %select_n3A_1746 = arith.select %or3A_1743, %get3A_1731, %broadcast_in_dim3A_1745 : vector<16xi1>, vector<16xf32>
      %gt3A_1747 = arith.cmpf ogt, %select_n3A_1746, %select_n3A_1726 : vector<16xf32>
      %select_n3A_1748 = arith.select %gt3A_1747, %select_n3A_1746, %select_n3A_1726 : vector<16xi1>, vector<16xf32>
      %select_n3A_1749 = arith.select %gt3A_1747, %add3A_1735, %select_n3A_1727 : vector<16xi1>, vector<16xi32>
      %reduce_max3A_1750 = arith.constant true
      %reduce_max3A_1751 = vector.broadcast %reduce_max3A_1750 : i1 to vector<16xi1>
      %reduce_max3A_1752 = tpu.scan <max>, %select_n3A_1748 masked %reduce_max3A_1751 : vector<16xf32>, vector<16xi1> -> vector<16xf32>
      %reduce_max3A_1753 = vector.extract %reduce_max3A_1752[15] : f32 from vector<16xf32>
      %eq3A_1754 = vector.broadcast %reduce_max3A_1753 : f32 to vector<16xf32>
      %eq3A_1755 = arith.cmpf oeq, %select_n3A_1748, %eq3A_1754 : vector<16xf32>
      %jit3A_1756 = arith.constant 1073741824 : i32
      %broadcast_in_dim3A_1757 = vector.broadcast %jit3A_1756 : i32 to vector<16xi32>
      %select_n3A_1758 = arith.select %eq3A_1755, %select_n3A_1749, %broadcast_in_dim3A_1757 : vector<16xi1>, vector<16xi32>
      %reduce_min3A_1759 = arith.constant true
      %reduce_min3A_1760 = vector.broadcast %reduce_min3A_1759 : i1 to vector<16xi1>
      %reduce_min3A_1761 = arith.constant -2147483648 : i32
      %reduce_min3A_1762 = vector.broadcast %reduce_min3A_1761 : i32 to vector<16xi32>
      %reduce_min3A_1763 = arith.xori %select_n3A_1758, %reduce_min3A_1762 : vector<16xi32>
      %reduce_min3A_1764 = tpu.scan <min>, %reduce_min3A_1763 masked %reduce_min3A_1760 : vector<16xi32>, vector<16xi1> -> vector<16xi32>
      %reduce_min3A_1765 = arith.xori %reduce_min3A_1764, %reduce_min3A_1762 : vector<16xi32>
      %reduce_min3A_1766 = vector.extract %reduce_min3A_1765[15] : i32 from vector<16xi32>
      %broadcast_in_dim3A_1767 = arith.constant -3.000000e+38 : f32
      %broadcast_in_dim3A_1768 = vector.broadcast %broadcast_in_dim3A_1767 : f32 to vector<16xf32>
      %add3A_1769 = arith.constant 0 : i32
      %add3A_1770 = arith.addi %mul3A_1657, %add3A_1769 : i32
      %get3A_1771 = arith.index_cast %add3A_1770 : i32 to index
      %get3A_1772 = tpu.vector_load %arg6[%get3A_1771] {strides = array<i32>} : memref<4096xf32, #tpu.memory_space<vmem>>, vector<16xf32>,
      %add3A_1773 = arith.constant 0 : i32
      %add3A_1774 = arith.addi %mul3A_1657, %add3A_1773 : i32
      %add3A_1775 = vector.broadcast %add3A_1774 : i32 to vector<16xi32>
      %add3A_1776 = arith.addi %add3A_1775, %iota3A : vector<16xi32>
      %lt3A_1777 = vector.broadcast %reduce_max3A_1753 : f32 to vector<16xf32>
      %lt3A_1778 = arith.cmpf olt, %get3A_1772, %lt3A_1777 : vector<16xf32>
      %eq3A_1779 = vector.broadcast %reduce_max3A_1753 : f32 to vector<16xf32>
      %eq3A_1780 = arith.cmpf oeq, %get3A_1772, %eq3A_1779 : vector<16xf32>
      %gt3A_1781 = vector.broadcast %reduce_min3A_1766 : i32 to vector<16xi32>
      %gt3A_1782 = arith.cmpi sgt, %add3A_1776, %gt3A_1781 : vector<16xi32>
      %and3A_1783 = arith.andi %eq3A_1780, %gt3A_1782 : vector<16xi1>
      %or3A_1784 = arith.ori %lt3A_1778, %and3A_1783 : vector<16xi1>
      %jit3A_1785 = arith.constant -3.000000e+38 : f32
      %broadcast_in_dim3A_1786 = vector.broadcast %jit3A_1785 : f32 to vector<16xf32>
      %select_n3A_1787 = arith.select %or3A_1784, %get3A_1772, %broadcast_in_dim3A_1786 : vector<16xi1>, vector<16xf32>
      %max3A_1788 = arith.maximumf %broadcast_in_dim3A_1768, %select_n3A_1787 : vector<16xf32>
      %add3A_1789 = arith.constant 16 : i32
      %add3A_1790 = arith.addi %mul3A_1657, %add3A_1789 : i32
      %get3A_1791 = arith.index_cast %add3A_1790 : i32 to index
      %get3A_1792 = tpu.vector_load %arg6[%get3A_1791] {strides = array<i32>} : memref<4096xf32, #tpu.memory_space<vmem>>, vector<16xf32>,
      %add3A_1793 = arith.constant 16 : i32
      %add3A_1794 = arith.addi %mul3A_1657, %add3A_1793 : i32
      %add3A_1795 = vector.broadcast %add3A_1794 : i32 to vector<16xi32>
      %add3A_1796 = arith.addi %add3A_1795, %iota3A : vector<16xi32>
      %lt3A_1797 = vector.broadcast %reduce_max3A_1753 : f32 to vector<16xf32>
      %lt3A_1798 = arith.cmpf olt, %get3A_1792, %lt3A_1797 : vector<16xf32>
      %eq3A_1799 = vector.broadcast %reduce_max3A_1753 : f32 to vector<16xf32>
      %eq3A_1800 = arith.cmpf oeq, %get3A_1792, %eq3A_1799 : vector<16xf32>
      %gt3A_1801 = vector.broadcast %reduce_min3A_1766 : i32 to vector<16xi32>
      %gt3A_1802 = arith.cmpi sgt, %add3A_1796, %gt3A_1801 : vector<16xi32>
      %and3A_1803 = arith.andi %eq3A_1800, %gt3A_1802 : vector<16xi1>
      %or3A_1804 = arith.ori %lt3A_1798, %and3A_1803 : vector<16xi1>
      %jit3A_1805 = arith.constant -3.000000e+38 : f32
      %broadcast_in_dim3A_1806 = vector.broadcast %jit3A_1805 : f32 to vector<16xf32>
      %select_n3A_1807 = arith.select %or3A_1804, %get3A_1792, %broadcast_in_dim3A_1806 : vector<16xi1>, vector<16xf32>
      %max3A_1808 = arith.maximumf %max3A_1788, %select_n3A_1807 : vector<16xf32>
      %add3A_1809 = arith.constant 32 : i32
      %add3A_1810 = arith.addi %mul3A_1657, %add3A_1809 : i32
      %get3A_1811 = arith.index_cast %add3A_1810 : i32 to index
      %get3A_1812 = tpu.vector_load %arg6[%get3A_1811] {strides = array<i32>} : memref<4096xf32, #tpu.memory_space<vmem>>, vector<16xf32>,
      %add3A_1813 = arith.constant 32 : i32
      %add3A_1814 = arith.addi %mul3A_1657, %add3A_1813 : i32
      %add3A_1815 = vector.broadcast %add3A_1814 : i32 to vector<16xi32>
      %add3A_1816 = arith.addi %add3A_1815, %iota3A : vector<16xi32>
      %lt3A_1817 = vector.broadcast %reduce_max3A_1753 : f32 to vector<16xf32>
      %lt3A_1818 = arith.cmpf olt, %get3A_1812, %lt3A_1817 : vector<16xf32>
      %eq3A_1819 = vector.broadcast %reduce_max3A_1753 : f32 to vector<16xf32>
      %eq3A_1820 = arith.cmpf oeq, %get3A_1812, %eq3A_1819 : vector<16xf32>
      %gt3A_1821 = vector.broadcast %reduce_min3A_1766 : i32 to vector<16xi32>
      %gt3A_1822 = arith.cmpi sgt, %add3A_1816, %gt3A_1821 : vector<16xi32>
      %and3A_1823 = arith.andi %eq3A_1820, %gt3A_1822 : vector<16xi1>
      %or3A_1824 = arith.ori %lt3A_1818, %and3A_1823 : vector<16xi1>
      %jit3A_1825 = arith.constant -3.000000e+38 : f32
      %broadcast_in_dim3A_1826 = vector.broadcast %jit3A_1825 : f32 to vector<16xf32>
      %select_n3A_1827 = arith.select %or3A_1824, %get3A_1812, %broadcast_in_dim3A_1826 : vector<16xi1>, vector<16xf32>
      %max3A_1828 = arith.maximumf %max3A_1808, %select_n3A_1827 : vector<16xf32>
      %add3A_1829 = arith.constant 48 : i32
      %add3A_1830 = arith.addi %mul3A_1657, %add3A_1829 : i32
      %get3A_1831 = arith.index_cast %add3A_1830 : i32 to index
      %get3A_1832 = tpu.vector_load %arg6[%get3A_1831] {strides = array<i32>} : memref<4096xf32, #tpu.memory_space<vmem>>, vector<16xf32>,
      %add3A_1833 = arith.constant 48 : i32
      %add3A_1834 = arith.addi %mul3A_1657, %add3A_1833 : i32
      %add3A_1835 = vector.broadcast %add3A_1834 : i32 to vector<16xi32>
      %add3A_1836 = arith.addi %add3A_1835, %iota3A : vector<16xi32>
      %lt3A_1837 = vector.broadcast %reduce_max3A_1753 : f32 to vector<16xf32>
      %lt3A_1838 = arith.cmpf olt, %get3A_1832, %lt3A_1837 : vector<16xf32>
      %eq3A_1839 = vector.broadcast %reduce_max3A_1753 : f32 to vector<16xf32>
      %eq3A_1840 = arith.cmpf oeq, %get3A_1832, %eq3A_1839 : vector<16xf32>
      %gt3A_1841 = vector.broadcast %reduce_min3A_1766 : i32 to vector<16xi32>
      %gt3A_1842 = arith.cmpi sgt, %add3A_1836, %gt3A_1841 : vector<16xi32>
      %and3A_1843 = arith.andi %eq3A_1840, %gt3A_1842 : vector<16xi1>
      %or3A_1844 = arith.ori %lt3A_1838, %and3A_1843 : vector<16xi1>
      %jit3A_1845 = arith.constant -3.000000e+38 : f32
      %broadcast_in_dim3A_1846 = vector.broadcast %jit3A_1845 : f32 to vector<16xf32>
      %select_n3A_1847 = arith.select %or3A_1844, %get3A_1832, %broadcast_in_dim3A_1846 : vector<16xi1>, vector<16xf32>
      %max3A_1848 = arith.maximumf %max3A_1828, %select_n3A_1847 : vector<16xf32>
      %reduce_max3A_1849 = arith.constant true
      %reduce_max3A_1850 = vector.broadcast %reduce_max3A_1849 : i1 to vector<16xi1>
      %reduce_max3A_1851 = tpu.scan <max>, %max3A_1848 masked %reduce_max3A_1850 : vector<16xf32>, vector<16xi1> -> vector<16xf32>
      %reduce_max3A_1852 = vector.extract %reduce_max3A_1851[15] : f32 from vector<16xf32>
      %jit3A_1853 = arith.constant 16 : i32
      %div3A_1854 = arith.divsi %min3A_1655, %jit3A_1853 : i32
      %sign3A_1855 = arith.constant 0 : i32
      %sign3A_1856 = arith.cmpi sgt, %min3A_1655, %sign3A_1855 : i32
      %sign3A_1857 = arith.extui %sign3A_1856 : i1 to i32
      %sign3A_1858 = arith.constant 0 : i32
      %sign3A_1859 = arith.cmpi slt, %min3A_1655, %sign3A_1858 : i32
      %sign3A_1860 = arith.extui %sign3A_1859 : i1 to i32
      %sign3A_1861 = arith.subi %sign3A_1857, %sign3A_1860 : i32
      %sign3A_1862 = arith.constant 0 : i32
      %sign3A_1863 = arith.cmpi sgt, %jit3A_1853, %sign3A_1862 : i32
      %sign3A_1864 = arith.extui %sign3A_1863 : i1 to i32
      %sign3A_1865 = arith.constant 0 : i32
      %sign3A_1866 = arith.cmpi slt, %jit3A_1853, %sign3A_1865 : i32
      %sign3A_1867 = arith.extui %sign3A_1866 : i1 to i32
      %sign3A_1868 = arith.subi %sign3A_1864, %sign3A_1867 : i32
      %ne3A_1869 = arith.cmpi ne, %sign3A_1861, %sign3A_1868 : i32
      %rem3A_1870 = arith.remsi %min3A_1655, %jit3A_1853 : i32
      %ne3A_1871 = arith.constant 0 : i32
      %ne3A_1872 = arith.cmpi ne, %rem3A_1870, %ne3A_1871 : i32
      %and3A_1873 = arith.andi %ne3A_1869, %ne3A_1872 : i1
      %sub3A_1874 = arith.constant 1 : i32
      %sub3A_1875 = arith.subi %div3A_1854, %sub3A_1874 : i32
      %select_n3A_1876 = arith.select %and3A_1873, %sub3A_1875, %div3A_1854 : i32
      %jit3A_1877 = arith.constant 16 : i32
      %eq3A_1878 = arith.constant 0 : i32
      %eq3A_1879 = arith.cmpi eq, %jit3A_1877, %eq3A_1878 : i32
      %jit3A_1880 = arith.constant 1 : i32
      %select_n3A_1881 = arith.select %eq3A_1879, %jit3A_1880, %jit3A_1877 : i32
      %rem3A_1882 = arith.remsi %min3A_1655, %select_n3A_1881 : i32
      %ne3A_1883 = arith.constant 0 : i32
      %ne3A_1884 = arith.cmpi ne, %rem3A_1882, %ne3A_1883 : i32
      %lt3A_1885 = arith.constant 0 : i32
      %lt3A_1886 = arith.cmpi slt, %rem3A_1882, %lt3A_1885 : i32
      %lt3A_1887 = arith.constant 0 : i32
      %lt3A_1888 = arith.cmpi slt, %select_n3A_1881, %lt3A_1887 : i32
      %ne3A_1889 = arith.xori %lt3A_1886, %lt3A_1888 : i1
      %and3A_1890 = arith.andi %ne3A_1889, %ne3A_1884 : i1
      %add3A_1891 = arith.addi %rem3A_1882, %select_n3A_1881 : i32
      %select_n3A_1892 = arith.select %and3A_1890, %add3A_1891, %rem3A_1882 : i32
      %eq3A_1893 = arith.constant 0 : i32
      %eq3A_1894 = arith.cmpi eq, %select_n3A_1876, %eq3A_1893 : i32
      %eq3A_1895 = vector.broadcast %select_n3A_1892 : i32 to vector<16xi32>
      %eq3A_1896 = arith.cmpi eq, %iota3A, %eq3A_1895 : vector<16xi32>
      %and3A_1897 = vector.broadcast %eq3A_1894 : i1 to vector<16xi1>
      %and3A_1898 = arith.andi %and3A_1897, %eq3A_1896 : vector<16xi1>
      %broadcast_in_dim3A_1899 = vector.broadcast %reduce_max3A_1852 : f32 to vector<16xf32>
      %select_n3A_1900 = arith.select %and3A_1898, %broadcast_in_dim3A_1899, %select_n3A_1555 : vector<16xi1>, vector<16xf32>
      %eq3A_1901 = arith.constant 1 : i32
      %eq3A_1902 = arith.cmpi eq, %select_n3A_1876, %eq3A_1901 : i32
      %eq3A_1903 = vector.broadcast %select_n3A_1892 : i32 to vector<16xi32>
      %eq3A_1904 = arith.cmpi eq, %iota3A, %eq3A_1903 : vector<16xi32>
      %and3A_1905 = vector.broadcast %eq3A_1902 : i1 to vector<16xi1>
      %and3A_1906 = arith.andi %and3A_1905, %eq3A_1904 : vector<16xi1>
      %broadcast_in_dim3A_1907 = vector.broadcast %reduce_max3A_1852 : f32 to vector<16xf32>
      %select_n3A_1908 = arith.select %and3A_1906, %broadcast_in_dim3A_1907, %select_n3A_1563 : vector<16xi1>, vector<16xf32>
      %eq3A_1909 = arith.constant 2 : i32
      %eq3A_1910 = arith.cmpi eq, %select_n3A_1876, %eq3A_1909 : i32
      %eq3A_1911 = vector.broadcast %select_n3A_1892 : i32 to vector<16xi32>
      %eq3A_1912 = arith.cmpi eq, %iota3A, %eq3A_1911 : vector<16xi32>
      %and3A_1913 = vector.broadcast %eq3A_1910 : i1 to vector<16xi1>
      %and3A_1914 = arith.andi %and3A_1913, %eq3A_1912 : vector<16xi1>
      %broadcast_in_dim3A_1915 = vector.broadcast %reduce_max3A_1852 : f32 to vector<16xf32>
      %select_n3A_1916 = arith.select %and3A_1914, %broadcast_in_dim3A_1915, %select_n3A_1571 : vector<16xi1>, vector<16xf32>
      %eq3A_1917 = arith.constant 3 : i32
      %eq3A_1918 = arith.cmpi eq, %select_n3A_1876, %eq3A_1917 : i32
      %eq3A_1919 = vector.broadcast %select_n3A_1892 : i32 to vector<16xi32>
      %eq3A_1920 = arith.cmpi eq, %iota3A, %eq3A_1919 : vector<16xi32>
      %and3A_1921 = vector.broadcast %eq3A_1918 : i1 to vector<16xi1>
      %and3A_1922 = arith.andi %and3A_1921, %eq3A_1920 : vector<16xi1>
      %broadcast_in_dim3A_1923 = vector.broadcast %reduce_max3A_1852 : f32 to vector<16xf32>
      %select_n3A_1924 = arith.select %and3A_1922, %broadcast_in_dim3A_1923, %select_n3A_1579 : vector<16xi1>, vector<16xf32>
      %max3A_1925 = arith.maximumf %select_n3A_1900, %select_n3A_1908 : vector<16xf32>
      %max3A_1926 = arith.maximumf %max3A_1925, %select_n3A_1916 : vector<16xf32>
      %max3A_1927 = arith.maximumf %max3A_1926, %select_n3A_1924 : vector<16xf32>
      %reduce_max3A_1928 = arith.constant true
      %reduce_max3A_1929 = vector.broadcast %reduce_max3A_1928 : i1 to vector<16xi1>
      %reduce_max3A_1930 = tpu.scan <max>, %max3A_1927 masked %reduce_max3A_1929 : vector<16xf32>, vector<16xi1> -> vector<16xf32>
      %reduce_max3A_1931 = vector.extract %reduce_max3A_1930[15] : f32 from vector<16xf32>
      %eq3A_1932 = vector.broadcast %reduce_max3A_1931 : f32 to vector<16xf32>
      %eq3A_1933 = arith.cmpf oeq, %select_n3A_1900, %eq3A_1932 : vector<16xf32>
      %add3A_1934 = arith.constant 0 : i32
      %add3A_1935 = vector.broadcast %add3A_1934 : i32 to vector<16xi32>
      %add3A_1936 = arith.addi %add3A_1935, %iota3A : vector<16xi32>
      %jit3A_1937 = arith.constant 1073741824 : i32
      %broadcast_in_dim3A_1938 = vector.broadcast %jit3A_1937 : i32 to vector<16xi32>
      %select_n3A_1939 = arith.select %eq3A_1933, %add3A_1936, %broadcast_in_dim3A_1938 : vector<16xi1>, vector<16xi32>
      %reduce_min3A_1940 = arith.constant true
      %reduce_min3A_1941 = vector.broadcast %reduce_min3A_1940 : i1 to vector<16xi1>
      %reduce_min3A_1942 = arith.constant -2147483648 : i32
      %reduce_min3A_1943 = vector.broadcast %reduce_min3A_1942 : i32 to vector<16xi32>
      %reduce_min3A_1944 = arith.xori %select_n3A_1939, %reduce_min3A_1943 : vector<16xi32>
      %reduce_min3A_1945 = tpu.scan <min>, %reduce_min3A_1944 masked %reduce_min3A_1941 : vector<16xi32>, vector<16xi1> -> vector<16xi32>
      %reduce_min3A_1946 = arith.xori %reduce_min3A_1945, %reduce_min3A_1943 : vector<16xi32>
      %reduce_min3A_1947 = vector.extract %reduce_min3A_1946[15] : i32 from vector<16xi32>
      %min3A_1948 = arith.constant 1073741824 : i32
      %min3A_1949 = arith.minsi %min3A_1948, %reduce_min3A_1947 : i32
      %eq3A_1950 = vector.broadcast %reduce_max3A_1931 : f32 to vector<16xf32>
      %eq3A_1951 = arith.cmpf oeq, %select_n3A_1908, %eq3A_1950 : vector<16xf32>
      %add3A_1952 = arith.constant 16 : i32
      %add3A_1953 = vector.broadcast %add3A_1952 : i32 to vector<16xi32>
      %add3A_1954 = arith.addi %add3A_1953, %iota3A : vector<16xi32>
      %jit3A_1955 = arith.constant 1073741824 : i32
      %broadcast_in_dim3A_1956 = vector.broadcast %jit3A_1955 : i32 to vector<16xi32>
      %select_n3A_1957 = arith.select %eq3A_1951, %add3A_1954, %broadcast_in_dim3A_1956 : vector<16xi1>, vector<16xi32>
      %reduce_min3A_1958 = arith.constant true
      %reduce_min3A_1959 = vector.broadcast %reduce_min3A_1958 : i1 to vector<16xi1>
      %reduce_min3A_1960 = arith.constant -2147483648 : i32
      %reduce_min3A_1961 = vector.broadcast %reduce_min3A_1960 : i32 to vector<16xi32>
      %reduce_min3A_1962 = arith.xori %select_n3A_1957, %reduce_min3A_1961 : vector<16xi32>
      %reduce_min3A_1963 = tpu.scan <min>, %reduce_min3A_1962 masked %reduce_min3A_1959 : vector<16xi32>, vector<16xi1> -> vector<16xi32>
      %reduce_min3A_1964 = arith.xori %reduce_min3A_1963, %reduce_min3A_1961 : vector<16xi32>
      %reduce_min3A_1965 = vector.extract %reduce_min3A_1964[15] : i32 from vector<16xi32>
      %min3A_1966 = arith.minsi %min3A_1949, %reduce_min3A_1965 : i32
      %eq3A_1967 = vector.broadcast %reduce_max3A_1931 : f32 to vector<16xf32>
      %eq3A_1968 = arith.cmpf oeq, %select_n3A_1916, %eq3A_1967 : vector<16xf32>
      %add3A_1969 = arith.constant 32 : i32
      %add3A_1970 = vector.broadcast %add3A_1969 : i32 to vector<16xi32>
      %add3A_1971 = arith.addi %add3A_1970, %iota3A : vector<16xi32>
      %jit3A_1972 = arith.constant 1073741824 : i32
      %broadcast_in_dim3A_1973 = vector.broadcast %jit3A_1972 : i32 to vector<16xi32>
      %select_n3A_1974 = arith.select %eq3A_1968, %add3A_1971, %broadcast_in_dim3A_1973 : vector<16xi1>, vector<16xi32>
      %reduce_min3A_1975 = arith.constant true
      %reduce_min3A_1976 = vector.broadcast %reduce_min3A_1975 : i1 to vector<16xi1>
      %reduce_min3A_1977 = arith.constant -2147483648 : i32
      %reduce_min3A_1978 = vector.broadcast %reduce_min3A_1977 : i32 to vector<16xi32>
      %reduce_min3A_1979 = arith.xori %select_n3A_1974, %reduce_min3A_1978 : vector<16xi32>
      %reduce_min3A_1980 = tpu.scan <min>, %reduce_min3A_1979 masked %reduce_min3A_1976 : vector<16xi32>, vector<16xi1> -> vector<16xi32>
      %reduce_min3A_1981 = arith.xori %reduce_min3A_1980, %reduce_min3A_1978 : vector<16xi32>
      %reduce_min3A_1982 = vector.extract %reduce_min3A_1981[15] : i32 from vector<16xi32>
      %min3A_1983 = arith.minsi %min3A_1966, %reduce_min3A_1982 : i32
      %eq3A_1984 = vector.broadcast %reduce_max3A_1931 : f32 to vector<16xf32>
      %eq3A_1985 = arith.cmpf oeq, %select_n3A_1924, %eq3A_1984 : vector<16xf32>
      %add3A_1986 = arith.constant 48 : i32
      %add3A_1987 = vector.broadcast %add3A_1986 : i32 to vector<16xi32>
      %add3A_1988 = arith.addi %add3A_1987, %iota3A : vector<16xi32>
      %jit3A_1989 = arith.constant 1073741824 : i32
      %broadcast_in_dim3A_1990 = vector.broadcast %jit3A_1989 : i32 to vector<16xi32>
      %select_n3A_1991 = arith.select %eq3A_1985, %add3A_1988, %broadcast_in_dim3A_1990 : vector<16xi1>, vector<16xi32>
      %reduce_min3A_1992 = arith.constant true
      %reduce_min3A_1993 = vector.broadcast %reduce_min3A_1992 : i1 to vector<16xi1>
      %reduce_min3A_1994 = arith.constant -2147483648 : i32
      %reduce_min3A_1995 = vector.broadcast %reduce_min3A_1994 : i32 to vector<16xi32>
      %reduce_min3A_1996 = arith.xori %select_n3A_1991, %reduce_min3A_1995 : vector<16xi32>
      %reduce_min3A_1997 = tpu.scan <min>, %reduce_min3A_1996 masked %reduce_min3A_1993 : vector<16xi32>, vector<16xi1> -> vector<16xi32>
      %reduce_min3A_1998 = arith.xori %reduce_min3A_1997, %reduce_min3A_1995 : vector<16xi32>
      %reduce_min3A_1999 = vector.extract %reduce_min3A_1998[15] : i32 from vector<16xi32>
      %min3A_2000 = arith.minsi %min3A_1983, %reduce_min3A_1999 : i32
      %mul3A_2001 = arith.constant 64 : i32
      %mul3A_2002 = arith.muli %min3A_2000, %mul3A_2001 : i32
      %broadcast_in_dim3A_2003 = arith.constant -3.000000e+38 : f32
      %broadcast_in_dim3A_2004 = vector.broadcast %broadcast_in_dim3A_2003 : f32 to vector<16xf32>
      %broadcast_in_dim3A_2005 = arith.constant 0 : i32
      %broadcast_in_dim3A_2006 = vector.broadcast %broadcast_in_dim3A_2005 : i32 to vector<16xi32>
      %add3A_2007 = arith.constant 0 : i32
      %add3A_2008 = arith.addi %mul3A_2002, %add3A_2007 : i32
      %get3A_2009 = arith.index_cast %add3A_2008 : i32 to index
      %get3A_2010 = tpu.vector_load %arg6[%get3A_2009] {strides = array<i32>} : memref<4096xf32, #tpu.memory_space<vmem>>, vector<16xf32>,
      %add3A_2011 = arith.constant 0 : i32
      %add3A_2012 = arith.addi %mul3A_2002, %add3A_2011 : i32
      %add3A_2013 = vector.broadcast %add3A_2012 : i32 to vector<16xi32>
      %add3A_2014 = arith.addi %add3A_2013, %iota3A : vector<16xi32>
      %lt3A_2015 = vector.broadcast %reduce_max3A_1753 : f32 to vector<16xf32>
      %lt3A_2016 = arith.cmpf olt, %get3A_2010, %lt3A_2015 : vector<16xf32>
      %eq3A_2017 = vector.broadcast %reduce_max3A_1753 : f32 to vector<16xf32>
      %eq3A_2018 = arith.cmpf oeq, %get3A_2010, %eq3A_2017 : vector<16xf32>
      %gt3A_2019 = vector.broadcast %reduce_min3A_1766 : i32 to vector<16xi32>
      %gt3A_2020 = arith.cmpi sgt, %add3A_2014, %gt3A_2019 : vector<16xi32>
      %and3A_2021 = arith.andi %eq3A_2018, %gt3A_2020 : vector<16xi1>
      %or3A_2022 = arith.ori %lt3A_2016, %and3A_2021 : vector<16xi1>
      %jit3A_2023 = arith.constant -3.000000e+38 : f32
      %broadcast_in_dim3A_2024 = vector.broadcast %jit3A_2023 : f32 to vector<16xf32>
      %select_n3A_2025 = arith.select %or3A_2022, %get3A_2010, %broadcast_in_dim3A_2024 : vector<16xi1>, vector<16xf32>
      %gt3A_2026 = arith.cmpf ogt, %select_n3A_2025, %broadcast_in_dim3A_2004 : vector<16xf32>
      %select_n3A_2027 = arith.select %gt3A_2026, %select_n3A_2025, %broadcast_in_dim3A_2004 : vector<16xi1>, vector<16xf32>
      %select_n3A_2028 = arith.select %gt3A_2026, %add3A_2014, %broadcast_in_dim3A_2006 : vector<16xi1>, vector<16xi32>
      %add3A_2029 = arith.constant 16 : i32
      %add3A_2030 = arith.addi %mul3A_2002, %add3A_2029 : i32
      %get3A_2031 = arith.index_cast %add3A_2030 : i32 to index
      %get3A_2032 = tpu.vector_load %arg6[%get3A_2031] {strides = array<i32>} : memref<4096xf32, #tpu.memory_space<vmem>>, vector<16xf32>,
      %add3A_2033 = arith.constant 16 : i32
      %add3A_2034 = arith.addi %mul3A_2002, %add3A_2033 : i32
      %add3A_2035 = vector.broadcast %add3A_2034 : i32 to vector<16xi32>
      %add3A_2036 = arith.addi %add3A_2035, %iota3A : vector<16xi32>
      %lt3A_2037 = vector.broadcast %reduce_max3A_1753 : f32 to vector<16xf32>
      %lt3A_2038 = arith.cmpf olt, %get3A_2032, %lt3A_2037 : vector<16xf32>
      %eq3A_2039 = vector.broadcast %reduce_max3A_1753 : f32 to vector<16xf32>
      %eq3A_2040 = arith.cmpf oeq, %get3A_2032, %eq3A_2039 : vector<16xf32>
      %gt3A_2041 = vector.broadcast %reduce_min3A_1766 : i32 to vector<16xi32>
      %gt3A_2042 = arith.cmpi sgt, %add3A_2036, %gt3A_2041 : vector<16xi32>
      %and3A_2043 = arith.andi %eq3A_2040, %gt3A_2042 : vector<16xi1>
      %or3A_2044 = arith.ori %lt3A_2038, %and3A_2043 : vector<16xi1>
      %jit3A_2045 = arith.constant -3.000000e+38 : f32
      %broadcast_in_dim3A_2046 = vector.broadcast %jit3A_2045 : f32 to vector<16xf32>
      %select_n3A_2047 = arith.select %or3A_2044, %get3A_2032, %broadcast_in_dim3A_2046 : vector<16xi1>, vector<16xf32>
      %gt3A_2048 = arith.cmpf ogt, %select_n3A_2047, %select_n3A_2027 : vector<16xf32>
      %select_n3A_2049 = arith.select %gt3A_2048, %select_n3A_2047, %select_n3A_2027 : vector<16xi1>, vector<16xf32>
      %select_n3A_2050 = arith.select %gt3A_2048, %add3A_2036, %select_n3A_2028 : vector<16xi1>, vector<16xi32>
      %add3A_2051 = arith.constant 32 : i32
      %add3A_2052 = arith.addi %mul3A_2002, %add3A_2051 : i32
      %get3A_2053 = arith.index_cast %add3A_2052 : i32 to index
      %get3A_2054 = tpu.vector_load %arg6[%get3A_2053] {strides = array<i32>} : memref<4096xf32, #tpu.memory_space<vmem>>, vector<16xf32>,
      %add3A_2055 = arith.constant 32 : i32
      %add3A_2056 = arith.addi %mul3A_2002, %add3A_2055 : i32
      %add3A_2057 = vector.broadcast %add3A_2056 : i32 to vector<16xi32>
      %add3A_2058 = arith.addi %add3A_2057, %iota3A : vector<16xi32>
      %lt3A_2059 = vector.broadcast %reduce_max3A_1753 : f32 to vector<16xf32>
      %lt3A_2060 = arith.cmpf olt, %get3A_2054, %lt3A_2059 : vector<16xf32>
      %eq3A_2061 = vector.broadcast %reduce_max3A_1753 : f32 to vector<16xf32>
      %eq3A_2062 = arith.cmpf oeq, %get3A_2054, %eq3A_2061 : vector<16xf32>
      %gt3A_2063 = vector.broadcast %reduce_min3A_1766 : i32 to vector<16xi32>
      %gt3A_2064 = arith.cmpi sgt, %add3A_2058, %gt3A_2063 : vector<16xi32>
      %and3A_2065 = arith.andi %eq3A_2062, %gt3A_2064 : vector<16xi1>
      %or3A_2066 = arith.ori %lt3A_2060, %and3A_2065 : vector<16xi1>
      %jit3A_2067 = arith.constant -3.000000e+38 : f32
      %broadcast_in_dim3A_2068 = vector.broadcast %jit3A_2067 : f32 to vector<16xf32>
      %select_n3A_2069 = arith.select %or3A_2066, %get3A_2054, %broadcast_in_dim3A_2068 : vector<16xi1>, vector<16xf32>
      %gt3A_2070 = arith.cmpf ogt, %select_n3A_2069, %select_n3A_2049 : vector<16xf32>
      %select_n3A_2071 = arith.select %gt3A_2070, %select_n3A_2069, %select_n3A_2049 : vector<16xi1>, vector<16xf32>
      %select_n3A_2072 = arith.select %gt3A_2070, %add3A_2058, %select_n3A_2050 : vector<16xi1>, vector<16xi32>
      %add3A_2073 = arith.constant 48 : i32
      %add3A_2074 = arith.addi %mul3A_2002, %add3A_2073 : i32
      %get3A_2075 = arith.index_cast %add3A_2074 : i32 to index
      %get3A_2076 = tpu.vector_load %arg6[%get3A_2075] {strides = array<i32>} : memref<4096xf32, #tpu.memory_space<vmem>>, vector<16xf32>,
      %add3A_2077 = arith.constant 48 : i32
      %add3A_2078 = arith.addi %mul3A_2002, %add3A_2077 : i32
      %add3A_2079 = vector.broadcast %add3A_2078 : i32 to vector<16xi32>
      %add3A_2080 = arith.addi %add3A_2079, %iota3A : vector<16xi32>
      %lt3A_2081 = vector.broadcast %reduce_max3A_1753 : f32 to vector<16xf32>
      %lt3A_2082 = arith.cmpf olt, %get3A_2076, %lt3A_2081 : vector<16xf32>
      %eq3A_2083 = vector.broadcast %reduce_max3A_1753 : f32 to vector<16xf32>
      %eq3A_2084 = arith.cmpf oeq, %get3A_2076, %eq3A_2083 : vector<16xf32>
      %gt3A_2085 = vector.broadcast %reduce_min3A_1766 : i32 to vector<16xi32>
      %gt3A_2086 = arith.cmpi sgt, %add3A_2080, %gt3A_2085 : vector<16xi32>
      %and3A_2087 = arith.andi %eq3A_2084, %gt3A_2086 : vector<16xi1>
      %or3A_2088 = arith.ori %lt3A_2082, %and3A_2087 : vector<16xi1>
      %jit3A_2089 = arith.constant -3.000000e+38 : f32
      %broadcast_in_dim3A_2090 = vector.broadcast %jit3A_2089 : f32 to vector<16xf32>
      %select_n3A_2091 = arith.select %or3A_2088, %get3A_2076, %broadcast_in_dim3A_2090 : vector<16xi1>, vector<16xf32>
      %gt3A_2092 = arith.cmpf ogt, %select_n3A_2091, %select_n3A_2071 : vector<16xf32>
      %select_n3A_2093 = arith.select %gt3A_2092, %select_n3A_2091, %select_n3A_2071 : vector<16xi1>, vector<16xf32>
      %select_n3A_2094 = arith.select %gt3A_2092, %add3A_2080, %select_n3A_2072 : vector<16xi1>, vector<16xi32>
      %reduce_max3A_2095 = arith.constant true
      %reduce_max3A_2096 = vector.broadcast %reduce_max3A_2095 : i1 to vector<16xi1>
      %reduce_max3A_2097 = tpu.scan <max>, %select_n3A_2093 masked %reduce_max3A_2096 : vector<16xf32>, vector<16xi1> -> vector<16xf32>
      %reduce_max3A_2098 = vector.extract %reduce_max3A_2097[15] : f32 from vector<16xf32>
      %eq3A_2099 = vector.broadcast %reduce_max3A_2098 : f32 to vector<16xf32>
      %eq3A_2100 = arith.cmpf oeq, %select_n3A_2093, %eq3A_2099 : vector<16xf32>
      %jit3A_2101 = arith.constant 1073741824 : i32
      %broadcast_in_dim3A_2102 = vector.broadcast %jit3A_2101 : i32 to vector<16xi32>
      %select_n3A_2103 = arith.select %eq3A_2100, %select_n3A_2094, %broadcast_in_dim3A_2102 : vector<16xi1>, vector<16xi32>
      %reduce_min3A_2104 = arith.constant true
      %reduce_min3A_2105 = vector.broadcast %reduce_min3A_2104 : i1 to vector<16xi1>
      %reduce_min3A_2106 = arith.constant -2147483648 : i32
      %reduce_min3A_2107 = vector.broadcast %reduce_min3A_2106 : i32 to vector<16xi32>
      %reduce_min3A_2108 = arith.xori %select_n3A_2103, %reduce_min3A_2107 : vector<16xi32>
      %reduce_min3A_2109 = tpu.scan <min>, %reduce_min3A_2108 masked %reduce_min3A_2105 : vector<16xi32>, vector<16xi1> -> vector<16xi32>
      %reduce_min3A_2110 = arith.xori %reduce_min3A_2109, %reduce_min3A_2107 : vector<16xi32>
      %reduce_min3A_2111 = vector.extract %reduce_min3A_2110[15] : i32 from vector<16xi32>
      %broadcast_in_dim3A_2112 = arith.constant -3.000000e+38 : f32
      %broadcast_in_dim3A_2113 = vector.broadcast %broadcast_in_dim3A_2112 : f32 to vector<16xf32>
      %add3A_2114 = arith.constant 0 : i32
      %add3A_2115 = arith.addi %mul3A_2002, %add3A_2114 : i32
      %get3A_2116 = arith.index_cast %add3A_2115 : i32 to index
      %get3A_2117 = tpu.vector_load %arg6[%get3A_2116] {strides = array<i32>} : memref<4096xf32, #tpu.memory_space<vmem>>, vector<16xf32>,
      %add3A_2118 = arith.constant 0 : i32
      %add3A_2119 = arith.addi %mul3A_2002, %add3A_2118 : i32
      %add3A_2120 = vector.broadcast %add3A_2119 : i32 to vector<16xi32>
      %add3A_2121 = arith.addi %add3A_2120, %iota3A : vector<16xi32>
      %lt3A_2122 = vector.broadcast %reduce_max3A_2098 : f32 to vector<16xf32>
      %lt3A_2123 = arith.cmpf olt, %get3A_2117, %lt3A_2122 : vector<16xf32>
      %eq3A_2124 = vector.broadcast %reduce_max3A_2098 : f32 to vector<16xf32>
      %eq3A_2125 = arith.cmpf oeq, %get3A_2117, %eq3A_2124 : vector<16xf32>
      %gt3A_2126 = vector.broadcast %reduce_min3A_2111 : i32 to vector<16xi32>
      %gt3A_2127 = arith.cmpi sgt, %add3A_2121, %gt3A_2126 : vector<16xi32>
      %and3A_2128 = arith.andi %eq3A_2125, %gt3A_2127 : vector<16xi1>
      %or3A_2129 = arith.ori %lt3A_2123, %and3A_2128 : vector<16xi1>
      %jit3A_2130 = arith.constant -3.000000e+38 : f32
      %broadcast_in_dim3A_2131 = vector.broadcast %jit3A_2130 : f32 to vector<16xf32>
      %select_n3A_2132 = arith.select %or3A_2129, %get3A_2117, %broadcast_in_dim3A_2131 : vector<16xi1>, vector<16xf32>
      %max3A_2133 = arith.maximumf %broadcast_in_dim3A_2113, %select_n3A_2132 : vector<16xf32>
      %add3A_2134 = arith.constant 16 : i32
      %add3A_2135 = arith.addi %mul3A_2002, %add3A_2134 : i32
      %get3A_2136 = arith.index_cast %add3A_2135 : i32 to index
      %get3A_2137 = tpu.vector_load %arg6[%get3A_2136] {strides = array<i32>} : memref<4096xf32, #tpu.memory_space<vmem>>, vector<16xf32>,
      %add3A_2138 = arith.constant 16 : i32
      %add3A_2139 = arith.addi %mul3A_2002, %add3A_2138 : i32
      %add3A_2140 = vector.broadcast %add3A_2139 : i32 to vector<16xi32>
      %add3A_2141 = arith.addi %add3A_2140, %iota3A : vector<16xi32>
      %lt3A_2142 = vector.broadcast %reduce_max3A_2098 : f32 to vector<16xf32>
      %lt3A_2143 = arith.cmpf olt, %get3A_2137, %lt3A_2142 : vector<16xf32>
      %eq3A_2144 = vector.broadcast %reduce_max3A_2098 : f32 to vector<16xf32>
      %eq3A_2145 = arith.cmpf oeq, %get3A_2137, %eq3A_2144 : vector<16xf32>
      %gt3A_2146 = vector.broadcast %reduce_min3A_2111 : i32 to vector<16xi32>
      %gt3A_2147 = arith.cmpi sgt, %add3A_2141, %gt3A_2146 : vector<16xi32>
      %and3A_2148 = arith.andi %eq3A_2145, %gt3A_2147 : vector<16xi1>
      %or3A_2149 = arith.ori %lt3A_2143, %and3A_2148 : vector<16xi1>
      %jit3A_2150 = arith.constant -3.000000e+38 : f32
      %broadcast_in_dim3A_2151 = vector.broadcast %jit3A_2150 : f32 to vector<16xf32>
      %select_n3A_2152 = arith.select %or3A_2149, %get3A_2137, %broadcast_in_dim3A_2151 : vector<16xi1>, vector<16xf32>
      %max3A_2153 = arith.maximumf %max3A_2133, %select_n3A_2152 : vector<16xf32>
      %add3A_2154 = arith.constant 32 : i32
      %add3A_2155 = arith.addi %mul3A_2002, %add3A_2154 : i32
      %get3A_2156 = arith.index_cast %add3A_2155 : i32 to index
      %get3A_2157 = tpu.vector_load %arg6[%get3A_2156] {strides = array<i32>} : memref<4096xf32, #tpu.memory_space<vmem>>, vector<16xf32>,
      %add3A_2158 = arith.constant 32 : i32
      %add3A_2159 = arith.addi %mul3A_2002, %add3A_2158 : i32
      %add3A_2160 = vector.broadcast %add3A_2159 : i32 to vector<16xi32>
      %add3A_2161 = arith.addi %add3A_2160, %iota3A : vector<16xi32>
      %lt3A_2162 = vector.broadcast %reduce_max3A_2098 : f32 to vector<16xf32>
      %lt3A_2163 = arith.cmpf olt, %get3A_2157, %lt3A_2162 : vector<16xf32>
      %eq3A_2164 = vector.broadcast %reduce_max3A_2098 : f32 to vector<16xf32>
      %eq3A_2165 = arith.cmpf oeq, %get3A_2157, %eq3A_2164 : vector<16xf32>
      %gt3A_2166 = vector.broadcast %reduce_min3A_2111 : i32 to vector<16xi32>
      %gt3A_2167 = arith.cmpi sgt, %add3A_2161, %gt3A_2166 : vector<16xi32>
      %and3A_2168 = arith.andi %eq3A_2165, %gt3A_2167 : vector<16xi1>
      %or3A_2169 = arith.ori %lt3A_2163, %and3A_2168 : vector<16xi1>
      %jit3A_2170 = arith.constant -3.000000e+38 : f32
      %broadcast_in_dim3A_2171 = vector.broadcast %jit3A_2170 : f32 to vector<16xf32>
      %select_n3A_2172 = arith.select %or3A_2169, %get3A_2157, %broadcast_in_dim3A_2171 : vector<16xi1>, vector<16xf32>
      %max3A_2173 = arith.maximumf %max3A_2153, %select_n3A_2172 : vector<16xf32>
      %add3A_2174 = arith.constant 48 : i32
      %add3A_2175 = arith.addi %mul3A_2002, %add3A_2174 : i32
      %get3A_2176 = arith.index_cast %add3A_2175 : i32 to index
      %get3A_2177 = tpu.vector_load %arg6[%get3A_2176] {strides = array<i32>} : memref<4096xf32, #tpu.memory_space<vmem>>, vector<16xf32>,
      %add3A_2178 = arith.constant 48 : i32
      %add3A_2179 = arith.addi %mul3A_2002, %add3A_2178 : i32
      %add3A_2180 = vector.broadcast %add3A_2179 : i32 to vector<16xi32>
      %add3A_2181 = arith.addi %add3A_2180, %iota3A : vector<16xi32>
      %lt3A_2182 = vector.broadcast %reduce_max3A_2098 : f32 to vector<16xf32>
      %lt3A_2183 = arith.cmpf olt, %get3A_2177, %lt3A_2182 : vector<16xf32>
      %eq3A_2184 = vector.broadcast %reduce_max3A_2098 : f32 to vector<16xf32>
      %eq3A_2185 = arith.cmpf oeq, %get3A_2177, %eq3A_2184 : vector<16xf32>
      %gt3A_2186 = vector.broadcast %reduce_min3A_2111 : i32 to vector<16xi32>
      %gt3A_2187 = arith.cmpi sgt, %add3A_2181, %gt3A_2186 : vector<16xi32>
      %and3A_2188 = arith.andi %eq3A_2185, %gt3A_2187 : vector<16xi1>
      %or3A_2189 = arith.ori %lt3A_2183, %and3A_2188 : vector<16xi1>
      %jit3A_2190 = arith.constant -3.000000e+38 : f32
      %broadcast_in_dim3A_2191 = vector.broadcast %jit3A_2190 : f32 to vector<16xf32>
      %select_n3A_2192 = arith.select %or3A_2189, %get3A_2177, %broadcast_in_dim3A_2191 : vector<16xi1>, vector<16xf32>
      %max3A_2193 = arith.maximumf %max3A_2173, %select_n3A_2192 : vector<16xf32>
      %reduce_max3A_2194 = arith.constant true
      %reduce_max3A_2195 = vector.broadcast %reduce_max3A_2194 : i1 to vector<16xi1>
      %reduce_max3A_2196 = tpu.scan <max>, %max3A_2193 masked %reduce_max3A_2195 : vector<16xf32>, vector<16xi1> -> vector<16xf32>
      %reduce_max3A_2197 = vector.extract %reduce_max3A_2196[15] : f32 from vector<16xf32>
      %jit3A_2198 = arith.constant 16 : i32
      %div3A_2199 = arith.divsi %min3A_2000, %jit3A_2198 : i32
      %sign3A_2200 = arith.constant 0 : i32
      %sign3A_2201 = arith.cmpi sgt, %min3A_2000, %sign3A_2200 : i32
      %sign3A_2202 = arith.extui %sign3A_2201 : i1 to i32
      %sign3A_2203 = arith.constant 0 : i32
      %sign3A_2204 = arith.cmpi slt, %min3A_2000, %sign3A_2203 : i32
      %sign3A_2205 = arith.extui %sign3A_2204 : i1 to i32
      %sign3A_2206 = arith.subi %sign3A_2202, %sign3A_2205 : i32
      %sign3A_2207 = arith.constant 0 : i32
      %sign3A_2208 = arith.cmpi sgt, %jit3A_2198, %sign3A_2207 : i32
      %sign3A_2209 = arith.extui %sign3A_2208 : i1 to i32
      %sign3A_2210 = arith.constant 0 : i32
      %sign3A_2211 = arith.cmpi slt, %jit3A_2198, %sign3A_2210 : i32
      %sign3A_2212 = arith.extui %sign3A_2211 : i1 to i32
      %sign3A_2213 = arith.subi %sign3A_2209, %sign3A_2212 : i32
      %ne3A_2214 = arith.cmpi ne, %sign3A_2206, %sign3A_2213 : i32
      %rem3A_2215 = arith.remsi %min3A_2000, %jit3A_2198 : i32
      %ne3A_2216 = arith.constant 0 : i32
      %ne3A_2217 = arith.cmpi ne, %rem3A_2215, %ne3A_2216 : i32
      %and3A_2218 = arith.andi %ne3A_2214, %ne3A_2217 : i1
      %sub3A_2219 = arith.constant 1 : i32
      %sub3A_2220 = arith.subi %div3A_2199, %sub3A_2219 : i32
      %select_n3A_2221 = arith.select %and3A_2218, %sub3A_2220, %div3A_2199 : i32
      %jit3A_2222 = arith.constant 16 : i32
      %eq3A_2223 = arith.constant 0 : i32
      %eq3A_2224 = arith.cmpi eq, %jit3A_2222, %eq3A_2223 : i32
      %jit3A_2225 = arith.constant 1 : i32
      %select_n3A_2226 = arith.select %eq3A_2224, %jit3A_2225, %jit3A_2222 : i32
      %rem3A_2227 = arith.remsi %min3A_2000, %select_n3A_2226 : i32
      %ne3A_2228 = arith.constant 0 : i32
      %ne3A_2229 = arith.cmpi ne, %rem3A_2227, %ne3A_2228 : i32
      %lt3A_2230 = arith.constant 0 : i32
      %lt3A_2231 = arith.cmpi slt, %rem3A_2227, %lt3A_2230 : i32
      %lt3A_2232 = arith.constant 0 : i32
      %lt3A_2233 = arith.cmpi slt, %select_n3A_2226, %lt3A_2232 : i32
      %ne3A_2234 = arith.xori %lt3A_2231, %lt3A_2233 : i1
      %and3A_2235 = arith.andi %ne3A_2234, %ne3A_2229 : i1
      %add3A_2236 = arith.addi %rem3A_2227, %select_n3A_2226 : i32
      %select_n3A_2237 = arith.select %and3A_2235, %add3A_2236, %rem3A_2227 : i32
      %eq3A_2238 = arith.constant 0 : i32
      %eq3A_2239 = arith.cmpi eq, %select_n3A_2221, %eq3A_2238 : i32
      %eq3A_2240 = vector.broadcast %select_n3A_2237 : i32 to vector<16xi32>
      %eq3A_2241 = arith.cmpi eq, %iota3A, %eq3A_2240 : vector<16xi32>
      %and3A_2242 = vector.broadcast %eq3A_2239 : i1 to vector<16xi1>
      %and3A_2243 = arith.andi %and3A_2242, %eq3A_2241 : vector<16xi1>
      %broadcast_in_dim3A_2244 = vector.broadcast %reduce_max3A_2197 : f32 to vector<16xf32>
      %select_n3A_2245 = arith.select %and3A_2243, %broadcast_in_dim3A_2244, %select_n3A_1900 : vector<16xi1>, vector<16xf32>
      %eq3A_2246 = arith.constant 1 : i32
      %eq3A_2247 = arith.cmpi eq, %select_n3A_2221, %eq3A_2246 : i32
      %eq3A_2248 = vector.broadcast %select_n3A_2237 : i32 to vector<16xi32>
      %eq3A_2249 = arith.cmpi eq, %iota3A, %eq3A_2248 : vector<16xi32>
      %and3A_2250 = vector.broadcast %eq3A_2247 : i1 to vector<16xi1>
      %and3A_2251 = arith.andi %and3A_2250, %eq3A_2249 : vector<16xi1>
      %broadcast_in_dim3A_2252 = vector.broadcast %reduce_max3A_2197 : f32 to vector<16xf32>
      %select_n3A_2253 = arith.select %and3A_2251, %broadcast_in_dim3A_2252, %select_n3A_1908 : vector<16xi1>, vector<16xf32>
      %eq3A_2254 = arith.constant 2 : i32
      %eq3A_2255 = arith.cmpi eq, %select_n3A_2221, %eq3A_2254 : i32
      %eq3A_2256 = vector.broadcast %select_n3A_2237 : i32 to vector<16xi32>
      %eq3A_2257 = arith.cmpi eq, %iota3A, %eq3A_2256 : vector<16xi32>
      %and3A_2258 = vector.broadcast %eq3A_2255 : i1 to vector<16xi1>
      %and3A_2259 = arith.andi %and3A_2258, %eq3A_2257 : vector<16xi1>
      %broadcast_in_dim3A_2260 = vector.broadcast %reduce_max3A_2197 : f32 to vector<16xf32>
      %select_n3A_2261 = arith.select %and3A_2259, %broadcast_in_dim3A_2260, %select_n3A_1916 : vector<16xi1>, vector<16xf32>
      %eq3A_2262 = arith.constant 3 : i32
      %eq3A_2263 = arith.cmpi eq, %select_n3A_2221, %eq3A_2262 : i32
      %eq3A_2264 = vector.broadcast %select_n3A_2237 : i32 to vector<16xi32>
      %eq3A_2265 = arith.cmpi eq, %iota3A, %eq3A_2264 : vector<16xi32>
      %and3A_2266 = vector.broadcast %eq3A_2263 : i1 to vector<16xi1>
      %and3A_2267 = arith.andi %and3A_2266, %eq3A_2265 : vector<16xi1>
      %broadcast_in_dim3A_2268 = vector.broadcast %reduce_max3A_2197 : f32 to vector<16xf32>
      %select_n3A_2269 = arith.select %and3A_2267, %broadcast_in_dim3A_2268, %select_n3A_1924 : vector<16xi1>, vector<16xf32>
      %max3A_2270 = arith.maximumf %select_n3A_2245, %select_n3A_2253 : vector<16xf32>
      %max3A_2271 = arith.maximumf %max3A_2270, %select_n3A_2261 : vector<16xf32>
      %max3A_2272 = arith.maximumf %max3A_2271, %select_n3A_2269 : vector<16xf32>
      %reduce_max3A_2273 = arith.constant true
      %reduce_max3A_2274 = vector.broadcast %reduce_max3A_2273 : i1 to vector<16xi1>
      %reduce_max3A_2275 = tpu.scan <max>, %max3A_2272 masked %reduce_max3A_2274 : vector<16xf32>, vector<16xi1> -> vector<16xf32>
      %reduce_max3A_2276 = vector.extract %reduce_max3A_2275[15] : f32 from vector<16xf32>
      %eq3A_2277 = vector.broadcast %reduce_max3A_2276 : f32 to vector<16xf32>
      %eq3A_2278 = arith.cmpf oeq, %select_n3A_2245, %eq3A_2277 : vector<16xf32>
      %add3A_2279 = arith.constant 0 : i32
      %add3A_2280 = vector.broadcast %add3A_2279 : i32 to vector<16xi32>
      %add3A_2281 = arith.addi %add3A_2280, %iota3A : vector<16xi32>
      %jit3A_2282 = arith.constant 1073741824 : i32
      %broadcast_in_dim3A_2283 = vector.broadcast %jit3A_2282 : i32 to vector<16xi32>
      %select_n3A_2284 = arith.select %eq3A_2278, %add3A_2281, %broadcast_in_dim3A_2283 : vector<16xi1>, vector<16xi32>
      %reduce_min3A_2285 = arith.constant true
      %reduce_min3A_2286 = vector.broadcast %reduce_min3A_2285 : i1 to vector<16xi1>
      %reduce_min3A_2287 = arith.constant -2147483648 : i32
      %reduce_min3A_2288 = vector.broadcast %reduce_min3A_2287 : i32 to vector<16xi32>
      %reduce_min3A_2289 = arith.xori %select_n3A_2284, %reduce_min3A_2288 : vector<16xi32>
      %reduce_min3A_2290 = tpu.scan <min>, %reduce_min3A_2289 masked %reduce_min3A_2286 : vector<16xi32>, vector<16xi1> -> vector<16xi32>
      %reduce_min3A_2291 = arith.xori %reduce_min3A_2290, %reduce_min3A_2288 : vector<16xi32>
      %reduce_min3A_2292 = vector.extract %reduce_min3A_2291[15] : i32 from vector<16xi32>
      %min3A_2293 = arith.constant 1073741824 : i32
      %min3A_2294 = arith.minsi %min3A_2293, %reduce_min3A_2292 : i32
      %eq3A_2295 = vector.broadcast %reduce_max3A_2276 : f32 to vector<16xf32>
      %eq3A_2296 = arith.cmpf oeq, %select_n3A_2253, %eq3A_2295 : vector<16xf32>
      %add3A_2297 = arith.constant 16 : i32
      %add3A_2298 = vector.broadcast %add3A_2297 : i32 to vector<16xi32>
      %add3A_2299 = arith.addi %add3A_2298, %iota3A : vector<16xi32>
      %jit3A_2300 = arith.constant 1073741824 : i32
      %broadcast_in_dim3A_2301 = vector.broadcast %jit3A_2300 : i32 to vector<16xi32>
      %select_n3A_2302 = arith.select %eq3A_2296, %add3A_2299, %broadcast_in_dim3A_2301 : vector<16xi1>, vector<16xi32>
      %reduce_min3A_2303 = arith.constant true
      %reduce_min3A_2304 = vector.broadcast %reduce_min3A_2303 : i1 to vector<16xi1>
      %reduce_min3A_2305 = arith.constant -2147483648 : i32
      %reduce_min3A_2306 = vector.broadcast %reduce_min3A_2305 : i32 to vector<16xi32>
      %reduce_min3A_2307 = arith.xori %select_n3A_2302, %reduce_min3A_2306 : vector<16xi32>
      %reduce_min3A_2308 = tpu.scan <min>, %reduce_min3A_2307 masked %reduce_min3A_2304 : vector<16xi32>, vector<16xi1> -> vector<16xi32>
      %reduce_min3A_2309 = arith.xori %reduce_min3A_2308, %reduce_min3A_2306 : vector<16xi32>
      %reduce_min3A_2310 = vector.extract %reduce_min3A_2309[15] : i32 from vector<16xi32>
      %min3A_2311 = arith.minsi %min3A_2294, %reduce_min3A_2310 : i32
      %eq3A_2312 = vector.broadcast %reduce_max3A_2276 : f32 to vector<16xf32>
      %eq3A_2313 = arith.cmpf oeq, %select_n3A_2261, %eq3A_2312 : vector<16xf32>
      %add3A_2314 = arith.constant 32 : i32
      %add3A_2315 = vector.broadcast %add3A_2314 : i32 to vector<16xi32>
      %add3A_2316 = arith.addi %add3A_2315, %iota3A : vector<16xi32>
      %jit3A_2317 = arith.constant 1073741824 : i32
      %broadcast_in_dim3A_2318 = vector.broadcast %jit3A_2317 : i32 to vector<16xi32>
      %select_n3A_2319 = arith.select %eq3A_2313, %add3A_2316, %broadcast_in_dim3A_2318 : vector<16xi1>, vector<16xi32>
      %reduce_min3A_2320 = arith.constant true
      %reduce_min3A_2321 = vector.broadcast %reduce_min3A_2320 : i1 to vector<16xi1>
      %reduce_min3A_2322 = arith.constant -2147483648 : i32
      %reduce_min3A_2323 = vector.broadcast %reduce_min3A_2322 : i32 to vector<16xi32>
      %reduce_min3A_2324 = arith.xori %select_n3A_2319, %reduce_min3A_2323 : vector<16xi32>
      %reduce_min3A_2325 = tpu.scan <min>, %reduce_min3A_2324 masked %reduce_min3A_2321 : vector<16xi32>, vector<16xi1> -> vector<16xi32>
      %reduce_min3A_2326 = arith.xori %reduce_min3A_2325, %reduce_min3A_2323 : vector<16xi32>
      %reduce_min3A_2327 = vector.extract %reduce_min3A_2326[15] : i32 from vector<16xi32>
      %min3A_2328 = arith.minsi %min3A_2311, %reduce_min3A_2327 : i32
      %eq3A_2329 = vector.broadcast %reduce_max3A_2276 : f32 to vector<16xf32>
      %eq3A_2330 = arith.cmpf oeq, %select_n3A_2269, %eq3A_2329 : vector<16xf32>
      %add3A_2331 = arith.constant 48 : i32
      %add3A_2332 = vector.broadcast %add3A_2331 : i32 to vector<16xi32>
      %add3A_2333 = arith.addi %add3A_2332, %iota3A : vector<16xi32>
      %jit3A_2334 = arith.constant 1073741824 : i32
      %broadcast_in_dim3A_2335 = vector.broadcast %jit3A_2334 : i32 to vector<16xi32>
      %select_n3A_2336 = arith.select %eq3A_2330, %add3A_2333, %broadcast_in_dim3A_2335 : vector<16xi1>, vector<16xi32>
      %reduce_min3A_2337 = arith.constant true
      %reduce_min3A_2338 = vector.broadcast %reduce_min3A_2337 : i1 to vector<16xi1>
      %reduce_min3A_2339 = arith.constant -2147483648 : i32
      %reduce_min3A_2340 = vector.broadcast %reduce_min3A_2339 : i32 to vector<16xi32>
      %reduce_min3A_2341 = arith.xori %select_n3A_2336, %reduce_min3A_2340 : vector<16xi32>
      %reduce_min3A_2342 = tpu.scan <min>, %reduce_min3A_2341 masked %reduce_min3A_2338 : vector<16xi32>, vector<16xi1> -> vector<16xi32>
      %reduce_min3A_2343 = arith.xori %reduce_min3A_2342, %reduce_min3A_2340 : vector<16xi32>
      %reduce_min3A_2344 = vector.extract %reduce_min3A_2343[15] : i32 from vector<16xi32>
      %min3A_2345 = arith.minsi %min3A_2328, %reduce_min3A_2344 : i32
      %mul3A_2346 = arith.constant 64 : i32
      %mul3A_2347 = arith.muli %min3A_2345, %mul3A_2346 : i32
      %broadcast_in_dim3A_2348 = arith.constant -3.000000e+38 : f32
      %broadcast_in_dim3A_2349 = vector.broadcast %broadcast_in_dim3A_2348 : f32 to vector<16xf32>
      %broadcast_in_dim3A_2350 = arith.constant 0 : i32
      %broadcast_in_dim3A_2351 = vector.broadcast %broadcast_in_dim3A_2350 : i32 to vector<16xi32>
      %add3A_2352 = arith.constant 0 : i32
      %add3A_2353 = arith.addi %mul3A_2347, %add3A_2352 : i32
      %get3A_2354 = arith.index_cast %add3A_2353 : i32 to index
      %get3A_2355 = tpu.vector_load %arg6[%get3A_2354] {strides = array<i32>} : memref<4096xf32, #tpu.memory_space<vmem>>, vector<16xf32>,
      %add3A_2356 = arith.constant 0 : i32
      %add3A_2357 = arith.addi %mul3A_2347, %add3A_2356 : i32
      %add3A_2358 = vector.broadcast %add3A_2357 : i32 to vector<16xi32>
      %add3A_2359 = arith.addi %add3A_2358, %iota3A : vector<16xi32>
      %lt3A_2360 = vector.broadcast %reduce_max3A_2098 : f32 to vector<16xf32>
      %lt3A_2361 = arith.cmpf olt, %get3A_2355, %lt3A_2360 : vector<16xf32>
      %eq3A_2362 = vector.broadcast %reduce_max3A_2098 : f32 to vector<16xf32>
      %eq3A_2363 = arith.cmpf oeq, %get3A_2355, %eq3A_2362 : vector<16xf32>
      %gt3A_2364 = vector.broadcast %reduce_min3A_2111 : i32 to vector<16xi32>
      %gt3A_2365 = arith.cmpi sgt, %add3A_2359, %gt3A_2364 : vector<16xi32>
      %and3A_2366 = arith.andi %eq3A_2363, %gt3A_2365 : vector<16xi1>
      %or3A_2367 = arith.ori %lt3A_2361, %and3A_2366 : vector<16xi1>
      %jit3A_2368 = arith.constant -3.000000e+38 : f32
      %broadcast_in_dim3A_2369 = vector.broadcast %jit3A_2368 : f32 to vector<16xf32>
      %select_n3A_2370 = arith.select %or3A_2367, %get3A_2355, %broadcast_in_dim3A_2369 : vector<16xi1>, vector<16xf32>
      %gt3A_2371 = arith.cmpf ogt, %select_n3A_2370, %broadcast_in_dim3A_2349 : vector<16xf32>
      %select_n3A_2372 = arith.select %gt3A_2371, %select_n3A_2370, %broadcast_in_dim3A_2349 : vector<16xi1>, vector<16xf32>
      %select_n3A_2373 = arith.select %gt3A_2371, %add3A_2359, %broadcast_in_dim3A_2351 : vector<16xi1>, vector<16xi32>
      %add3A_2374 = arith.constant 16 : i32
      %add3A_2375 = arith.addi %mul3A_2347, %add3A_2374 : i32
      %get3A_2376 = arith.index_cast %add3A_2375 : i32 to index
      %get3A_2377 = tpu.vector_load %arg6[%get3A_2376] {strides = array<i32>} : memref<4096xf32, #tpu.memory_space<vmem>>, vector<16xf32>,
      %add3A_2378 = arith.constant 16 : i32
      %add3A_2379 = arith.addi %mul3A_2347, %add3A_2378 : i32
      %add3A_2380 = vector.broadcast %add3A_2379 : i32 to vector<16xi32>
      %add3A_2381 = arith.addi %add3A_2380, %iota3A : vector<16xi32>
      %lt3A_2382 = vector.broadcast %reduce_max3A_2098 : f32 to vector<16xf32>
      %lt3A_2383 = arith.cmpf olt, %get3A_2377, %lt3A_2382 : vector<16xf32>
      %eq3A_2384 = vector.broadcast %reduce_max3A_2098 : f32 to vector<16xf32>
      %eq3A_2385 = arith.cmpf oeq, %get3A_2377, %eq3A_2384 : vector<16xf32>
      %gt3A_2386 = vector.broadcast %reduce_min3A_2111 : i32 to vector<16xi32>
      %gt3A_2387 = arith.cmpi sgt, %add3A_2381, %gt3A_2386 : vector<16xi32>
      %and3A_2388 = arith.andi %eq3A_2385, %gt3A_2387 : vector<16xi1>
      %or3A_2389 = arith.ori %lt3A_2383, %and3A_2388 : vector<16xi1>
      %jit3A_2390 = arith.constant -3.000000e+38 : f32
      %broadcast_in_dim3A_2391 = vector.broadcast %jit3A_2390 : f32 to vector<16xf32>
      %select_n3A_2392 = arith.select %or3A_2389, %get3A_2377, %broadcast_in_dim3A_2391 : vector<16xi1>, vector<16xf32>
      %gt3A_2393 = arith.cmpf ogt, %select_n3A_2392, %select_n3A_2372 : vector<16xf32>
      %select_n3A_2394 = arith.select %gt3A_2393, %select_n3A_2392, %select_n3A_2372 : vector<16xi1>, vector<16xf32>
      %select_n3A_2395 = arith.select %gt3A_2393, %add3A_2381, %select_n3A_2373 : vector<16xi1>, vector<16xi32>
      %add3A_2396 = arith.constant 32 : i32
      %add3A_2397 = arith.addi %mul3A_2347, %add3A_2396 : i32
      %get3A_2398 = arith.index_cast %add3A_2397 : i32 to index
      %get3A_2399 = tpu.vector_load %arg6[%get3A_2398] {strides = array<i32>} : memref<4096xf32, #tpu.memory_space<vmem>>, vector<16xf32>,
      %add3A_2400 = arith.constant 32 : i32
      %add3A_2401 = arith.addi %mul3A_2347, %add3A_2400 : i32
      %add3A_2402 = vector.broadcast %add3A_2401 : i32 to vector<16xi32>
      %add3A_2403 = arith.addi %add3A_2402, %iota3A : vector<16xi32>
      %lt3A_2404 = vector.broadcast %reduce_max3A_2098 : f32 to vector<16xf32>
      %lt3A_2405 = arith.cmpf olt, %get3A_2399, %lt3A_2404 : vector<16xf32>
      %eq3A_2406 = vector.broadcast %reduce_max3A_2098 : f32 to vector<16xf32>
      %eq3A_2407 = arith.cmpf oeq, %get3A_2399, %eq3A_2406 : vector<16xf32>
      %gt3A_2408 = vector.broadcast %reduce_min3A_2111 : i32 to vector<16xi32>
      %gt3A_2409 = arith.cmpi sgt, %add3A_2403, %gt3A_2408 : vector<16xi32>
      %and3A_2410 = arith.andi %eq3A_2407, %gt3A_2409 : vector<16xi1>
      %or3A_2411 = arith.ori %lt3A_2405, %and3A_2410 : vector<16xi1>
      %jit3A_2412 = arith.constant -3.000000e+38 : f32
      %broadcast_in_dim3A_2413 = vector.broadcast %jit3A_2412 : f32 to vector<16xf32>
      %select_n3A_2414 = arith.select %or3A_2411, %get3A_2399, %broadcast_in_dim3A_2413 : vector<16xi1>, vector<16xf32>
      %gt3A_2415 = arith.cmpf ogt, %select_n3A_2414, %select_n3A_2394 : vector<16xf32>
      %select_n3A_2416 = arith.select %gt3A_2415, %select_n3A_2414, %select_n3A_2394 : vector<16xi1>, vector<16xf32>
      %select_n3A_2417 = arith.select %gt3A_2415, %add3A_2403, %select_n3A_2395 : vector<16xi1>, vector<16xi32>
      %add3A_2418 = arith.constant 48 : i32
      %add3A_2419 = arith.addi %mul3A_2347, %add3A_2418 : i32
      %get3A_2420 = arith.index_cast %add3A_2419 : i32 to index
      %get3A_2421 = tpu.vector_load %arg6[%get3A_2420] {strides = array<i32>} : memref<4096xf32, #tpu.memory_space<vmem>>, vector<16xf32>,
      %add3A_2422 = arith.constant 48 : i32
      %add3A_2423 = arith.addi %mul3A_2347, %add3A_2422 : i32
      %add3A_2424 = vector.broadcast %add3A_2423 : i32 to vector<16xi32>
      %add3A_2425 = arith.addi %add3A_2424, %iota3A : vector<16xi32>
      %lt3A_2426 = vector.broadcast %reduce_max3A_2098 : f32 to vector<16xf32>
      %lt3A_2427 = arith.cmpf olt, %get3A_2421, %lt3A_2426 : vector<16xf32>
      %eq3A_2428 = vector.broadcast %reduce_max3A_2098 : f32 to vector<16xf32>
      %eq3A_2429 = arith.cmpf oeq, %get3A_2421, %eq3A_2428 : vector<16xf32>
      %gt3A_2430 = vector.broadcast %reduce_min3A_2111 : i32 to vector<16xi32>
      %gt3A_2431 = arith.cmpi sgt, %add3A_2425, %gt3A_2430 : vector<16xi32>
      %and3A_2432 = arith.andi %eq3A_2429, %gt3A_2431 : vector<16xi1>
      %or3A_2433 = arith.ori %lt3A_2427, %and3A_2432 : vector<16xi1>
      %jit3A_2434 = arith.constant -3.000000e+38 : f32
      %broadcast_in_dim3A_2435 = vector.broadcast %jit3A_2434 : f32 to vector<16xf32>
      %select_n3A_2436 = arith.select %or3A_2433, %get3A_2421, %broadcast_in_dim3A_2435 : vector<16xi1>, vector<16xf32>
      %gt3A_2437 = arith.cmpf ogt, %select_n3A_2436, %select_n3A_2416 : vector<16xf32>
      %select_n3A_2438 = arith.select %gt3A_2437, %select_n3A_2436, %select_n3A_2416 : vector<16xi1>, vector<16xf32>
      %select_n3A_2439 = arith.select %gt3A_2437, %add3A_2425, %select_n3A_2417 : vector<16xi1>, vector<16xi32>
      %reduce_max3A_2440 = arith.constant true
      %reduce_max3A_2441 = vector.broadcast %reduce_max3A_2440 : i1 to vector<16xi1>
      %reduce_max3A_2442 = tpu.scan <max>, %select_n3A_2438 masked %reduce_max3A_2441 : vector<16xf32>, vector<16xi1> -> vector<16xf32>
      %reduce_max3A_2443 = vector.extract %reduce_max3A_2442[15] : f32 from vector<16xf32>
      %eq3A_2444 = vector.broadcast %reduce_max3A_2443 : f32 to vector<16xf32>
      %eq3A_2445 = arith.cmpf oeq, %select_n3A_2438, %eq3A_2444 : vector<16xf32>
      %jit3A_2446 = arith.constant 1073741824 : i32
      %broadcast_in_dim3A_2447 = vector.broadcast %jit3A_2446 : i32 to vector<16xi32>
      %select_n3A_2448 = arith.select %eq3A_2445, %select_n3A_2439, %broadcast_in_dim3A_2447 : vector<16xi1>, vector<16xi32>
      %reduce_min3A_2449 = arith.constant true
      %reduce_min3A_2450 = vector.broadcast %reduce_min3A_2449 : i1 to vector<16xi1>
      %reduce_min3A_2451 = arith.constant -2147483648 : i32
      %reduce_min3A_2452 = vector.broadcast %reduce_min3A_2451 : i32 to vector<16xi32>
      %reduce_min3A_2453 = arith.xori %select_n3A_2448, %reduce_min3A_2452 : vector<16xi32>
      %reduce_min3A_2454 = tpu.scan <min>, %reduce_min3A_2453 masked %reduce_min3A_2450 : vector<16xi32>, vector<16xi1> -> vector<16xi32>
      %reduce_min3A_2455 = arith.xori %reduce_min3A_2454, %reduce_min3A_2452 : vector<16xi32>
      %reduce_min3A_2456 = vector.extract %reduce_min3A_2455[15] : i32 from vector<16xi32>
      %broadcast_in_dim3A_2457 = arith.constant -3.000000e+38 : f32
      %broadcast_in_dim3A_2458 = vector.broadcast %broadcast_in_dim3A_2457 : f32 to vector<16xf32>
      %add3A_2459 = arith.constant 0 : i32
      %add3A_2460 = arith.addi %mul3A_2347, %add3A_2459 : i32
      %get3A_2461 = arith.index_cast %add3A_2460 : i32 to index
      %get3A_2462 = tpu.vector_load %arg6[%get3A_2461] {strides = array<i32>} : memref<4096xf32, #tpu.memory_space<vmem>>, vector<16xf32>,
      %add3A_2463 = arith.constant 0 : i32
      %add3A_2464 = arith.addi %mul3A_2347, %add3A_2463 : i32
      %add3A_2465 = vector.broadcast %add3A_2464 : i32 to vector<16xi32>
      %add3A_2466 = arith.addi %add3A_2465, %iota3A : vector<16xi32>
      %lt3A_2467 = vector.broadcast %reduce_max3A_2443 : f32 to vector<16xf32>
      %lt3A_2468 = arith.cmpf olt, %get3A_2462, %lt3A_2467 : vector<16xf32>
      %eq3A_2469 = vector.broadcast %reduce_max3A_2443 : f32 to vector<16xf32>
      %eq3A_2470 = arith.cmpf oeq, %get3A_2462, %eq3A_2469 : vector<16xf32>
      %gt3A_2471 = vector.broadcast %reduce_min3A_2456 : i32 to vector<16xi32>
      %gt3A_2472 = arith.cmpi sgt, %add3A_2466, %gt3A_2471 : vector<16xi32>
      %and3A_2473 = arith.andi %eq3A_2470, %gt3A_2472 : vector<16xi1>
      %or3A_2474 = arith.ori %lt3A_2468, %and3A_2473 : vector<16xi1>
      %jit3A_2475 = arith.constant -3.000000e+38 : f32
      %broadcast_in_dim3A_2476 = vector.broadcast %jit3A_2475 : f32 to vector<16xf32>
      %select_n3A_2477 = arith.select %or3A_2474, %get3A_2462, %broadcast_in_dim3A_2476 : vector<16xi1>, vector<16xf32>
      %max3A_2478 = arith.maximumf %broadcast_in_dim3A_2458, %select_n3A_2477 : vector<16xf32>
      %add3A_2479 = arith.constant 16 : i32
      %add3A_2480 = arith.addi %mul3A_2347, %add3A_2479 : i32
      %get3A_2481 = arith.index_cast %add3A_2480 : i32 to index
      %get3A_2482 = tpu.vector_load %arg6[%get3A_2481] {strides = array<i32>} : memref<4096xf32, #tpu.memory_space<vmem>>, vector<16xf32>,
      %add3A_2483 = arith.constant 16 : i32
      %add3A_2484 = arith.addi %mul3A_2347, %add3A_2483 : i32
      %add3A_2485 = vector.broadcast %add3A_2484 : i32 to vector<16xi32>
      %add3A_2486 = arith.addi %add3A_2485, %iota3A : vector<16xi32>
      %lt3A_2487 = vector.broadcast %reduce_max3A_2443 : f32 to vector<16xf32>
      %lt3A_2488 = arith.cmpf olt, %get3A_2482, %lt3A_2487 : vector<16xf32>
      %eq3A_2489 = vector.broadcast %reduce_max3A_2443 : f32 to vector<16xf32>
      %eq3A_2490 = arith.cmpf oeq, %get3A_2482, %eq3A_2489 : vector<16xf32>
      %gt3A_2491 = vector.broadcast %reduce_min3A_2456 : i32 to vector<16xi32>
      %gt3A_2492 = arith.cmpi sgt, %add3A_2486, %gt3A_2491 : vector<16xi32>
      %and3A_2493 = arith.andi %eq3A_2490, %gt3A_2492 : vector<16xi1>
      %or3A_2494 = arith.ori %lt3A_2488, %and3A_2493 : vector<16xi1>
      %jit3A_2495 = arith.constant -3.000000e+38 : f32
      %broadcast_in_dim3A_2496 = vector.broadcast %jit3A_2495 : f32 to vector<16xf32>
      %select_n3A_2497 = arith.select %or3A_2494, %get3A_2482, %broadcast_in_dim3A_2496 : vector<16xi1>, vector<16xf32>
      %max3A_2498 = arith.maximumf %max3A_2478, %select_n3A_2497 : vector<16xf32>
      %add3A_2499 = arith.constant 32 : i32
      %add3A_2500 = arith.addi %mul3A_2347, %add3A_2499 : i32
      %get3A_2501 = arith.index_cast %add3A_2500 : i32 to index
      %get3A_2502 = tpu.vector_load %arg6[%get3A_2501] {strides = array<i32>} : memref<4096xf32, #tpu.memory_space<vmem>>, vector<16xf32>,
      %add3A_2503 = arith.constant 32 : i32
      %add3A_2504 = arith.addi %mul3A_2347, %add3A_2503 : i32
      %add3A_2505 = vector.broadcast %add3A_2504 : i32 to vector<16xi32>
      %add3A_2506 = arith.addi %add3A_2505, %iota3A : vector<16xi32>
      %lt3A_2507 = vector.broadcast %reduce_max3A_2443 : f32 to vector<16xf32>
      %lt3A_2508 = arith.cmpf olt, %get3A_2502, %lt3A_2507 : vector<16xf32>
      %eq3A_2509 = vector.broadcast %reduce_max3A_2443 : f32 to vector<16xf32>
      %eq3A_2510 = arith.cmpf oeq, %get3A_2502, %eq3A_2509 : vector<16xf32>
      %gt3A_2511 = vector.broadcast %reduce_min3A_2456 : i32 to vector<16xi32>
      %gt3A_2512 = arith.cmpi sgt, %add3A_2506, %gt3A_2511 : vector<16xi32>
      %and3A_2513 = arith.andi %eq3A_2510, %gt3A_2512 : vector<16xi1>
      %or3A_2514 = arith.ori %lt3A_2508, %and3A_2513 : vector<16xi1>
      %jit3A_2515 = arith.constant -3.000000e+38 : f32
      %broadcast_in_dim3A_2516 = vector.broadcast %jit3A_2515 : f32 to vector<16xf32>
      %select_n3A_2517 = arith.select %or3A_2514, %get3A_2502, %broadcast_in_dim3A_2516 : vector<16xi1>, vector<16xf32>
      %max3A_2518 = arith.maximumf %max3A_2498, %select_n3A_2517 : vector<16xf32>
      %add3A_2519 = arith.constant 48 : i32
      %add3A_2520 = arith.addi %mul3A_2347, %add3A_2519 : i32
      %get3A_2521 = arith.index_cast %add3A_2520 : i32 to index
      %get3A_2522 = tpu.vector_load %arg6[%get3A_2521] {strides = array<i32>} : memref<4096xf32, #tpu.memory_space<vmem>>, vector<16xf32>,
      %add3A_2523 = arith.constant 48 : i32
      %add3A_2524 = arith.addi %mul3A_2347, %add3A_2523 : i32
      %add3A_2525 = vector.broadcast %add3A_2524 : i32 to vector<16xi32>
      %add3A_2526 = arith.addi %add3A_2525, %iota3A : vector<16xi32>
      %lt3A_2527 = vector.broadcast %reduce_max3A_2443 : f32 to vector<16xf32>
      %lt3A_2528 = arith.cmpf olt, %get3A_2522, %lt3A_2527 : vector<16xf32>
      %eq3A_2529 = vector.broadcast %reduce_max3A_2443 : f32 to vector<16xf32>
      %eq3A_2530 = arith.cmpf oeq, %get3A_2522, %eq3A_2529 : vector<16xf32>
      %gt3A_2531 = vector.broadcast %reduce_min3A_2456 : i32 to vector<16xi32>
      %gt3A_2532 = arith.cmpi sgt, %add3A_2526, %gt3A_2531 : vector<16xi32>
      %and3A_2533 = arith.andi %eq3A_2530, %gt3A_2532 : vector<16xi1>
      %or3A_2534 = arith.ori %lt3A_2528, %and3A_2533 : vector<16xi1>
      %jit3A_2535 = arith.constant -3.000000e+38 : f32
      %broadcast_in_dim3A_2536 = vector.broadcast %jit3A_2535 : f32 to vector<16xf32>
      %select_n3A_2537 = arith.select %or3A_2534, %get3A_2522, %broadcast_in_dim3A_2536 : vector<16xi1>, vector<16xf32>
      %max3A_2538 = arith.maximumf %max3A_2518, %select_n3A_2537 : vector<16xf32>
      %reduce_max3A_2539 = arith.constant true
      %reduce_max3A_2540 = vector.broadcast %reduce_max3A_2539 : i1 to vector<16xi1>
      %reduce_max3A_2541 = tpu.scan <max>, %max3A_2538 masked %reduce_max3A_2540 : vector<16xf32>, vector<16xi1> -> vector<16xf32>
      %reduce_max3A_2542 = vector.extract %reduce_max3A_2541[15] : f32 from vector<16xf32>
      %jit3A_2543 = arith.constant 16 : i32
      %div3A_2544 = arith.divsi %min3A_2345, %jit3A_2543 : i32
      %sign3A_2545 = arith.constant 0 : i32
      %sign3A_2546 = arith.cmpi sgt, %min3A_2345, %sign3A_2545 : i32
      %sign3A_2547 = arith.extui %sign3A_2546 : i1 to i32
      %sign3A_2548 = arith.constant 0 : i32
      %sign3A_2549 = arith.cmpi slt, %min3A_2345, %sign3A_2548 : i32
      %sign3A_2550 = arith.extui %sign3A_2549 : i1 to i32
      %sign3A_2551 = arith.subi %sign3A_2547, %sign3A_2550 : i32
      %sign3A_2552 = arith.constant 0 : i32
      %sign3A_2553 = arith.cmpi sgt, %jit3A_2543, %sign3A_2552 : i32
      %sign3A_2554 = arith.extui %sign3A_2553 : i1 to i32
      %sign3A_2555 = arith.constant 0 : i32
      %sign3A_2556 = arith.cmpi slt, %jit3A_2543, %sign3A_2555 : i32
      %sign3A_2557 = arith.extui %sign3A_2556 : i1 to i32
      %sign3A_2558 = arith.subi %sign3A_2554, %sign3A_2557 : i32
      %ne3A_2559 = arith.cmpi ne, %sign3A_2551, %sign3A_2558 : i32
      %rem3A_2560 = arith.remsi %min3A_2345, %jit3A_2543 : i32
      %ne3A_2561 = arith.constant 0 : i32
      %ne3A_2562 = arith.cmpi ne, %rem3A_2560, %ne3A_2561 : i32
      %and3A_2563 = arith.andi %ne3A_2559, %ne3A_2562 : i1
      %sub3A_2564 = arith.constant 1 : i32
      %sub3A_2565 = arith.subi %div3A_2544, %sub3A_2564 : i32
      %select_n3A_2566 = arith.select %and3A_2563, %sub3A_2565, %div3A_2544 : i32
      %jit3A_2567 = arith.constant 16 : i32
      %eq3A_2568 = arith.constant 0 : i32
      %eq3A_2569 = arith.cmpi eq, %jit3A_2567, %eq3A_2568 : i32
      %jit3A_2570 = arith.constant 1 : i32
      %select_n3A_2571 = arith.select %eq3A_2569, %jit3A_2570, %jit3A_2567 : i32
      %rem3A_2572 = arith.remsi %min3A_2345, %select_n3A_2571 : i32
      %ne3A_2573 = arith.constant 0 : i32
      %ne3A_2574 = arith.cmpi ne, %rem3A_2572, %ne3A_2573 : i32
      %lt3A_2575 = arith.constant 0 : i32
      %lt3A_2576 = arith.cmpi slt, %rem3A_2572, %lt3A_2575 : i32
      %lt3A_2577 = arith.constant 0 : i32
      %lt3A_2578 = arith.cmpi slt, %select_n3A_2571, %lt3A_2577 : i32
      %ne3A_2579 = arith.xori %lt3A_2576, %lt3A_2578 : i1
      %and3A_2580 = arith.andi %ne3A_2579, %ne3A_2574 : i1
      %add3A_2581 = arith.addi %rem3A_2572, %select_n3A_2571 : i32
      %select_n3A_2582 = arith.select %and3A_2580, %add3A_2581, %rem3A_2572 : i32
      %eq3A_2583 = arith.constant 0 : i32
      %eq3A_2584 = arith.cmpi eq, %select_n3A_2566, %eq3A_2583 : i32
      %eq3A_2585 = vector.broadcast %select_n3A_2582 : i32 to vector<16xi32>
      %eq3A_2586 = arith.cmpi eq, %iota3A, %eq3A_2585 : vector<16xi32>
      %and3A_2587 = vector.broadcast %eq3A_2584 : i1 to vector<16xi1>
      %and3A_2588 = arith.andi %and3A_2587, %eq3A_2586 : vector<16xi1>
      %broadcast_in_dim3A_2589 = vector.broadcast %reduce_max3A_2542 : f32 to vector<16xf32>
      %select_n3A_2590 = arith.select %and3A_2588, %broadcast_in_dim3A_2589, %select_n3A_2245 : vector<16xi1>, vector<16xf32>
      %eq3A_2591 = arith.constant 1 : i32
      %eq3A_2592 = arith.cmpi eq, %select_n3A_2566, %eq3A_2591 : i32
      %eq3A_2593 = vector.broadcast %select_n3A_2582 : i32 to vector<16xi32>
      %eq3A_2594 = arith.cmpi eq, %iota3A, %eq3A_2593 : vector<16xi32>
      %and3A_2595 = vector.broadcast %eq3A_2592 : i1 to vector<16xi1>
      %and3A_2596 = arith.andi %and3A_2595, %eq3A_2594 : vector<16xi1>
      %broadcast_in_dim3A_2597 = vector.broadcast %reduce_max3A_2542 : f32 to vector<16xf32>
      %select_n3A_2598 = arith.select %and3A_2596, %broadcast_in_dim3A_2597, %select_n3A_2253 : vector<16xi1>, vector<16xf32>
      %eq3A_2599 = arith.constant 2 : i32
      %eq3A_2600 = arith.cmpi eq, %select_n3A_2566, %eq3A_2599 : i32
      %eq3A_2601 = vector.broadcast %select_n3A_2582 : i32 to vector<16xi32>
      %eq3A_2602 = arith.cmpi eq, %iota3A, %eq3A_2601 : vector<16xi32>
      %and3A_2603 = vector.broadcast %eq3A_2600 : i1 to vector<16xi1>
      %and3A_2604 = arith.andi %and3A_2603, %eq3A_2602 : vector<16xi1>
      %broadcast_in_dim3A_2605 = vector.broadcast %reduce_max3A_2542 : f32 to vector<16xf32>
      %select_n3A_2606 = arith.select %and3A_2604, %broadcast_in_dim3A_2605, %select_n3A_2261 : vector<16xi1>, vector<16xf32>
      %eq3A_2607 = arith.constant 3 : i32
      %eq3A_2608 = arith.cmpi eq, %select_n3A_2566, %eq3A_2607 : i32
      %eq3A_2609 = vector.broadcast %select_n3A_2582 : i32 to vector<16xi32>
      %eq3A_2610 = arith.cmpi eq, %iota3A, %eq3A_2609 : vector<16xi32>
      %and3A_2611 = vector.broadcast %eq3A_2608 : i1 to vector<16xi1>
      %and3A_2612 = arith.andi %and3A_2611, %eq3A_2610 : vector<16xi1>
      %broadcast_in_dim3A_2613 = vector.broadcast %reduce_max3A_2542 : f32 to vector<16xf32>
      %select_n3A_2614 = arith.select %and3A_2612, %broadcast_in_dim3A_2613, %select_n3A_2269 : vector<16xi1>, vector<16xf32>
      %max3A_2615 = arith.maximumf %select_n3A_2590, %select_n3A_2598 : vector<16xf32>
      %max3A_2616 = arith.maximumf %max3A_2615, %select_n3A_2606 : vector<16xf32>
      %max3A_2617 = arith.maximumf %max3A_2616, %select_n3A_2614 : vector<16xf32>
      %reduce_max3A_2618 = arith.constant true
      %reduce_max3A_2619 = vector.broadcast %reduce_max3A_2618 : i1 to vector<16xi1>
      %reduce_max3A_2620 = tpu.scan <max>, %max3A_2617 masked %reduce_max3A_2619 : vector<16xf32>, vector<16xi1> -> vector<16xf32>
      %reduce_max3A_2621 = vector.extract %reduce_max3A_2620[15] : f32 from vector<16xf32>
      %eq3A_2622 = vector.broadcast %reduce_max3A_2621 : f32 to vector<16xf32>
      %eq3A_2623 = arith.cmpf oeq, %select_n3A_2590, %eq3A_2622 : vector<16xf32>
      %add3A_2624 = arith.constant 0 : i32
      %add3A_2625 = vector.broadcast %add3A_2624 : i32 to vector<16xi32>
      %add3A_2626 = arith.addi %add3A_2625, %iota3A : vector<16xi32>
      %jit3A_2627 = arith.constant 1073741824 : i32
      %broadcast_in_dim3A_2628 = vector.broadcast %jit3A_2627 : i32 to vector<16xi32>
      %select_n3A_2629 = arith.select %eq3A_2623, %add3A_2626, %broadcast_in_dim3A_2628 : vector<16xi1>, vector<16xi32>
      %reduce_min3A_2630 = arith.constant true
      %reduce_min3A_2631 = vector.broadcast %reduce_min3A_2630 : i1 to vector<16xi1>
      %reduce_min3A_2632 = arith.constant -2147483648 : i32
      %reduce_min3A_2633 = vector.broadcast %reduce_min3A_2632 : i32 to vector<16xi32>
      %reduce_min3A_2634 = arith.xori %select_n3A_2629, %reduce_min3A_2633 : vector<16xi32>
      %reduce_min3A_2635 = tpu.scan <min>, %reduce_min3A_2634 masked %reduce_min3A_2631 : vector<16xi32>, vector<16xi1> -> vector<16xi32>
      %reduce_min3A_2636 = arith.xori %reduce_min3A_2635, %reduce_min3A_2633 : vector<16xi32>
      %reduce_min3A_2637 = vector.extract %reduce_min3A_2636[15] : i32 from vector<16xi32>
      %min3A_2638 = arith.constant 1073741824 : i32
      %min3A_2639 = arith.minsi %min3A_2638, %reduce_min3A_2637 : i32
      %eq3A_2640 = vector.broadcast %reduce_max3A_2621 : f32 to vector<16xf32>
      %eq3A_2641 = arith.cmpf oeq, %select_n3A_2598, %eq3A_2640 : vector<16xf32>
      %add3A_2642 = arith.constant 16 : i32
      %add3A_2643 = vector.broadcast %add3A_2642 : i32 to vector<16xi32>
      %add3A_2644 = arith.addi %add3A_2643, %iota3A : vector<16xi32>
      %jit3A_2645 = arith.constant 1073741824 : i32
      %broadcast_in_dim3A_2646 = vector.broadcast %jit3A_2645 : i32 to vector<16xi32>
      %select_n3A_2647 = arith.select %eq3A_2641, %add3A_2644, %broadcast_in_dim3A_2646 : vector<16xi1>, vector<16xi32>
      %reduce_min3A_2648 = arith.constant true
      %reduce_min3A_2649 = vector.broadcast %reduce_min3A_2648 : i1 to vector<16xi1>
      %reduce_min3A_2650 = arith.constant -2147483648 : i32
      %reduce_min3A_2651 = vector.broadcast %reduce_min3A_2650 : i32 to vector<16xi32>
      %reduce_min3A_2652 = arith.xori %select_n3A_2647, %reduce_min3A_2651 : vector<16xi32>
      %reduce_min3A_2653 = tpu.scan <min>, %reduce_min3A_2652 masked %reduce_min3A_2649 : vector<16xi32>, vector<16xi1> -> vector<16xi32>
      %reduce_min3A_2654 = arith.xori %reduce_min3A_2653, %reduce_min3A_2651 : vector<16xi32>
      %reduce_min3A_2655 = vector.extract %reduce_min3A_2654[15] : i32 from vector<16xi32>
      %min3A_2656 = arith.minsi %min3A_2639, %reduce_min3A_2655 : i32
      %eq3A_2657 = vector.broadcast %reduce_max3A_2621 : f32 to vector<16xf32>
      %eq3A_2658 = arith.cmpf oeq, %select_n3A_2606, %eq3A_2657 : vector<16xf32>
      %add3A_2659 = arith.constant 32 : i32
      %add3A_2660 = vector.broadcast %add3A_2659 : i32 to vector<16xi32>
      %add3A_2661 = arith.addi %add3A_2660, %iota3A : vector<16xi32>
      %jit3A_2662 = arith.constant 1073741824 : i32
      %broadcast_in_dim3A_2663 = vector.broadcast %jit3A_2662 : i32 to vector<16xi32>
      %select_n3A_2664 = arith.select %eq3A_2658, %add3A_2661, %broadcast_in_dim3A_2663 : vector<16xi1>, vector<16xi32>
      %reduce_min3A_2665 = arith.constant true
      %reduce_min3A_2666 = vector.broadcast %reduce_min3A_2665 : i1 to vector<16xi1>
      %reduce_min3A_2667 = arith.constant -2147483648 : i32
      %reduce_min3A_2668 = vector.broadcast %reduce_min3A_2667 : i32 to vector<16xi32>
      %reduce_min3A_2669 = arith.xori %select_n3A_2664, %reduce_min3A_2668 : vector<16xi32>
      %reduce_min3A_2670 = tpu.scan <min>, %reduce_min3A_2669 masked %reduce_min3A_2666 : vector<16xi32>, vector<16xi1> -> vector<16xi32>
      %reduce_min3A_2671 = arith.xori %reduce_min3A_2670, %reduce_min3A_2668 : vector<16xi32>
      %reduce_min3A_2672 = vector.extract %reduce_min3A_2671[15] : i32 from vector<16xi32>
      %min3A_2673 = arith.minsi %min3A_2656, %reduce_min3A_2672 : i32
      %eq3A_2674 = vector.broadcast %reduce_max3A_2621 : f32 to vector<16xf32>
      %eq3A_2675 = arith.cmpf oeq, %select_n3A_2614, %eq3A_2674 : vector<16xf32>
      %add3A_2676 = arith.constant 48 : i32
      %add3A_2677 = vector.broadcast %add3A_2676 : i32 to vector<16xi32>
      %add3A_2678 = arith.addi %add3A_2677, %iota3A : vector<16xi32>
      %jit3A_2679 = arith.constant 1073741824 : i32
      %broadcast_in_dim3A_2680 = vector.broadcast %jit3A_2679 : i32 to vector<16xi32>
      %select_n3A_2681 = arith.select %eq3A_2675, %add3A_2678, %broadcast_in_dim3A_2680 : vector<16xi1>, vector<16xi32>
      %reduce_min3A_2682 = arith.constant true
      %reduce_min3A_2683 = vector.broadcast %reduce_min3A_2682 : i1 to vector<16xi1>
      %reduce_min3A_2684 = arith.constant -2147483648 : i32
      %reduce_min3A_2685 = vector.broadcast %reduce_min3A_2684 : i32 to vector<16xi32>
      %reduce_min3A_2686 = arith.xori %select_n3A_2681, %reduce_min3A_2685 : vector<16xi32>
      %reduce_min3A_2687 = tpu.scan <min>, %reduce_min3A_2686 masked %reduce_min3A_2683 : vector<16xi32>, vector<16xi1> -> vector<16xi32>
      %reduce_min3A_2688 = arith.xori %reduce_min3A_2687, %reduce_min3A_2685 : vector<16xi32>
      %reduce_min3A_2689 = vector.extract %reduce_min3A_2688[15] : i32 from vector<16xi32>
      %min3A_2690 = arith.minsi %min3A_2673, %reduce_min3A_2689 : i32
      %mul3A_2691 = arith.constant 64 : i32
      %mul3A_2692 = arith.muli %min3A_2690, %mul3A_2691 : i32
      %broadcast_in_dim3A_2693 = arith.constant -3.000000e+38 : f32
      %broadcast_in_dim3A_2694 = vector.broadcast %broadcast_in_dim3A_2693 : f32 to vector<16xf32>
      %broadcast_in_dim3A_2695 = arith.constant 0 : i32
      %broadcast_in_dim3A_2696 = vector.broadcast %broadcast_in_dim3A_2695 : i32 to vector<16xi32>
      %add3A_2697 = arith.constant 0 : i32
      %add3A_2698 = arith.addi %mul3A_2692, %add3A_2697 : i32
      %get3A_2699 = arith.index_cast %add3A_2698 : i32 to index
      %get3A_2700 = tpu.vector_load %arg6[%get3A_2699] {strides = array<i32>} : memref<4096xf32, #tpu.memory_space<vmem>>, vector<16xf32>,
      %add3A_2701 = arith.constant 0 : i32
      %add3A_2702 = arith.addi %mul3A_2692, %add3A_2701 : i32
      %add3A_2703 = vector.broadcast %add3A_2702 : i32 to vector<16xi32>
      %add3A_2704 = arith.addi %add3A_2703, %iota3A : vector<16xi32>
      %lt3A_2705 = vector.broadcast %reduce_max3A_2443 : f32 to vector<16xf32>
      %lt3A_2706 = arith.cmpf olt, %get3A_2700, %lt3A_2705 : vector<16xf32>
      %eq3A_2707 = vector.broadcast %reduce_max3A_2443 : f32 to vector<16xf32>
      %eq3A_2708 = arith.cmpf oeq, %get3A_2700, %eq3A_2707 : vector<16xf32>
      %gt3A_2709 = vector.broadcast %reduce_min3A_2456 : i32 to vector<16xi32>
      %gt3A_2710 = arith.cmpi sgt, %add3A_2704, %gt3A_2709 : vector<16xi32>
      %and3A_2711 = arith.andi %eq3A_2708, %gt3A_2710 : vector<16xi1>
      %or3A_2712 = arith.ori %lt3A_2706, %and3A_2711 : vector<16xi1>
      %jit3A_2713 = arith.constant -3.000000e+38 : f32
      %broadcast_in_dim3A_2714 = vector.broadcast %jit3A_2713 : f32 to vector<16xf32>
      %select_n3A_2715 = arith.select %or3A_2712, %get3A_2700, %broadcast_in_dim3A_2714 : vector<16xi1>, vector<16xf32>
      %gt3A_2716 = arith.cmpf ogt, %select_n3A_2715, %broadcast_in_dim3A_2694 : vector<16xf32>
      %select_n3A_2717 = arith.select %gt3A_2716, %select_n3A_2715, %broadcast_in_dim3A_2694 : vector<16xi1>, vector<16xf32>
      %select_n3A_2718 = arith.select %gt3A_2716, %add3A_2704, %broadcast_in_dim3A_2696 : vector<16xi1>, vector<16xi32>
      %add3A_2719 = arith.constant 16 : i32
      %add3A_2720 = arith.addi %mul3A_2692, %add3A_2719 : i32
      %get3A_2721 = arith.index_cast %add3A_2720 : i32 to index
      %get3A_2722 = tpu.vector_load %arg6[%get3A_2721] {strides = array<i32>} : memref<4096xf32, #tpu.memory_space<vmem>>, vector<16xf32>,
      %add3A_2723 = arith.constant 16 : i32
      %add3A_2724 = arith.addi %mul3A_2692, %add3A_2723 : i32
      %add3A_2725 = vector.broadcast %add3A_2724 : i32 to vector<16xi32>
      %add3A_2726 = arith.addi %add3A_2725, %iota3A : vector<16xi32>
      %lt3A_2727 = vector.broadcast %reduce_max3A_2443 : f32 to vector<16xf32>
      %lt3A_2728 = arith.cmpf olt, %get3A_2722, %lt3A_2727 : vector<16xf32>
      %eq3A_2729 = vector.broadcast %reduce_max3A_2443 : f32 to vector<16xf32>
      %eq3A_2730 = arith.cmpf oeq, %get3A_2722, %eq3A_2729 : vector<16xf32>
      %gt3A_2731 = vector.broadcast %reduce_min3A_2456 : i32 to vector<16xi32>
      %gt3A_2732 = arith.cmpi sgt, %add3A_2726, %gt3A_2731 : vector<16xi32>
      %and3A_2733 = arith.andi %eq3A_2730, %gt3A_2732 : vector<16xi1>
      %or3A_2734 = arith.ori %lt3A_2728, %and3A_2733 : vector<16xi1>
      %jit3A_2735 = arith.constant -3.000000e+38 : f32
      %broadcast_in_dim3A_2736 = vector.broadcast %jit3A_2735 : f32 to vector<16xf32>
      %select_n3A_2737 = arith.select %or3A_2734, %get3A_2722, %broadcast_in_dim3A_2736 : vector<16xi1>, vector<16xf32>
      %gt3A_2738 = arith.cmpf ogt, %select_n3A_2737, %select_n3A_2717 : vector<16xf32>
      %select_n3A_2739 = arith.select %gt3A_2738, %select_n3A_2737, %select_n3A_2717 : vector<16xi1>, vector<16xf32>
      %select_n3A_2740 = arith.select %gt3A_2738, %add3A_2726, %select_n3A_2718 : vector<16xi1>, vector<16xi32>
      %add3A_2741 = arith.constant 32 : i32
      %add3A_2742 = arith.addi %mul3A_2692, %add3A_2741 : i32
      %get3A_2743 = arith.index_cast %add3A_2742 : i32 to index
      %get3A_2744 = tpu.vector_load %arg6[%get3A_2743] {strides = array<i32>} : memref<4096xf32, #tpu.memory_space<vmem>>, vector<16xf32>,
      %add3A_2745 = arith.constant 32 : i32
      %add3A_2746 = arith.addi %mul3A_2692, %add3A_2745 : i32
      %add3A_2747 = vector.broadcast %add3A_2746 : i32 to vector<16xi32>
      %add3A_2748 = arith.addi %add3A_2747, %iota3A : vector<16xi32>
      %lt3A_2749 = vector.broadcast %reduce_max3A_2443 : f32 to vector<16xf32>
      %lt3A_2750 = arith.cmpf olt, %get3A_2744, %lt3A_2749 : vector<16xf32>
      %eq3A_2751 = vector.broadcast %reduce_max3A_2443 : f32 to vector<16xf32>
      %eq3A_2752 = arith.cmpf oeq, %get3A_2744, %eq3A_2751 : vector<16xf32>
      %gt3A_2753 = vector.broadcast %reduce_min3A_2456 : i32 to vector<16xi32>
      %gt3A_2754 = arith.cmpi sgt, %add3A_2748, %gt3A_2753 : vector<16xi32>
      %and3A_2755 = arith.andi %eq3A_2752, %gt3A_2754 : vector<16xi1>
      %or3A_2756 = arith.ori %lt3A_2750, %and3A_2755 : vector<16xi1>
      %jit3A_2757 = arith.constant -3.000000e+38 : f32
      %broadcast_in_dim3A_2758 = vector.broadcast %jit3A_2757 : f32 to vector<16xf32>
      %select_n3A_2759 = arith.select %or3A_2756, %get3A_2744, %broadcast_in_dim3A_2758 : vector<16xi1>, vector<16xf32>
      %gt3A_2760 = arith.cmpf ogt, %select_n3A_2759, %select_n3A_2739 : vector<16xf32>
      %select_n3A_2761 = arith.select %gt3A_2760, %select_n3A_2759, %select_n3A_2739 : vector<16xi1>, vector<16xf32>
      %select_n3A_2762 = arith.select %gt3A_2760, %add3A_2748, %select_n3A_2740 : vector<16xi1>, vector<16xi32>
      %add3A_2763 = arith.constant 48 : i32
      %add3A_2764 = arith.addi %mul3A_2692, %add3A_2763 : i32
      %get3A_2765 = arith.index_cast %add3A_2764 : i32 to index
      %get3A_2766 = tpu.vector_load %arg6[%get3A_2765] {strides = array<i32>} : memref<4096xf32, #tpu.memory_space<vmem>>, vector<16xf32>,
      %add3A_2767 = arith.constant 48 : i32
      %add3A_2768 = arith.addi %mul3A_2692, %add3A_2767 : i32
      %add3A_2769 = vector.broadcast %add3A_2768 : i32 to vector<16xi32>
      %add3A_2770 = arith.addi %add3A_2769, %iota3A : vector<16xi32>
      %lt3A_2771 = vector.broadcast %reduce_max3A_2443 : f32 to vector<16xf32>
      %lt3A_2772 = arith.cmpf olt, %get3A_2766, %lt3A_2771 : vector<16xf32>
      %eq3A_2773 = vector.broadcast %reduce_max3A_2443 : f32 to vector<16xf32>
      %eq3A_2774 = arith.cmpf oeq, %get3A_2766, %eq3A_2773 : vector<16xf32>
      %gt3A_2775 = vector.broadcast %reduce_min3A_2456 : i32 to vector<16xi32>
      %gt3A_2776 = arith.cmpi sgt, %add3A_2770, %gt3A_2775 : vector<16xi32>
      %and3A_2777 = arith.andi %eq3A_2774, %gt3A_2776 : vector<16xi1>
      %or3A_2778 = arith.ori %lt3A_2772, %and3A_2777 : vector<16xi1>
      %jit3A_2779 = arith.constant -3.000000e+38 : f32
      %broadcast_in_dim3A_2780 = vector.broadcast %jit3A_2779 : f32 to vector<16xf32>
      %select_n3A_2781 = arith.select %or3A_2778, %get3A_2766, %broadcast_in_dim3A_2780 : vector<16xi1>, vector<16xf32>
      %gt3A_2782 = arith.cmpf ogt, %select_n3A_2781, %select_n3A_2761 : vector<16xf32>
      %select_n3A_2783 = arith.select %gt3A_2782, %select_n3A_2781, %select_n3A_2761 : vector<16xi1>, vector<16xf32>
      %select_n3A_2784 = arith.select %gt3A_2782, %add3A_2770, %select_n3A_2762 : vector<16xi1>, vector<16xi32>
      %reduce_max3A_2785 = arith.constant true
      %reduce_max3A_2786 = vector.broadcast %reduce_max3A_2785 : i1 to vector<16xi1>
      %reduce_max3A_2787 = tpu.scan <max>, %select_n3A_2783 masked %reduce_max3A_2786 : vector<16xf32>, vector<16xi1> -> vector<16xf32>
      %reduce_max3A_2788 = vector.extract %reduce_max3A_2787[15] : f32 from vector<16xf32>
      %eq3A_2789 = vector.broadcast %reduce_max3A_2788 : f32 to vector<16xf32>
      %eq3A_2790 = arith.cmpf oeq, %select_n3A_2783, %eq3A_2789 : vector<16xf32>
      %jit3A_2791 = arith.constant 1073741824 : i32
      %broadcast_in_dim3A_2792 = vector.broadcast %jit3A_2791 : i32 to vector<16xi32>
      %select_n3A_2793 = arith.select %eq3A_2790, %select_n3A_2784, %broadcast_in_dim3A_2792 : vector<16xi1>, vector<16xi32>
      %reduce_min3A_2794 = arith.constant true
      %reduce_min3A_2795 = vector.broadcast %reduce_min3A_2794 : i1 to vector<16xi1>
      %reduce_min3A_2796 = arith.constant -2147483648 : i32
      %reduce_min3A_2797 = vector.broadcast %reduce_min3A_2796 : i32 to vector<16xi32>
      %reduce_min3A_2798 = arith.xori %select_n3A_2793, %reduce_min3A_2797 : vector<16xi32>
      %reduce_min3A_2799 = tpu.scan <min>, %reduce_min3A_2798 masked %reduce_min3A_2795 : vector<16xi32>, vector<16xi1> -> vector<16xi32>
      %reduce_min3A_2800 = arith.xori %reduce_min3A_2799, %reduce_min3A_2797 : vector<16xi32>
      %reduce_min3A_2801 = vector.extract %reduce_min3A_2800[15] : i32 from vector<16xi32>
      %broadcast_in_dim3A_2802 = arith.constant -3.000000e+38 : f32
      %broadcast_in_dim3A_2803 = vector.broadcast %broadcast_in_dim3A_2802 : f32 to vector<16xf32>
      %add3A_2804 = arith.constant 0 : i32
      %add3A_2805 = arith.addi %mul3A_2692, %add3A_2804 : i32
      %get3A_2806 = arith.index_cast %add3A_2805 : i32 to index
      %get3A_2807 = tpu.vector_load %arg6[%get3A_2806] {strides = array<i32>} : memref<4096xf32, #tpu.memory_space<vmem>>, vector<16xf32>,
      %add3A_2808 = arith.constant 0 : i32
      %add3A_2809 = arith.addi %mul3A_2692, %add3A_2808 : i32
      %add3A_2810 = vector.broadcast %add3A_2809 : i32 to vector<16xi32>
      %add3A_2811 = arith.addi %add3A_2810, %iota3A : vector<16xi32>
      %lt3A_2812 = vector.broadcast %reduce_max3A_2788 : f32 to vector<16xf32>
      %lt3A_2813 = arith.cmpf olt, %get3A_2807, %lt3A_2812 : vector<16xf32>
      %eq3A_2814 = vector.broadcast %reduce_max3A_2788 : f32 to vector<16xf32>
      %eq3A_2815 = arith.cmpf oeq, %get3A_2807, %eq3A_2814 : vector<16xf32>
      %gt3A_2816 = vector.broadcast %reduce_min3A_2801 : i32 to vector<16xi32>
      %gt3A_2817 = arith.cmpi sgt, %add3A_2811, %gt3A_2816 : vector<16xi32>
      %and3A_2818 = arith.andi %eq3A_2815, %gt3A_2817 : vector<16xi1>
      %or3A_2819 = arith.ori %lt3A_2813, %and3A_2818 : vector<16xi1>
      %jit3A_2820 = arith.constant -3.000000e+38 : f32
      %broadcast_in_dim3A_2821 = vector.broadcast %jit3A_2820 : f32 to vector<16xf32>
      %select_n3A_2822 = arith.select %or3A_2819, %get3A_2807, %broadcast_in_dim3A_2821 : vector<16xi1>, vector<16xf32>
      %max3A_2823 = arith.maximumf %broadcast_in_dim3A_2803, %select_n3A_2822 : vector<16xf32>
      %add3A_2824 = arith.constant 16 : i32
      %add3A_2825 = arith.addi %mul3A_2692, %add3A_2824 : i32
      %get3A_2826 = arith.index_cast %add3A_2825 : i32 to index
      %get3A_2827 = tpu.vector_load %arg6[%get3A_2826] {strides = array<i32>} : memref<4096xf32, #tpu.memory_space<vmem>>, vector<16xf32>,
      %add3A_2828 = arith.constant 16 : i32
      %add3A_2829 = arith.addi %mul3A_2692, %add3A_2828 : i32
      %add3A_2830 = vector.broadcast %add3A_2829 : i32 to vector<16xi32>
      %add3A_2831 = arith.addi %add3A_2830, %iota3A : vector<16xi32>
      %lt3A_2832 = vector.broadcast %reduce_max3A_2788 : f32 to vector<16xf32>
      %lt3A_2833 = arith.cmpf olt, %get3A_2827, %lt3A_2832 : vector<16xf32>
      %eq3A_2834 = vector.broadcast %reduce_max3A_2788 : f32 to vector<16xf32>
      %eq3A_2835 = arith.cmpf oeq, %get3A_2827, %eq3A_2834 : vector<16xf32>
      %gt3A_2836 = vector.broadcast %reduce_min3A_2801 : i32 to vector<16xi32>
      %gt3A_2837 = arith.cmpi sgt, %add3A_2831, %gt3A_2836 : vector<16xi32>
      %and3A_2838 = arith.andi %eq3A_2835, %gt3A_2837 : vector<16xi1>
      %or3A_2839 = arith.ori %lt3A_2833, %and3A_2838 : vector<16xi1>
      %jit3A_2840 = arith.constant -3.000000e+38 : f32
      %broadcast_in_dim3A_2841 = vector.broadcast %jit3A_2840 : f32 to vector<16xf32>
      %select_n3A_2842 = arith.select %or3A_2839, %get3A_2827, %broadcast_in_dim3A_2841 : vector<16xi1>, vector<16xf32>
      %max3A_2843 = arith.maximumf %max3A_2823, %select_n3A_2842 : vector<16xf32>
      %add3A_2844 = arith.constant 32 : i32
      %add3A_2845 = arith.addi %mul3A_2692, %add3A_2844 : i32
      %get3A_2846 = arith.index_cast %add3A_2845 : i32 to index
      %get3A_2847 = tpu.vector_load %arg6[%get3A_2846] {strides = array<i32>} : memref<4096xf32, #tpu.memory_space<vmem>>, vector<16xf32>,
      %add3A_2848 = arith.constant 32 : i32
      %add3A_2849 = arith.addi %mul3A_2692, %add3A_2848 : i32
      %add3A_2850 = vector.broadcast %add3A_2849 : i32 to vector<16xi32>
      %add3A_2851 = arith.addi %add3A_2850, %iota3A : vector<16xi32>
      %lt3A_2852 = vector.broadcast %reduce_max3A_2788 : f32 to vector<16xf32>
      %lt3A_2853 = arith.cmpf olt, %get3A_2847, %lt3A_2852 : vector<16xf32>
      %eq3A_2854 = vector.broadcast %reduce_max3A_2788 : f32 to vector<16xf32>
      %eq3A_2855 = arith.cmpf oeq, %get3A_2847, %eq3A_2854 : vector<16xf32>
      %gt3A_2856 = vector.broadcast %reduce_min3A_2801 : i32 to vector<16xi32>
      %gt3A_2857 = arith.cmpi sgt, %add3A_2851, %gt3A_2856 : vector<16xi32>
      %and3A_2858 = arith.andi %eq3A_2855, %gt3A_2857 : vector<16xi1>
      %or3A_2859 = arith.ori %lt3A_2853, %and3A_2858 : vector<16xi1>
      %jit3A_2860 = arith.constant -3.000000e+38 : f32
      %broadcast_in_dim3A_2861 = vector.broadcast %jit3A_2860 : f32 to vector<16xf32>
      %select_n3A_2862 = arith.select %or3A_2859, %get3A_2847, %broadcast_in_dim3A_2861 : vector<16xi1>, vector<16xf32>
      %max3A_2863 = arith.maximumf %max3A_2843, %select_n3A_2862 : vector<16xf32>
      %add3A_2864 = arith.constant 48 : i32
      %add3A_2865 = arith.addi %mul3A_2692, %add3A_2864 : i32
      %get3A_2866 = arith.index_cast %add3A_2865 : i32 to index
      %get3A_2867 = tpu.vector_load %arg6[%get3A_2866] {strides = array<i32>} : memref<4096xf32, #tpu.memory_space<vmem>>, vector<16xf32>,
      %add3A_2868 = arith.constant 48 : i32
      %add3A_2869 = arith.addi %mul3A_2692, %add3A_2868 : i32
      %add3A_2870 = vector.broadcast %add3A_2869 : i32 to vector<16xi32>
      %add3A_2871 = arith.addi %add3A_2870, %iota3A : vector<16xi32>
      %lt3A_2872 = vector.broadcast %reduce_max3A_2788 : f32 to vector<16xf32>
      %lt3A_2873 = arith.cmpf olt, %get3A_2867, %lt3A_2872 : vector<16xf32>
      %eq3A_2874 = vector.broadcast %reduce_max3A_2788 : f32 to vector<16xf32>
      %eq3A_2875 = arith.cmpf oeq, %get3A_2867, %eq3A_2874 : vector<16xf32>
      %gt3A_2876 = vector.broadcast %reduce_min3A_2801 : i32 to vector<16xi32>
      %gt3A_2877 = arith.cmpi sgt, %add3A_2871, %gt3A_2876 : vector<16xi32>
      %and3A_2878 = arith.andi %eq3A_2875, %gt3A_2877 : vector<16xi1>
      %or3A_2879 = arith.ori %lt3A_2873, %and3A_2878 : vector<16xi1>
      %jit3A_2880 = arith.constant -3.000000e+38 : f32
      %broadcast_in_dim3A_2881 = vector.broadcast %jit3A_2880 : f32 to vector<16xf32>
      %select_n3A_2882 = arith.select %or3A_2879, %get3A_2867, %broadcast_in_dim3A_2881 : vector<16xi1>, vector<16xf32>
      %max3A_2883 = arith.maximumf %max3A_2863, %select_n3A_2882 : vector<16xf32>
      %reduce_max3A_2884 = arith.constant true
      %reduce_max3A_2885 = vector.broadcast %reduce_max3A_2884 : i1 to vector<16xi1>
      %reduce_max3A_2886 = tpu.scan <max>, %max3A_2883 masked %reduce_max3A_2885 : vector<16xf32>, vector<16xi1> -> vector<16xf32>
      %reduce_max3A_2887 = vector.extract %reduce_max3A_2886[15] : f32 from vector<16xf32>
      %jit3A_2888 = arith.constant 16 : i32
      %div3A_2889 = arith.divsi %min3A_2690, %jit3A_2888 : i32
      %sign3A_2890 = arith.constant 0 : i32
      %sign3A_2891 = arith.cmpi sgt, %min3A_2690, %sign3A_2890 : i32
      %sign3A_2892 = arith.extui %sign3A_2891 : i1 to i32
      %sign3A_2893 = arith.constant 0 : i32
      %sign3A_2894 = arith.cmpi slt, %min3A_2690, %sign3A_2893 : i32
      %sign3A_2895 = arith.extui %sign3A_2894 : i1 to i32
      %sign3A_2896 = arith.subi %sign3A_2892, %sign3A_2895 : i32
      %sign3A_2897 = arith.constant 0 : i32
      %sign3A_2898 = arith.cmpi sgt, %jit3A_2888, %sign3A_2897 : i32
      %sign3A_2899 = arith.extui %sign3A_2898 : i1 to i32
      %sign3A_2900 = arith.constant 0 : i32
      %sign3A_2901 = arith.cmpi slt, %jit3A_2888, %sign3A_2900 : i32
      %sign3A_2902 = arith.extui %sign3A_2901 : i1 to i32
      %sign3A_2903 = arith.subi %sign3A_2899, %sign3A_2902 : i32
      %ne3A_2904 = arith.cmpi ne, %sign3A_2896, %sign3A_2903 : i32
      %rem3A_2905 = arith.remsi %min3A_2690, %jit3A_2888 : i32
      %ne3A_2906 = arith.constant 0 : i32
      %ne3A_2907 = arith.cmpi ne, %rem3A_2905, %ne3A_2906 : i32
      %and3A_2908 = arith.andi %ne3A_2904, %ne3A_2907 : i1
      %sub3A_2909 = arith.constant 1 : i32
      %sub3A_2910 = arith.subi %div3A_2889, %sub3A_2909 : i32
      %select_n3A_2911 = arith.select %and3A_2908, %sub3A_2910, %div3A_2889 : i32
      %jit3A_2912 = arith.constant 16 : i32
      %eq3A_2913 = arith.constant 0 : i32
      %eq3A_2914 = arith.cmpi eq, %jit3A_2912, %eq3A_2913 : i32
      %jit3A_2915 = arith.constant 1 : i32
      %select_n3A_2916 = arith.select %eq3A_2914, %jit3A_2915, %jit3A_2912 : i32
      %rem3A_2917 = arith.remsi %min3A_2690, %select_n3A_2916 : i32
      %ne3A_2918 = arith.constant 0 : i32
      %ne3A_2919 = arith.cmpi ne, %rem3A_2917, %ne3A_2918 : i32
      %lt3A_2920 = arith.constant 0 : i32
      %lt3A_2921 = arith.cmpi slt, %rem3A_2917, %lt3A_2920 : i32
      %lt3A_2922 = arith.constant 0 : i32
      %lt3A_2923 = arith.cmpi slt, %select_n3A_2916, %lt3A_2922 : i32
      %ne3A_2924 = arith.xori %lt3A_2921, %lt3A_2923 : i1
      %and3A_2925 = arith.andi %ne3A_2924, %ne3A_2919 : i1
      %add3A_2926 = arith.addi %rem3A_2917, %select_n3A_2916 : i32
      %select_n3A_2927 = arith.select %and3A_2925, %add3A_2926, %rem3A_2917 : i32
      %eq3A_2928 = arith.constant 0 : i32
      %eq3A_2929 = arith.cmpi eq, %select_n3A_2911, %eq3A_2928 : i32
      %eq3A_2930 = vector.broadcast %select_n3A_2927 : i32 to vector<16xi32>
      %eq3A_2931 = arith.cmpi eq, %iota3A, %eq3A_2930 : vector<16xi32>
      %and3A_2932 = vector.broadcast %eq3A_2929 : i1 to vector<16xi1>
      %and3A_2933 = arith.andi %and3A_2932, %eq3A_2931 : vector<16xi1>
      %broadcast_in_dim3A_2934 = vector.broadcast %reduce_max3A_2887 : f32 to vector<16xf32>
      %select_n3A_2935 = arith.select %and3A_2933, %broadcast_in_dim3A_2934, %select_n3A_2590 : vector<16xi1>, vector<16xf32>
      %eq3A_2936 = arith.constant 1 : i32
      %eq3A_2937 = arith.cmpi eq, %select_n3A_2911, %eq3A_2936 : i32
      %eq3A_2938 = vector.broadcast %select_n3A_2927 : i32 to vector<16xi32>
      %eq3A_2939 = arith.cmpi eq, %iota3A, %eq3A_2938 : vector<16xi32>
      %and3A_2940 = vector.broadcast %eq3A_2937 : i1 to vector<16xi1>
      %and3A_2941 = arith.andi %and3A_2940, %eq3A_2939 : vector<16xi1>
      %broadcast_in_dim3A_2942 = vector.broadcast %reduce_max3A_2887 : f32 to vector<16xf32>
      %select_n3A_2943 = arith.select %and3A_2941, %broadcast_in_dim3A_2942, %select_n3A_2598 : vector<16xi1>, vector<16xf32>
      %eq3A_2944 = arith.constant 2 : i32
      %eq3A_2945 = arith.cmpi eq, %select_n3A_2911, %eq3A_2944 : i32
      %eq3A_2946 = vector.broadcast %select_n3A_2927 : i32 to vector<16xi32>
      %eq3A_2947 = arith.cmpi eq, %iota3A, %eq3A_2946 : vector<16xi32>
      %and3A_2948 = vector.broadcast %eq3A_2945 : i1 to vector<16xi1>
      %and3A_2949 = arith.andi %and3A_2948, %eq3A_2947 : vector<16xi1>
      %broadcast_in_dim3A_2950 = vector.broadcast %reduce_max3A_2887 : f32 to vector<16xf32>
      %select_n3A_2951 = arith.select %and3A_2949, %broadcast_in_dim3A_2950, %select_n3A_2606 : vector<16xi1>, vector<16xf32>
      %eq3A_2952 = arith.constant 3 : i32
      %eq3A_2953 = arith.cmpi eq, %select_n3A_2911, %eq3A_2952 : i32
      %eq3A_2954 = vector.broadcast %select_n3A_2927 : i32 to vector<16xi32>
      %eq3A_2955 = arith.cmpi eq, %iota3A, %eq3A_2954 : vector<16xi32>
      %and3A_2956 = vector.broadcast %eq3A_2953 : i1 to vector<16xi1>
      %and3A_2957 = arith.andi %and3A_2956, %eq3A_2955 : vector<16xi1>
      %broadcast_in_dim3A_2958 = vector.broadcast %reduce_max3A_2887 : f32 to vector<16xf32>
      %select_n3A_2959 = arith.select %and3A_2957, %broadcast_in_dim3A_2958, %select_n3A_2614 : vector<16xi1>, vector<16xf32>
      %broadcast_in_dim3A_2960 = arith.constant 0 : i32
      %broadcast_in_dim3A_2961 = vector.broadcast %broadcast_in_dim3A_2960 : i32 to vector<16xi32>
      %eq3A_2962 = arith.constant 0 : i32
      %eq3A_2963 = vector.broadcast %eq3A_2962 : i32 to vector<16xi32>
      %eq3A_2964 = arith.cmpi eq, %iota3A, %eq3A_2963 : vector<16xi32>
      %broadcast_in_dim3A_2965 = vector.broadcast %reduce_min3A_1428 : i32 to vector<16xi32>
      %select_n3A_2966 = arith.select %eq3A_2964, %broadcast_in_dim3A_2965, %broadcast_in_dim3A_2961 : vector<16xi1>, vector<16xi32>
      %eq3A_2967 = arith.constant 1 : i32
      %eq3A_2968 = vector.broadcast %eq3A_2967 : i32 to vector<16xi32>
      %eq3A_2969 = arith.cmpi eq, %iota3A, %eq3A_2968 : vector<16xi32>
      %broadcast_in_dim3A_2970 = vector.broadcast %reduce_min3A_1766 : i32 to vector<16xi32>
      %select_n3A_2971 = arith.select %eq3A_2969, %broadcast_in_dim3A_2970, %select_n3A_2966 : vector<16xi1>, vector<16xi32>
      %eq3A_2972 = arith.constant 2 : i32
      %eq3A_2973 = vector.broadcast %eq3A_2972 : i32 to vector<16xi32>
      %eq3A_2974 = arith.cmpi eq, %iota3A, %eq3A_2973 : vector<16xi32>
      %broadcast_in_dim3A_2975 = vector.broadcast %reduce_min3A_2111 : i32 to vector<16xi32>
      %select_n3A_2976 = arith.select %eq3A_2974, %broadcast_in_dim3A_2975, %select_n3A_2971 : vector<16xi1>, vector<16xi32>
      %eq3A_2977 = arith.constant 3 : i32
      %eq3A_2978 = vector.broadcast %eq3A_2977 : i32 to vector<16xi32>
      %eq3A_2979 = arith.cmpi eq, %iota3A, %eq3A_2978 : vector<16xi32>
      %broadcast_in_dim3A_2980 = vector.broadcast %reduce_min3A_2456 : i32 to vector<16xi32>
      %select_n3A_2981 = arith.select %eq3A_2979, %broadcast_in_dim3A_2980, %select_n3A_2976 : vector<16xi1>, vector<16xi32>
      %eq3A_2982 = arith.constant 4 : i32
      %eq3A_2983 = vector.broadcast %eq3A_2982 : i32 to vector<16xi32>
      %eq3A_2984 = arith.cmpi eq, %iota3A, %eq3A_2983 : vector<16xi32>
      %broadcast_in_dim3A_2985 = vector.broadcast %reduce_min3A_2801 : i32 to vector<16xi32>
      %select_n3A_2986 = arith.select %eq3A_2984, %broadcast_in_dim3A_2985, %select_n3A_2981 : vector<16xi1>, vector<16xi32>
      %add3A_2987 = arith.constant 0 : i32
      %add3A_2988 = arith.addi %add3A, %add3A_2987 : i32
      %mul3A_2989 = arith.constant 4096 : i32
      %mul3A_2990 = arith.muli %add3A_2988, %mul3A_2989 : i32
      %add3A_2991 = vector.broadcast %mul3A_2990 : i32 to vector<16xi32>
      %add3A_2992 = arith.addi %select_n3A_2986, %add3A_2991 : vector<16xi32>
      %jit3A_2993 = arith.constant 0 : i32
      %jit3A_2994 = arith.constant 16383 : i32
      %max3A_2995 = vector.broadcast %jit3A_2993 : i32 to vector<16xi32>
      %max3A_2996 = arith.maxsi %max3A_2995, %add3A_2992 : vector<16xi32>
      %min3A_2997 = vector.broadcast %jit3A_2994 : i32 to vector<16xi32>
      %min3A_2998 = arith.minsi %min3A_2997, %max3A_2996 : vector<16xi32>
      %swap3A = arith.constant 0 : index
      %swap3A_2999 = tpu.vector_load %arg8[%swap3A] {strides = array<i32>} : memref<16xi32, #tpu.memory_space<vmem>>, vector<16xi32>,
      tpu.vector_store %arg8[%swap3A], %min3A_2998 {strides = array<i32>} : memref<16xi32, #tpu.memory_space<vmem>>, vector<16xi32>,
      "tpu.region"() ({
        %run_scoped3A = tpu.sem_alloc : memref<!tpu.dma_semaphore, #tpu.memory_space<semaphore_mem>>
        %dma_start3A_3162 = arith.constant 0 : i32
        %dma_start3A_3163 = arith.constant 0 : i32
        %dma_start3A_3164 = tpu.memref_slice %arg4[%dma_start3A_3162, %dma_start3A_3163] : memref<16384x1024xf32, #tpu.memory_space<hbm>> -> memref<16384x1024xf32, #tpu.memory_space<hbm>>
        tpu.enqueue_indirect_dma source(%dma_start3A_3164 : memref<16384x1024xf32, #tpu.memory_space<hbm>>) target(%arg9 : memref<16x1024xf32, #tpu.memory_space<vmem>>) offsets(%arg8 : memref<16xi32, #tpu.memory_space<vmem>>) semaphore(%run_scoped3A : memref<!tpu.dma_semaphore, #tpu.memory_space<semaphore_mem>>)
        %dma_wait3A_3165 = arith.constant 0 : i32
        %dma_wait3A_3166 = arith.constant 0 : i32
        %dma_wait3A_3167 = tpu.memref_slice %arg4[%dma_wait3A_3165, %dma_wait3A_3166] : memref<16384x1024xf32, #tpu.memory_space<hbm>> -> memref<16384x1024xf32, #tpu.memory_space<hbm>>
        tpu.wait_indirect_dma semaphore(%run_scoped3A : memref<!tpu.dma_semaphore, #tpu.memory_space<semaphore_mem>>) src(%dma_wait3A_3167 : memref<16384x1024xf32, #tpu.memory_space<hbm>>) dst(%arg9 : memref<16x1024xf32, #tpu.memory_space<vmem>>)
        tpu.yield
      }) : () -> ()
      %dma_wait3A = tpu.memref_slice %arg3[%mul3A_6] : memref<4096xf32, #tpu.memory_space<hbm>> -> memref<1024xf32, #tpu.memory_space<hbm>>
      %dma_wait3A_3000 = tpu.memref_slice %arg3[%mul3A_6] : memref<4096xf32, #tpu.memory_space<hbm>> -> memref<1024xf32, #tpu.memory_space<hbm>>
      tpu.wait_dma2 semaphore(%arg11 : memref<!tpu.dma_semaphore, #tpu.memory_space<semaphore_mem>>) src(%dma_wait3A_3000 : memref<1024xf32, #tpu.memory_space<hbm>>) dst(%arg7 : memref<1024xf32, #tpu.memory_space<vmem>>)
      %broadcast_in_dim3A_3001 = arith.constant 0.000000e+00 : f32
      %broadcast_in_dim3A_3002 = vector.broadcast %broadcast_in_dim3A_3001 : f32 to vector<16xf32>
      %scan3A = arith.constant 0 : i32
      %scan3A_3003 = arith.constant 64 : i32
      %scan3A_3004 = arith.addi %scan3A, %scan3A_3003 : i32
      %scan3A_3005 = arith.constant 4 : i32
      %scan3A_3006:11 = scf.for %scan3A_3162 = %scan3A to %scan3A_3004 step %scan3A_3005 iter_args(%scan3A_3163 = %broadcast_in_dim3A_3002, %scan3A_3164 = %broadcast_in_dim3A_3002, %scan3A_3165 = %broadcast_in_dim3A_3002, %scan3A_3166 = %broadcast_in_dim3A_3002, %scan3A_3167 = %broadcast_in_dim3A_3002, %scan3A_3168 = %broadcast_in_dim3A_3002, %scan3A_3169 = %broadcast_in_dim3A_3002, %scan3A_3170 = %broadcast_in_dim3A_3002, %scan3A_3171 = %broadcast_in_dim3A_3002, %scan3A_3172 = %broadcast_in_dim3A_3002, %scan3A_3173 = %broadcast_in_dim3A_3002) -> (vector<16xf32>, vector<16xf32>, vector<16xf32>, vector<16xf32>, vector<16xf32>, vector<16xf32>, vector<16xf32>, vector<16xf32>, vector<16xf32>, vector<16xf32>, vector<16xf32>)  : i32 {
        %mul3A_3174 = arith.constant 16 : i32
        %mul3A_3175 = arith.muli %scan3A_3162, %mul3A_3174 : i32
        %get3A_3176 = arith.index_cast %mul3A_3175 : i32 to index
        %get3A_3177 = tpu.vector_load %arg7[%get3A_3176] {strides = array<i32>} : memref<1024xf32, #tpu.memory_space<vmem>>, vector<16xf32>,
        %mul3A_3178 = arith.mulf %get3A_3177, %get3A_3177 : vector<16xf32>
        %add3A_3179 = arith.addf %scan3A_3163, %mul3A_3178 : vector<16xf32>
        %mul3A_3180 = arith.constant 16 : i32
        %mul3A_3181 = arith.muli %scan3A_3162, %mul3A_3180 : i32
        %get3A_3182 = arith.constant 0 : i32
        %get3A_3183 = arith.index_cast %get3A_3182 : i32 to index
        %get3A_3184 = arith.index_cast %mul3A_3181 : i32 to index
        %get3A_3185 = tpu.vector_load %arg9[%get3A_3183, %get3A_3184] {strides = array<i32>} : memref<16x1024xf32, #tpu.memory_space<vmem>>, vector<16xf32>,
        %mul3A_3186 = arith.mulf %get3A_3177, %get3A_3185 : vector<16xf32>
        %add3A_3187 = arith.addf %scan3A_3164, %mul3A_3186 : vector<16xf32>
        %mul3A_3188 = arith.mulf %get3A_3185, %get3A_3185 : vector<16xf32>
        %add3A_3189 = arith.addf %scan3A_3169, %mul3A_3188 : vector<16xf32>
        %mul3A_3190 = arith.constant 16 : i32
        %mul3A_3191 = arith.muli %scan3A_3162, %mul3A_3190 : i32
        %get3A_3192 = arith.constant 1 : i32
        %get3A_3193 = arith.index_cast %get3A_3192 : i32 to index
        %get3A_3194 = arith.index_cast %mul3A_3191 : i32 to index
        %get3A_3195 = tpu.vector_load %arg9[%get3A_3193, %get3A_3194] {strides = array<i32>} : memref<16x1024xf32, #tpu.memory_space<vmem>>, vector<16xf32>,
        %mul3A_3196 = arith.mulf %get3A_3177, %get3A_3195 : vector<16xf32>
        %add3A_3197 = arith.addf %scan3A_3165, %mul3A_3196 : vector<16xf32>
        %mul3A_3198 = arith.mulf %get3A_3195, %get3A_3195 : vector<16xf32>
        %add3A_3199 = arith.addf %scan3A_3170, %mul3A_3198 : vector<16xf32>
        %mul3A_3200 = arith.constant 16 : i32
        %mul3A_3201 = arith.muli %scan3A_3162, %mul3A_3200 : i32
        %get3A_3202 = arith.constant 2 : i32
        %get3A_3203 = arith.index_cast %get3A_3202 : i32 to index
        %get3A_3204 = arith.index_cast %mul3A_3201 : i32 to index
        %get3A_3205 = tpu.vector_load %arg9[%get3A_3203, %get3A_3204] {strides = array<i32>} : memref<16x1024xf32, #tpu.memory_space<vmem>>, vector<16xf32>,
        %mul3A_3206 = arith.mulf %get3A_3177, %get3A_3205 : vector<16xf32>
        %add3A_3207 = arith.addf %scan3A_3166, %mul3A_3206 : vector<16xf32>
        %mul3A_3208 = arith.mulf %get3A_3205, %get3A_3205 : vector<16xf32>
        %add3A_3209 = arith.addf %scan3A_3171, %mul3A_3208 : vector<16xf32>
        %mul3A_3210 = arith.constant 16 : i32
        %mul3A_3211 = arith.muli %scan3A_3162, %mul3A_3210 : i32
        %get3A_3212 = arith.constant 3 : i32
        %get3A_3213 = arith.index_cast %get3A_3212 : i32 to index
        %get3A_3214 = arith.index_cast %mul3A_3211 : i32 to index
        %get3A_3215 = tpu.vector_load %arg9[%get3A_3213, %get3A_3214] {strides = array<i32>} : memref<16x1024xf32, #tpu.memory_space<vmem>>, vector<16xf32>,
        %mul3A_3216 = arith.mulf %get3A_3177, %get3A_3215 : vector<16xf32>
        %add3A_3217 = arith.addf %scan3A_3167, %mul3A_3216 : vector<16xf32>
        %mul3A_3218 = arith.mulf %get3A_3215, %get3A_3215 : vector<16xf32>
        %add3A_3219 = arith.addf %scan3A_3172, %mul3A_3218 : vector<16xf32>
        %mul3A_3220 = arith.constant 16 : i32
        %mul3A_3221 = arith.muli %scan3A_3162, %mul3A_3220 : i32
        %get3A_3222 = arith.constant 4 : i32
        %get3A_3223 = arith.index_cast %get3A_3222 : i32 to index
        %get3A_3224 = arith.index_cast %mul3A_3221 : i32 to index
        %get3A_3225 = tpu.vector_load %arg9[%get3A_3223, %get3A_3224] {strides = array<i32>} : memref<16x1024xf32, #tpu.memory_space<vmem>>, vector<16xf32>,
        %mul3A_3226 = arith.mulf %get3A_3177, %get3A_3225 : vector<16xf32>
        %add3A_3227 = arith.addf %scan3A_3168, %mul3A_3226 : vector<16xf32>
        %mul3A_3228 = arith.mulf %get3A_3225, %get3A_3225 : vector<16xf32>
        %add3A_3229 = arith.addf %scan3A_3173, %mul3A_3228 : vector<16xf32>
        %scan3A_3230 = arith.constant 1 : i32
        %scan3A_3231 = arith.addi %scan3A_3162, %scan3A_3230 : i32
        %mul3A_3232 = arith.constant 16 : i32
        %mul3A_3233 = arith.muli %scan3A_3231, %mul3A_3232 : i32
        %get3A_3234 = arith.index_cast %mul3A_3233 : i32 to index
        %get3A_3235 = tpu.vector_load %arg7[%get3A_3234] {strides = array<i32>} : memref<1024xf32, #tpu.memory_space<vmem>>, vector<16xf32>,
        %mul3A_3236 = arith.mulf %get3A_3235, %get3A_3235 : vector<16xf32>
        %add3A_3237 = arith.addf %add3A_3179, %mul3A_3236 : vector<16xf32>
        %mul3A_3238 = arith.constant 16 : i32
        %mul3A_3239 = arith.muli %scan3A_3231, %mul3A_3238 : i32
        %get3A_3240 = arith.constant 0 : i32
        %get3A_3241 = arith.index_cast %get3A_3240 : i32 to index
        %get3A_3242 = arith.index_cast %mul3A_3239 : i32 to index
        %get3A_3243 = tpu.vector_load %arg9[%get3A_3241, %get3A_3242] {strides = array<i32>} : memref<16x1024xf32, #tpu.memory_space<vmem>>, vector<16xf32>,
        %mul3A_3244 = arith.mulf %get3A_3235, %get3A_3243 : vector<16xf32>
        %add3A_3245 = arith.addf %add3A_3187, %mul3A_3244 : vector<16xf32>
        %mul3A_3246 = arith.mulf %get3A_3243, %get3A_3243 : vector<16xf32>
        %add3A_3247 = arith.addf %add3A_3189, %mul3A_3246 : vector<16xf32>
        %mul3A_3248 = arith.constant 16 : i32
        %mul3A_3249 = arith.muli %scan3A_3231, %mul3A_3248 : i32
        %get3A_3250 = arith.constant 1 : i32
        %get3A_3251 = arith.index_cast %get3A_3250 : i32 to index
        %get3A_3252 = arith.index_cast %mul3A_3249 : i32 to index
        %get3A_3253 = tpu.vector_load %arg9[%get3A_3251, %get3A_3252] {strides = array<i32>} : memref<16x1024xf32, #tpu.memory_space<vmem>>, vector<16xf32>,
        %mul3A_3254 = arith.mulf %get3A_3235, %get3A_3253 : vector<16xf32>
        %add3A_3255 = arith.addf %add3A_3197, %mul3A_3254 : vector<16xf32>
        %mul3A_3256 = arith.mulf %get3A_3253, %get3A_3253 : vector<16xf32>
        %add3A_3257 = arith.addf %add3A_3199, %mul3A_3256 : vector<16xf32>
        %mul3A_3258 = arith.constant 16 : i32
        %mul3A_3259 = arith.muli %scan3A_3231, %mul3A_3258 : i32
        %get3A_3260 = arith.constant 2 : i32
        %get3A_3261 = arith.index_cast %get3A_3260 : i32 to index
        %get3A_3262 = arith.index_cast %mul3A_3259 : i32 to index
        %get3A_3263 = tpu.vector_load %arg9[%get3A_3261, %get3A_3262] {strides = array<i32>} : memref<16x1024xf32, #tpu.memory_space<vmem>>, vector<16xf32>,
        %mul3A_3264 = arith.mulf %get3A_3235, %get3A_3263 : vector<16xf32>
        %add3A_3265 = arith.addf %add3A_3207, %mul3A_3264 : vector<16xf32>
        %mul3A_3266 = arith.mulf %get3A_3263, %get3A_3263 : vector<16xf32>
        %add3A_3267 = arith.addf %add3A_3209, %mul3A_3266 : vector<16xf32>
        %mul3A_3268 = arith.constant 16 : i32
        %mul3A_3269 = arith.muli %scan3A_3231, %mul3A_3268 : i32
        %get3A_3270 = arith.constant 3 : i32
        %get3A_3271 = arith.index_cast %get3A_3270 : i32 to index
        %get3A_3272 = arith.index_cast %mul3A_3269 : i32 to index
        %get3A_3273 = tpu.vector_load %arg9[%get3A_3271, %get3A_3272] {strides = array<i32>} : memref<16x1024xf32, #tpu.memory_space<vmem>>, vector<16xf32>,
        %mul3A_3274 = arith.mulf %get3A_3235, %get3A_3273 : vector<16xf32>
        %add3A_3275 = arith.addf %add3A_3217, %mul3A_3274 : vector<16xf32>
        %mul3A_3276 = arith.mulf %get3A_3273, %get3A_3273 : vector<16xf32>
        %add3A_3277 = arith.addf %add3A_3219, %mul3A_3276 : vector<16xf32>
        %mul3A_3278 = arith.constant 16 : i32
        %mul3A_3279 = arith.muli %scan3A_3231, %mul3A_3278 : i32
        %get3A_3280 = arith.constant 4 : i32
        %get3A_3281 = arith.index_cast %get3A_3280 : i32 to index
        %get3A_3282 = arith.index_cast %mul3A_3279 : i32 to index
        %get3A_3283 = tpu.vector_load %arg9[%get3A_3281, %get3A_3282] {strides = array<i32>} : memref<16x1024xf32, #tpu.memory_space<vmem>>, vector<16xf32>,
        %mul3A_3284 = arith.mulf %get3A_3235, %get3A_3283 : vector<16xf32>
        %add3A_3285 = arith.addf %add3A_3227, %mul3A_3284 : vector<16xf32>
        %mul3A_3286 = arith.mulf %get3A_3283, %get3A_3283 : vector<16xf32>
        %add3A_3287 = arith.addf %add3A_3229, %mul3A_3286 : vector<16xf32>
        %scan3A_3288 = arith.constant 2 : i32
        %scan3A_3289 = arith.addi %scan3A_3162, %scan3A_3288 : i32
        %mul3A_3290 = arith.constant 16 : i32
        %mul3A_3291 = arith.muli %scan3A_3289, %mul3A_3290 : i32
        %get3A_3292 = arith.index_cast %mul3A_3291 : i32 to index
        %get3A_3293 = tpu.vector_load %arg7[%get3A_3292] {strides = array<i32>} : memref<1024xf32, #tpu.memory_space<vmem>>, vector<16xf32>,
        %mul3A_3294 = arith.mulf %get3A_3293, %get3A_3293 : vector<16xf32>
        %add3A_3295 = arith.addf %add3A_3237, %mul3A_3294 : vector<16xf32>
        %mul3A_3296 = arith.constant 16 : i32
        %mul3A_3297 = arith.muli %scan3A_3289, %mul3A_3296 : i32
        %get3A_3298 = arith.constant 0 : i32
        %get3A_3299 = arith.index_cast %get3A_3298 : i32 to index
        %get3A_3300 = arith.index_cast %mul3A_3297 : i32 to index
        %get3A_3301 = tpu.vector_load %arg9[%get3A_3299, %get3A_3300] {strides = array<i32>} : memref<16x1024xf32, #tpu.memory_space<vmem>>, vector<16xf32>,
        %mul3A_3302 = arith.mulf %get3A_3293, %get3A_3301 : vector<16xf32>
        %add3A_3303 = arith.addf %add3A_3245, %mul3A_3302 : vector<16xf32>
        %mul3A_3304 = arith.mulf %get3A_3301, %get3A_3301 : vector<16xf32>
        %add3A_3305 = arith.addf %add3A_3247, %mul3A_3304 : vector<16xf32>
        %mul3A_3306 = arith.constant 16 : i32
        %mul3A_3307 = arith.muli %scan3A_3289, %mul3A_3306 : i32
        %get3A_3308 = arith.constant 1 : i32
        %get3A_3309 = arith.index_cast %get3A_3308 : i32 to index
        %get3A_3310 = arith.index_cast %mul3A_3307 : i32 to index
        %get3A_3311 = tpu.vector_load %arg9[%get3A_3309, %get3A_3310] {strides = array<i32>} : memref<16x1024xf32, #tpu.memory_space<vmem>>, vector<16xf32>,
        %mul3A_3312 = arith.mulf %get3A_3293, %get3A_3311 : vector<16xf32>
        %add3A_3313 = arith.addf %add3A_3255, %mul3A_3312 : vector<16xf32>
        %mul3A_3314 = arith.mulf %get3A_3311, %get3A_3311 : vector<16xf32>
        %add3A_3315 = arith.addf %add3A_3257, %mul3A_3314 : vector<16xf32>
        %mul3A_3316 = arith.constant 16 : i32
        %mul3A_3317 = arith.muli %scan3A_3289, %mul3A_3316 : i32
        %get3A_3318 = arith.constant 2 : i32
        %get3A_3319 = arith.index_cast %get3A_3318 : i32 to index
        %get3A_3320 = arith.index_cast %mul3A_3317 : i32 to index
        %get3A_3321 = tpu.vector_load %arg9[%get3A_3319, %get3A_3320] {strides = array<i32>} : memref<16x1024xf32, #tpu.memory_space<vmem>>, vector<16xf32>,
        %mul3A_3322 = arith.mulf %get3A_3293, %get3A_3321 : vector<16xf32>
        %add3A_3323 = arith.addf %add3A_3265, %mul3A_3322 : vector<16xf32>
        %mul3A_3324 = arith.mulf %get3A_3321, %get3A_3321 : vector<16xf32>
        %add3A_3325 = arith.addf %add3A_3267, %mul3A_3324 : vector<16xf32>
        %mul3A_3326 = arith.constant 16 : i32
        %mul3A_3327 = arith.muli %scan3A_3289, %mul3A_3326 : i32
        %get3A_3328 = arith.constant 3 : i32
        %get3A_3329 = arith.index_cast %get3A_3328 : i32 to index
        %get3A_3330 = arith.index_cast %mul3A_3327 : i32 to index
        %get3A_3331 = tpu.vector_load %arg9[%get3A_3329, %get3A_3330] {strides = array<i32>} : memref<16x1024xf32, #tpu.memory_space<vmem>>, vector<16xf32>,
        %mul3A_3332 = arith.mulf %get3A_3293, %get3A_3331 : vector<16xf32>
        %add3A_3333 = arith.addf %add3A_3275, %mul3A_3332 : vector<16xf32>
        %mul3A_3334 = arith.mulf %get3A_3331, %get3A_3331 : vector<16xf32>
        %add3A_3335 = arith.addf %add3A_3277, %mul3A_3334 : vector<16xf32>
        %mul3A_3336 = arith.constant 16 : i32
        %mul3A_3337 = arith.muli %scan3A_3289, %mul3A_3336 : i32
        %get3A_3338 = arith.constant 4 : i32
        %get3A_3339 = arith.index_cast %get3A_3338 : i32 to index
        %get3A_3340 = arith.index_cast %mul3A_3337 : i32 to index
        %get3A_3341 = tpu.vector_load %arg9[%get3A_3339, %get3A_3340] {strides = array<i32>} : memref<16x1024xf32, #tpu.memory_space<vmem>>, vector<16xf32>,
        %mul3A_3342 = arith.mulf %get3A_3293, %get3A_3341 : vector<16xf32>
        %add3A_3343 = arith.addf %add3A_3285, %mul3A_3342 : vector<16xf32>
        %mul3A_3344 = arith.mulf %get3A_3341, %get3A_3341 : vector<16xf32>
        %add3A_3345 = arith.addf %add3A_3287, %mul3A_3344 : vector<16xf32>
        %scan3A_3346 = arith.constant 3 : i32
        %scan3A_3347 = arith.addi %scan3A_3162, %scan3A_3346 : i32
        %mul3A_3348 = arith.constant 16 : i32
        %mul3A_3349 = arith.muli %scan3A_3347, %mul3A_3348 : i32
        %get3A_3350 = arith.index_cast %mul3A_3349 : i32 to index
        %get3A_3351 = tpu.vector_load %arg7[%get3A_3350] {strides = array<i32>} : memref<1024xf32, #tpu.memory_space<vmem>>, vector<16xf32>,
        %mul3A_3352 = arith.mulf %get3A_3351, %get3A_3351 : vector<16xf32>
        %add3A_3353 = arith.addf %add3A_3295, %mul3A_3352 : vector<16xf32>
        %mul3A_3354 = arith.constant 16 : i32
        %mul3A_3355 = arith.muli %scan3A_3347, %mul3A_3354 : i32
        %get3A_3356 = arith.constant 0 : i32
        %get3A_3357 = arith.index_cast %get3A_3356 : i32 to index
        %get3A_3358 = arith.index_cast %mul3A_3355 : i32 to index
        %get3A_3359 = tpu.vector_load %arg9[%get3A_3357, %get3A_3358] {strides = array<i32>} : memref<16x1024xf32, #tpu.memory_space<vmem>>, vector<16xf32>,
        %mul3A_3360 = arith.mulf %get3A_3351, %get3A_3359 : vector<16xf32>
        %add3A_3361 = arith.addf %add3A_3303, %mul3A_3360 : vector<16xf32>
        %mul3A_3362 = arith.mulf %get3A_3359, %get3A_3359 : vector<16xf32>
        %add3A_3363 = arith.addf %add3A_3305, %mul3A_3362 : vector<16xf32>
        %mul3A_3364 = arith.constant 16 : i32
        %mul3A_3365 = arith.muli %scan3A_3347, %mul3A_3364 : i32
        %get3A_3366 = arith.constant 1 : i32
        %get3A_3367 = arith.index_cast %get3A_3366 : i32 to index
        %get3A_3368 = arith.index_cast %mul3A_3365 : i32 to index
        %get3A_3369 = tpu.vector_load %arg9[%get3A_3367, %get3A_3368] {strides = array<i32>} : memref<16x1024xf32, #tpu.memory_space<vmem>>, vector<16xf32>,
        %mul3A_3370 = arith.mulf %get3A_3351, %get3A_3369 : vector<16xf32>
        %add3A_3371 = arith.addf %add3A_3313, %mul3A_3370 : vector<16xf32>
        %mul3A_3372 = arith.mulf %get3A_3369, %get3A_3369 : vector<16xf32>
        %add3A_3373 = arith.addf %add3A_3315, %mul3A_3372 : vector<16xf32>
        %mul3A_3374 = arith.constant 16 : i32
        %mul3A_3375 = arith.muli %scan3A_3347, %mul3A_3374 : i32
        %get3A_3376 = arith.constant 2 : i32
        %get3A_3377 = arith.index_cast %get3A_3376 : i32 to index
        %get3A_3378 = arith.index_cast %mul3A_3375 : i32 to index
        %get3A_3379 = tpu.vector_load %arg9[%get3A_3377, %get3A_3378] {strides = array<i32>} : memref<16x1024xf32, #tpu.memory_space<vmem>>, vector<16xf32>,
        %mul3A_3380 = arith.mulf %get3A_3351, %get3A_3379 : vector<16xf32>
        %add3A_3381 = arith.addf %add3A_3323, %mul3A_3380 : vector<16xf32>
        %mul3A_3382 = arith.mulf %get3A_3379, %get3A_3379 : vector<16xf32>
        %add3A_3383 = arith.addf %add3A_3325, %mul3A_3382 : vector<16xf32>
        %mul3A_3384 = arith.constant 16 : i32
        %mul3A_3385 = arith.muli %scan3A_3347, %mul3A_3384 : i32
        %get3A_3386 = arith.constant 3 : i32
        %get3A_3387 = arith.index_cast %get3A_3386 : i32 to index
        %get3A_3388 = arith.index_cast %mul3A_3385 : i32 to index
        %get3A_3389 = tpu.vector_load %arg9[%get3A_3387, %get3A_3388] {strides = array<i32>} : memref<16x1024xf32, #tpu.memory_space<vmem>>, vector<16xf32>,
        %mul3A_3390 = arith.mulf %get3A_3351, %get3A_3389 : vector<16xf32>
        %add3A_3391 = arith.addf %add3A_3333, %mul3A_3390 : vector<16xf32>
        %mul3A_3392 = arith.mulf %get3A_3389, %get3A_3389 : vector<16xf32>
        %add3A_3393 = arith.addf %add3A_3335, %mul3A_3392 : vector<16xf32>
        %mul3A_3394 = arith.constant 16 : i32
        %mul3A_3395 = arith.muli %scan3A_3347, %mul3A_3394 : i32
        %get3A_3396 = arith.constant 4 : i32
        %get3A_3397 = arith.index_cast %get3A_3396 : i32 to index
        %get3A_3398 = arith.index_cast %mul3A_3395 : i32 to index
        %get3A_3399 = tpu.vector_load %arg9[%get3A_3397, %get3A_3398] {strides = array<i32>} : memref<16x1024xf32, #tpu.memory_space<vmem>>, vector<16xf32>,
        %mul3A_3400 = arith.mulf %get3A_3351, %get3A_3399 : vector<16xf32>
        %add3A_3401 = arith.addf %add3A_3343, %mul3A_3400 : vector<16xf32>
        %mul3A_3402 = arith.mulf %get3A_3399, %get3A_3399 : vector<16xf32>
        %add3A_3403 = arith.addf %add3A_3345, %mul3A_3402 : vector<16xf32>
        scf.yield %add3A_3353, %add3A_3361, %add3A_3371, %add3A_3381, %add3A_3391, %add3A_3401, %add3A_3363, %add3A_3373, %add3A_3383, %add3A_3393, %add3A_3403 : vector<16xf32>, vector<16xf32>, vector<16xf32>, vector<16xf32>, vector<16xf32>, vector<16xf32>, vector<16xf32>, vector<16xf32>, vector<16xf32>, vector<16xf32>, vector<16xf32>
      }
      %scan3A_3007 = arith.constant 64 : i32
      %reduce_sum3A = arith.constant true
      %reduce_sum3A_3008 = vector.broadcast %reduce_sum3A : i1 to vector<16xi1>
      %reduce_sum3A_3009 = tpu.scan <sum>, %scan3A_3006#0 masked %reduce_sum3A_3008 : vector<16xf32>, vector<16xi1> -> vector<16xf32>
      %reduce_sum3A_3010 = vector.extract %reduce_sum3A_3009[15] : f32 from vector<16xf32>
      %reduce_sum3A_3011 = arith.constant true
      %reduce_sum3A_3012 = vector.broadcast %reduce_sum3A_3011 : i1 to vector<16xi1>
      %reduce_sum3A_3013 = tpu.scan <sum>, %scan3A_3006#1 masked %reduce_sum3A_3012 : vector<16xf32>, vector<16xi1> -> vector<16xf32>
      %reduce_sum3A_3014 = vector.extract %reduce_sum3A_3013[15] : f32 from vector<16xf32>
      %reduce_sum3A_3015 = arith.constant true
      %reduce_sum3A_3016 = vector.broadcast %reduce_sum3A_3015 : i1 to vector<16xi1>
      %reduce_sum3A_3017 = tpu.scan <sum>, %scan3A_3006#2 masked %reduce_sum3A_3016 : vector<16xf32>, vector<16xi1> -> vector<16xf32>
      %reduce_sum3A_3018 = vector.extract %reduce_sum3A_3017[15] : f32 from vector<16xf32>
      %reduce_sum3A_3019 = arith.constant true
      %reduce_sum3A_3020 = vector.broadcast %reduce_sum3A_3019 : i1 to vector<16xi1>
      %reduce_sum3A_3021 = tpu.scan <sum>, %scan3A_3006#3 masked %reduce_sum3A_3020 : vector<16xf32>, vector<16xi1> -> vector<16xf32>
      %reduce_sum3A_3022 = vector.extract %reduce_sum3A_3021[15] : f32 from vector<16xf32>
      %reduce_sum3A_3023 = arith.constant true
      %reduce_sum3A_3024 = vector.broadcast %reduce_sum3A_3023 : i1 to vector<16xi1>
      %reduce_sum3A_3025 = tpu.scan <sum>, %scan3A_3006#4 masked %reduce_sum3A_3024 : vector<16xf32>, vector<16xi1> -> vector<16xf32>
      %reduce_sum3A_3026 = vector.extract %reduce_sum3A_3025[15] : f32 from vector<16xf32>
      %reduce_sum3A_3027 = arith.constant true
      %reduce_sum3A_3028 = vector.broadcast %reduce_sum3A_3027 : i1 to vector<16xi1>
      %reduce_sum3A_3029 = tpu.scan <sum>, %scan3A_3006#5 masked %reduce_sum3A_3028 : vector<16xf32>, vector<16xi1> -> vector<16xf32>
      %reduce_sum3A_3030 = vector.extract %reduce_sum3A_3029[15] : f32 from vector<16xf32>
      %broadcast_in_dim3A_3031 = arith.constant 0.000000e+00 : f32
      %broadcast_in_dim3A_3032 = vector.broadcast %broadcast_in_dim3A_3031 : f32 to vector<16xf32>
      %eq3A_3033 = arith.constant 0 : i32
      %eq3A_3034 = vector.broadcast %eq3A_3033 : i32 to vector<16xi32>
      %eq3A_3035 = arith.cmpi eq, %iota3A, %eq3A_3034 : vector<16xi32>
      %broadcast_in_dim3A_3036 = vector.broadcast %reduce_sum3A_3014 : f32 to vector<16xf32>
      %select_n3A_3037 = arith.select %eq3A_3035, %broadcast_in_dim3A_3036, %broadcast_in_dim3A_3032 : vector<16xi1>, vector<16xf32>
      %eq3A_3038 = arith.constant 1 : i32
      %eq3A_3039 = vector.broadcast %eq3A_3038 : i32 to vector<16xi32>
      %eq3A_3040 = arith.cmpi eq, %iota3A, %eq3A_3039 : vector<16xi32>
      %broadcast_in_dim3A_3041 = vector.broadcast %reduce_sum3A_3018 : f32 to vector<16xf32>
      %select_n3A_3042 = arith.select %eq3A_3040, %broadcast_in_dim3A_3041, %select_n3A_3037 : vector<16xi1>, vector<16xf32>
      %eq3A_3043 = arith.constant 2 : i32
      %eq3A_3044 = vector.broadcast %eq3A_3043 : i32 to vector<16xi32>
      %eq3A_3045 = arith.cmpi eq, %iota3A, %eq3A_3044 : vector<16xi32>
      %broadcast_in_dim3A_3046 = vector.broadcast %reduce_sum3A_3022 : f32 to vector<16xf32>
      %select_n3A_3047 = arith.select %eq3A_3045, %broadcast_in_dim3A_3046, %select_n3A_3042 : vector<16xi1>, vector<16xf32>
      %eq3A_3048 = arith.constant 3 : i32
      %eq3A_3049 = vector.broadcast %eq3A_3048 : i32 to vector<16xi32>
      %eq3A_3050 = arith.cmpi eq, %iota3A, %eq3A_3049 : vector<16xi32>
      %broadcast_in_dim3A_3051 = vector.broadcast %reduce_sum3A_3026 : f32 to vector<16xf32>
      %select_n3A_3052 = arith.select %eq3A_3050, %broadcast_in_dim3A_3051, %select_n3A_3047 : vector<16xi1>, vector<16xf32>
      %eq3A_3053 = arith.constant 4 : i32
      %eq3A_3054 = vector.broadcast %eq3A_3053 : i32 to vector<16xi32>
      %eq3A_3055 = arith.cmpi eq, %iota3A, %eq3A_3054 : vector<16xi32>
      %broadcast_in_dim3A_3056 = vector.broadcast %reduce_sum3A_3030 : f32 to vector<16xf32>
      %select_n3A_3057 = arith.select %eq3A_3055, %broadcast_in_dim3A_3056, %select_n3A_3052 : vector<16xi1>, vector<16xf32>
      %reduce_sum3A_3058 = arith.constant true
      %reduce_sum3A_3059 = vector.broadcast %reduce_sum3A_3058 : i1 to vector<16xi1>
      %reduce_sum3A_3060 = tpu.scan <sum>, %scan3A_3006#6 masked %reduce_sum3A_3059 : vector<16xf32>, vector<16xi1> -> vector<16xf32>
      %reduce_sum3A_3061 = vector.extract %reduce_sum3A_3060[15] : f32 from vector<16xf32>
      %reduce_sum3A_3062 = arith.constant true
      %reduce_sum3A_3063 = vector.broadcast %reduce_sum3A_3062 : i1 to vector<16xi1>
      %reduce_sum3A_3064 = tpu.scan <sum>, %scan3A_3006#7 masked %reduce_sum3A_3063 : vector<16xf32>, vector<16xi1> -> vector<16xf32>
      %reduce_sum3A_3065 = vector.extract %reduce_sum3A_3064[15] : f32 from vector<16xf32>
      %reduce_sum3A_3066 = arith.constant true
      %reduce_sum3A_3067 = vector.broadcast %reduce_sum3A_3066 : i1 to vector<16xi1>
      %reduce_sum3A_3068 = tpu.scan <sum>, %scan3A_3006#8 masked %reduce_sum3A_3067 : vector<16xf32>, vector<16xi1> -> vector<16xf32>
      %reduce_sum3A_3069 = vector.extract %reduce_sum3A_3068[15] : f32 from vector<16xf32>
      %reduce_sum3A_3070 = arith.constant true
      %reduce_sum3A_3071 = vector.broadcast %reduce_sum3A_3070 : i1 to vector<16xi1>
      %reduce_sum3A_3072 = tpu.scan <sum>, %scan3A_3006#9 masked %reduce_sum3A_3071 : vector<16xf32>, vector<16xi1> -> vector<16xf32>
      %reduce_sum3A_3073 = vector.extract %reduce_sum3A_3072[15] : f32 from vector<16xf32>
      %reduce_sum3A_3074 = arith.constant true
      %reduce_sum3A_3075 = vector.broadcast %reduce_sum3A_3074 : i1 to vector<16xi1>
      %reduce_sum3A_3076 = tpu.scan <sum>, %scan3A_3006#10 masked %reduce_sum3A_3075 : vector<16xf32>, vector<16xi1> -> vector<16xf32>
      %reduce_sum3A_3077 = vector.extract %reduce_sum3A_3076[15] : f32 from vector<16xf32>
      %broadcast_in_dim3A_3078 = arith.constant 1.000000e+00 : f32
      %broadcast_in_dim3A_3079 = vector.broadcast %broadcast_in_dim3A_3078 : f32 to vector<16xf32>
      %eq3A_3080 = arith.constant 0 : i32
      %eq3A_3081 = vector.broadcast %eq3A_3080 : i32 to vector<16xi32>
      %eq3A_3082 = arith.cmpi eq, %iota3A, %eq3A_3081 : vector<16xi32>
      %broadcast_in_dim3A_3083 = vector.broadcast %reduce_sum3A_3061 : f32 to vector<16xf32>
      %select_n3A_3084 = arith.select %eq3A_3082, %broadcast_in_dim3A_3083, %broadcast_in_dim3A_3079 : vector<16xi1>, vector<16xf32>
      %eq3A_3085 = arith.constant 1 : i32
      %eq3A_3086 = vector.broadcast %eq3A_3085 : i32 to vector<16xi32>
      %eq3A_3087 = arith.cmpi eq, %iota3A, %eq3A_3086 : vector<16xi32>
      %broadcast_in_dim3A_3088 = vector.broadcast %reduce_sum3A_3065 : f32 to vector<16xf32>
      %select_n3A_3089 = arith.select %eq3A_3087, %broadcast_in_dim3A_3088, %select_n3A_3084 : vector<16xi1>, vector<16xf32>
      %eq3A_3090 = arith.constant 2 : i32
      %eq3A_3091 = vector.broadcast %eq3A_3090 : i32 to vector<16xi32>
      %eq3A_3092 = arith.cmpi eq, %iota3A, %eq3A_3091 : vector<16xi32>
      %broadcast_in_dim3A_3093 = vector.broadcast %reduce_sum3A_3069 : f32 to vector<16xf32>
      %select_n3A_3094 = arith.select %eq3A_3092, %broadcast_in_dim3A_3093, %select_n3A_3089 : vector<16xi1>, vector<16xf32>
      %eq3A_3095 = arith.constant 3 : i32
      %eq3A_3096 = vector.broadcast %eq3A_3095 : i32 to vector<16xi32>
      %eq3A_3097 = arith.cmpi eq, %iota3A, %eq3A_3096 : vector<16xi32>
      %broadcast_in_dim3A_3098 = vector.broadcast %reduce_sum3A_3073 : f32 to vector<16xf32>
      %select_n3A_3099 = arith.select %eq3A_3097, %broadcast_in_dim3A_3098, %select_n3A_3094 : vector<16xi1>, vector<16xf32>
      %eq3A_3100 = arith.constant 4 : i32
      %eq3A_3101 = vector.broadcast %eq3A_3100 : i32 to vector<16xi32>
      %eq3A_3102 = arith.cmpi eq, %iota3A, %eq3A_3101 : vector<16xi32>
      %broadcast_in_dim3A_3103 = vector.broadcast %reduce_sum3A_3077 : f32 to vector<16xf32>
      %select_n3A_3104 = arith.select %eq3A_3102, %broadcast_in_dim3A_3103, %select_n3A_3099 : vector<16xi1>, vector<16xf32>
      %mul3A_3105 = vector.broadcast %reduce_sum3A_3010 : f32 to vector<16xf32>
      %mul3A_3106 = arith.mulf %select_n3A_3104, %mul3A_3105 : vector<16xf32>
      %bitcast_convert_type3A = tpu.bitcast %mul3A_3106 : vector<16xf32> -> vector<16xi32>
      %shift_right_arithmetic3A = arith.constant 1 : i32
      %shift_right_arithmetic3A_3107 = vector.broadcast %shift_right_arithmetic3A : i32 to vector<16xi32>
      %shift_right_arithmetic3A_3108 = arith.shrsi %bitcast_convert_type3A, %shift_right_arithmetic3A_3107 : vector<16xi32>
      %sub3A_3109 = arith.constant 1597463007 : i32
      %sub3A_3110 = vector.broadcast %sub3A_3109 : i32 to vector<16xi32>
      %sub3A_3111 = arith.subi %sub3A_3110, %shift_right_arithmetic3A_3108 : vector<16xi32>
      %bitcast_convert_type3A_3112 = tpu.bitcast %sub3A_3111 : vector<16xi32> -> vector<16xf32>
      %mul3A_3113 = arith.constant 5.000000e-01 : f32
      %mul3A_3114 = vector.broadcast %mul3A_3113 : f32 to vector<16xf32>
      %mul3A_3115 = arith.mulf %mul3A_3114, %mul3A_3106 : vector<16xf32>
      %mul3A_3116 = arith.mulf %mul3A_3115, %bitcast_convert_type3A_3112 : vector<16xf32>
      %mul3A_3117 = arith.mulf %mul3A_3116, %bitcast_convert_type3A_3112 : vector<16xf32>
      %sub3A_3118 = arith.constant 1.500000e+00 : f32
      %sub3A_3119 = vector.broadcast %sub3A_3118 : f32 to vector<16xf32>
      %sub3A_3120 = arith.subf %sub3A_3119, %mul3A_3117 : vector<16xf32>
      %mul3A_3121 = arith.mulf %bitcast_convert_type3A_3112, %sub3A_3120 : vector<16xf32>
      %mul3A_3122 = arith.constant 5.000000e-01 : f32
      %mul3A_3123 = vector.broadcast %mul3A_3122 : f32 to vector<16xf32>
      %mul3A_3124 = arith.mulf %mul3A_3123, %mul3A_3106 : vector<16xf32>
      %mul3A_3125 = arith.mulf %mul3A_3124, %mul3A_3121 : vector<16xf32>
      %mul3A_3126 = arith.mulf %mul3A_3125, %mul3A_3121 : vector<16xf32>
      %sub3A_3127 = arith.constant 1.500000e+00 : f32
      %sub3A_3128 = vector.broadcast %sub3A_3127 : f32 to vector<16xf32>
      %sub3A_3129 = arith.subf %sub3A_3128, %mul3A_3126 : vector<16xf32>
      %mul3A_3130 = arith.mulf %mul3A_3121, %sub3A_3129 : vector<16xf32>
      %mul3A_3131 = arith.constant 5.000000e-01 : f32
      %mul3A_3132 = vector.broadcast %mul3A_3131 : f32 to vector<16xf32>
      %mul3A_3133 = arith.mulf %mul3A_3132, %mul3A_3106 : vector<16xf32>
      %mul3A_3134 = arith.mulf %mul3A_3133, %mul3A_3130 : vector<16xf32>
      %mul3A_3135 = arith.mulf %mul3A_3134, %mul3A_3130 : vector<16xf32>
      %sub3A_3136 = arith.constant 1.500000e+00 : f32
      %sub3A_3137 = vector.broadcast %sub3A_3136 : f32 to vector<16xf32>
      %sub3A_3138 = arith.subf %sub3A_3137, %mul3A_3135 : vector<16xf32>
      %mul3A_3139 = arith.mulf %mul3A_3130, %sub3A_3138 : vector<16xf32>
      %mul3A_3140 = arith.constant 5.000000e-01 : f32
      %mul3A_3141 = vector.broadcast %mul3A_3140 : f32 to vector<16xf32>
      %mul3A_3142 = arith.mulf %mul3A_3141, %mul3A_3106 : vector<16xf32>
      %mul3A_3143 = arith.mulf %mul3A_3142, %mul3A_3139 : vector<16xf32>
      %mul3A_3144 = arith.mulf %mul3A_3143, %mul3A_3139 : vector<16xf32>
      %sub3A_3145 = arith.constant 1.500000e+00 : f32
      %sub3A_3146 = vector.broadcast %sub3A_3145 : f32 to vector<16xf32>
      %sub3A_3147 = arith.subf %sub3A_3146, %mul3A_3144 : vector<16xf32>
      %mul3A_3148 = arith.mulf %mul3A_3139, %sub3A_3147 : vector<16xf32>
      %mul3A_3149 = arith.mulf %mul3A_3106, %mul3A_3148 : vector<16xf32>
      %max3A_3150 = arith.constant 9.99999993E-9 : f32
      %max3A_3151 = vector.broadcast %max3A_3150 : f32 to vector<16xf32>
      %max3A_3152 = arith.maximumf %mul3A_3149, %max3A_3151 : vector<16xf32>
      %div3A_3153 = arith.divf %select_n3A_3057, %max3A_3152 : vector<16xf32>
      %lt3A_3154 = arith.constant 5 : i32
      %lt3A_3155 = vector.broadcast %lt3A_3154 : i32 to vector<16xi32>
      %lt3A_3156 = arith.cmpi slt, %iota3A, %lt3A_3155 : vector<16xi32>
      %jit3A_3157 = arith.constant 0.000000e+00 : f32
      %broadcast_in_dim3A_3158 = vector.broadcast %jit3A_3157 : f32 to vector<16xf32>
      %select_n3A_3159 = arith.select %lt3A_3156, %div3A_3153, %broadcast_in_dim3A_3158 : vector<16xi1>, vector<16xf32>
      %swap3A_3160 = arith.constant 0 : index
      %swap3A_3161 = tpu.vector_load %arg10[%swap3A_3160] {strides = array<i32>} : memref<16xf32, #tpu.memory_space<vmem>>, vector<16xf32>,
      tpu.vector_store %arg10[%swap3A_3160], %select_n3A_3159 {strides = array<i32>} : memref<16xf32, #tpu.memory_space<vmem>>, vector<16xf32>,
      "tpu.region"() ({
        %run_scoped3A = tpu.sem_alloc : memref<!tpu.dma_semaphore, #tpu.memory_space<semaphore_mem>>
        %dma_start3A_3162 = arith.constant 0 : i32
        %dma_start3A_3163 = tpu.memref_slice %arg5[%add3A, %dma_start3A_3162] : memref<4x16xf32, #tpu.memory_space<hbm>> -> memref<1x16xf32, #tpu.memory_space<hbm>>
        %dma_start3A_3164 = tpu.memref_squeeze %dma_start3A_3163 : memref<1x16xf32, #tpu.memory_space<hbm>> -> memref<16xf32, #tpu.memory_space<hbm>>
        %dma_start3A_3165 = arith.constant 0 : i32
        %dma_start3A_3166 = tpu.memref_slice %arg5[%add3A, %dma_start3A_3165] : memref<4x16xf32, #tpu.memory_space<hbm>> -> memref<1x16xf32, #tpu.memory_space<hbm>>
        %dma_start3A_3167 = tpu.memref_squeeze %dma_start3A_3166 : memref<1x16xf32, #tpu.memory_space<hbm>> -> memref<16xf32, #tpu.memory_space<hbm>>
        tpu.enqueue_dma source(%arg10 : memref<16xf32, #tpu.memory_space<vmem>>) target(%dma_start3A_3167 : memref<16xf32, #tpu.memory_space<hbm>>) target_semaphore(%run_scoped3A : memref<!tpu.dma_semaphore, #tpu.memory_space<semaphore_mem>>)
        %dma_wait3A_3168 = arith.constant 0 : i32
        %dma_wait3A_3169 = tpu.memref_slice %arg5[%add3A, %dma_wait3A_3168] : memref<4x16xf32, #tpu.memory_space<hbm>> -> memref<1x16xf32, #tpu.memory_space<hbm>>
        %dma_wait3A_3170 = tpu.memref_squeeze %dma_wait3A_3169 : memref<1x16xf32, #tpu.memory_space<hbm>> -> memref<16xf32, #tpu.memory_space<hbm>>
        %dma_wait3A_3171 = arith.constant 0 : i32
        %dma_wait3A_3172 = tpu.memref_slice %arg5[%add3A, %dma_wait3A_3171] : memref<4x16xf32, #tpu.memory_space<hbm>> -> memref<1x16xf32, #tpu.memory_space<hbm>>
        %dma_wait3A_3173 = tpu.memref_squeeze %dma_wait3A_3172 : memref<1x16xf32, #tpu.memory_space<hbm>> -> memref<16xf32, #tpu.memory_space<hbm>>
        tpu.wait_dma2 semaphore(%run_scoped3A : memref<!tpu.dma_semaphore, #tpu.memory_space<semaphore_mem>>) src(%arg10 : memref<16xf32, #tpu.memory_space<vmem>>) dst(%dma_wait3A_3173 : memref<16xf32, #tpu.memory_space<hbm>>)
        tpu.yield
      }) : () -> ()
    } else {
    }
    return
  }
}

module attributes {stable_mosaic.version = 14 : i64} {
  func.func @_tc_reduce_body(%arg0: i32, %arg1: i32, %arg2: memref<1x1024x4096xf32, #tpu.memory_space<vmem>>, %arg3: memref<1x64x1024xf32, #tpu.memory_space<vmem>>, %arg4: memref<1x1x4096xf32, #tpu.memory_space<vmem>>, %arg5: memref<1x1x1024xf32, #tpu.memory_space<vmem>>) attributes {dimension_semantics = [#tpu.dimension_semantics<arbitrary>, #tpu.dimension_semantics<arbitrary>], iteration_bounds = array<i64: 4, 4>, scalar_prefetch = 0 : i64, scratch_operands = 0 : i64, tpu.core_type = #tpu.core_type<tc>, window_params = [{transform_indices = @transform_0, window_bounds = array<i64: 1, 1024, 4096>}, {transform_indices = @transform_1, window_bounds = array<i64: 1, 64, 1024>}, {transform_indices = @transform_2, window_bounds = array<i64: 1, 1, 4096>}, {transform_indices = @transform_3, window_bounds = array<i64: 1, 1, 1024>}]} {
    %eq3A = arith.constant 0 : i32
    %eq3A_0 = arith.cmpi eq, %arg1, %eq3A : i32
    %convert_element_type3A = arith.extui %eq3A_0 : i1 to i32
    %cond3A = arith.constant 0 : i32
    %cond3A_1 = arith.cmpi ne, %convert_element_type3A, %cond3A : i32
    scf.if %cond3A_1 {
      %broadcast_in_dim3A_29 = arith.constant 0.000000e+00 : f32
      %broadcast_in_dim3A_30 = vector.broadcast %broadcast_in_dim3A_29 : f32 to vector<1x1x4096xf32>
      %swap3A_31 = arith.constant 0 : index
      %swap3A_32 = arith.constant 0 : index
      %swap3A_33 = arith.constant 0 : index
      %swap3A_34 = vector.load %arg4[%swap3A_31, %swap3A_32, %swap3A_33] : memref<1x1x4096xf32, #tpu.memory_space<vmem>>, vector<1x1x4096xf32>
      tpu.vector_store %arg4[%swap3A_31, %swap3A_32, %swap3A_33], %broadcast_in_dim3A_30 {strides = array<i32>} : memref<1x1x4096xf32, #tpu.memory_space<vmem>>, vector<1x1x4096xf32>,
      %broadcast_in_dim3A_35 = arith.constant 0.000000e+00 : f32
      %broadcast_in_dim3A_36 = vector.broadcast %broadcast_in_dim3A_35 : f32 to vector<1x1x1024xf32>
      %swap3A_37 = arith.constant 0 : index
      %swap3A_38 = arith.constant 0 : index
      %swap3A_39 = arith.constant 0 : index
      %swap3A_40 = vector.load %arg5[%swap3A_37, %swap3A_38, %swap3A_39] : memref<1x1x1024xf32, #tpu.memory_space<vmem>>, vector<1x1x1024xf32>
      tpu.vector_store %arg5[%swap3A_37, %swap3A_38, %swap3A_39], %broadcast_in_dim3A_36 {strides = array<i32>} : memref<1x1x1024xf32, #tpu.memory_space<vmem>>, vector<1x1x1024xf32>,
    } else {
    }
    %get3A = arith.constant 0 : index
    %get3A_2 = arith.constant 0 : index
    %get3A_3 = arith.constant 0 : index
    %get3A_4 = vector.load %arg4[%get3A, %get3A_2, %get3A_3] : memref<1x1x4096xf32, #tpu.memory_space<vmem>>, vector<1x1x4096xf32>
    %get3A_5 = arith.constant 0 : index
    %get3A_6 = arith.constant 0 : index
    %get3A_7 = arith.constant 0 : index
    %get3A_8 = vector.load %arg2[%get3A_5, %get3A_6, %get3A_7] : memref<1x1024x4096xf32, #tpu.memory_space<vmem>>, vector<1x1024x4096xf32>
    %reduce_sum3A = arith.constant dense<0.000000e+00> : vector<1x4096xf32>
    %reduce_sum3A_9 = vector.multi_reduction <add>, %get3A_8, %reduce_sum3A [1] : vector<1x1024x4096xf32> to vector<1x4096xf32>
    %broadcast_in_dim3A = vector.shape_cast %reduce_sum3A_9 : vector<1x4096xf32> to vector<1x1x4096xf32>
    %add3A = arith.addf %get3A_4, %broadcast_in_dim3A : vector<1x1x4096xf32>
    %swap3A = arith.constant 0 : index
    %swap3A_10 = arith.constant 0 : index
    %swap3A_11 = arith.constant 0 : index
    %swap3A_12 = vector.load %arg4[%swap3A, %swap3A_10, %swap3A_11] : memref<1x1x4096xf32, #tpu.memory_space<vmem>>, vector<1x1x4096xf32>
    tpu.vector_store %arg4[%swap3A, %swap3A_10, %swap3A_11], %add3A {strides = array<i32>} : memref<1x1x4096xf32, #tpu.memory_space<vmem>>, vector<1x1x4096xf32>,
    %get3A_13 = arith.constant 0 : index
    %get3A_14 = arith.constant 0 : index
    %get3A_15 = arith.constant 0 : index
    %get3A_16 = vector.load %arg5[%get3A_13, %get3A_14, %get3A_15] : memref<1x1x1024xf32, #tpu.memory_space<vmem>>, vector<1x1x1024xf32>
    %get3A_17 = arith.constant 0 : index
    %get3A_18 = arith.constant 0 : index
    %get3A_19 = arith.constant 0 : index
    %get3A_20 = vector.load %arg3[%get3A_17, %get3A_18, %get3A_19] : memref<1x64x1024xf32, #tpu.memory_space<vmem>>, vector<1x64x1024xf32>
    %reduce_sum3A_21 = arith.constant dense<0.000000e+00> : vector<1x1024xf32>
    %reduce_sum3A_22 = vector.multi_reduction <add>, %get3A_20, %reduce_sum3A_21 [1] : vector<1x64x1024xf32> to vector<1x1024xf32>
    %broadcast_in_dim3A_23 = vector.shape_cast %reduce_sum3A_22 : vector<1x1024xf32> to vector<1x1x1024xf32>
    %add3A_24 = arith.addf %get3A_16, %broadcast_in_dim3A_23 : vector<1x1x1024xf32>
    %swap3A_25 = arith.constant 0 : index
    %swap3A_26 = arith.constant 0 : index
    %swap3A_27 = arith.constant 0 : index
    %swap3A_28 = vector.load %arg5[%swap3A_25, %swap3A_26, %swap3A_27] : memref<1x1x1024xf32, #tpu.memory_space<vmem>>, vector<1x1x1024xf32>
    tpu.vector_store %arg5[%swap3A_25, %swap3A_26, %swap3A_27], %add3A_24 {strides = array<i32>} : memref<1x1x1024xf32, #tpu.memory_space<vmem>>, vector<1x1x1024xf32>,
    return
  }
  func.func @transform_0(%arg0: i32, %arg1: i32) -> (i32, i32, i32) {
    %add3A = arith.constant 0 : i32
    %add3A_0 = arith.addi %arg0, %add3A : i32
    %c0_i32 = arith.constant 0 : i32
    %c0_i32_1 = arith.constant 0 : i32
    return %add3A_0, %arg1, %c0_i32 : i32, i32, i32
  }
  func.func @transform_1(%arg0: i32, %arg1: i32) -> (i32, i32, i32) {
    %add3A = arith.constant 0 : i32
    %add3A_0 = arith.addi %arg0, %add3A : i32
    %c0_i32 = arith.constant 0 : i32
    %c0_i32_1 = arith.constant 0 : i32
    return %add3A_0, %arg1, %c0_i32 : i32, i32, i32
  }
  func.func @transform_2(%arg0: i32, %arg1: i32) -> (i32, i32, i32) {
    %c0_i32 = arith.constant 0 : i32
    %c0_i32_0 = arith.constant 0 : i32
    %c0_i32_1 = arith.constant 0 : i32
    return %arg0, %c0_i32, %c0_i32_0 : i32, i32, i32
  }
  func.func @transform_3(%arg0: i32, %arg1: i32) -> (i32, i32, i32) {
    %c0_i32 = arith.constant 0 : i32
    %c0_i32_0 = arith.constant 0 : i32
    %c0_i32_1 = arith.constant 0 : i32
    return %arg0, %c0_i32, %c0_i32_0 : i32, i32, i32
  }
}

</mosaic_0001>

<sc_bundles>
// kernel: kernel.4.cloned.1.call-start
scs
__scs_entry_jumppad:
0x0: {  	(pc) =	sbr.rel $0x88, $3  }
0x1: {  	(tag) =	ssettag $0x0;
	lr =	simm.s32 $0x1  }
0x2: {  	[smem:$0x3F9E] =	sst lr;
	_ =	strace $0xD0000000  }
0x3: {  	_ = 	snop  }
0x4: {  	_ = 	snop  }
0x5: {  	_ = 	snop  }
0x6: {  	_ = 	snop  }
0x7: {  	_ = 	snop  }
__scs_overlays_trampoline_lowered:
0x8: {  	[smem:$0x3FAD] =	sst s0  }
0x9: {  	[smem:$0x3FAE] =	sst s1  }
0xa: {  	[smem:$0x3FAF] =	sst s2  }
0xb: {  	[smem:$0x3FB0] =	sst s3  }
0xc: {  	[smem:$0x3FB1] =	sst s4  }
0xd: {  	[smem:$0x3FB2] =	sst s5  }
0xe: {  	[smem:$0x3FB3] =	sst s6  }
0xf: {  	[smem:$0x3FB4] =	sst s7  }
0x10: {  	[smem:$0x3FB5] =	sst s8  }
0x11: {  	[smem:$0x3FB6] =	sst s9;
	s0 =	simm.s32 @!p0 $0x0  }
0x12: {  	s1 =	sld [smem:$0x3F9C];
	s0 =	simm.s32 @p0 $0x1  }
0x13: {  	[smem:$0x3FB7] =	sst s0;
	s0 =	simm.s32 @!p1 $0x0  }
0x14: {  	s2 =	sld [smem:$0x3F9B];
	s0 =	simm.s32 @p1 $0x1  }
0x15: {  	[smem:$0x3FB8] =	sst s0;
	s0 =	simm.s32 @!p2 $0x0  }
0x16: {  	s3 =	sld [smem:$0x3FDB];
	s0 =	simm.s32 @p2 $0x1  }
0x17: {  	s4 =	simm.s32 $0x1BF5;
	[smem:$0x3FBA] =	sst s0  }
0x18: {  	s0 =	sld [smem:$0x3F9D];
	_ =	swait.ge [sflag:s4], $0x0  }
0x19: {  	s7 =	sld [smem:$0x3F9E]  }
0x1a: {  	s8 =	sadd.s32 $0xFFFFE003, lr  }
0x1b: {  	s9 =	sadd.s32 $0xFFFFFEF7, lr;
	s5 =	simm.s32 $0xFFFFFFFF;
	p2 =	slt.u32 s8, $0xFFFFF086  }
0x1c: {  	p1 =	slt.u32 s9, $0xF7A;
	s5 =	simm.s32 @!p2 $0x0  }
0x1d: {  	s5 =	simm.s32 @p1 $0x1;
	p0 =	seq.s32 s7, s2  }
0x1e: {  	s7 =	smul.u32 @!p0 $0xF7A, s2;
	p2 =	seq.s32 @!p0 s5, $0x0  }
0x1f: {  	s9 =	smul.u32 $0xF7A, s1;
	s8 =	simm.s32 @!p0 $0x1BF5;
	p2 =	por !p2, p0  }
0x20: {  	[sflag:s8] =	ssyncset.s32 @!p0 $0xFFFFF086;
	s6 =	sadd.s32 @!p0 s3, s7;
	s7 =	simm.s32 @!p0 $0x108  }
0x21: {  	s3 =	sadd.s32 s3, s9;
	s6 =	sadd.s32 @!p0 $0x88, s6;
	s7 =	simm.s32 @p2 $0x1082  }
0x22: {  	[simem:s7], [sflag:s8] =	dma.local @!p0 [hbm:s6], $0xF7A  }
0x23: {  	s9 =	sor.u32 $0xD0000000, s2;
	s6 =	simm.s32 $0x108;
	_ =	swait.ge @!p0 [sflag:s8], $0x0  }
0x24: {  	s3 =	sadd.s32 $0x88, s3;
	s6 =	simm.s32 @!p1 $0x1082;
	[sflag:s4] =	ssyncset.s32 $0xFFFFF086  }
0x25: {  	[simem:s6], [sflag:s4] =	dma.local [hbm:s3], $0xF7A  }
0x26: {  	[smem:$0x3F9E] =	sst s1;
	(tag) =	ssettag s2;
	_ =	strace s9  }
0x27: {  	s1 =	sld [smem:$0x3FAE]  }
0x28: {  	s2 =	sld [smem:$0x3FAF]  }
0x29: {  	s4 =	sld [smem:$0x3FB1]  }
0x2a: {  	p0 =	seq.s32 s5, $0x0;
	s5 =	sld [smem:$0x3FB2]  }
0x2b: {  	s6 =	sld [smem:$0x3FB3]  }
0x2c: {  	s7 =	sld [smem:$0x3FB4]  }
0x2d: {  	s3 =	simm.s32 $0x108;
	s8 =	sld [smem:$0x3FB5]  }
0x2e: {  	s3 =	simm.s32 @!p0 $0x1082;
	s9 =	sld [smem:$0x3FB6]  }
0x2f: {  	lr =	sadd.s32 s0, s3;
	s0 =	sld [smem:$0x3FAD]  }
0x30: {  	s3 =	sld [smem:$0x3FB0]  }
0x31: {  	[smem:$0x3FB9] =	sst s10  }
0x32: {  	s10 =	sld [smem:$0x3FB7];
	_ =	sdelay $0x3  }
0x33: {  	p0 =	seq.s32 s10, $0x1;
	s10 =	sld [smem:$0x3FB9];
	_ =	sdelay $0x3  }
0x34: {  	[smem:$0x3FB9] =	sst s10  }
0x35: {  	s10 =	sld [smem:$0x3FB8];
	_ =	sdelay $0x3  }
0x36: {  	p1 =	seq.s32 s10, $0x1;
	s10 =	sld [smem:$0x3FB9];
	_ =	sdelay $0x3  }
0x37: {  	[smem:$0x3FB9] =	sst s10  }
0x38: {  	s10 =	sld [smem:$0x3FBA]  }
0x39: {  	_ = 	snop;
	(pc) =	sbr.ind lr, $3  }
0x3a: {  	_ = 	snop  }
0x3b: {  	_ = 	snop  }
0x3c: {  	p2 =	seq.s32 s10, $0x1;
	s10 =	sld [smem:$0x3FB9]  }
0x3d: {  	_ =	shalt  }
0x3e: {  	_ =	shalt  }
0x3f: {  	_ =	shalt  }
0x40: {  	_ =	shalt  }
0x41: {  	_ =	shalt  }
0x42: {  	_ =	shalt  }
0x43: {  	_ =	shalt  }
0x44: {  	_ =	shalt  }
0x45: {  	_ =	shalt  }
0x46: {  	_ =	shalt  }
0x47: {  	_ =	shalt  }
0x48: {  	_ =	shalt  }
0x49: {  	_ =	shalt  }
0x4a: {  	_ =	shalt  }
0x4b: {  	_ =	shalt  }
0x4c: {  	_ =	shalt  }
0x4d: {  	_ =	shalt  }
0x4e: {  	_ =	shalt  }
0x4f: {  	_ =	shalt  }
0x50: {  	_ =	shalt  }
0x51: {  	_ =	shalt  }
0x52: {  	_ =	shalt  }
0x53: {  	_ =	shalt  }
0x54: {  	_ =	shalt  }
0x55: {  	_ =	shalt  }
0x56: {  	_ =	shalt  }
0x57: {  	_ =	shalt  }
0x58: {  	_ =	shalt  }
0x59: {  	_ =	shalt  }
0x5a: {  	_ =	shalt  }
0x5b: {  	_ =	shalt  }
0x5c: {  	_ =	shalt  }
0x5d: {  	_ =	shalt  }
0x5e: {  	_ =	shalt  }
0x5f: {  	_ =	shalt  }
0x60: {  	_ =	shalt  }
0x61: {  	_ =	shalt  }
0x62: {  	_ =	shalt  }
0x63: {  	_ =	shalt  }
0x64: {  	_ =	shalt  }
0x65: {  	_ =	shalt  }
0x66: {  	_ =	shalt  }
0x67: {  	_ =	shalt  }
0x68: {  	_ =	shalt  }
0x69: {  	_ =	shalt  }
0x6a: {  	_ =	shalt  }
0x6b: {  	_ =	shalt  }
0x6c: {  	_ =	shalt  }
0x6d: {  	_ =	shalt  }
0x6e: {  	_ =	shalt  }
0x6f: {  	_ =	shalt  }
0x70: {  	_ =	shalt  }
0x71: {  	_ =	shalt  }
0x72: {  	_ =	shalt  }
0x73: {  	_ =	shalt  }
0x74: {  	_ =	shalt  }
0x75: {  	_ =	shalt  }
0x76: {  	_ =	shalt  }
0x77: {  	_ =	shalt  }
0x78: {  	_ =	shalt  }
0x79: {  	_ =	shalt  }
0x7a: {  	_ =	shalt  }
0x7b: {  	_ =	shalt  }
0x7c: {  	_ =	shalt  }
0x7d: {  	_ =	shalt  }
0x7e: {  	_ =	shalt  }
0x7f: {  	_ =	shalt  }
0x80: {  	_ =	shalt  }
0x81: {  	_ =	shalt  }
0x82: {  	_ =	shalt  }
0x83: {  	_ =	shalt  }
0x84: {  	_ =	shalt  }
0x85: {  	_ =	shalt  }
0x86: {  	_ =	shalt  }
0x87: {  	_ =	shalt  }
.Lfunc_end0:
.L_simem_size_0:
called_computation_lowered:
.L_overlay_start_0:
0x88: {  	s2 =	sld [smem:$0x3FD9]  }
0x89: {  	s3 =	sld [smem:$0x3FFE];
	_ =	sdelay $0x1  }
0x8a: {  	s1 =	srdreg.scid  }
0x8b: {  	s0 =	sand.u32 $0x1, s1  }
0x8c: {  	s17 =	sshll.u32 s0, $0xA;
	s2 =	sadd.s32 s3, s2  }
0x8d: {  	s2 =	sadd.s32 s2, s17  }
0x8e: {  	[smem:$0x3FC5] =	sst s2  }
0x8f: {  	_ = 	snop  }
0x90: {  	s2 =	sld [smem:$0x3FC8];
	(tm) =	ssettm $0x1  }
0x91: {  	s18 =	sld [smem:$0x3FFB];
	_ =	sdelay $0x3  }
0x92: {  	_ =	strace s18  }
0x93: {  	s3 =	sld [smem:$0x3FFC];
	_ =	sdelay $0x3  }
0x94: {  	_ =	strace s3  }
0x95: {  	s3 =	sld [smem:$0x3FFD];
	_ =	sdelay $0x3  }
0x96: {  	_ =	strace s3  }
0x97: {  	_ =	strace $0x8FFFFFFF  }
0x98: {  	s19 =	sld [smem:$0x3FDB];
	_ =	sdelay $0x1  }
0x99: {  	s4 =	simm.s32 $_scs_section_size  }
0x9a: {  	s5 =	simm.s32 $_size__tile_overlayer_lowered;
	s6 =	simm.s32 $_tile_overlayer_lowered  }
0x9b: {  	s22 =	simm.s32 $0x1BFF;
	s21 =	sshll.u32 s6, $0x1;
	s3 =	sadd.s32 s4, s19  }
0x9c: {  	s7 =	simm.s32 $0x0;
	s20 =	sshll.u32 s5, $0x1;
	s5 =	sadd.s32 s21, s3  }
0x9d: {  	[timem:s7], [sflag:s22] =	dma.local [hbm:s5], s20  }
0x9e: {  	_ =	swait.ge [sflag:s22], s20  }
0x9f: {  	s4 =	ssub.s32 $0x0, s20;
	[sflag:s22] =	ssyncset.done $0x0  }
0xa0: {  	[sflag:s22] =	ssyncadd.s32 s4;
	_ =	sdelay $0x1  }
0xa1: {  	s23 =	simm.s32 $0x1B8B  }
0xa2: {  	_ =	swait.ge [sflag:s23], $0x1  }
0xa3: {  	[sflag:s23] =	ssyncset.done $0x0  }
0xa4: {  	s25 =	simm.s32 $0x1B8E;
	s24 =	sld [smem:$0x3FFE];
	[sflag:s23] =	ssyncadd.s32 $0xFFFFFFFF  }
0xa5: {  	s26 =	simm.s32 $execute0_lowered;
	[smem:$0x3FD2] =	sst s25  }
0xa6: {  	s5 =	sshll.u32 s26, $0x1;
	_ =	strace $0x80000046;
	[dreg:$0x1] =	wrdreg $0xFFFFFFFF  }
0xa7: {  	s28 =	simm.s32 $_size_execute0_lowered;
	s3 =	sadd.s32 s3, s5;
	[dreg:$0x0] =	wrdreg $0x0  }
0xa8: {  	s5 =	sshll.u32 s28, $0x1;
	[dreg:$0x2] =	wrdreg s3  }
0xa9: {  	[dreg:$0x3] =	wrdreg s5  }
0xaa: {  	[dreg:$0x4] =	wrdreg $0xC0  }
0xab: {  	_ =	task [dreg:s7], $0x5FFFF  }
0xac: {  	[dreg:$0x1] =	wrdreg $0xFFFFFFFF  }
0xad: {  	[dreg:$0x0] =	wrdreg $0x60  }
0xae: {  	[dreg:$0x2] =	wrdreg s24  }
0xaf: {  	[dreg:$0x3] =	wrdreg s2  }
0xb0: {  	[dreg:$0x4] =	wrdreg $0x9  }
0xb1: {  	_ =	task.clear_ibuf [dreg:s7], $0x5FFFF;
	_ =	strace $0x90000046  }
0xb2: {  	s29 =	simm.s32 $0x9;
	_ =	strace $0x80000048  }
0xb3: {  	_ =	swait.ge [sflag:s29], $0x1  }
0xb4: {  	[sflag:s29] =	ssyncadd.s32 $0xFFFFFFFF  }
0xb5: {  	_ =	strace $0x90000048  }
0xb6: {  	_ =	sfence  }
0xb7: {  	s30 =	sld [smem:$0x0];
	_ =	sdelay $0x2  }
0xb8: {  	s31 =	sshll.u32 s1, $0xD;
	s1 =	sshrl.u32 s1, $0x2  }
0xb9: {  	s3 =	sand.u32 $0x4000, s31;
	s1 =	sadd.s32 s1, s30  }
0xba: {  	s0 =	sor.u32 s3, s0;
	s1 =	sshll.u32 s1, $0x11  }
0xbb: {  	s0 =	sor.u32 s1, s0  }
0xbc: {  	s0 =	sadd.s32 $0x8F2B, s0  }
0xbd: {  	[sflag:s0] =	ssyncadd.remote.s32 $0x1  }
0xbe: {  	_ =	sfence.sel $0xFFFF  }
0xbf: {  	[dreg:$0x0] =	wrdreg $0xFFFFFFFF;
	(pc) =	sbr.abs _section_cstart, $3  }
0xc0: {  	[dreg:$0x1] =	wrdreg $0xFFFFFFFF  }
0xc1: {  	_ =	task.clear_ibuf [dreg:s7], $0x2FFFF;
	_ =	strace $0x9FFFFFFF  }
0xc2: {  	(tm) =	ssettm $0x7FFFFFFF  }
0xc3: {  	_ =	shalt  }
tec
execute0_lowered:
.L_overlay_start_1:
0x0: {  	(tag) =	ssettag $0x1  }
0x1: {  	s1 =	stileid.u32  }
0x2: {  	p0 =	sgt.u32 s1, $0x1  }
.Ltmp0:
0x3: {  	_ = 	snop;
	(pc) =	sbr.rel @p0 .LBB2_5-.Ltmp0, $4  }
0x4: {  	_ = 	snop  }
0x5: {  	s0 =	rddreg [dreg:$0x0];
	s3 =	simm.s32 $0x0  }
0x6: {  	[smem:$0x7FF] =	sst s3  }
0x7: {  	s2 =	rddreg [dreg:$0x1];
	_ =	strace $0x80000047  }
0x8: {  	v1 =	vlaneseq.u32  }
0x9: {  	v52 =	vor.u32 $0x80000000, v1  }
0xa: {  	s1 =	srdreg.scid;
	s4 =	stileid.u32;
	v53 =	vor.u32 $0x80000010, v1;
	[tilespmem:$0x1FF40] =	vst v52  }
0xb: {  	s1 =	sand.u32 $0x1, s1;
	s4 =	sshll.u32 s4, $0x1;
	v54 =	vor.u32 $0x80000020, v1;
	[tilespmem:$0x1FF50] =	vst v53  }
0xc: {  	v55 =	vor.u32 $0x80000030, v1;
	s8 =	sor.u32 s1, s4;
	[tilespmem:$0x1FF60] =	vst v54  }
0xd: {  	v56 =	vand.u32 $0x7, v1;
	[tilespmem:$0x1FF70] =	vst v55;
	s4 =	sshll.u32 s8, $0xC  }
0xe: {  	vm0 =	vmmov $0xffff;
	v41 =	vimm.s32 $0x0;
	[tilespmem:$0x1FF80] =	vst v56;
	v0 =	vmov s4  }
0xf: {  	vm6 =	vmmov $0x3f;
	v42 =	vimm.s32 $0x0;
	[tilespmem:$0x1FE80] =	vst v0;
	v0 =	vsel vm0, $0xFFFFFFFF, v41  }
0x10: {  	v43 =	vimm.s32 $0x0;
	[tilespmem:$0x1FE90] =	vst v0;
	v0 =	vsel vm6, $0xFFFFFFFF, v42;
	vm6 =	vmmov $0x7f  }
0x11: {  	v44 =	vimm.s32 $0x0;
	[tilespmem:$0x1FEA0] =	vst v0;
	v0 =	vsel vm6, $0xFFFFFFFF, v43;
	vm6 =	vmmov $0xff  }
0x12: {  	v45 =	vimm.s32 $0x0;
	[tilespmem:$0x1FEB0] =	vst v0;
	v0 =	vsel vm6, $0xFFFFFFFF, v44;
	vm6 =	vmmov $0x1ff  }
0x13: {  	v46 =	vimm.s32 $0x0;
	[tilespmem:$0x1FEC0] =	vst v0;
	v0 =	vsel vm6, $0xFFFFFFFF, v45;
	vm6 =	vmmov $0x3ff  }
0x14: {  	v47 =	vimm.s32 $0x0;
	[tilespmem:$0x1FED0] =	vst v0;
	v0 =	vsel vm6, $0xFFFFFFFF, v46;
	vm6 =	vmmov $0x7ff  }
0x15: {  	v48 =	vimm.s32 $0x0;
	[tilespmem:$0x1FEE0] =	vst v0;
	v0 =	vsel vm6, $0xFFFFFFFF, v47;
	vm6 =	vmmov $0xfff  }
0x16: {  	v49 =	vimm.s32 $0x0;
	[tilespmem:$0x1FEF0] =	vst v0;
	v0 =	vsel vm6, $0xFFFFFFFF, v48;
	vm6 =	vmmov $0x1fff  }
0x17: {  	v50 =	vimm.s32 $0x0;
	[tilespmem:$0x1FF00] =	vst v0;
	v0 =	vsel vm6, $0xFFFFFFFF, v49;
	vm6 =	vmmov $0x3fff  }
0x18: {  	vm2 =	vmmov $0x7fff;
	v51 =	vimm.s32 $0x0;
	[tilespmem:$0x1FF10] =	vst v0;
	v0 =	vsel vm6, $0xFFFFFFFF, v50  }
0x19: {  	v57 =	vshrl.u32 v1, $0x3;
	[tilespmem:$0x1FF20] =	vst v0;
	v0 =	vsel vm2, $0xFFFFFFFF, v51  }
0x1a: {  	v58 =	vor.u32 $0x8, v1;
	[tilespmem:$0x1FF30] =	vst v0;
	v0 =	vmul.u32 $0x8, v57  }
0x1b: {  	vm7 =	vmmov $0x3;
	s9 =	sadd.s32 $0x200, s0;
	s6 =	sadd.s32 $0x200, s2;
	s7 =	sadd.s32 $0x300, s2;
	v59 =	vimm.s32 $0x0;
	[tilespmem:$0x1FFA0] =	vst v58  }
0x1c: {  	vm3 =	vmmov $0x7;
	s11 =	simm.s32 $0x2;
	s12 =	simm.s32 $0x1;
	s20 =	simm.s32 $0x4C80;
	v60 =	vimm.s32 $0x0;
	[tilespmem:$0x1FF90] =	vst v0;
	v0 =	vsel vm7, $0xFFFFFFFF, v59  }
0x1d: {  	vm4 =	vmmov $0xf;
	s21 =	simm.s32 $0x5480;
	s22 =	simm.s32 $0x0;
	v61 =	vimm.s32 $0x0;
	s1 =	ssub.s32 $0x2, s1;
	[tilespmem:$0x1FFB0] =	vst v0;
	v0 =	vsel vm3, $0xFFFFFFFF, v60  }
0x1e: {  	vm5 =	vmmov $0x1f;
	v62 =	vimm.s32 $0x0;
	s29 =	sshll.u32 s8, $0x7;
	s5 =	sshll.u32 s8, $0x4;
	s10 =	sshrl.u32 s1, $0x1;
	[tilespmem:$0x1FFC0] =	vst v0;
	v0 =	vsel vm4, $0xFFFFFFFF, v61  }
0x1f: {  	vm1 =	vmmov $0x1;
	v63 =	vimm.s32 $0x0;
	s31 =	sshll.u32 s8, $0x9;
	s4 =	sadd.s32 s29, s0;
	s30 =	sadd.s32 s5, s0;
	[tilespmem:$0x1FFD0] =	vst v0;
	v0 =	vsel vm5, $0xFFFFFFFF, v62  }
0x20: {  	s5 =	sadd.s32 $0x100, s2;
	s1 =	ssub.s32 s1, s10;
	s9 =	sadd.s32 s9, s31;
	[tilespmem:$0x1FFE0] =	vst v0;
	v0 =	vsel vm1, $0xFFFFFFFF, v63  }
0x21: {  	s4 =	sadd.s32 $0xA00, s4;
	s8 =	sadd.s32 $0xC00, s30;
	s10 =	smax.u32 s1, $0x1;
	vm6 =	vcmask $0x714;
	[tilespmem:$0x1FFF0] =	vst v0  }
.LBB2_2:
0x22: {  	s23 =	simm.s32 $0x0  }
0x23: {  	[tilespmem:s23], [sflag:$0x2] =	stream.linear.gather [hbm4b:s9+s23], $0x1000, $0x38;
	[tilespmem:$0x5500] =	vst v63  }
0x24: {  	_ =	swait.ge [sflag:s11], $0x1000  }
0x25: {  	[sflag:s11] =	ssyncset.done $0x0  }
0x26: {  	s24 =	simm.s32 $0x1000;
	[sflag:s11] =	ssyncadd.s32 $0xFFFFF000  }
0x27: {  	[tilespmem:s24], [sflag:$0x1] =	stream.linear.gather [hbm4b:s4+s23], $0x400, $0x38;
	[tilespmem:$0x5500] =	vst v63  }
0x28: {  	v61 =	vld [tilespmem:$0x6B0];
	_ =	sdelay $0x4  }
0x29: {  	[tilespmem:$0x1FA00] =	vst v61;
	v61 =	vld [tilespmem:$0x6F0];
	_ =	sdelay $0x4  }
0x2a: {  	[tilespmem:$0x1FA10] =	vst v61;
	v61 =	vld [tilespmem:$0x700];
	_ =	sdelay $0x4  }
0x2b: {  	[tilespmem:$0x1FA20] =	vst v61;
	v61 =	vld [tilespmem:$0x710];
	_ =	sdelay $0x4  }
0x2c: {  	[tilespmem:$0x1FA30] =	vst v61;
	v61 =	vld [tilespmem:$0x720];
	_ =	sdelay $0x4  }
0x2d: {  	[tilespmem:$0x1FA40] =	vst v61;
	v61 =	vld [tilespmem:$0x730];
	_ =	sdelay $0x4  }
0x2e: {  	[tilespmem:$0x1FA70] =	vst v61;
	v61 =	vld [tilespmem:$0x740];
	_ =	sdelay $0x4  }
0x2f: {  	[tilespmem:$0x1FA50] =	vst v61;
	v61 =	vld [tilespmem:$0x750];
	_ =	sdelay $0x4  }
0x30: {  	[tilespmem:$0x1FA60] =	vst v61;
	v61 =	vld [tilespmem:$0x760];
	_ =	sdelay $0x4  }
0x31: {  	[tilespmem:$0x1FA80] =	vst v61;
	v61 =	vld [tilespmem:$0x770];
	_ =	sdelay $0x4  }
0x32: {  	[tilespmem:$0x1FA90] =	vst v61;
	v61 =	vld [tilespmem:$0x780];
	_ =	sdelay $0x4  }
0x33: {  	[tilespmem:$0x1FAA0] =	vst v61;
	v61 =	vld [tilespmem:$0x790];
	_ =	sdelay $0x4  }
0x34: {  	[tilespmem:$0x1FAB0] =	vst v61;
	v61 =	vld [tilespmem:$0x7A0];
	_ =	sdelay $0x4  }
0x35: {  	[tilespmem:$0x1FAC0] =	vst v61;
	v61 =	vld [tilespmem:$0x7B0];
	_ =	sdelay $0x4  }
0x36: {  	[tilespmem:$0x1FAF0] =	vst v61;
	v61 =	vld [tilespmem:$0x7C0];
	_ =	sdelay $0x4  }
0x37: {  	[tilespmem:$0x1FAD0] =	vst v61;
	v61 =	vld [tilespmem:$0x7D0];
	_ =	sdelay $0x4  }
0x38: {  	[tilespmem:$0x1FAE0] =	vst v61;
	v61 =	vld [tilespmem:$0x7E0];
	_ =	sdelay $0x4  }
0x39: {  	[tilespmem:$0x1FB00] =	vst v61;
	v61 =	vld [tilespmem:$0x7F0];
	_ =	sdelay $0x4  }
0x3a: {  	[tilespmem:$0x1FB30] =	vst v61;
	v61 =	vld [tilespmem:$0x800];
	_ =	sdelay $0x4  }
0x3b: {  	[tilespmem:$0x1FB10] =	vst v61;
	v61 =	vld [tilespmem:$0x810];
	_ =	sdelay $0x4  }
0x3c: {  	[tilespmem:$0x1FB20] =	vst v61;
	v61 =	vld [tilespmem:$0x820];
	_ =	sdelay $0x4  }
0x3d: {  	[tilespmem:$0x1FB40] =	vst v61;
	v61 =	vld [tilespmem:$0x830];
	_ =	sdelay $0x4  }
0x3e: {  	[tilespmem:$0x1FB70] =	vst v61;
	v61 =	vld [tilespmem:$0x840];
	_ =	sdelay $0x4  }
0x3f: {  	[tilespmem:$0x1FB50] =	vst v61;
	v61 =	vld [tilespmem:$0x850];
	_ =	sdelay $0x4  }
0x40: {  	[tilespmem:$0x1FB60] =	vst v61;
	v61 =	vld [tilespmem:$0x860];
	_ =	sdelay $0x4  }
0x41: {  	[tilespmem:$0x1FB80] =	vst v61;
	v61 =	vld [tilespmem:$0x870];
	_ =	sdelay $0x4  }
0x42: {  	[tilespmem:$0x1FBB0] =	vst v61;
	v61 =	vld [tilespmem:$0x880];
	_ =	sdelay $0x4  }
0x43: {  	[tilespmem:$0x1FB90] =	vst v61;
	v61 =	vld [tilespmem:$0x890];
	_ =	sdelay $0x4  }
0x44: {  	[tilespmem:$0x1FBA0] =	vst v61;
	v61 =	vld [tilespmem:$0x8A0];
	_ =	sdelay $0x4  }
0x45: {  	[tilespmem:$0x1FBC0] =	vst v61;
	v61 =	vld [tilespmem:$0x8B0];
	_ =	sdelay $0x3  }
0x46: {  	v0 =	vld [tilespmem:$0x0]  }
0x47: {  	[tilespmem:$0x1FBF0] =	vst v61;
	v61 =	vld [tilespmem:$0x8C0]  }
0x48: {  	v1 =	vld [tilespmem:$0x10]  }
0x49: {  	v2 =	vld [tilespmem:$0x20]  }
0x4a: {  	v3 =	vld [tilespmem:$0x30]  }
0x4b: {  	v4 =	vld [tilespmem:$0x40]  }
0x4c: {  	[tilespmem:$0x1FBD0] =	vst v61;
	v61 =	vld [tilespmem:$0x8D0]  }
0x4d: {  	v5 =	vld [tilespmem:$0x50]  }
0x4e: {  	v6 =	vld [tilespmem:$0x60]  }
0x4f: {  	v7 =	vld [tilespmem:$0x70]  }
0x50: {  	v8 =	vld [tilespmem:$0x80]  }
0x51: {  	[tilespmem:$0x1FBE0] =	vst v61;
	v61 =	vld [tilespmem:$0x8E0]  }
0x52: {  	v9 =	vld [tilespmem:$0x90]  }
0x53: {  	v10 =	vld [tilespmem:$0xA0]  }
0x54: {  	v11 =	vld [tilespmem:$0xB0]  }
0x55: {  	v12 =	vld [tilespmem:$0xC0]  }
0x56: {  	[tilespmem:$0x1FC00] =	vst v61;
	v61 =	vld [tilespmem:$0x8F0]  }
0x57: {  	v13 =	vld [tilespmem:$0xD0]  }
0x58: {  	v14 =	vld [tilespmem:$0xE0]  }
0x59: {  	v15 =	vld [tilespmem:$0xF0]  }
0x5a: {  	v16 =	vld [tilespmem:$0x100]  }
0x5b: {  	[tilespmem:$0x1FC30] =	vst v61;
	v61 =	vld [tilespmem:$0x900]  }
0x5c: {  	v17 =	vld [tilespmem:$0x110]  }
0x5d: {  	v18 =	vld [tilespmem:$0x120]  }
0x5e: {  	v19 =	vld [tilespmem:$0x130]  }
0x5f: {  	v20 =	vld [tilespmem:$0x140]  }
0x60: {  	[tilespmem:$0x1FC10] =	vst v61;
	v61 =	vld [tilespmem:$0x910]  }
0x61: {  	v21 =	vld [tilespmem:$0x150]  }
0x62: {  	v22 =	vld [tilespmem:$0x160]  }
0x63: {  	v23 =	vld [tilespmem:$0x170]  }
0x64: {  	v24 =	vld [tilespmem:$0x180]  }
0x65: {  	[tilespmem:$0x1FC20] =	vst v61;
	v61 =	vld [tilespmem:$0x920]  }
0x66: {  	v25 =	vld [tilespmem:$0x190]  }
0x67: {  	v26 =	vld [tilespmem:$0x1A0]  }
0x68: {  	v27 =	vld [tilespmem:$0x1B0]  }
0x69: {  	v28 =	vld [tilespmem:$0x1C0]  }
0x6a: {  	[tilespmem:$0x1FC40] =	vst v61;
	v61 =	vld [tilespmem:$0x930]  }
0x6b: {  	v29 =	vld [tilespmem:$0x1D0]  }
0x6c: {  	v30 =	vld [tilespmem:$0x1E0]  }
0x6d: {  	v31 =	vld [tilespmem:$0x1F0]  }
0x6e: {  	v32 =	vld [tilespmem:$0x200]  }
0x6f: {  	[tilespmem:$0x1FC70] =	vst v61;
	v61 =	vld [tilespmem:$0x940]  }
0x70: {  	v33 =	vld [tilespmem:$0x210]  }
0x71: {  	v34 =	vld [tilespmem:$0x220]  }
0x72: {  	v35 =	vld [tilespmem:$0x230]  }
0x73: {  	v63 =	vld [tilespmem:$0x330]  }
0x74: {  	[tilespmem:$0x1FC50] =	vst v61;
	v61 =	vld [tilespmem:$0x950]  }
0x75: {  	v59 =	vld [tilespmem:$0x370]  }
0x76: {  	v58 =	vld [tilespmem:$0x3F0]  }
0x77: {  	v55 =	vld [tilespmem:$0x430]  }
0x78: {  	v54 =	vld [tilespmem:$0x4B0]  }
0x79: {  	[tilespmem:$0x1FC60] =	vst v61;
	v61 =	vld [tilespmem:$0x960]  }
0x7a: {  	v37 =	vld [tilespmem:$0x4C0]  }
0x7b: {  	v36 =	vld [tilespmem:$0x4E0]  }
0x7c: {  	v48 =	vld [tilespmem:$0x4F0]  }
0x7d: {  	v44 =	vld [tilespmem:$0x520]  }
0x7e: {  	[tilespmem:$0x1FC80] =	vst v61;
	v61 =	vld [tilespmem:$0x970]  }
0x7f: {  	v52 =	vld [tilespmem:$0x530]  }
0x80: {  	v40 =	vld [tilespmem:$0x540]  }
0x81: {  	v39 =	vld [tilespmem:$0x570]  }
0x82: {  	v45 =	vld [tilespmem:$0x580]  }
0x83: {  	[tilespmem:$0x1FCB0] =	vst v61;
	v61 =	vld [tilespmem:$0x980]  }
0x84: {  	v38 =	vld [tilespmem:$0x590]  }
0x85: {  	v46 =	vld [tilespmem:$0x5A0]  }
0x86: {  	v42 =	vld [tilespmem:$0x5C0]  }
0x87: {  	v56 =	vld [tilespmem:$0x5E0]  }
0x88: {  	[tilespmem:$0x1FC90] =	vst v61;
	v61 =	vld [tilespmem:$0x990]  }
0x89: {  	v41 =	vld [tilespmem:$0x620]  }
0x8a: {  	v50 =	vld [tilespmem:$0x630]  }
0x8b: {  	v57 =	vld [tilespmem:$0x640]  }
0x8c: {  	v49 =	vld [tilespmem:$0x650]  }
0x8d: {  	[tilespmem:$0x1FCA0] =	vst v61;
	v61 =	vld [tilespmem:$0x9A0]  }
0x8e: {  	v43 =	vld [tilespmem:$0x660]  }
0x8f: {  	v47 =	vld [tilespmem:$0x670]  }
0x90: {  	v60 =	vld [tilespmem:$0x680]  }
0x91: {  	v51 =	vld [tilespmem:$0x6A0]  }
0x92: {  	[tilespmem:$0x1FCC0] =	vst v61;
	v61 =	vld [tilespmem:$0x9B0]  }
0x93: {  	v0 =	vmax.f32 v0, v1;
	v1 =	vld [tilespmem:$0x240]  }
0x94: {  	[tilespmem:$0x1F9E0] =	vst v47;
	v47 =	vld [tilespmem:$0x690]  }
0x95: {  	[tilespmem:$0x1F9D0] =	vst v43;
	v43 =	vld [tilespmem:$0x6C0]  }
0x96: {  	[tilespmem:$0x1F9F0] =	vst v51;
	v51 =	vld [tilespmem:$0x6E0]  }
0x97: {  	[tilespmem:$0x1FCF0] =	vst v61;
	v61 =	vld [tilespmem:$0x9C0]  }
0x98: {  	v0 =	vmax.f32 v0, v2;
	v2 =	vmax.f32 v4, v5;
	v4 =	vld [tilespmem:$0x250]  }
0x99: {  	v5 =	vld [tilespmem:$0x260]  }
0x9a: {  	v2 =	vmax.f32 v2, v6;
	v6 =	vld [tilespmem:$0x270]  }
0x9b: {  	v0 =	vmax.f32 v0, v3;
	v3 =	vmax.f32 v8, v9;
	v8 =	vld [tilespmem:$0x290]  }
0x9c: {  	[tilespmem:$0x1FCD0] =	vst v61;
	v61 =	vld [tilespmem:$0x9D0]  }
0x9d: {  	v9 =	vld [tilespmem:$0x2A0]  }
0x9e: {  	(xrf0) =	vmax.scan.msk.f32 $0xffff, v0;
	v0 =	vmax.f32 v2, v7;
	v7 =	vld [tilespmem:$0x280]  }
0x9f: {  	v2 =	vmax.f32 v3, v10;
	v10 =	vld [tilespmem:$0x2B0]  }
0xa0: {  	v3 =	vmax.f32 v12, v13;
	v12 =	vld [tilespmem:$0x300]  }
0xa1: {  	[tilespmem:$0x1FCE0] =	vst v61;
	v61 =	vld [tilespmem:$0x9E0]  }
0xa2: {  	v13 =	vld [tilespmem:$0x3D0]  }
0xa3: {  	(xrf0) =	vmax.scan.msk.f32 $0xffff, v0;
	v0 =	vmax.f32 v2, v11;
	v2 =	vmax.f32 v3, v14;
	v3 =	vmax.f32 v16, v17;
	v16 =	vld [tilespmem:$0x3B0]  }
0xa4: {  	v17 =	vld [tilespmem:$0x3C0]  }
0xa5: {  	v14 =	vld [tilespmem:$0x410]  }
0xa6: {  	[tilespmem:$0x1FD00] =	vst v61;
	v61 =	vld [tilespmem:$0x9F0]  }
0xa7: {  	(xrf0) =	vmax.scan.msk.f32 $0xffff, v0;
	v0 =	vmax.f32 v2, v15;
	v15 =	vld [tilespmem:$0x2C0]  }
0xa8: {  	v2 =	vmax.f32 v3, v18;
	v3 =	vmax.f32 v20, v21;
	v20 =	vld [tilespmem:$0x360]  }
0xa9: {  	v21 =	vld [tilespmem:$0x3E0]  }
0xaa: {  	v18 =	vld [tilespmem:$0x400]  }
0xab: {  	[tilespmem:$0x1FD30] =	vst v61;
	v61 =	vld [tilespmem:$0xA00]  }
0xac: {  	v1 =	vmax.f32 v1, v4;
	v4 =	vld [tilespmem:$0x2D0]  }
0xad: {  	(xrf0) =	vmax.scan.msk.f32 $0xffff, v0;
	v0 =	vmax.f32 v2, v19;
	v2 =	vmax.f32 v3, v22;
	v3 =	vmax.f32 v24, v25;
	v24 =	vld [tilespmem:$0x420]  }
0xae: {  	v19 =	vld [tilespmem:$0x460]  }
0xaf: {  	v25 =	vld [tilespmem:$0x470]  }
0xb0: {  	[tilespmem:$0x1FD10] =	vst v61;
	v61 =	vld [tilespmem:$0xA10]  }
0xb1: {  	v22 =	vld [tilespmem:$0x490]  }
0xb2: {  	v1 =	vmax.f32 v1, v5;
	v5 =	vld [tilespmem:$0x2E0]  }
0xb3: {  	(xrf0) =	vmax.scan.msk.f32 $0xffff, v0;
	v0 =	vmax.f32 v2, v23;
	v23 =	vld [tilespmem:$0x480]  }
0xb4: {  	v2 =	vmax.f32 v3, v26;
	v26 =	vld [tilespmem:$0x4A0]  }
0xb5: {  	[tilespmem:$0x1FD20] =	vst v61;
	v61 =	vld [tilespmem:$0xA20]  }
0xb6: {  	v3 =	vmax.f32 v28, v29;
	v28 =	vld [tilespmem:$0x5B0]  }
0xb7: {  	v29 =	vld [tilespmem:$0x600]  }
0xb8: {  	(xrf0) =	vmax.scan.msk.f32 $0xffff, v0;
	v0 =	vmax.f32 v2, v27;
	v2 =	vmax.f32 v3, v30;
	v3 =	vmax.f32 v32, v33;
	v32 =	vld [tilespmem:$0x4D0]  }
0xb9: {  	v30 =	vld [tilespmem:$0x510]  }
0xba: {  	[tilespmem:$0x1FD40] =	vst v61;
	v61 =	vld [tilespmem:$0xA30]  }
0xbb: {  	v27 =	vld [tilespmem:$0x550]  }
0xbc: {  	v33 =	vld [tilespmem:$0x5D0]  }
0xbd: {  	v11, _, _ =	vpop (xrf0);
	(xrf0) =	vmax.scan.msk.f32 $0xffff, v0;
	v0 =	vmax.f32 v2, v31;
	v2 =	vmax.f32 v3, v34;
	v3 =	vld [tilespmem:$0x450]  }
0xbe: {  	v31 =	vld [tilespmem:$0x500]  }
0xbf: {  	v62, _, _ =	vpop (xrf0);
	(xrf0) =	vmax.scan.msk.f32 $0xffff, v0;
	v0 =	vmax.f32 v2, v35;
	v2 =	vmax.f32 v7, v8;
	[tilespmem:$0x1FD70] =	vst v61;
	v61 =	vld [tilespmem:$0xA40]  }
0xc0: {  	v34 =	vld [tilespmem:$0x6D0]  }
0xc1: {  	[tilespmem:$0x1F920] =	vst v11;
	v11 =	vld [tilespmem:$0x320];
	v53, _, _ =	vpop (xrf0);
	(xrf0) =	vmax.scan.msk.f32 $0xffff, v0;
	v0 =	vmax.f32 v1, v6;
	v1 =	vmax.f32 v2, v9  }
0xc2: {  	v7 =	vld [tilespmem:$0x3A0];
	(xrf0) =	vmax.scan.msk.f32 $0xffff, v0;
	v0 =	vmax.f32 v1, v10;
	[tilespmem:$0x1F9B0] =	vst v28;
	v2, _, _ =	vpop (xrf0)  }
0xc3: {  	v28 =	vld [tilespmem:$0x5F0];
	[tilespmem:$0x1F930] =	vst v2  }
0xc4: {  	v1, _, _ =	vpop (xrf0);
	[tilespmem:$0x1FD50] =	vst v61;
	v61 =	vld [tilespmem:$0xA50]  }
0xc5: {  	v8 =	vld [tilespmem:$0x440];
	(xrf0) =	vmax.scan.msk.f32 $0xffff, v0;
	[tilespmem:$0x1F940] =	vst v1;
	v0, _, _ =	vpop (xrf0)  }
0xc6: {  	v35 =	vld [tilespmem:$0x560];
	[tilespmem:$0x1F950] =	vst v0;
	v0, _, _ =	vpop (xrf0)  }
0xc7: {  	v6 =	vld [tilespmem:$0x310];
	[tilespmem:$0x1F960] =	vst v0  }
0xc8: {  	v9 =	vld [tilespmem:$0x340];
	[tilespmem:$0x1F9C0] =	vst v28  }
0xc9: {  	v0, _, _ =	vpop (xrf0);
	[tilespmem:$0x1FD60] =	vst v61;
	v61 =	vld [tilespmem:$0xA60]  }
0xca: {  	v10 =	vld [tilespmem:$0x2F0];
	[tilespmem:$0x1F970] =	vst v0;
	v0, _, _ =	vpop (xrf0)  }
0xcb: {  	v2 =	vld [tilespmem:$0x350];
	[tilespmem:$0x1F980] =	vst v0;
	v0, _, _ =	vpop (xrf0)  }
0xcc: {  	v1 =	vld [tilespmem:$0x380];
	[tilespmem:$0x1F990] =	vst v0;
	v0, _, _ =	vpop (xrf0)  }
0xcd: {  	[tilespmem:$0x1F9A0] =	vst v0;
	v0 =	vld [tilespmem:$0x390]  }
0xce: {  	v28 =	vld [tilespmem:$0x610];
	[tilespmem:$0x1FD80] =	vst v61  }
0xcf: {  	v4 =	vmax.f32 v15, v4;
	v61 =	vld [tilespmem:$0xA70]  }
0xd0: {  	v4 =	vmax.f32 v4, v5;
	v5 =	vld [tilespmem:$0xAC0];
	_ =	sdelay $0x1  }
0xd1: {  	v0 =	vmax.f32 v1, v0;
	v1 =	vld [tilespmem:$0xAE0];
	_ =	sdelay $0x2  }
0xd2: {  	v3 =	vmax.f32 v8, v3;
	[tilespmem:$0x1FDC0] =	vst v5;
	v5 =	vmax.f32 v12, v6  }
0xd3: {  	v4 =	vmax.f32 v4, v10;
	v2 =	vmax.f32 v9, v2;
	v5 =	vmax.f32 v5, v11  }
0xd4: {  	v2 =	vmax.f32 v2, v20;
	(xrf0) =	vmax.scan.msk.f32 $0xffff, v4;
	[tilespmem:$0x1FDF0] =	vst v1;
	v1 =	vmax.f32 v5, v63  }
0xd5: {  	v0 =	vmax.f32 v0, v7;
	(xrf0) =	vmax.scan.msk.f32 $0xffff, v1;
	v1 =	vmax.f32 v2, v59;
	v2 =	vmax.f32 v17, v13  }
0xd6: {  	v0 =	vmax.f32 v0, v16;
	(xrf0) =	vmax.scan.msk.f32 $0xffff, v1;
	v1 =	vmax.f32 v2, v21;
	v2 =	vmax.f32 v18, v14  }
0xd7: {  	(xrf0) =	vmax.scan.msk.f32 $0xffff, v0;
	v0 =	vmax.f32 v1, v58;
	v1 =	vmax.f32 v2, v24;
	v2 =	vmax.f32 v3, v19;
	v3 =	vld [tilespmem:$0xB20];
	_ =	sdelay $0x2  }
0xd8: {  	(xrf0) =	vmax.scan.msk.f32 $0xffff, v0;
	v0 =	vmax.f32 v1, v55;
	v1 =	vmax.f32 v2, v25;
	v2 =	vmax.f32 v23, v22  }
0xd9: {  	(xrf0) =	vmax.scan.msk.f32 $0xffff, v0;
	v0 =	vmax.f32 v2, v26;
	v2 =	vld [tilespmem:$0x1F920]  }
0xda: {  	[tilespmem:$0x1FE30] =	vst v3;
	v3 =	vld [tilespmem:$0xB30];
	_ =	sdelay $0x1  }
0xdb: {  	v4 =	vld [tilespmem:$0xAF0];
	_ =	sdelay $0x1  }
0xdc: {  	(xrf0) =	vmax.scan.msk.f32 $0xffff, v1  }
0xdd: {  	v0 =	vmax.f32 v0, v54;
	v2 =	vbroadcast v2, $0xF;
	[tilespmem:$0x1FE50] =	vst v3;
	v3 =	vbroadcast v62, $0xF  }
0xde: {  	v7, _, _ =	vpop (xrf0);
	v1 =	vbroadcast v53, $0xF;
	(xrf0) =	vmax.scan.msk.f32 $0xffff, v0;
	v0 =	vld [tilespmem:$0x1F930]  }
0xdf: {  	[tilespmem:$0x1FE20] =	vst v4;
	v4 =	vld [tilespmem:$0xB00];
	v2 =	vsel vm1, v2, v3  }
0xe0: {  	v1 =	vsel vm7, v2, v1;
	v2 =	vld [tilespmem:$0x1F940]  }
0xe1: {  	v3 =	vld [tilespmem:$0xB60];
	_ =	sdelay $0x1  }
0xe2: {  	v11 =	vld [tilespmem:$0x1FEB0];
	v0 =	vbroadcast v0, $0xF  }
0xe3: {  	[tilespmem:$0x1FE00] =	vst v4;
	v4 =	vld [tilespmem:$0xB10]  }
0xe4: {  	v0 =	vsel vm3, v1, v0;
	v1 =	vld [tilespmem:$0x1F950];
	v2 =	vbroadcast v2, $0xF  }
0xe5: {  	[tilespmem:$0x1FE60] =	vst v3;
	v3 =	vld [tilespmem:$0xB70]  }
0xe6: {  	v0 =	vsel vm4, v0, v2;
	v2 =	vld [tilespmem:$0x1F960]  }
0xe7: {  	v5 =	vld [tilespmem:$0x1FEA0];
	_ =	sdelay $0x1  }
0xe8: {  	v6 =	vld [tilespmem:$0xAD0]  }
0xe9: {  	vm8 =	vnez.u8 v11;
	v11 =	vld [tilespmem:$0x1FEC0];
	[tilespmem:$0x1FE10] =	vst v4;
	v1 =	vbroadcast v1, $0xF  }
0xea: {  	v4 =	vld [tilespmem:$0xB50];
	[tilespmem:$0x1FE70] =	vst v3;
	v3 =	vbroadcast v2, $0xF  }
0xeb: {  	vm0 =	vnez.u8 v5;
	v0 =	vsel vm5, v0, v1;
	v1 =	vld [tilespmem:$0x1F970]  }
0xec: {  	v8, _, _ =	vpop (xrf0);
	v0 =	vsel vm0, v0, v3;
	v3 =	vld [tilespmem:$0x1F980]  }
0xed: {  	v9, _, _ =	vpop (xrf0)  }
0xee: {  	v10, _, _ =	vpop (xrf0)  }
0xef: {  	v2, _, _ =	vpop (xrf0)  }
0xf0: {  	[tilespmem:$0x1FE40] =	vst v4;
	v1 =	vbroadcast v1, $0xF;
	v4, _, _ =	vpop (xrf0)  }
0xf1: {  	v12 =	vld [tilespmem:$0x1FED0];
	[tilespmem:$0x1FDD0] =	vst v6;
	vm9 =	vnez.u8 v11;
	v6, _, _ =	vpop (xrf0);
	v3 =	vbroadcast v3, $0xF  }
0xf2: {  	v5 =	vld [tilespmem:$0x1F990];
	v0 =	vsel vm8, v0, v1;
	v1 =	vbroadcast v4, $0xF;
	v4 =	vbroadcast v6, $0xF  }
0xf3: {  	v3 =	vsel vm9, v0, v3;
	v0 =	vld [tilespmem:$0x1F9A0]  }
0xf4: {  	v1 =	vsel vm1, v1, v4;
	v4 =	vld [tilespmem:$0x1FEE0]  }
0xf5: {  	v6, _, _ =	vpop (xrf0)  }
0xf6: {  	v6 =	vbroadcast v6, $0xF  }
0xf7: {  	v5 =	vbroadcast v5, $0xF  }
0xf8: {  	vm10 =	vnez.u8 v12;
	v16 =	vsel vm7, v1, v6;
	v11 =	vbroadcast v0, $0xF  }
0xf9: {  	v1 =	vmax.f32 v37, v32;
	v3 =	vsel vm10, v3, v5;
	vm11 =	vnez.u8 v4  }
0xfa: {  	v1 =	vmax.f32 v1, v36;
	v11 =	vsel vm11, v3, v11;
	v3 =	vmax.f32 v31, v30  }
0xfb: {  	v1 =	vmax.f32 v1, v48;
	v4 =	vmax.f32 v40, v27;
	v3 =	vmax.f32 v3, v44  }
0xfc: {  	(xrf0) =	vmax.scan.msk.f32 $0xffff, v1;
	v4 =	vmax.f32 v4, v35;
	v1 =	vmax.f32 v3, v52  }
0xfd: {  	v3 =	vmax.f32 v4, v39;
	(xrf0) =	vmax.scan.msk.f32 $0xffff, v1  }
0xfe: {  	(xrf0) =	vmax.scan.msk.f32 $0xffff, v3;
	v3 =	vld [tilespmem:$0x1F9B0];
	_ =	sdelay $0x2  }
0xff: {  	v4 =	vmax.f32 v45, v38  }
0x100: {  	v4 =	vmax.f32 v4, v46  }
0x101: {  	v3 =	vmax.f32 v4, v3  }
0x102: {  	(xrf0) =	vmax.scan.msk.f32 $0xffff, v3;
	v3 =	vld [tilespmem:$0x1F9C0];
	_ =	sdelay $0x2  }
0x103: {  	v5 =	vmax.f32 v42, v33  }
0x104: {  	v6 =	vmax.f32 v29, v28;
	v5 =	vmax.f32 v5, v56  }
0x105: {  	v6 =	vmax.f32 v6, v41;
	v3 =	vmax.f32 v5, v3  }
0x106: {  	v13 =	vmax.f32 v6, v50;
	(xrf0) =	vmax.scan.msk.f32 $0xffff, v3;
	v3 =	vld [tilespmem:$0x1F9D0]  }
0x107: {  	(xrf0) =	vmax.scan.msk.f32 $0xffff, v13;
	v13 =	vld [tilespmem:$0x1F9E0];
	_ =	sdelay $0x2  }
0x108: {  	v6 =	vmax.f32 v57, v49  }
0x109: {  	v3 =	vmax.f32 v6, v3  }
0x10a: {  	v13 =	vmax.f32 v3, v13;
	v3 =	vld [tilespmem:$0x1F9F0]  }
0x10b: {  	(xrf0) =	vmax.scan.msk.f32 $0xffff, v13;
	v13 =	vld [tilespmem:$0x1FA00];
	_ =	sdelay $0x2  }
0x10c: {  	v15 =	vld [tilespmem:$0xAB0];
	v14 =	vmax.f32 v60, v47  }
0x10d: {  	v14 =	vmax.f32 v14, v3  }
0x10e: {  	v14 =	vmax.f32 v14, v13;
	v13 =	vld [tilespmem:$0x1FA10];
	_ =	sdelay $0x2  }
0x10f: {  	[tilespmem:$0x1FDE0] =	vst v15;
	v15 =	vmax.f32 v43, v34  }
0x110: {  	v15 =	vmax.f32 v15, v51;
	v17 =	vld [tilespmem:$0x1FA30]  }
0x111: {  	v15 =	vmax.f32 v15, v13;
	v13 =	vld [tilespmem:$0x1FA20]  }
0x112: {  	(xrf0) =	vmax.scan.msk.f32 $0xffff, v14;
	v14 =	vld [tilespmem:$0x1FA40]  }
0x113: {  	v18, _, _ =	vpop (xrf0);
	(xrf0) =	vmax.scan.msk.f32 $0xffff, v15;
	v15 =	vld [tilespmem:$0x1FA70]  }
0x114: {  	[tilespmem:$0x1FDB0] =	vst v61;
	v61 =	vld [tilespmem:$0xA80]  }
0x115: {  	v43 =	vld [tilespmem:$0x1FCE0]  }
0x116: {  	v19 =	vld [tilespmem:$0x1FA60];
	v17 =	vmax.f32 v13, v17  }
0x117: {  	v17 =	vmax.f32 v17, v14;
	v14 =	vld [tilespmem:$0x1FA50]  }
0x118: {  	v17 =	vmax.f32 v17, v15;
	v15 =	vld [tilespmem:$0x1FA80]  }
0x119: {  	v20, _, _ =	vpop (xrf0);
	(xrf0) =	vmax.scan.msk.f32 $0xffff, v17;
	v17 =	vld [tilespmem:$0x1FA90]  }
0x11a: {  	v51 =	vld [tilespmem:$0x1FD60]  }
0x11b: {  	v63 =	vld [tilespmem:$0xB80]  }
0x11c: {  	v59 =	vld [tilespmem:$0xBA0];
	v18 =	vbroadcast v18, $0xF;
	v19 =	vmax.f32 v14, v19  }
0x11d: {  	v47 =	vld [tilespmem:$0x1FD30];
	v21, _, _ =	vpop (xrf0);
	v19 =	vmax.f32 v19, v15  }
0x11e: {  	v60 =	vld [tilespmem:$0x1FDC0];
	v16 =	vsel vm3, v16, v18;
	v18 =	vmax.f32 v19, v17;
	v19 =	vbroadcast v21, $0xF;
	v21, _, _ =	vpop (xrf0)  }
0x11f: {  	v20 =	vbroadcast v20, $0xF;
	(xrf0) =	vmax.scan.msk.f32 $0xffff, v18;
	v18 =	vbroadcast v21, $0xF;
	v21 =	vld [tilespmem:$0x1FEF0]  }
0x120: {  	[tilespmem:$0x1FD90] =	vst v61;
	v61 =	vld [tilespmem:$0xA90]  }
0x121: {  	v58 =	vld [tilespmem:$0xBB0]  }
0x122: {  	v12 =	vld [tilespmem:$0xBE0]  }
0x123: {  	v7 =	vbroadcast v7, $0xF;
	v24 =	vld [tilespmem:$0xD10];
	v16 =	vsel vm4, v16, v20;
	v20, _, _ =	vpop (xrf0)  }
0x124: {  	v55 =	vld [tilespmem:$0xB90];
	v16 =	vsel vm5, v16, v19;
	v19 =	vbroadcast v20, $0xF;
	v20, _, _ =	vpop (xrf0);
	vm12 =	vnez.u8 v21  }
0x125: {  	v7 =	vsel vm12, v11, v7;
	v11 =	vsel vm0, v16, v18;
	v16 =	vbroadcast v20, $0xF;
	v20 =	vld [tilespmem:$0x1FF00]  }
0x126: {  	v25 =	vld [tilespmem:$0xC00]  }
0x127: {  	v22 =	vld [tilespmem:$0xCC0]  }
0x128: {  	v23 =	vld [tilespmem:$0xD30]  }
0x129: {  	v26 =	vld [tilespmem:$0xD20];
	v8 =	vbroadcast v8, $0xF  }
0x12a: {  	v54 =	vld [tilespmem:$0xBC0];
	v18, _, _ =	vpop (xrf0);
	vm13 =	vnez.u8 v20  }
0x12b: {  	v53 =	vld [tilespmem:$0xBF0];
	v7 =	vsel vm13, v7, v8;
	v8 =	vsel vm8, v11, v19;
	v11 =	vbroadcast v18, $0xF;
	v18, _, _ =	vpop (xrf0)  }
0x12c: {  	[tilespmem:$0x1FDA0] =	vst v61;
	v61 =	vld [tilespmem:$0xAA0];
	v8 =	vsel vm9, v8, v16;
	v16 =	vbroadcast v18, $0xF;
	v19, _, _ =	vpop (xrf0)  }
0x12d: {  	v20 =	vld [tilespmem:$0x1FF10];
	v8 =	vsel vm10, v8, v11;
	v11 =	vbroadcast v19, $0xF;
	v19, _, _ =	vpop (xrf0)  }
0x12e: {  	v8 =	vsel vm11, v8, v16;
	v16 =	vbroadcast v19, $0xF;
	v19 =	vld [tilespmem:$0x1FF20]  }
0x12f: {  	v9 =	vbroadcast v9, $0xF;
	v62 =	vld [tilespmem:$0xB40]  }
0x130: {  	v29 =	vld [tilespmem:$0xCD0]  }
0x131: {  	v28 =	vld [tilespmem:$0xCE0]  }
0x132: {  	v10 =	vbroadcast v10, $0xF;
	v32 =	vld [tilespmem:$0xDE0];
	vm14 =	vnez.u8 v20  }
0x133: {  	v49 =	vld [tilespmem:$0x1FD40];
	v7 =	vsel vm14, v7, v9;
	v9, _, _ =	vpop (xrf0);
	vm15 =	vnez.u8 v19  }
0x134: {  	v7 =	vsel vm15, v7, v10;
	v10 =	vbroadcast v9, $0xF;
	v9 =	vld [tilespmem:$0x1FF30]  }
0x135: {  	v50 =	vld [tilespmem:$0x1FD50]  }
0x136: {  	v57 =	vld [tilespmem:$0x1FDB0]  }
0x137: {  	v40 =	vld [tilespmem:$0xC20]  }
0x138: {  	v27 =	vld [tilespmem:$0xCF0]  }
0x139: {  	v35 =	vld [tilespmem:$0xC10];
	vm2 =	vnez.u8 v9  }
0x13a: {  	v8 =	vsel vm12, v8, v11;
	v9 =	vsel vm2, v7, v2;
	v7 =	vld [tilespmem:$0x1FAA0]  }
0x13b: {  	v2 =	vsel vm13, v8, v16;
	v8 =	vld [tilespmem:$0x1FAB0]  }
0x13c: {  	v36 =	vsel vm14, v2, v10;
	v2 =	vld [tilespmem:$0x1FAC0]  }
0x13d: {  	v11 =	vld [tilespmem:$0x1FAF0]  }
0x13e: {  	v56 =	vld [tilespmem:$0x1FDA0]  }
0x13f: {  	v0 =	vld [tilespmem:$0xBD0]  }
0x140: {  	v10 =	vld [tilespmem:$0x1FAE0];
	v8 =	vmax.f32 v7, v8  }
0x141: {  	v2 =	vmax.f32 v8, v2;
	v8 =	vld [tilespmem:$0x1FAD0]  }
0x142: {  	v2 =	vmax.f32 v2, v11;
	v11 =	vld [tilespmem:$0x1FB00]  }
0x143: {  	v19 =	vld [tilespmem:$0x1FB30]  }
0x144: {  	v30 =	vld [tilespmem:$0x1FBE0]  }
0x145: {  	v31 =	vld [tilespmem:$0x1FC20]  }
0x146: {  	v16 =	vld [tilespmem:$0x1FB20];
	v10 =	vmax.f32 v8, v10  }
0x147: {  	v11 =	vmax.f32 v10, v11;
	v10 =	vld [tilespmem:$0x1FB10]  }
0x148: {  	v19 =	vmax.f32 v11, v19;
	v11 =	vld [tilespmem:$0x1FB40]  }
0x149: {  	(xrf0) =	vmax.scan.msk.f32 $0xffff, v2;
	v2 =	vld [tilespmem:$0x1FB70]  }
0x14a: {  	v44 =	vld [tilespmem:$0x1FD00]  }
0x14b: {  	v38 =	vld [tilespmem:$0x1FCA0]  }
0x14c: {  	v20 =	vld [tilespmem:$0x1FB60];
	v16 =	vmax.f32 v10, v16  }
0x14d: {  	v16 =	vmax.f32 v16, v11;
	v11 =	vld [tilespmem:$0x1FB50]  }
0x14e: {  	v2 =	vmax.f32 v16, v2;
	v16 =	vld [tilespmem:$0x1FB80]  }
0x14f: {  	(xrf0) =	vmax.scan.msk.f32 $0xffff, v19;
	v19 =	vld [tilespmem:$0x1FBB0]  }
0x150: {  	v39 =	vld [tilespmem:$0x1FCB0]  }
0x151: {  	v45 =	vld [tilespmem:$0x1FD10]  }
0x152: {  	v21 =	vld [tilespmem:$0x1FBA0];
	v20 =	vmax.f32 v11, v20  }
0x153: {  	v20 =	vmax.f32 v20, v16;
	v16 =	vld [tilespmem:$0x1FB90]  }
0x154: {  	v19 =	vmax.f32 v20, v19;
	v20 =	vld [tilespmem:$0x1FBC0]  }
0x155: {  	(xrf0) =	vmax.scan.msk.f32 $0xffff, v2;
	v2 =	vld [tilespmem:$0x1FBF0]  }
0x156: {  	v52 =	vmax.f32 v50, v51;
	v50 =	vld [tilespmem:$0x1FE10]  }
0x157: {  	v51 =	vld [tilespmem:$0x1FE20]  }
0x158: {  	v1 =	vld [tilespmem:$0xC30];
	v21 =	vmax.f32 v16, v21  }
0x159: {  	v21 =	vmax.f32 v21, v20;
	v20 =	vld [tilespmem:$0x1FBD0]  }
0x15a: {  	v2 =	vmax.f32 v21, v2;
	v21 =	vld [tilespmem:$0x1FC00]  }
0x15b: {  	(xrf0) =	vmax.scan.msk.f32 $0xffff, v19;
	v19 =	vld [tilespmem:$0x1FC30]  }
0x15c: {  	v46 =	vld [tilespmem:$0x1FD20]  }
0x15d: {  	v0 =	vmax.f32 v54, v0;
	v54 =	vld [tilespmem:$0xF20]  }
0x15e: {  	v0 =	vmax.f32 v0, v12;
	v12 =	vmax.f32 v25, v35;
	v25 =	vld [tilespmem:$0xE60];
	v30 =	vmax.f32 v20, v30  }
0x15f: {  	v30 =	vmax.f32 v30, v21;
	v21 =	vld [tilespmem:$0x1FC10]  }
0x160: {  	v37 =	vmax.f32 v30, v19;
	v19 =	vld [tilespmem:$0x1FC40]  }
0x161: {  	v4 =	vld [tilespmem:$0xC40]  }
0x162: {  	(xrf0) =	vmax.scan.msk.f32 $0xffff, v2;
	v2 =	vld [tilespmem:$0x1FC70]  }
0x163: {  	v5 =	vld [tilespmem:$0xC50]  }
0x164: {  	v6 =	vld [tilespmem:$0xC60];
	v31 =	vmax.f32 v21, v31  }
0x165: {  	v30 =	vmax.f32 v31, v19;
	v19 =	vld [tilespmem:$0x1FC50]  }
0x166: {  	v31 =	vld [tilespmem:$0x1FC60]  }
0x167: {  	v2 =	vmax.f32 v30, v2;
	v30 =	vld [tilespmem:$0x1FC80]  }
0x168: {  	v3 =	vld [tilespmem:$0xC70]  }
0x169: {  	v13 =	vld [tilespmem:$0xC80]  }
0x16a: {  	v14 =	vld [tilespmem:$0xC90]  }
0x16b: {  	v15 =	vld [tilespmem:$0xCA0];
	v31 =	vmax.f32 v19, v31  }
0x16c: {  	v31 =	vmax.f32 v31, v30;
	v30 =	vld [tilespmem:$0x1FC90]  }
0x16d: {  	(xrf0) =	vmax.scan.msk.f32 $0xffff, v37;
	v41 =	vmax.f32 v31, v39;
	v31 =	vld [tilespmem:$0x1FCC0]  }
0x16e: {  	v12 =	vmax.f32 v12, v40;
	(xrf0) =	vmax.scan.msk.f32 $0xffff, v2;
	v2 =	vld [tilespmem:$0x1FCF0]  }
0x16f: {  	v1 =	vmax.f32 v12, v1;
	v12 =	vld [tilespmem:$0xE80]  }
0x170: {  	v17 =	vld [tilespmem:$0xCB0]  }
0x171: {  	v4 =	vmax.f32 v4, v5;
	v5 =	vld [tilespmem:$0xE70];
	v33 =	vmax.f32 v30, v38  }
0x172: {  	v4 =	vmax.f32 v4, v6;
	v6 =	vmax.f32 v13, v14;
	v18 =	vld [tilespmem:$0xD00];
	v42 =	vmax.f32 v33, v31  }
0x173: {  	v3 =	vmax.f32 v4, v3;
	v4 =	vmax.f32 v6, v15;
	v6 =	vld [tilespmem:$0xE90];
	v38, _, _ =	vpop (xrf0);
	(xrf0) =	vmax.scan.msk.f32 $0xffff, v41;
	v2 =	vmax.f32 v42, v2  }
0x174: {  	v34, _, _ =	vpop (xrf0);
	(xrf0) =	vmax.scan.msk.f32 $0xffff, v2;
	v2 =	vld [tilespmem:$0x1FD70]  }
0x175: {  	v15 =	vmax.f32 v22, v29;
	v4 =	vmax.f32 v4, v17;
	v17 =	vld [tilespmem:$0xEA0]  }
0x176: {  	v15 =	vmax.f32 v15, v28;
	v28 =	vld [tilespmem:$0xEB0]  }
0x177: {  	v18 =	vmax.f32 v18, v24;
	v24 =	vld [tilespmem:$0xEE0];
	v37 =	vmax.f32 v45, v46  }
0x178: {  	v7 =	vld [tilespmem:$0xD40];
	v37 =	vmax.f32 v37, v49  }
0x179: {  	v37 =	vmax.f32 v37, v2;
	v2 =	vld [tilespmem:$0x1FD80]  }
0x17a: {  	v8 =	vld [tilespmem:$0xD50]  }
0x17b: {  	v31 =	vld [tilespmem:$0x1FCD0]  }
0x17c: {  	v18 =	vmax.f32 v18, v26;
	v26 =	vld [tilespmem:$0xEF0]  }
0x17d: {  	v18 =	vmax.f32 v18, v23;
	v23 =	vld [tilespmem:$0xF00]  }
0x17e: {  	v41 =	vmax.f32 v52, v2;
	v2 =	vld [tilespmem:$0x1FD90]  }
0x17f: {  	v7 =	vmax.f32 v7, v8;
	v8 =	vld [tilespmem:$0xF50]  }
0x180: {  	v10 =	vld [tilespmem:$0xD60];
	v33 =	vmax.f32 v31, v43  }
0x181: {  	v49 =	vld [tilespmem:$0x1FE00];
	v33 =	vmax.f32 v33, v44  }
0x182: {  	v48 =	vmax.f32 v33, v47;
	v47 =	vld [tilespmem:$0x1FDE0]  }
0x183: {  	v43, _, _ =	vpop (xrf0);
	(xrf0) =	vmax.scan.msk.f32 $0xffff, v48;
	v48 =	vld [tilespmem:$0x1FDF0];
	v42 =	vmax.f32 v2, v56  }
0x184: {  	v42 =	vmax.f32 v42, v61;
	v61 =	vld [tilespmem:$0x1FDD0]  }
0x185: {  	v52 =	vld [tilespmem:$0x1FE30]  }
0x186: {  	v56 =	vld [tilespmem:$0x1FE40]  }
0x187: {  	v11 =	vld [tilespmem:$0xD70]  }
0x188: {  	v16 =	vld [tilespmem:$0xD80]  }
0x189: {  	v39 =	vmax.f32 v41, v57;
	v57 =	vld [tilespmem:$0x1FE50];
	v41, _, _ =	vpop (xrf0);
	v44 =	vmax.f32 v60, v61  }
0x18a: {  	(xrf0) =	vmax.scan.msk.f32 $0xffff, v37;
	v46, _, _ =	vpop (xrf0);
	v37 =	vmax.f32 v42, v47;
	v60 =	vld [tilespmem:$0x1FE60];
	v42 =	vmax.f32 v44, v48;
	v44 =	vmax.f32 v49, v50  }
0x18b: {  	v48, _, _ =	vpop (xrf0);
	(xrf0) =	vmax.scan.msk.f32 $0xffff, v39;
	v39 =	vmax.f32 v42, v51;
	v42 =	vmax.f32 v44, v52;
	v44 =	vmax.f32 v62, v56;
	v62 =	vld [tilespmem:$0x1FE70]  }
0x18c: {  	v20 =	vld [tilespmem:$0xD90]  }
0x18d: {  	v45 =	vld [tilespmem:$0xE10]  }
0x18e: {  	v21 =	vld [tilespmem:$0xDA0];
	v50, _, _ =	vpop (xrf0);
	(xrf0) =	vmax.scan.msk.f32 $0xffff, v37  }
0x18f: {  	v30 =	vld [tilespmem:$0xDC0];
	v61 =	vmax.f32 v63, v55;
	v37 =	vmax.f32 v42, v57;
	v52, _, _ =	vpop (xrf0);
	(xrf0) =	vmax.scan.msk.f32 $0xffff, v39;
	v42 =	vmax.f32 v44, v60  }
0x190: {  	v31 =	vld [tilespmem:$0xDD0];
	v63 =	vmax.f32 v61, v59;
	v57, _, _ =	vpop (xrf0);
	(xrf0) =	vmax.scan.msk.f32 $0xffff, v37;
	v39 =	vmax.f32 v42, v62  }
0x191: {  	v7 =	vmax.f32 v7, v10;
	v10 =	vmax.f32 v16, v20;
	v16 =	vld [tilespmem:$0xF70];
	v58 =	vmax.f32 v63, v58;
	v59, _, _ =	vpop (xrf0);
	(xrf0) =	vmax.scan.msk.f32 $0xffff, v39  }
0x192: {  	v0 =	vmax.f32 v0, v53;
	v19 =	vld [tilespmem:$0xDB0];
	v60, _, _ =	vpop (xrf0);
	(xrf0) =	vmax.scan.msk.f32 $0xffff, v58  }
0x193: {  	v6 =	vmax.f32 v12, v6;
	v7 =	vmax.f32 v7, v11;
	v2 =	vld [tilespmem:$0xE00];
	v13, _, _ =	vpop (xrf0);
	(xrf0) =	vmax.scan.msk.f32 $0xffff, v0  }
0x194: {  	v10 =	vmax.f32 v10, v21;
	v47 =	vld [tilespmem:$0xE20];
	v14, _, _ =	vpop (xrf0);
	v0 =	vbroadcast v43, $0xF;
	(xrf0) =	vmax.scan.msk.f32 $0xffff, v1;
	v1 =	vbroadcast v41, $0xF  }
0x195: {  	v21 =	vmax.f32 v30, v31;
	v29 =	vbroadcast v46, $0xF;
	v49 =	vld [tilespmem:$0xE30];
	v22, _, _ =	vpop (xrf0);
	(xrf0) =	vmax.scan.msk.f32 $0xffff, v3;
	v3 =	vbroadcast v38, $0xF  }
0x196: {  	v33 =	vld [tilespmem:$0xDF0];
	v61 =	vbroadcast v48, $0xF;
	v62, _, _ =	vpop (xrf0);
	v0 =	vsel vm1, v0, v1;
	(xrf0) =	vmax.scan.msk.f32 $0xffff, v4;
	v4 =	vmax.f32 v15, v27  }
0x197: {  	v15 =	vld [tilespmem:$0xEC0];
	v1 =	vsel vm15, v36, v3;
	v0 =	vsel vm7, v0, v29;
	v3 =	vbroadcast v50, $0xF;
	v27, _, _ =	vpop (xrf0)  }
0x198: {  	v2 =	vmax.f32 v2, v45;
	(xrf0) =	vmax.scan.msk.f32 $0xffff, v4;
	v4 =	vld [tilespmem:$0xED0];
	v29 =	vbroadcast v52, $0xF;
	v0 =	vsel vm3, v0, v61;
	v63, _, _ =	vpop (xrf0)  }
0x199: {  	v2 =	vmax.f32 v2, v47;
	v51 =	vld [tilespmem:$0xE40];
	v0 =	vsel vm4, v0, v3;
	v3 =	vbroadcast v57, $0xF;
	v46, _, _ =	vpop (xrf0)  }
0x19a: {  	v56 =	vld [tilespmem:$0xF30];
	v2 =	vmax.f32 v2, v49;
	v0 =	vsel vm5, v0, v29;
	v29 =	vbroadcast v59, $0xF;
	v48, _, _ =	vpop (xrf0)  }
0x19b: {  	v44 =	vld [tilespmem:$0xE50];
	v13 =	vbroadcast v13, $0xF;
	v0 =	vsel vm0, v0, v3;
	v3 =	vbroadcast v60, $0xF;
	v50, _, _ =	vpop (xrf0)  }
0x19c: {  	v57 =	vld [tilespmem:$0xF40];
	(xrf0) =	vmax.scan.msk.f32 $0xffff, v18;
	v0 =	vsel vm8, v0, v29;
	v29 =	vbroadcast v48, $0xF;
	v52 =	vbroadcast v50, $0xF  }
0x19d: {  	v18 =	vld [tilespmem:$0xF10];
	v53, _, _ =	vpop (xrf0);
	v4 =	vmax.f32 v15, v4;
	v0 =	vsel vm9, v0, v3;
	v3 =	vbroadcast v14, $0xF  }
0x19e: {  	v14 =	vbroadcast v53, $0xF;
	v55, _, _ =	vpop (xrf0);
	(xrf0) =	vmax.scan.msk.f32 $0xffff, v7;
	v7 =	vmax.f32 v10, v19;
	v10 =	vmax.f32 v21, v32;
	v19 =	vld [tilespmem:$0xF90]  }
0x19f: {  	v21 =	vld [tilespmem:$0xFA0];
	v0 =	vsel vm10, v0, v13;
	v13 =	vsel vm1, v29, v52;
	(xrf0) =	vmax.scan.msk.f32 $0xffff, v7;
	v7 =	vmax.f32 v10, v33  }
0x1a0: {  	v10 =	vmax.f32 v51, v44;
	v0 =	vsel vm11, v0, v3;
	v3 =	vsel vm7, v13, v14;
	v13 =	vld [tilespmem:$0xF60]  }
0x1a1: {  	v4 =	vmax.f32 v4, v24;
	v14 =	vbroadcast v22, $0xF;
	v22 =	vld [tilespmem:$0xF80];
	(xrf0) =	vmax.scan.msk.f32 $0xffff, v7;
	v7 =	vmax.f32 v10, v25  }
0x1a2: {  	v29 =	vbroadcast v55, $0xF;
	v10 =	vld [tilespmem:$0xFB0];
	(xrf0) =	vmax.scan.msk.f32 $0xffff, v2;
	v2 =	vmax.f32 v7, v5;
	v5 =	vmax.f32 v6, v17;
	v11, _, _ =	vpop (xrf0)  }
0x1a3: {  	v6 =	vld [tilespmem:$0xFC0];
	(xrf0) =	vmax.scan.msk.f32 $0xffff, v2;
	v2 =	vmax.f32 v5, v28;
	v5 =	vmax.f32 v23, v18;
	v11 =	vbroadcast v11, $0xF  }
0x1a4: {  	v7 =	vld [tilespmem:$0xFD0];
	(xrf0) =	vmax.scan.msk.f32 $0xffff, v2;
	v2 =	vmax.f32 v4, v26;
	v4 =	vmax.f32 v5, v54;
	v5 =	vmax.f32 v57, v8  }
0x1a5: {  	v3 =	vsel vm3, v3, v29;
	v12, _, _ =	vpop (xrf0);
	(xrf0) =	vmax.scan.msk.f32 $0xffff, v2;
	v2 =	vmax.f32 v4, v56;
	v4 =	vmax.f32 v5, v13  }
0x1a6: {  	v5 =	vmax.f32 v22, v19;
	v12 =	vbroadcast v12, $0xF;
	v15, _, _ =	vpop (xrf0);
	v3 =	vsel vm4, v3, v11  }
0x1a7: {  	v8 =	vld [tilespmem:$0xFE0];
	(xrf0) =	vmax.scan.msk.f32 $0xffff, v2;
	v2 =	vmax.f32 v4, v16;
	v4 =	vmax.f32 v5, v21;
	v5 =	vbroadcast v15, $0xF;
	v11, _, _ =	vpop (xrf0)  }
0x1a8: {  	v13 =	vld [tilespmem:$0xFF0];
	(xrf0) =	vmax.scan.msk.f32 $0xffff, v2;
	v2 =	vmax.f32 v4, v10;
	v3 =	vsel vm5, v3, v12;
	v4 =	vbroadcast v11, $0xF;
	v10, _, _ =	vpop (xrf0)  }
0x1a9: {  	(xrf0) =	vmax.scan.msk.f32 $0xffff, v2;
	v2 =	vmax.f32 v6, v7;
	v3 =	vsel vm0, v3, v5;
	v6, _, _ =	vpop (xrf0);
	v5 =	vbroadcast v10, $0xF  }
0x1aa: {  	v7, _, _ =	vpop (xrf0);
	v3 =	vsel vm8, v3, v4;
	v4 =	vbroadcast v6, $0xF  }
0x1ab: {  	v3 =	vsel vm9, v3, v5;
	v5 =	vbroadcast v7, $0xF  }
0x1ac: {  	v2 =	vmax.f32 v2, v8  }
0x1ad: {  	v2 =	vmax.f32 v2, v13;
	v6, _, _ =	vpop (xrf0)  }
0x1ae: {  	(xrf0) =	vmax.scan.msk.f32 $0xffff, v2;
	v2 =	vsel vm10, v3, v4;
	v3 =	vbroadcast v6, $0xF;
	v4, _, _ =	vpop (xrf0)  }
0x1af: {  	v2 =	vsel vm11, v2, v5;
	v4 =	vbroadcast v4, $0xF;
	v5, _, _ =	vpop (xrf0)  }
0x1b0: {  	v20 =	vbroadcast v62, $0xF;
	v2 =	vsel vm12, v2, v3;
	v3 =	vbroadcast v5, $0xF  }
0x1b1: {  	v0 =	vsel vm12, v0, v14;
	v6 =	vbroadcast v27, $0xF;
	v2 =	vsel vm13, v2, v4  }
0x1b2: {  	v0 =	vsel vm13, v0, v20;
	v7 =	vbroadcast v63, $0xF;
	v5, _, _ =	vpop (xrf0);
	v3 =	vsel vm14, v2, v3  }
0x1b3: {  	v0 =	vsel vm14, v0, v6;
	v4 =	vbroadcast v5, $0xF  }
0x1b4: {  	v1 =	vsel vm2, v1, v34;
	v0 =	vsel vm15, v0, v7  }
0x1b5: {  	v2 =	vsel vm2, v0, v46;
	v0 =	vsel vm15, v3, v4;
	v4 =	vmax.f32 v9, v1;
	v3, _, _ =	vpop (xrf0)  }
0x1b6: {  	v3 =	vsel vm2, v0, v3;
	v0 =	vmax.f32 v4, v2  }
0x1b7: {  	v0 =	vmax.f32 v0, v3  }
0x1b8: {  	(xrf0) =	vmax.scan.msk.f32 $0xffff, v0;
	_ =	sdelay $0x4  }
0x1b9: {  	v17 =	vld [tilespmem:$0x1FF40]  }
0x1ba: {  	v18 =	vld [tilespmem:$0x1FF50];
	v0, _, _ =	vpop (xrf0)  }
0x1bb: {  	v0 =	vbroadcast v0, $0xF  }
0x1bc: {  	v19 =	vld [tilespmem:$0x1FF60]  }
0x1bd: {  	v20 =	vld [tilespmem:$0x1FF70];
	vm7 =	veq.f32 v9, v0  }
0x1be: {  	v4 =	vnsel vm7, $0xC0000000, v17;
	vm7 =	veq.f32 v1, v0  }
0x1bf: {  	(xrf0) =	vmin.scan.msk.u32 $0xffff, v4;
	v4 =	vnsel vm7, $0xC0000000, v18  }
0x1c0: {  	vm7 =	veq.f32 v2, v0;
	(xrf0) =	vmin.scan.msk.u32 $0xffff, v4  }
0x1c1: {  	v4 =	vnsel vm7, $0xC0000000, v19;
	vm7 =	veq.f32 v3, v0  }
0x1c2: {  	(xrf0) =	vmin.scan.msk.u32 $0xffff, v4;
	v0 =	vnsel vm7, $0xC0000000, v20;
	_ =	sdelay $0x1  }
0x1c3: {  	(xrf0) =	vmin.scan.msk.u32 $0xffff, v0  }
0x1c4: {  	v0, _, _ =	vpop (xrf0)  }
0x1c5: {  	(v2sf) =	vpush v0, $0xF;
	v0, _, _ =	vpop (xrf0)  }
0x1c6: {  	(v2sf) =	vpush v0, $0xF  }
0x1c7: {  	v0, _, _ =	vpop (xrf0)  }
0x1c8: {  	(v2sf) =	vpush v0, $0xF  }
0x1c9: {  	v0, _, _ =	vpop (xrf0)  }
0x1ca: {  	(v2sf) =	vpush v0, $0xF;
	_ =	sdelay $0x9  }
0x1cb: {  	s0 =	spop (v2sf)  }
0x1cc: {  	s1 =	spop (v2sf)  }
0x1cd: {  	s0 =	sxor.u32 $0x80000000, s0;
	s1 =	sxor.u32 $0x80000000, s1  }
0x1ce: {  	s25 =	spop (v2sf);
	p0 =	slt.s32 s0, s1  }
0x1cf: {  	s1 =	smov.u32 @p0 s0;
	s0 =	sxor.u32 $0x80000000, s25  }
0x1d0: {  	s13 =	spop (v2sf);
	p0 =	slt.s32 s1, s0  }
0x1d1: {  	s28 =	sxor.u32 $0x80000000, s13;
	s0 =	smov.u32 @p0 s1  }
0x1d2: {  	p0 =	slt.s32 s0, s28  }
0x1d3: {  	s28 =	smov.u32 @p0 s0  }
0x1d4: {  	p0 =	slt.s32 s28, $0x40000000;
	s26 =	smov.u32 s28  }
0x1d5: {  	s26 =	simm.s32 @!p0 $0x40000000  }
0x1d6: {  	s14 =	sshll.u32 s26, $0x6  }
0x1d7: {  	v0 =	vld [tilespmem:s14+$0x0];
	_ =	sdelay $0x1  }
0x1d8: {  	v5 =	vld [tilespmem:s14+$0x10];
	_ =	sdelay $0x1  }
0x1d9: {  	v6 =	vld [tilespmem:s14+$0x20]  }
0x1da: {  	vm7 =	vgt.f32 v0, $-3.000000010e+38  }
0x1db: {  	v7 =	vld [tilespmem:s14+$0x30];
	v4 =	vnsel vm7, $0xFF61B1E6, v0  }
0x1dc: {  	vm8 =	vgt.f32 v5, v4  }
0x1dd: {  	v4 =	vsel vm8, v5, v4  }
0x1de: {  	vm14 =	vgt.f32 v6, v4  }
0x1df: {  	v4 =	vsel vm14, v6, v4  }
0x1e0: {  	vm15 =	vgt.f32 v7, v4  }
0x1e1: {  	v8 =	vsel vm15, v7, v4  }
0x1e2: {  	(xrf0) =	vmax.scan.msk.f32 $0xffff, v8;
	_ =	sdelay $0x2  }
0x1e3: {  	v16 =	vlaneseq.u32  }
0x1e4: {  	v10 =	vor.u32 s14, v16;
	s15 =	sor.u32 $0x10, s14  }
0x1e5: {  	s16 =	sor.u32 $0x20, s14;
	v11 =	vor.u32 s15, v16;
	v4 =	vnsel vm7, $0x0, v10  }
0x1e6: {  	s0 =	sor.u32 $0x30, s14;
	v12 =	vor.u32 s16, v16;
	v4 =	vsel vm8, v11, v4;
	v13, _, _ =	vpop (xrf0)  }
0x1e7: {  	v15 =	vor.u32 s0, v16;
	v14 =	vsel vm14, v12, v4;
	v4 =	vbroadcast v13, $0xF  }
0x1e8: {  	v13 =	vsel vm15, v15, v14  }
0x1e9: {  	vm7 =	veq.f32 v8, v4;
	v8 =	vxor.u32 $0x80000000, v13  }
0x1ea: {  	v8 =	vnsel vm7, $0xC0000000, v8  }
0x1eb: {  	(xrf0) =	vmin.scan.msk.u32 $0xffff, v8;
	_ =	sdelay $0x5  }
0x1ec: {  	v8, _, _ =	vpop (xrf0)  }
0x1ed: {  	(v2sf) =	vpush v8, $0xF;
	_ =	sdelay $0xe  }
0x1ee: {  	s17 =	spop (v2sf)  }
0x1ef: {  	vm13 =	vlt.f32 v0, v4;
	s25 =	sxor.u32 $0x80000000, s17  }
0x1f0: {  	vm14 =	vlt.f32 v5, v4;
	vm7 =	veq.f32 v0, v4;
	vm8 =	vgt.s32 v10, s25  }
0x1f1: {  	vm12 =	vgt.s32 v11, s25;
	vm7 =	vmand vm7, vm8;
	vm8 =	veq.f32 v5, v4  }
0x1f2: {  	v0 =	vmax.f32 v0, $-3.000000010e+38;
	vm15 =	vgt.s32 v12, s25;
	vm8 =	vmand vm8, vm12  }
0x1f3: {  	vm7 =	vmor vm13, vm7;
	vm12 =	veq.f32 v7, v4;
	vm8 =	vmor vm14, vm8  }
0x1f4: {  	vm13 =	vgt.s32 v15, s25;
	v5 =	vnsel vm8, $0xFF61B1E6, v5;
	vm8 =	veq.f32 v6, v4  }
0x1f5: {  	v0 =	vnsel vm7, $0xFF61B1E6, v0;
	vm7 =	vlt.f32 v6, v4;
	vm8 =	vmand vm8, vm15  }
0x1f6: {  	s18 =	sshra.s32 s26, $0x1F;
	vm9 =	vmand vm12, vm13;
	vm7 =	vmor vm7, vm8;
	vm8 =	vlt.f32 v7, v4  }
0x1f7: {  	s0 =	sshrl.u32 s18, $0x1C;
	v0 =	vmax.f32 v0, v5;
	v5 =	vnsel vm7, $0xFF61B1E6, v6;
	vm7 =	vmor vm8, vm9  }
0x1f8: {  	s0 =	sadd.s32 s0, s26;
	v0 =	vmax.f32 v0, v5;
	v5 =	vnsel vm7, $0xFF61B1E6, v7  }
0x1f9: {  	s19 =	sand.u32 $0xFFFFFFF0, s0;
	v0 =	vmax.f32 v0, v5  }
0x1fa: {  	p6 =	slt.s32 s28, $0x1;
	p1 =	sne.s32 s26, s19;
	(xrf0) =	vmax.scan.msk.f32 $0xffff, v0  }
0x1fb: {  	p0 =	por !p6, !p1  }
0x1fc: {  	s1 =	simm.s32 $0x1;
	p0 =	por !p0, !p0  }
0x1fd: {  	s0 =	sshra.s32 s0, $0x4;
	s1 =	simm.s32 @!p0 $0x0  }
0x1fe: {  	vm0 =	vmxor vm0, vm0;
	s0 =	ssub.s32 s0, s1  }
0x1ff: {  	vm10 =	vmmov vm0;
	s26 =	sand.u32 $0xF, s26;
	p0 =	seq.s32 s0, $0x0;
	vm7 =	vmmov vm0  }
0x200: {  	vm9 =	vmmov vm0;
	v5 =	vmov s26;
	vm7 =	vmneg @p0 vm7;
	p0 =	seq.s32 s0, $0x1;
	v0, _, _ =	vpop (xrf0)  }
0x201: {  	vm8 =	veq.s32 v5, v16;
	vm9 =	vmneg @p0 vm9;
	p0 =	seq.s32 s0, $0x2;
	v5 =	vbroadcast v0, $0xF  }
0x202: {  	vm7 =	vmand vm8, vm7;
	vm10 =	vmneg @p0 vm10  }
0x203: {  	p0 =	seq.s32 s0, $0x3;
	v0 =	vsel vm7, v5, v9;
	vm7 =	vmand vm8, vm9;
	vm9 =	vmmov vm0  }
0x204: {  	v1 =	vsel vm7, v5, v1;
	vm7 =	vmand vm8, vm10;
	vm9 =	vmneg @p0 vm9  }
0x205: {  	v2 =	vsel vm7, v5, v2;
	vm7 =	vmand vm8, vm9;
	v6 =	vmax.f32 v0, v1  }
0x206: {  	v3 =	vsel vm7, v5, v3;
	v5 =	vmax.f32 v6, v2  }
0x207: {  	v5 =	vmax.f32 v5, v3  }
0x208: {  	(xrf0) =	vmax.scan.msk.f32 $0xffff, v5;
	_ =	sdelay $0x5  }
0x209: {  	v5, _, _ =	vpop (xrf0)  }
0x20a: {  	v5 =	vbroadcast v5, $0xF;
	_ =	sdelay $0x1  }
0x20b: {  	vm7 =	veq.f32 v0, v5  }
0x20c: {  	v6 =	vnsel vm7, $0xC0000000, v17;
	vm7 =	veq.f32 v1, v5  }
0x20d: {  	(xrf0) =	vmin.scan.msk.u32 $0xffff, v6;
	v6 =	vnsel vm7, $0xC0000000, v18  }
0x20e: {  	vm7 =	veq.f32 v2, v5;
	(xrf0) =	vmin.scan.msk.u32 $0xffff, v6  }
0x20f: {  	v6 =	vnsel vm7, $0xC0000000, v19;
	vm7 =	veq.f32 v3, v5  }
0x210: {  	(xrf0) =	vmin.scan.msk.u32 $0xffff, v6;
	v5 =	vnsel vm7, $0xC0000000, v20;
	_ =	sdelay $0x1  }
0x211: {  	(xrf0) =	vmin.scan.msk.u32 $0xffff, v5  }
0x212: {  	v5, _, _ =	vpop (xrf0)  }
0x213: {  	(v2sf) =	vpush v5, $0xF;
	v5, _, _ =	vpop (xrf0)  }
0x214: {  	(v2sf) =	vpush v5, $0xF  }
0x215: {  	v5, _, _ =	vpop (xrf0)  }
0x216: {  	(v2sf) =	vpush v5, $0xF  }
0x217: {  	v5, _, _ =	vpop (xrf0)  }
0x218: {  	(v2sf) =	vpush v5, $0xF;
	_ =	sdelay $0x9  }
0x219: {  	s28 =	spop (v2sf)  }
0x21a: {  	s29 =	spop (v2sf)  }
0x21b: {  	s0 =	sxor.u32 $0x80000000, s28;
	s1 =	sxor.u32 $0x80000000, s29  }
0x21c: {  	s30 =	spop (v2sf);
	p0 =	slt.s32 s0, s1  }
0x21d: {  	s1 =	smov.u32 @p0 s0;
	s0 =	sxor.u32 $0x80000000, s30  }
0x21e: {  	s31 =	spop (v2sf);
	p0 =	slt.s32 s1, s0  }
0x21f: {  	s29 =	sxor.u32 $0x80000000, s31;
	s0 =	smov.u32 @p0 s1  }
0x220: {  	p0 =	slt.s32 s0, s29  }
0x221: {  	s29 =	smov.u32 @p0 s0  }
0x222: {  	p0 =	slt.s32 s29, $0x40000000;
	s28 =	smov.u32 s29  }
0x223: {  	s28 =	simm.s32 @!p0 $0x40000000  }
0x224: {  	s13 =	sshll.u32 s28, $0x6  }
0x225: {  	v5 =	vld [tilespmem:s13+$0x0]  }
0x226: {  	v7 =	vld [tilespmem:s13+$0x10]  }
0x227: {  	v8 =	vld [tilespmem:s13+$0x20]  }
0x228: {  	v6 =	vor.u32 s13, v16;
	s14 =	sor.u32 $0x10, s13  }
0x229: {  	s15 =	sor.u32 $0x20, s13;
	s0 =	sor.u32 $0x30, s13;
	vm8 =	vgt.s32 v6, s25;
	v10 =	vor.u32 s14, v16  }
0x22a: {  	v12 =	vor.u32 s15, v16;
	v14 =	vor.u32 s0, v16;
	vm15 =	vgt.s32 v10, s25  }
0x22b: {  	vm7 =	veq.f32 v5, v4;
	vm14 =	vlt.f32 v5, v4;
	vm12 =	vlt.f32 v7, v4  }
0x22c: {  	v11 =	vld [tilespmem:s13+$0x30];
	vm13 =	veq.f32 v8, v4;
	vm7 =	vmand vm7, vm8;
	vm8 =	veq.f32 v7, v4  }
0x22d: {  	vm7 =	vmor vm14, vm7;
	vm8 =	vmand vm8, vm15;
	vm14 =	vgt.s32 v12, s25  }
0x22e: {  	v9 =	vnsel vm7, $0xFF61B1E6, v5;
	vm8 =	vmor vm12, vm8;
	vm9 =	vmand vm13, vm14  }
0x22f: {  	vm7 =	vgt.f32 v9, $-3.000000010e+38;
	v13 =	vnsel vm8, $0xFF61B1E6, v7;
	vm8 =	vlt.f32 v8, v4  }
0x230: {  	vm12 =	vgt.s32 v14, s25;
	v9 =	vnsel vm7, $0xFF61B1E6, v9;
	vm8 =	vmor vm8, vm9  }
0x231: {  	vm15 =	vgt.f32 v13, v9;
	v15 =	vnsel vm8, $0xFF61B1E6, v8;
	vm8 =	veq.f32 v11, v4  }
0x232: {  	vm13 =	vlt.f32 v11, v4;
	v9 =	vsel vm15, v13, v9;
	vm8 =	vmand vm8, vm12  }
0x233: {  	vm8 =	vmor vm13, vm8;
	vm14 =	vgt.f32 v15, v9  }
0x234: {  	v4 =	vsel vm14, v15, v9;
	v9 =	vnsel vm8, $0xFF61B1E6, v11  }
0x235: {  	vm8 =	vgt.f32 v9, v4  }
0x236: {  	v9 =	vsel vm8, v9, v4  }
0x237: {  	(xrf0) =	vmax.scan.msk.f32 $0xffff, v9;
	_ =	sdelay $0x4  }
0x238: {  	v4 =	vnsel vm7, $0x0, v6  }
0x239: {  	v4 =	vsel vm15, v10, v4;
	v13, _, _ =	vpop (xrf0)  }
0x23a: {  	v15 =	vsel vm14, v12, v4;
	v4 =	vbroadcast v13, $0xF  }
0x23b: {  	v13 =	vsel vm8, v14, v15  }
0x23c: {  	vm7 =	veq.f32 v9, v4;
	v9 =	vxor.u32 $0x80000000, v13  }
0x23d: {  	v9 =	vnsel vm7, $0xC0000000, v9  }
0x23e: {  	(xrf0) =	vmin.scan.msk.u32 $0xffff, v9;
	_ =	sdelay $0x5  }
0x23f: {  	v9, _, _ =	vpop (xrf0)  }
0x240: {  	(v2sf) =	vpush v9, $0xF;
	_ =	sdelay $0xe  }
0x241: {  	s16 =	spop (v2sf)  }
0x242: {  	vm12 =	vlt.f32 v5, v4;
	s26 =	sxor.u32 $0x80000000, s16  }
0x243: {  	vm13 =	vlt.f32 v7, v4;
	vm7 =	veq.f32 v5, v4;
	vm8 =	vgt.s32 v6, s26  }
0x244: {  	vm15 =	vgt.s32 v10, s26;
	vm7 =	vmand vm7, vm8;
	vm8 =	veq.f32 v7, v4  }
0x245: {  	v5 =	vmax.f32 v5, $-3.000000010e+38;
	vm14 =	vgt.s32 v12, s26;
	vm8 =	vmand vm8, vm15  }
0x246: {  	vm7 =	vmor vm12, vm7;
	vm15 =	veq.f32 v11, v4;
	vm8 =	vmor vm13, vm8  }
0x247: {  	vm12 =	vgt.s32 v14, s26;
	v6 =	vnsel vm8, $0xFF61B1E6, v7;
	vm8 =	veq.f32 v8, v4  }
0x248: {  	v5 =	vnsel vm7, $0xFF61B1E6, v5;
	vm7 =	vlt.f32 v8, v4;
	vm8 =	vmand vm8, vm14  }
0x249: {  	s17 =	sshra.s32 s28, $0x1F;
	vm9 =	vmand vm15, vm12;
	vm7 =	vmor vm7, vm8;
	vm8 =	vlt.f32 v11, v4  }
0x24a: {  	s0 =	sshrl.u32 s17, $0x1C;
	v5 =	vmax.f32 v5, v6;
	v6 =	vnsel vm7, $0xFF61B1E6, v8;
	vm7 =	vmor vm8, vm9  }
0x24b: {  	s0 =	sadd.s32 s0, s28;
	v5 =	vmax.f32 v5, v6;
	v6 =	vnsel vm7, $0xFF61B1E6, v11  }
0x24c: {  	s18 =	sand.u32 $0xFFFFFFF0, s0;
	v5 =	vmax.f32 v5, v6  }
0x24d: {  	p1 =	slt.s32 s29, $0x1;
	p2 =	sne.s32 s28, s18;
	(xrf0) =	vmax.scan.msk.f32 $0xffff, v5  }
0x24e: {  	p0 =	por !p1, !p2  }
0x24f: {  	s1 =	simm.s32 $0x1;
	p0 =	por !p0, !p0  }
0x250: {  	s0 =	sshra.s32 s0, $0x4;
	s1 =	simm.s32 @!p0 $0x0  }
0x251: {  	s0 =	ssub.s32 s0, s1  }
0x252: {  	vm10 =	vmmov vm0;
	s19 =	sand.u32 $0xF, s28;
	p0 =	seq.s32 s0, $0x0;
	vm7 =	vmmov vm0  }
0x253: {  	vm9 =	vmmov vm0;
	v6 =	vmov s19;
	vm7 =	vmneg @p0 vm7;
	p0 =	seq.s32 s0, $0x1;
	v5, _, _ =	vpop (xrf0)  }
0x254: {  	vm8 =	veq.s32 v6, v16;
	vm9 =	vmneg @p0 vm9;
	p0 =	seq.s32 s0, $0x2;
	v5 =	vbroadcast v5, $0xF  }
0x255: {  	vm7 =	vmand vm8, vm7;
	vm10 =	vmneg @p0 vm10  }
0x256: {  	p0 =	seq.s32 s0, $0x3;
	v0 =	vsel vm7, v5, v0;
	vm7 =	vmand vm8, vm9;
	vm9 =	vmmov vm0  }
0x257: {  	v1 =	vsel vm7, v5, v1;
	vm7 =	vmand vm8, vm10;
	vm9 =	vmneg @p0 vm9  }
0x258: {  	v2 =	vsel vm7, v5, v2;
	vm7 =	vmand vm8, vm9;
	v6 =	vmax.f32 v0, v1  }
0x259: {  	v3 =	vsel vm7, v5, v3;
	v5 =	vmax.f32 v6, v2  }
0x25a: {  	v5 =	vmax.f32 v5, v3  }
0x25b: {  	(xrf0) =	vmax.scan.msk.f32 $0xffff, v5;
	_ =	sdelay $0x5  }
0x25c: {  	v5, _, _ =	vpop (xrf0)  }
0x25d: {  	v5 =	vbroadcast v5, $0xF;
	_ =	sdelay $0x1  }
0x25e: {  	vm7 =	veq.f32 v0, v5  }
0x25f: {  	v6 =	vnsel vm7, $0xC0000000, v17;
	vm7 =	veq.f32 v1, v5  }
0x260: {  	(xrf0) =	vmin.scan.msk.u32 $0xffff, v6;
	v6 =	vnsel vm7, $0xC0000000, v18  }
0x261: {  	vm7 =	veq.f32 v2, v5;
	(xrf0) =	vmin.scan.msk.u32 $0xffff, v6  }
0x262: {  	v6 =	vnsel vm7, $0xC0000000, v19;
	vm7 =	veq.f32 v3, v5  }
0x263: {  	(xrf0) =	vmin.scan.msk.u32 $0xffff, v6;
	v5 =	vnsel vm7, $0xC0000000, v20;
	_ =	sdelay $0x1  }
0x264: {  	(xrf0) =	vmin.scan.msk.u32 $0xffff, v5  }
0x265: {  	v5, _, _ =	vpop (xrf0)  }
0x266: {  	(v2sf) =	vpush v5, $0xF;
	v5, _, _ =	vpop (xrf0)  }
0x267: {  	(v2sf) =	vpush v5, $0xF  }
0x268: {  	v5, _, _ =	vpop (xrf0)  }
0x269: {  	(v2sf) =	vpush v5, $0xF  }
0x26a: {  	v5, _, _ =	vpop (xrf0)  }
0x26b: {  	(v2sf) =	vpush v5, $0xF;
	_ =	sdelay $0x9  }
0x26c: {  	s28 =	spop (v2sf)  }
0x26d: {  	s29 =	spop (v2sf)  }
0x26e: {  	s0 =	sxor.u32 $0x80000000, s28;
	s1 =	sxor.u32 $0x80000000, s29  }
0x26f: {  	s30 =	spop (v2sf);
	p0 =	slt.s32 s0, s1  }
0x270: {  	s1 =	smov.u32 @p0 s0;
	s0 =	sxor.u32 $0x80000000, s30  }
0x271: {  	s31 =	spop (v2sf);
	p0 =	slt.s32 s1, s0  }
0x272: {  	s30 =	sxor.u32 $0x80000000, s31;
	s0 =	smov.u32 @p0 s1  }
0x273: {  	p0 =	slt.s32 s0, s30  }
0x274: {  	s30 =	smov.u32 @p0 s0  }
0x275: {  	p0 =	slt.s32 s30, $0x40000000;
	s29 =	smov.u32 s30  }
0x276: {  	s29 =	simm.s32 @!p0 $0x40000000  }
0x277: {  	s13 =	sshll.u32 s29, $0x6  }
0x278: {  	v5 =	vld [tilespmem:s13+$0x0]  }
0x279: {  	v7 =	vld [tilespmem:s13+$0x10]  }
0x27a: {  	v8 =	vld [tilespmem:s13+$0x20]  }
0x27b: {  	v6 =	vor.u32 s13, v16;
	s14 =	sor.u32 $0x10, s13  }
0x27c: {  	s15 =	sor.u32 $0x20, s13;
	s0 =	sor.u32 $0x30, s13;
	vm8 =	vgt.s32 v6, s26;
	v10 =	vor.u32 s14, v16  }
0x27d: {  	v12 =	vor.u32 s15, v16;
	v14 =	vor.u32 s0, v16;
	vm14 =	vgt.s32 v10, s26  }
0x27e: {  	vm7 =	veq.f32 v5, v4;
	vm13 =	vlt.f32 v5, v4;
	vm15 =	vlt.f32 v7, v4  }
0x27f: {  	v11 =	vld [tilespmem:s13+$0x30];
	vm12 =	veq.f32 v8, v4;
	vm7 =	vmand vm7, vm8;
	vm8 =	veq.f32 v7, v4  }
0x280: {  	vm7 =	vmor vm13, vm7;
	vm8 =	vmand vm8, vm14;
	vm13 =	vgt.s32 v12, s26  }
0x281: {  	v9 =	vnsel vm7, $0xFF61B1E6, v5;
	vm8 =	vmor vm15, vm8;
	vm9 =	vmand vm12, vm13  }
0x282: {  	vm7 =	vgt.f32 v9, $-3.000000010e+38;
	v13 =	vnsel vm8, $0xFF61B1E6, v7;
	vm8 =	vlt.f32 v8, v4  }
0x283: {  	vm15 =	vgt.s32 v14, s26;
	v9 =	vnsel vm7, $0xFF61B1E6, v9;
	vm8 =	vmor vm8, vm9  }
0x284: {  	vm14 =	vgt.f32 v13, v9;
	v15 =	vnsel vm8, $0xFF61B1E6, v8;
	vm8 =	veq.f32 v11, v4  }
0x285: {  	vm12 =	vlt.f32 v11, v4;
	v9 =	vsel vm14, v13, v9;
	vm8 =	vmand vm8, vm15  }
0x286: {  	vm8 =	vmor vm12, vm8;
	vm13 =	vgt.f32 v15, v9  }
0x287: {  	v4 =	vsel vm13, v15, v9;
	v9 =	vnsel vm8, $0xFF61B1E6, v11  }
0x288: {  	vm8 =	vgt.f32 v9, v4  }
0x289: {  	v9 =	vsel vm8, v9, v4  }
0x28a: {  	(xrf0) =	vmax.scan.msk.f32 $0xffff, v9;
	_ =	sdelay $0x4  }
0x28b: {  	v4 =	vnsel vm7, $0x0, v6  }
0x28c: {  	v4 =	vsel vm14, v10, v4;
	v13, _, _ =	vpop (xrf0)  }
0x28d: {  	v15 =	vsel vm13, v12, v4;
	v4 =	vbroadcast v13, $0xF  }
0x28e: {  	v13 =	vsel vm8, v14, v15  }
0x28f: {  	vm7 =	veq.f32 v9, v4;
	v9 =	vxor.u32 $0x80000000, v13  }
0x290: {  	v9 =	vnsel vm7, $0xC0000000, v9  }
0x291: {  	(xrf0) =	vmin.scan.msk.u32 $0xffff, v9;
	_ =	sdelay $0x5  }
0x292: {  	v9, _, _ =	vpop (xrf0)  }
0x293: {  	(v2sf) =	vpush v9, $0xF;
	_ =	sdelay $0xe  }
0x294: {  	s16 =	spop (v2sf)  }
0x295: {  	vm15 =	vlt.f32 v5, v4;
	s28 =	sxor.u32 $0x80000000, s16  }
0x296: {  	vm12 =	vlt.f32 v7, v4;
	vm7 =	veq.f32 v5, v4;
	vm8 =	vgt.s32 v6, s28  }
0x297: {  	vm14 =	vgt.s32 v10, s28;
	vm7 =	vmand vm7, vm8;
	vm8 =	veq.f32 v7, v4  }
0x298: {  	v5 =	vmax.f32 v5, $-3.000000010e+38;
	vm13 =	vgt.s32 v12, s28;
	vm8 =	vmand vm8, vm14  }
0x299: {  	vm7 =	vmor vm15, vm7;
	vm14 =	veq.f32 v11, v4;
	vm8 =	vmor vm12, vm8  }
0x29a: {  	vm15 =	vgt.s32 v14, s28;
	v6 =	vnsel vm8, $0xFF61B1E6, v7;
	vm8 =	veq.f32 v8, v4  }
0x29b: {  	v5 =	vnsel vm7, $0xFF61B1E6, v5;
	vm7 =	vlt.f32 v8, v4;
	vm8 =	vmand vm8, vm13  }
0x29c: {  	s17 =	sshra.s32 s29, $0x1F;
	vm9 =	vmand vm14, vm15;
	vm7 =	vmor vm7, vm8;
	vm8 =	vlt.f32 v11, v4  }
0x29d: {  	s0 =	sshrl.u32 s17, $0x1C;
	v5 =	vmax.f32 v5, v6;
	v6 =	vnsel vm7, $0xFF61B1E6, v8;
	vm7 =	vmor vm8, vm9  }
0x29e: {  	s0 =	sadd.s32 s0, s29;
	v5 =	vmax.f32 v5, v6;
	v6 =	vnsel vm7, $0xFF61B1E6, v11  }
0x29f: {  	s18 =	sand.u32 $0xFFFFFFF0, s0;
	v5 =	vmax.f32 v5, v6  }
0x2a0: {  	p3 =	slt.s32 s30, $0x1;
	p4 =	sne.s32 s29, s18;
	(xrf0) =	vmax.scan.msk.f32 $0xffff, v5  }
0x2a1: {  	p0 =	por !p3, !p4  }
0x2a2: {  	s1 =	simm.s32 $0x1;
	p0 =	por !p0, !p0  }
0x2a3: {  	s0 =	sshra.s32 s0, $0x4;
	s1 =	simm.s32 @!p0 $0x0  }
0x2a4: {  	s0 =	ssub.s32 s0, s1  }
0x2a5: {  	vm10 =	vmmov vm0;
	s19 =	sand.u32 $0xF, s29;
	p0 =	seq.s32 s0, $0x0;
	vm7 =	vmmov vm0  }
0x2a6: {  	vm9 =	vmmov vm0;
	v6 =	vmov s19;
	vm7 =	vmneg @p0 vm7;
	p0 =	seq.s32 s0, $0x1;
	v5, _, _ =	vpop (xrf0)  }
0x2a7: {  	vm8 =	veq.s32 v6, v16;
	vm9 =	vmneg @p0 vm9;
	p0 =	seq.s32 s0, $0x2;
	v5 =	vbroadcast v5, $0xF  }
0x2a8: {  	vm7 =	vmand vm8, vm7;
	vm10 =	vmneg @p0 vm10  }
0x2a9: {  	p0 =	seq.s32 s0, $0x3;
	v0 =	vsel vm7, v5, v0;
	vm7 =	vmand vm8, vm9;
	vm9 =	vmmov vm0  }
0x2aa: {  	v1 =	vsel vm7, v5, v1;
	vm7 =	vmand vm8, vm10;
	vm9 =	vmneg @p0 vm9  }
0x2ab: {  	v2 =	vsel vm7, v5, v2;
	vm7 =	vmand vm8, vm9;
	v6 =	vmax.f32 v0, v1  }
0x2ac: {  	v3 =	vsel vm7, v5, v3;
	v5 =	vmax.f32 v6, v2  }
0x2ad: {  	v5 =	vmax.f32 v5, v3  }
0x2ae: {  	(xrf0) =	vmax.scan.msk.f32 $0xffff, v5;
	_ =	sdelay $0x5  }
0x2af: {  	v5, _, _ =	vpop (xrf0)  }
0x2b0: {  	v5 =	vbroadcast v5, $0xF;
	_ =	sdelay $0x1  }
0x2b1: {  	vm7 =	veq.f32 v0, v5  }
0x2b2: {  	v6 =	vnsel vm7, $0xC0000000, v17;
	vm7 =	veq.f32 v1, v5  }
0x2b3: {  	(xrf0) =	vmin.scan.msk.u32 $0xffff, v6;
	v6 =	vnsel vm7, $0xC0000000, v18  }
0x2b4: {  	vm7 =	veq.f32 v2, v5;
	(xrf0) =	vmin.scan.msk.u32 $0xffff, v6  }
0x2b5: {  	v6 =	vnsel vm7, $0xC0000000, v19;
	vm7 =	veq.f32 v3, v5  }
0x2b6: {  	(xrf0) =	vmin.scan.msk.u32 $0xffff, v6;
	v5 =	vnsel vm7, $0xC0000000, v20;
	_ =	sdelay $0x1  }
0x2b7: {  	(xrf0) =	vmin.scan.msk.u32 $0xffff, v5  }
0x2b8: {  	v5, _, _ =	vpop (xrf0)  }
0x2b9: {  	(v2sf) =	vpush v5, $0xF;
	v5, _, _ =	vpop (xrf0)  }
0x2ba: {  	(v2sf) =	vpush v5, $0xF  }
0x2bb: {  	v5, _, _ =	vpop (xrf0)  }
0x2bc: {  	(v2sf) =	vpush v5, $0xF  }
0x2bd: {  	v5, _, _ =	vpop (xrf0)  }
0x2be: {  	(v2sf) =	vpush v5, $0xF;
	_ =	sdelay $0x9  }
0x2bf: {  	s29 =	spop (v2sf)  }
0x2c0: {  	s30 =	spop (v2sf)  }
0x2c1: {  	s0 =	sxor.u32 $0x80000000, s29;
	s1 =	sxor.u32 $0x80000000, s30  }
0x2c2: {  	s31 =	spop (v2sf);
	p0 =	slt.s32 s0, s1  }
0x2c3: {  	s1 =	smov.u32 @p0 s0;
	s0 =	sxor.u32 $0x80000000, s31  }
0x2c4: {  	s13 =	spop (v2sf);
	p0 =	slt.s32 s1, s0  }
0x2c5: {  	s31 =	sxor.u32 $0x80000000, s13;
	s0 =	smov.u32 @p0 s1  }
0x2c6: {  	p0 =	slt.s32 s0, s31  }
0x2c7: {  	s31 =	smov.u32 @p0 s0  }
0x2c8: {  	p0 =	slt.s32 s31, $0x40000000;
	s30 =	smov.u32 s31  }
0x2c9: {  	s30 =	simm.s32 @!p0 $0x40000000  }
0x2ca: {  	s14 =	sshll.u32 s30, $0x6  }
0x2cb: {  	v5 =	vld [tilespmem:s14+$0x0]  }
0x2cc: {  	v7 =	vld [tilespmem:s14+$0x10]  }
0x2cd: {  	v8 =	vld [tilespmem:s14+$0x20]  }
0x2ce: {  	v6 =	vor.u32 s14, v16;
	s15 =	sor.u32 $0x10, s14  }
0x2cf: {  	s16 =	sor.u32 $0x20, s14;
	s0 =	sor.u32 $0x30, s14;
	vm8 =	vgt.s32 v6, s28;
	v10 =	vor.u32 s15, v16  }
0x2d0: {  	v12 =	vor.u32 s16, v16;
	v14 =	vor.u32 s0, v16;
	vm13 =	vgt.s32 v10, s28  }
0x2d1: {  	vm7 =	veq.f32 v5, v4;
	vm12 =	vlt.f32 v5, v4;
	vm14 =	vlt.f32 v7, v4  }
0x2d2: {  	v11 =	vld [tilespmem:s14+$0x30];
	vm15 =	veq.f32 v8, v4;
	vm7 =	vmand vm7, vm8;
	vm8 =	veq.f32 v7, v4  }
0x2d3: {  	vm7 =	vmor vm12, vm7;
	vm8 =	vmand vm8, vm13;
	vm12 =	vgt.s32 v12, s28  }
0x2d4: {  	v9 =	vnsel vm7, $0xFF61B1E6, v5;
	vm8 =	vmor vm14, vm8;
	vm9 =	vmand vm15, vm12  }
0x2d5: {  	vm7 =	vgt.f32 v9, $-3.000000010e+38;
	v13 =	vnsel vm8, $0xFF61B1E6, v7;
	vm8 =	vlt.f32 v8, v4  }
0x2d6: {  	vm14 =	vgt.s32 v14, s28;
	v9 =	vnsel vm7, $0xFF61B1E6, v9;
	vm8 =	vmor vm8, vm9  }
0x2d7: {  	vm13 =	vgt.f32 v13, v9;
	v15 =	vnsel vm8, $0xFF61B1E6, v8;
	vm8 =	veq.f32 v11, v4  }
0x2d8: {  	vm15 =	vlt.f32 v11, v4;
	v9 =	vsel vm13, v13, v9;
	vm8 =	vmand vm8, vm14  }
0x2d9: {  	vm8 =	vmor vm15, vm8;
	vm12 =	vgt.f32 v15, v9  }
0x2da: {  	v4 =	vsel vm12, v15, v9;
	v9 =	vnsel vm8, $0xFF61B1E6, v11  }
0x2db: {  	vm8 =	vgt.f32 v9, v4  }
0x2dc: {  	v9 =	vsel vm8, v9, v4  }
0x2dd: {  	(xrf0) =	vmax.scan.msk.f32 $0xffff, v9;
	_ =	sdelay $0x4  }
0x2de: {  	v4 =	vnsel vm7, $0x0, v6  }
0x2df: {  	v4 =	vsel vm13, v10, v4;
	v13, _, _ =	vpop (xrf0)  }
0x2e0: {  	v15 =	vsel vm12, v12, v4;
	v4 =	vbroadcast v13, $0xF  }
0x2e1: {  	v13 =	vsel vm8, v14, v15  }
0x2e2: {  	vm7 =	veq.f32 v9, v4;
	v9 =	vxor.u32 $0x80000000, v13  }
0x2e3: {  	v9 =	vnsel vm7, $0xC0000000, v9  }
0x2e4: {  	(xrf0) =	vmin.scan.msk.u32 $0xffff, v9;
	_ =	sdelay $0x5  }
0x2e5: {  	v9, _, _ =	vpop (xrf0)  }
0x2e6: {  	(v2sf) =	vpush v9, $0xF;
	_ =	sdelay $0xe  }
0x2e7: {  	s17 =	spop (v2sf)  }
0x2e8: {  	vm14 =	vlt.f32 v5, v4;
	s29 =	sxor.u32 $0x80000000, s17  }
0x2e9: {  	vm15 =	vlt.f32 v7, v4;
	vm7 =	veq.f32 v5, v4;
	vm8 =	vgt.s32 v6, s29  }
0x2ea: {  	vm13 =	vgt.s32 v10, s29;
	vm7 =	vmand vm7, vm8;
	vm8 =	veq.f32 v7, v4  }
0x2eb: {  	v5 =	vmax.f32 v5, $-3.000000010e+38;
	vm12 =	vgt.s32 v12, s29;
	vm8 =	vmand vm8, vm13  }
0x2ec: {  	vm7 =	vmor vm14, vm7;
	vm13 =	veq.f32 v11, v4;
	vm8 =	vmor vm15, vm8  }
0x2ed: {  	vm14 =	vgt.s32 v14, s29;
	v6 =	vnsel vm8, $0xFF61B1E6, v7;
	vm8 =	veq.f32 v8, v4  }
0x2ee: {  	v5 =	vnsel vm7, $0xFF61B1E6, v5;
	vm7 =	vlt.f32 v8, v4;
	vm8 =	vmand vm8, vm12  }
0x2ef: {  	s18 =	sshra.s32 s30, $0x1F;
	vm9 =	vmand vm13, vm14;
	vm7 =	vmor vm7, vm8;
	vm8 =	vlt.f32 v11, v4  }
0x2f0: {  	s0 =	sshrl.u32 s18, $0x1C;
	v5 =	vmax.f32 v5, v6;
	v6 =	vnsel vm7, $0xFF61B1E6, v8;
	vm7 =	vmor vm8, vm9  }
0x2f1: {  	s0 =	sadd.s32 s0, s30;
	v5 =	vmax.f32 v5, v6;
	v6 =	vnsel vm7, $0xFF61B1E6, v11  }
0x2f2: {  	s19 =	sand.u32 $0xFFFFFFF0, s0;
	v5 =	vmax.f32 v5, v6  }
0x2f3: {  	p5 =	slt.s32 s31, $0x1;
	p6 =	sne.s32 s30, s19;
	(xrf0) =	vmax.scan.msk.f32 $0xffff, v5  }
0x2f4: {  	p0 =	por !p5, !p6  }
0x2f5: {  	s1 =	simm.s32 $0x1;
	p0 =	por !p0, !p0  }
0x2f6: {  	s0 =	sshra.s32 s0, $0x4;
	s1 =	simm.s32 @!p0 $0x0  }
0x2f7: {  	s0 =	ssub.s32 s0, s1  }
0x2f8: {  	vm10 =	vmmov vm0;
	s31 =	sand.u32 $0xF, s30;
	p0 =	seq.s32 s0, $0x0;
	vm7 =	vmmov vm0  }
0x2f9: {  	vm9 =	vmmov vm0;
	v6 =	vmov s31;
	vm7 =	vmneg @p0 vm7;
	p0 =	seq.s32 s0, $0x1;
	v5, _, _ =	vpop (xrf0)  }
0x2fa: {  	vm8 =	veq.s32 v6, v16;
	vm9 =	vmneg @p0 vm9;
	p0 =	seq.s32 s0, $0x2;
	v5 =	vbroadcast v5, $0xF  }
0x2fb: {  	vm7 =	vmand vm8, vm7;
	vm10 =	vmneg @p0 vm10  }
0x2fc: {  	p0 =	seq.s32 s0, $0x3;
	v0 =	vsel vm7, v5, v0;
	vm7 =	vmand vm8, vm9;
	vm9 =	vmmov vm0  }
0x2fd: {  	v1 =	vsel vm7, v5, v1;
	vm7 =	vmand vm8, vm10;
	vm9 =	vmneg @p0 vm9  }
0x2fe: {  	v2 =	vsel vm7, v5, v2;
	vm7 =	vmand vm8, vm9;
	v6 =	vmax.f32 v0, v1  }
0x2ff: {  	v3 =	vsel vm7, v5, v3;
	v5 =	vmax.f32 v6, v2  }
0x300: {  	v5 =	vmax.f32 v5, v3  }
0x301: {  	(xrf0) =	vmax.scan.msk.f32 $0xffff, v5;
	_ =	sdelay $0x5  }
0x302: {  	v5, _, _ =	vpop (xrf0)  }
0x303: {  	v5 =	vbroadcast v5, $0xF;
	_ =	sdelay $0x1  }
0x304: {  	vm7 =	veq.f32 v0, v5  }
0x305: {  	v0 =	vnsel vm7, $0xC0000000, v17;
	vm7 =	veq.f32 v1, v5  }
0x306: {  	(xrf0) =	vmin.scan.msk.u32 $0xffff, v0;
	v0 =	vnsel vm7, $0xC0000000, v18  }
0x307: {  	vm7 =	veq.f32 v2, v5;
	(xrf0) =	vmin.scan.msk.u32 $0xffff, v0  }
0x308: {  	v0 =	vnsel vm7, $0xC0000000, v19;
	vm7 =	veq.f32 v3, v5  }
0x309: {  	(xrf0) =	vmin.scan.msk.u32 $0xffff, v0;
	v0 =	vnsel vm7, $0xC0000000, v20;
	_ =	sdelay $0x1  }
0x30a: {  	(xrf0) =	vmin.scan.msk.u32 $0xffff, v0  }
0x30b: {  	v0, _, _ =	vpop (xrf0)  }
0x30c: {  	v1, _, _ =	vpop (xrf0);
	(v2sf) =	vpush v0, $0xF  }
0x30d: {  	(v2sf) =	vpush v1, $0xF  }
0x30e: {  	v0, _, _ =	vpop (xrf0)  }
0x30f: {  	(v2sf) =	vpush v0, $0xF  }
0x310: {  	v0, _, _ =	vpop (xrf0)  }
0x311: {  	(v2sf) =	vpush v0, $0xF;
	_ =	sdelay $0x9  }
0x312: {  	s13 =	spop (v2sf)  }
0x313: {  	s14 =	spop (v2sf)  }
0x314: {  	s0 =	sxor.u32 $0x80000000, s13;
	s1 =	sxor.u32 $0x80000000, s14  }
0x315: {  	s15 =	spop (v2sf);
	p0 =	slt.s32 s0, s1  }
0x316: {  	s1 =	smov.u32 @p0 s0;
	s0 =	sxor.u32 $0x80000000, s15  }
0x317: {  	s16 =	spop (v2sf);
	p0 =	slt.s32 s1, s0  }
0x318: {  	s0 =	smov.u32 @p0 s1;
	s1 =	sxor.u32 $0x80000000, s16  }
0x319: {  	p0 =	slt.s32 s0, s1  }
0x31a: {  	s1 =	smov.u32 @p0 s0  }
0x31b: {  	p0 =	slt.s32 s1, $0x40000000  }
0x31c: {  	s1 =	simm.s32 @!p0 $0x40000000  }
0x31d: {  	s17 =	sshll.u32 s1, $0x6  }
0x31e: {  	v0 =	vld [tilespmem:s17+$0x0]  }
0x31f: {  	v2 =	vld [tilespmem:s17+$0x10]  }
0x320: {  	v3 =	vld [tilespmem:s17+$0x20]  }
0x321: {  	v1 =	vor.u32 s17, v16;
	s1 =	sor.u32 $0x10, s17  }
0x322: {  	s18 =	sor.u32 $0x20, s17;
	s0 =	sor.u32 $0x30, s17;
	vm8 =	vgt.s32 v1, s29;
	v5 =	vor.u32 s1, v16  }
0x323: {  	v6 =	vor.u32 s18, v16;
	v8 =	vor.u32 s0, v16;
	vm12 =	vgt.s32 v5, s29  }
0x324: {  	vm7 =	veq.f32 v0, v4;
	vm15 =	vlt.f32 v0, v4;
	vm13 =	vlt.f32 v2, v4  }
0x325: {  	v7 =	vld [tilespmem:s17+$0x30];
	vm14 =	veq.f32 v3, v4;
	vm7 =	vmand vm7, vm8;
	vm8 =	veq.f32 v2, v4  }
0x326: {  	vm7 =	vmor vm15, vm7;
	vm8 =	vmand vm8, vm12;
	vm15 =	vgt.s32 v6, s29  }
0x327: {  	v0 =	vnsel vm7, $0xFF61B1E6, v0;
	vm8 =	vmor vm13, vm8;
	vm9 =	vmand vm14, vm15  }
0x328: {  	vm7 =	vgt.f32 v0, $-3.000000010e+38;
	v2 =	vnsel vm8, $0xFF61B1E6, v2;
	vm8 =	vlt.f32 v3, v4  }
0x329: {  	vm13 =	vgt.s32 v8, s29;
	v0 =	vnsel vm7, $0xFF61B1E6, v0;
	vm8 =	vmor vm8, vm9  }
0x32a: {  	vm12 =	vgt.f32 v2, v0;
	v3 =	vnsel vm8, $0xFF61B1E6, v3;
	vm8 =	veq.f32 v7, v4  }
0x32b: {  	vm14 =	vlt.f32 v7, v4;
	v0 =	vsel vm12, v2, v0;
	vm8 =	vmand vm8, vm13  }
0x32c: {  	vm8 =	vmor vm14, vm8;
	vm15 =	vgt.f32 v3, v0  }
0x32d: {  	v0 =	vsel vm15, v3, v0;
	v2 =	vnsel vm8, $0xFF61B1E6, v7  }
0x32e: {  	vm8 =	vgt.f32 v2, v0  }
0x32f: {  	v0 =	vsel vm8, v2, v0  }
0x330: {  	(xrf0) =	vmax.scan.msk.f32 $0xffff, v0;
	_ =	sdelay $0x4  }
0x331: {  	v1 =	vnsel vm7, $0x0, v1  }
0x332: {  	v1 =	vsel vm12, v5, v1;
	v2, _, _ =	vpop (xrf0)  }
0x333: {  	v1 =	vsel vm15, v6, v1;
	v2 =	vbroadcast v2, $0xF  }
0x334: {  	v1 =	vsel vm8, v8, v1  }
0x335: {  	vm7 =	veq.f32 v0, v2;
	v0 =	vxor.u32 $0x80000000, v1  }
0x336: {  	v0 =	vnsel vm7, $0xC0000000, v0  }
0x337: {  	(xrf0) =	vmin.scan.msk.u32 $0xffff, v0;
	_ =	sdelay $0x5  }
0x338: {  	v0, _, _ =	vpop (xrf0)  }
0x339: {  	(v2sf) =	vpush v0, $0xF;
	_ =	sdelay $0xb  }
0x33a: {  	vm0 =	vcmask $0x300;
	v0 =	vmov s25  }
0x33b: {  	v1 =	vld [tilespmem:$0x1FE80];
	v0 =	vnsel vm0, $0x0, v0;
	vm0 =	vcmask $0x704  }
0x33c: {  	v0 =	vsel vm0, s26, v0  }
0x33d: {  	vm3 =	vcmask $0xB14;
	v0 =	vnsel vm6, s28, v0;
	s19 =	spop (v2sf)  }
0x33e: {  	vm7 =	veq.s32 v16, $0x4;
	v0 =	vnsel vm3, s29, v0;
	s0 =	sxor.u32 $0x80000000, s19  }
0x33f: {  	v0 =	vsel vm7, s0, v0  }
0x340: {  	v0 =	vadd.s32 v1, v0  }
0x341: {  	vm7 =	vgt.s32 v0, $0x0  }
0x342: {  	v0 =	vnsel vm7, $0x0, v0  }
0x343: {  	v0 =	vmin.u32 v0, $0x3FFF  }
0x344: {  	v1 =	vshll.u32 v0, $0x3  }
0x345: {  	v2 =	vand.u32 $0x7, v0;
	v1 =	vand.u32 $0x1FFC0, v1  }
0x346: {  	v1 =	vor.u32 v2, v1;
	v2 =	vld [tilespmem:$0x1FF80];
	_ =	sdelay $0x1  }
0x347: {  	v3 =	vld [tilespmem:$0x1FF90]  }
0x348: {  	[tilespmem:$0x1400] =	vst v0;
	v0 =	vld [tilespmem:$0x1FE90];
	_ =	sdelay $0x1  }
0x349: {  	v2 =	vperm.xlane v1, v2;
	_ =	sdelay $0x1  }
0x34a: {  	v2 =	vadd.s32 v3, v2  }
0x34b: {  	vm0 =	vnez.u8 v0;
	v0 =	vld [tilespmem:$0x1FFA0];
	_ =	sdelay $0x2  }
0x34c: {  	s25 =	simm.s32 $0x1480  }
0x34d: {  	[tilespmem:s25], [sflag:$0x2] =	stream.indirect_vreg.gather [hbm4b:s2+s23], $0x80, v2, vm0, $0xb8;
	[tilespmem:$0x5500] =	vst v63  }
0x34e: {  	s26 =	simm.s32 $0x1C80;
	v0 =	vperm.xlane v1, v0  }
0x34f: {  	[tilespmem:s26], [sflag:$0x2] =	stream.indirect_vreg.gather [hbm4b:s5+s23], $0x80, v2, vm0, $0xb8;
	[tilespmem:$0x5500] =	vst v63  }
0x350: {  	s28 =	simm.s32 $0x2480;
	v0 =	vadd.s32 v3, v0  }
0x351: {  	[tilespmem:s28], [sflag:$0x2] =	stream.indirect_vreg.gather [hbm4b:s6+s23], $0x80, v2, vm0, $0xb8;
	[tilespmem:$0x5500] =	vst v63  }
0x352: {  	s29 =	simm.s32 $0x2C80  }
0x353: {  	[tilespmem:s29], [sflag:$0x2] =	stream.indirect_vreg.gather [hbm4b:s7+s23], $0x80, v2, vm0, $0xb8;
	[tilespmem:$0x5500] =	vst v63  }
0x354: {  	s30 =	simm.s32 $0x3480  }
0x355: {  	[tilespmem:s30], [sflag:$0x2] =	stream.indirect_vreg.gather [hbm4b:s2+s23], $0x80, v0, vm0, $0xb8;
	[tilespmem:$0x5500] =	vst v63  }
0x356: {  	s31 =	simm.s32 $0x3C80  }
0x357: {  	[tilespmem:s31], [sflag:$0x2] =	stream.indirect_vreg.gather [hbm4b:s5+s23], $0x80, v0, vm0, $0xb8;
	[tilespmem:$0x5500] =	vst v63  }
0x358: {  	s1 =	simm.s32 $0x4480  }
0x359: {  	[tilespmem:s1], [sflag:$0x2] =	stream.indirect_vreg.gather [hbm4b:s6+s23], $0x80, v0, vm0, $0xb8;
	[tilespmem:$0x5500] =	vst v63  }
0x35a: {  	_ = 	snop  }
0x35b: {  	[tilespmem:s20], [sflag:$0x2] =	stream.indirect_vreg.gather [hbm4b:s7+s23], $0x80, v0, vm0, $0xb8;
	[tilespmem:$0x5500] =	vst v63  }
0x35c: {  	_ =	swait.ge [sflag:s11], $0x4000  }
0x35d: {  	p0 =	por $0x0, $0x0;
	s0 =	simm.s32 $0x1;
	[sflag:s11] =	ssyncset.done $0x0  }
0x35e: {  	s0 =	simm.s32 @!p0 $0x0;
	[sflag:s11] =	ssyncadd.s32 $0xFFFFC000  }
0x35f: {  	s0 =	sshll.u32 s0, $0x6;
	_ =	swait.ge [sflag:s12], $0x400  }
0x360: {  	s13 =	sand.u32 $0x1C00, s23;
	s0 =	sadd.s32 $0x0, s0;
	[sflag:s12] =	ssyncset.done $0x0  }
0x361: {  	s14 =	sand.u32 $0x40, s23;
	s15 =	sadd.s32 $0x30, s0;
	[sflag:s12] =	ssyncadd.s32 $0xFFFFFC00  }
0x362: {  	s16 =	sor.u32 $0x30, s14;
	s26 =	sor.u32 $0x200, s15;
	s1 =	sadd.s32 $0x1480, s13;
	v0 =	vld [tilespmem:s24+$0x0]  }
0x363: {  	s17 =	sor.u32 s16, s1;
	v3 =	vld [tilespmem:s26+$0x1480]  }
0x364: {  	v11 =	vld [tilespmem:s17+$0x80]  }
0x365: {  	s18 =	sor.u32 s14, s1;
	v5 =	vld [tilespmem:s17+$0x0]  }
0x366: {  	v1 =	vld [tilespmem:s18+$0x180]  }
0x367: {  	v2 =	vld [tilespmem:s18+$0x80]  }
0x368: {  	v4 =	vld [tilespmem:s18+$0x100]  }
0x369: {  	s19 =	sor.u32 $0x200, s0;
	s28 =	sadd.s32 $0x10, s0;
	s0 =	sadd.s32 $0x20, s0;
	v6 =	vld [tilespmem:s18+$0x0]  }
0x36a: {  	s0 =	sor.u32 $0x200, s0;
	s31 =	sor.u32 $0x10, s14;
	v7 =	vld [tilespmem:s19+$0x1480]  }
0x36b: {  	s23 =	sand.u32 $0x380, s23;
	v25 =	vld [tilespmem:s0+$0x1480];
	s0 =	sor.u32 s31, s1  }
0x36c: {  	s23 =	sor.u32 $0x1000, s23;
	v59 =	vld [tilespmem:s0+$0x80];
	v8 =	vmul.f32 v0, v0;
	v15 =	vmul.f32 v1, v1  }
0x36d: {  	v10 =	vld [tilespmem:s17+$0x180];
	s24 =	sor.u32 s16, s23;
	v16 =	vmul.f32 v2, v0;
	v20 =	vmul.f32 v1, v0  }
0x36e: {  	s29 =	sor.u32 $0x20, s14;
	s26 =	sor.u32 $0x200, s28;
	v13 =	vld [tilespmem:s24+$0x0];
	v2 =	vmul.f32 v2, v2;
	v24 =	vmul.f32 v4, v0  }
0x36f: {  	s30 =	sor.u32 s29, s1;
	v17 =	vld [tilespmem:s26+$0x1480];
	v4 =	vmul.f32 v4, v4;
	v12 =	vmul.f32 v5, v5  }
0x370: {  	v19 =	vimm.f32 $0.0e+00;
	v29 =	vld [tilespmem:s30+$0x0];
	v23 =	vmul.f32 v6, v6;
	v31 =	vmul.f32 v6, v0  }
0x371: {  	v9 =	vld [tilespmem:s17+$0x100];
	s24 =	sor.u32 s29, s23;
	s23 =	sor.u32 s31, s23;
	v6 =	vmul.f32 v7, v7;
	v36 =	vmul.f32 v59, v59;
	v27 =	vadd.f32 v8, v19  }
0x372: {  	v21 =	vld [tilespmem:s23+$0x0];
	v18 =	vadd.f32 v2, v19;
	v2 =	vmul.f32 v3, v3;
	v30 =	vadd.f32 v16, v19  }
0x373: {  	v14 =	vld [tilespmem:s24+$0x0];
	v16 =	vmul.f32 v7, v0;
	v0 =	vmul.f32 v10, v10;
	v58 =	vadd.f32 v20, v19  }
0x374: {  	v7 =	vmul.f32 v5, v13;
	v8 =	vadd.f32 v15, v19;
	v20 =	vmul.f32 v17, v17  }
0x375: {  	v26 =	vld [tilespmem:s0+$0x180];
	v15 =	vmul.f32 v11, v11;
	v60 =	vadd.f32 v6, v19;
	v6 =	vmul.f32 v29, v29  }
0x376: {  	v34 =	vld [tilespmem:s0+$0x100];
	v5 =	vmul.f32 v9, v13;
	v3 =	vmul.f32 v3, v13  }
0x377: {  	v61 =	vld [tilespmem:s30+$0x100];
	v37 =	vadd.f32 v24, v19;
	v24 =	vmul.f32 v59, v21;
	v28 =	vadd.f32 v16, v19  }
0x378: {  	v1 =	vld [tilespmem:s30+$0x180];
	v16 =	vmul.f32 v25, v14;
	v33 =	vadd.f32 v20, v60;
	v25 =	vmul.f32 v25, v25  }
0x379: {  	v62 =	vmul.f32 v21, v21;
	v20 =	vmul.f32 v29, v14;
	v29 =	vadd.f32 v31, v19  }
0x37a: {  	v63 =	vmul.f32 v26, v21;
	v31 =	vadd.f32 v24, v30;
	v24 =	vadd.f32 v25, v33;
	v33 =	vld [tilespmem:s0+$0x0]  }
0x37b: {  	v22 =	vadd.f32 v4, v19;
	v32 =	vmul.f32 v14, v14;
	v40 =	vmul.f32 v34, v21  }
0x37c: {  	p0 =	por !p0, !p0;
	s25 =	simm.s32 $0x200;
	v38 =	vld [tilespmem:s30+$0x80];
	v39 =	vmul.f32 v61, v14;
	v35 =	vadd.f32 v62, v27;
	v27 =	vmul.f32 v61, v61  }
0x37d: {  	s26 =	simm.s32 $0x40;
	s23 =	simm.s32 $0x0;
	s24 =	simm.s32 $0x1040;
	v30 =	vadd.f32 v63, v58;
	v4 =	vmul.f32 v1, v1;
	v25 =	vmul.f32 v13, v13  }
.LBB2_3:
0x37e: {  	s0 =	simm.s32 $0x1  }
0x37f: {  	s1 =	sand.u32 $0x1C00, s25;
	s28 =	sand.u32 $0x380, s26;
	v19 =	vadd.f32 v23, v19;
	v23 =	vmul.f32 v33, v33;
	v34 =	vmul.f32 v34, v34;
	s0 =	simm.s32 @!p0 $0x0  }
0x380: {  	s29 =	sand.u32 $0x40, s26;
	v26 =	vmul.f32 v26, v26;
	v17 =	vmul.f32 v17, v21;
	s13 =	sadd.s32 $0x1480, s1;
	v37 =	vadd.f32 v40, v37;
	s0 =	sshll.u32 s0, $0x6  }
0x381: {  	v18 =	vadd.f32 v36, v18;
	s14 =	sor.u32 $0x1000, s28;
	s1 =	sor.u32 s29, s13;
	v22 =	vadd.f32 v34, v22;
	v34 =	vmul.f32 v38, v38;
	s0 =	sadd.s32 s0, s25;
	v40 =	vld [tilespmem:s24+$0x0]  }
0x382: {  	s15 =	sor.u32 $0x10, s29;
	v17 =	vadd.f32 v17, v28;
	v28 =	vmul.f32 v38, v14;
	v37 =	vadd.f32 v39, v37;
	v36 =	vld [tilespmem:s1+$0x180];
	s28 =	sadd.s32 $0x10, s0;
	s30 =	sadd.s32 $0x30, s0  }
0x383: {  	v21 =	vmul.f32 v33, v21;
	v32 =	vadd.f32 v32, v35;
	s16 =	sor.u32 $0x30, s29;
	v18 =	vadd.f32 v34, v18;
	v38 =	vld [tilespmem:s1+$0x80];
	s31 =	sor.u32 $0x200, s28;
	s28 =	sor.u32 $0x200, s30  }
0x384: {  	v24 =	vadd.f32 v2, v24;
	s29 =	sor.u32 $0x20, s29;
	s18 =	sor.u32 s16, s13;
	s17 =	sadd.s32 $0x20, s0;
	v28 =	vadd.f32 v28, v31;
	v31 =	vmul.f32 v11, v13;
	v33 =	vld [tilespmem:s28+$0x1480]  }
0x385: {  	v1 =	vmul.f32 v1, v14;
	v2 =	vadd.f32 v21, v29;
	s19 =	sor.u32 $0x200, s0;
	s0 =	sor.u32 s29, s14;
	s30 =	sor.u32 s15, s14;
	v14 =	vadd.f32 v15, v18;
	v11 =	vld [tilespmem:s18+$0x80]  }
0x386: {  	v8 =	vadd.f32 v26, v8;
	s17 =	sor.u32 $0x200, s17;
	s14 =	sor.u32 s16, s14;
	s28 =	sor.u32 s29, s13;
	v18 =	vadd.f32 v27, v22;
	v15 =	vmul.f32 v40, v40;
	v29 =	vld [tilespmem:s18+$0x180]  }
0x387: {  	s23 =	sadd.s32 $0x4, s23;
	v1 =	vadd.f32 v1, v30;
	v2 =	vadd.f32 v20, v2;
	s29 =	sor.u32 s15, s13;
	v26 =	vmul.f32 v36, v36;
	v21 =	vld [tilespmem:s18+$0x100]  }
0x388: {  	p1 =	slt.u32 s23, $0x3C;
	v4 =	vadd.f32 v4, v8;
	v8 =	vadd.f32 v16, v17;
	v20 =	vmul.f32 v38, v40;
	v27 =	vld [tilespmem:s18+$0x0]  }
0x389: {  	v17 =	vadd.f32 v23, v19;
	v30 =	vadd.f32 v7, v2;
	v2 =	vmul.f32 v9, v9;
	v16 =	vld [tilespmem:s1+$0x100]  }
0x38a: {  	v13 =	vmul.f32 v10, v13;
	v7 =	vadd.f32 v25, v32;
	v25 =	vadd.f32 v0, v4;
	v35 =	vld [tilespmem:s28+$0x0]  }
0x38b: {  	v6 =	vadd.f32 v6, v17;
	v22 =	vadd.f32 v2, v18;
	v4 =	vmul.f32 v36, v40;
	v0 =	vld [tilespmem:s1+$0x0];
	v10 =	vmovc v29  }
0x38c: {  	v28 =	vadd.f32 v31, v28;
	v31 =	vadd.f32 v13, v1;
	v2 =	vmul.f32 v38, v38;
	v32 =	vld [tilespmem:s19+$0x1480];
	v9 =	vmovc v21  }
0x38d: {  	v19 =	vadd.f32 v12, v6;
	v39 =	vadd.f32 v15, v7;
	v1 =	vld [tilespmem:s28+$0x180]  }
0x38e: {  	v37 =	vadd.f32 v5, v37;
	v18 =	vadd.f32 v2, v14;
	v36 =	vmul.f32 v16, v40;
	v13 =	vld [tilespmem:s14+$0x0]  }
0x38f: {  	v3 =	vadd.f32 v3, v8;
	v12 =	vmul.f32 v27, v27;
	v5 =	vmul.f32 v16, v16;
	v17 =	vld [tilespmem:s31+$0x1480]  }
0x390: {  	v38 =	vadd.f32 v20, v28;
	v2 =	vmul.f32 v33, v33;
	v23 =	vmul.f32 v0, v0;
	v41 =	vld [tilespmem:s17+$0x1480]  }
0x391: {  	v42 =	vmul.f32 v0, v40;
	v22 =	vadd.f32 v5, v22;
	v16 =	vmul.f32 v32, v40;
	v14 =	vld [tilespmem:s0+$0x0]  }
0x392: {  	v43 =	vadd.f32 v4, v31;
	v0 =	vmul.f32 v29, v10;
	v5 =	vmul.f32 v32, v32;
	v21 =	vld [tilespmem:s30+$0x0]  }
0x393: {  	v4 =	vmul.f32 v1, v1;
	v29 =	vld [tilespmem:s29+$0x80];
	v7 =	vmul.f32 v27, v13  }
0x394: {  	v8 =	vadd.f32 v26, v25;
	v15 =	vmul.f32 v11, v11;
	v26 =	vld [tilespmem:s29+$0x180];
	v20 =	vmul.f32 v17, v17  }
0x395: {  	v6 =	vmul.f32 v35, v35;
	v24 =	vadd.f32 v5, v24;
	v5 =	vmul.f32 v9, v13;
	v34 =	vld [tilespmem:s29+$0x100]  }
0x396: {  	v28 =	vadd.f32 v16, v3;
	v3 =	vmul.f32 v33, v13;
	v44 =	vld [tilespmem:s28+$0x100];
	v16 =	vmul.f32 v41, v14  }
0x397: {  	v25 =	vmul.f32 v41, v41;
	v24 =	vadd.f32 v20, v24;
	v20 =	vmul.f32 v35, v14  }
.Ltmp1:
0x398: {  	v37 =	vadd.f32 v36, v37;
	v33 =	vld [tilespmem:s29+$0x0];
	v27 =	vmul.f32 v29, v21;
	v36 =	vmul.f32 v29, v29;
	(pc) =	sbr.rel @p1 .LBB2_3-.Ltmp1, $4  }
0x399: {  	v29 =	vadd.f32 v42, v30;
	v30 =	vmul.f32 v21, v21;
	v41 =	vmul.f32 v26, v21  }
0x39a: {  	v32 =	vmul.f32 v14, v14;
	v24 =	vadd.f32 v25, v24;
	v31 =	vadd.f32 v27, v38;
	v38 =	vld [tilespmem:s28+$0x80]  }
0x39b: {  	s24 =	sadd.s32 $0x40, s24;
	v25 =	vmul.f32 v13, v13;
	v35 =	vadd.f32 v30, v39;
	v27 =	vmul.f32 v44, v44  }
0x39c: {  	s26 =	sadd.s32 $0x40, s26;
	p0 =	por !p0, !p0;
	s25 =	sadd.s32 $0x200, s25;
	v40 =	vmul.f32 v34, v21;
	v30 =	vadd.f32 v41, v43;
	v39 =	vmul.f32 v44, v14  }
0x39d: {  	v19 =	vadd.f32 v23, v19;
	v55 =	vmul.f32 v34, v34  }
0x39e: {  	v17 =	vmul.f32 v17, v21;
	v57 =	vmul.f32 v33, v21;
	v18 =	vadd.f32 v36, v18  }
0x39f: {  	v58 =	vmul.f32 v33, v33;
	v32 =	vadd.f32 v32, v35;
	v56 =	vadd.f32 v40, v37  }
0x3a0: {  	v1 =	vmul.f32 v1, v14;
	v22 =	vadd.f32 v55, v22;
	v21 =	vadd.f32 v57, v29  }
0x3a1: {  	v17 =	vadd.f32 v17, v28;
	v60 =	vmul.f32 v38, v14;
	v28 =	vadd.f32 v25, v32  }
0x3a2: {  	v59 =	vmul.f32 v38, v38;
	v1 =	vadd.f32 v1, v30;
	v62 =	vadd.f32 v20, v21  }
0x3a3: {  	v11 =	vmul.f32 v11, v13;
	v61 =	vadd.f32 v39, v56;
	v63 =	vadd.f32 v60, v31  }
0x3a4: {  	v18 =	vadd.f32 v59, v18;
	v7 =	vadd.f32 v7, v62  }
0x3a5: {  	v10 =	vmul.f32 v10, v13;
	v31 =	vadd.f32 v58, v19;
	(xrf2) =	vadd.scan.msk.f32 $0xffff, v28;
	v11 =	vadd.f32 v11, v63  }
0x3a6: {  	v32 =	vmul.f32 v26, v26;
	v16 =	vadd.f32 v16, v17;
	v5 =	vadd.f32 v5, v61;
	(xrf2) =	vadd.scan.msk.f32 $0xffff, v7  }
0x3a7: {  	v1 =	vadd.f32 v10, v1;
	v6 =	vadd.f32 v6, v31;
	(xrf2) =	vadd.scan.msk.f32 $0xffff, v11  }
0x3a8: {  	v33 =	vadd.f32 v32, v8;
	v3 =	vadd.f32 v3, v16;
	(xrf2) =	vadd.scan.msk.f32 $0xffff, v5  }
0x3a9: {  	v35 =	vmul.f32 v9, v9;
	v34 =	vadd.f32 v27, v22;
	v6 =	vadd.f32 v12, v6;
	(xrf2) =	vadd.scan.msk.f32 $0xffff, v1  }
0x3aa: {  	v36 =	vadd.f32 v15, v18;
	v4 =	vadd.f32 v4, v33;
	(xrf2) =	vadd.scan.msk.f32 $0xffff, v3  }
0x3ab: {  	v37 =	vadd.f32 v35, v34;
	(xrf2) =	vadd.scan.msk.f32 $0xffff, v6  }
0x3ac: {  	v0 =	vadd.f32 v0, v4;
	(xrf2) =	vadd.scan.msk.f32 $0xffff, v36  }
0x3ad: {  	v38 =	vadd.f32 v2, v24;
	(xrf2) =	vadd.scan.msk.f32 $0xffff, v37  }
0x3ae: {  	(xrf2) =	vadd.scan.msk.f32 $0xffff, v0  }
0x3af: {  	v39, _, _ =	vpop (xrf2);
	(xrf2) =	vadd.scan.msk.f32 $0xffff, v38  }
0x3b0: {  	v40, _, _ =	vpop (xrf2)  }
0x3b1: {  	v41, _, _ =	vpop (xrf2)  }
0x3b2: {  	v48 =	vld [tilespmem:$0x1FFF0];
	v42, _, _ =	vpop (xrf2)  }
0x3b3: {  	v43, _, _ =	vpop (xrf2)  }
0x3b4: {  	v44, _, _ =	vpop (xrf2)  }
0x3b5: {  	v6, _, _ =	vpop (xrf2)  }
0x3b6: {  	v45, _, _ =	vpop (xrf2);
	v6 =	vbroadcast v6, $0xF  }
0x3b7: {  	vm1 =	vnez.u8 v48;
	v46, _, _ =	vpop (xrf2);
	v7 =	vbroadcast v45, $0xF  }
0x3b8: {  	vm0 =	vcmask $0x314;
	v47, _, _ =	vpop (xrf2);
	v6 =	vnsel vm1, $0x3F800000, v6;
	v8 =	vbroadcast v46, $0xF  }
0x3b9: {  	v49, _, _ =	vpop (xrf2);
	v6 =	vsel vm0, v6, v7;
	v50 =	vbroadcast v47, $0xF  }
0x3ba: {  	v6 =	vsel vm6, v6, v8;
	v51 =	vbroadcast v49, $0xF  }
0x3bb: {  	v0 =	vbroadcast v39, $0xF;
	vm0 =	vcmask $0xF14;
	v6 =	vsel vm3, v6, v50  }
0x3bc: {  	v6 =	vsel vm0, v6, v51  }
0x3bd: {  	v0 =	vmul.f32 v6, v0;
	_ =	sdelay $0x1  }
0x3be: {  	v6 =	vshra.s32 v0, $0x1;
	v52 =	vmul.f32 $5.000000000e-01, v0  }
0x3bf: {  	v6 =	vsub.s32 $0x5F3759DF, v6  }
0x3c0: {  	v53 =	vmul.f32 v6, v52;
	_ =	sdelay $0x1  }
0x3c1: {  	v8 =	vmul.f32 v6, v53;
	_ =	sdelay $0x1  }
0x3c2: {  	v8 =	vsub.f32 $1.500000000e+00, v8;
	_ =	sdelay $0x1  }
0x3c3: {  	v6 =	vmul.f32 v6, v8;
	_ =	sdelay $0x1  }
0x3c4: {  	v8 =	vmul.f32 v6, v52;
	_ =	sdelay $0x1  }
0x3c5: {  	v8 =	vmul.f32 v8, v6;
	_ =	sdelay $0x1  }
0x3c6: {  	v8 =	vsub.f32 $1.500000000e+00, v8;
	_ =	sdelay $0x1  }
0x3c7: {  	v6 =	vmul.f32 v8, v6;
	_ =	sdelay $0x1  }
0x3c8: {  	v8 =	vmul.f32 v6, v52;
	_ =	sdelay $0x1  }
0x3c9: {  	v8 =	vmul.f32 v8, v6;
	_ =	sdelay $0x1  }
0x3ca: {  	v8 =	vsub.f32 $1.500000000e+00, v8;
	_ =	sdelay $0x1  }
0x3cb: {  	v6 =	vmul.f32 v8, v6;
	_ =	sdelay $0x1  }
0x3cc: {  	v7 =	vmul.f32 v6, v52;
	_ =	sdelay $0x1  }
0x3cd: {  	v7 =	vmul.f32 v7, v6;
	_ =	sdelay $0x1  }
0x3ce: {  	v7 =	vsub.f32 $1.500000000e+00, v7;
	_ =	sdelay $0x1  }
0x3cf: {  	v6 =	vmul.f32 v7, v6;
	_ =	sdelay $0x1  }
0x3d0: {  	v0 =	vmul.f32 v6, v0;
	_ =	sdelay $0x1  }
0x3d1: {  	v0 =	vmax.f32 v0, $9.999999930e-09  }
0x3d2: {  	(erf) = vrcp.f32 v0  }
0x3d3: {  	v58 =	vld [tilespmem:$0x1FFB0]  }
0x3d4: {  	v60 =	vld [tilespmem:$0x1FFC0]  }
0x3d5: {  	v61 =	vld [tilespmem:$0x1FFD0]  }
0x3d6: {  	v54 =	vbroadcast v40, $0xF;
	v55 =	vbroadcast v41, $0xF  }
0x3d7: {  	v56 =	vbroadcast v42, $0xF  }
0x3d8: {  	v63 =	vld [tilespmem:$0x1FFE0];
	vm7 =	vnez.u8 v58;
	v57 =	vbroadcast v43, $0xF;
	v0 =	vsel vm1, v54, v55  }
0x3d9: {  	v59 =	vbroadcast v44, $0xF;
	vm3 =	vnez.u8 v60;
	v0 =	vsel vm7, v0, v56  }
0x3da: {  	vm4 =	vnez.u8 v61;
	v0 =	vsel vm3, v0, v57  }
0x3db: {  	v0 =	vsel vm4, v0, v59;
	v62 =	vpop (erf)  }
0x3dc: {  	v0 =	vmul.f32 v62, v0  }
0x3dd: {  	s22 =	sadd.s32 $0x1, s22;
	vm5 =	vnez.u8 v63  }
0x3de: {  	p0 =	sne.s32 s22, s10;
	v0 =	vnsel vm5, $0x0, v0  }
.Ltmp2:
0x3df: {  	[tilespmem:$0x5480] =	vst v0;
	(pc) =	sbr.rel @p0 .LBB2_2-.Ltmp2, $4  }
0x3e0: {  	[hbm4b:s8+s3] =	stream.linear.scatter [tilespmem:s21], [sflag:$0x2], $0x80, $0x38;
	[tilespmem:$0x5500] =	vst v63  }
0x3e1: {  	_ =	swait.ge [sflag:s11], $0x80  }
0x3e2: {  	[sflag:s11] =	ssyncset.done $0x0  }
0x3e3: {  	[sflag:s11] =	ssyncadd.s32 $0xFFFFFF80  }
.LBB2_5:
0x3e4: {  	_ =	sfence.sel $0x180000  }
0x3e5: {  	[bflag:$0x0] =	sbarrier.arrive $0xFFFF  }
0x3e6: {  	_ =	strace $0x90000047  }
0x3e7: {  	s0 =	stileid.u32;
	[bflag:$0x2] =	sbarrier.arrive $0xFFFF  }
0x3e8: {  	p0 =	sne.s32 s0, $0x0;
	s0 =	rddreg [dreg:$0x2]  }
0x3e9: {  	s0 =	sadd.s32 @!p0 $0x100000, s0  }
0x3ea: {  	[sflag:s0] =	ssyncadd.tile.s32 @!p0 $0x1;
	_ =	shalt  }
.Lfunc_end2:
_tile_overlayer_lowered:
.L_overlay_start_2:
0x3eb: {  	(tag) =	ssettag $0x2  }
0x3ec: {  	s0 =	rddreg [dreg:$0x0];
	s2 =	stileid.u32  }
0x3ed: {  	s1 =	rddreg [dreg:$0x1];
	p0 =	sne.s32 s2, $0x0  }
0x3ee: {  	s3 =	rddreg [dreg:$0x2];
	[bflag:$0x3] =	sbarrier.arrive $0xFFFF;
	s2 =	simm.s32 @!p0 $0x1C02  }
0x3ef: {  	[timem:s3], [sflag:s2] =	dma.local @!p0 [hbm:s0], s1  }
0x3f0: {  	s0 =	simm.s32 @!p0 $0x2  }
0x3f1: {  	_ =	swait.ge @!p0 [sflag:s0], s1  }
0x3f2: {  	s1 =	ssub.s32 @!p0 $0x0, s1;
	[sflag:s0] =	ssyncset.done @!p0 $0x0  }
0x3f3: {  	[sflag:s0] =	ssyncadd.s32 @!p0 s1  }
0x3f4: {  	[bflag:$0x3] =	sbarrier.arrive $0xFFFF  }
0x3f5: {  	_ =	shalt  }

</sc_bundles>
